<compile_context>
chip_gen: v7x
topology: tpu7x:2x2x1
jax: 0.10.2.dev20260603
libtpu: 0.0.44.dev20260713+nightly
codegen_flags: <defaults>
</compile_context>

<pallas_src>
import jax
import jax.numpy as jnp
from jax.experimental import pallas as pl
from jax.experimental.pallas import tpu as pltpu
from jax.experimental.pallas import tpu_sc as plsc

_EPS = 1e-5
_GW = 128
_IPR = 32
_NPL = 4


_VB = 8192


def _table_plane(t416, v, j):
    if j < 3:
        def body(a_ref, o_ref):
            o_ref[...] = a_ref[...].T

        in_spec = pl.BlockSpec((128, _VB), lambda i, j=j: (j, i))
    else:
        def body(a_ref, o_ref):
            t = a_ref[...].T
            o_ref[...] = jnp.concatenate(
                [t, jnp.zeros((_VB, 96), jnp.float32)], axis=1)

        in_spec = pl.BlockSpec((32, _VB), lambda i: (12, i))

    return pl.pallas_call(
        body,
        grid=((v + _VB - 1) // _VB,),
        in_specs=[in_spec],
        out_specs=pl.BlockSpec((_VB, 128), lambda i: (i, 0)),
        out_shape=jax.ShapeDtypeStruct((v, 128), jnp.float32),
        compiler_params=pltpu.CompilerParams(
            dimension_semantics=("arbitrary",)
        ),
    )(t416)


def _sc_gather(tables_flat, idx2d, row0, n):
    d = tables_flat.shape[1]
    mesh = plsc.VectorSubcoreMesh(core_axis_name="core", subcore_axis_name="subcore")

    @pl.kernel(
        out_type=jax.ShapeDtypeStruct((n, d), tables_flat.dtype),
        mesh=mesh,
        compiler_params=pltpu.CompilerParams(use_tc_tiling_on_sc=False),
    )
    def gather_kernel(tab_hbm, idx_hbm, out_hbm):
        def body(i_vmem, o_vmem):
            def inner(sem):
                hs = [pltpu.async_copy(
                    tab_hbm.at[i_vmem.at[w]], o_vmem.at[pl.ds(w * _GW, _GW)],
                    sem) for w in range(4)]
                for h in hs:
                    h.wait()

            pl.run_scoped(inner, pltpu.SemaphoreType.DMA)

        pltpu.emit_pipeline(
            body,
            grid=(n // (4 * _GW),),
            in_specs=[pl.BlockSpec((4, _GW), index_map=lambda i: (row0 // 4 + i, 0))],
            out_specs=[pl.BlockSpec((4 * _GW, d), index_map=lambda i: (i, 0))],
            core_axis_name=("core", "subcore"),
            dimension_semantics=(pltpu.PARALLEL,),
        )(idx_hbm, out_hbm)

    return gather_kernel(tables_flat, idx2d)


_BLK = 2048


_BLK1 = 2048


def _layer1(xn, embs, w1n, w1e4, b1):
    b, h = xn.shape[0], w1n.shape[1]

    def body(xn_ref, e0, e1, e2, e3, wn_ref, we_ref, b_ref, z_ref, s_ref, q_ref):
        z = jnp.dot(xn_ref[...], wn_ref[...], preferred_element_type=jnp.float32)
        for j, e_ref in enumerate((e0, e1, e2, e3)):
            z = z + jnp.dot(e_ref[...], we_ref[j],
                            preferred_element_type=jnp.float32)
        z = z + b_ref[...]
        z_ref[...] = z

        @pl.when(pl.program_id(0) == 0)
        def _():
            s_ref[...] = jnp.zeros_like(s_ref)
            q_ref[...] = jnp.zeros_like(q_ref)

        s_ref[...] += jnp.sum(z, axis=0)
        q_ref[...] += jnp.sum(z * z, axis=0)

    return pl.pallas_call(
        body,
        grid=(b // _BLK1,),
        in_specs=[
            pl.BlockSpec((_BLK1, xn.shape[1]), lambda i: (i, 0)),
        ] + [
            pl.BlockSpec((_BLK1, 128), lambda i: (i, 0))
            for _ in range(_NPL)
        ] + [
            pl.BlockSpec(w1n.shape, lambda i: (0, 0)),
            pl.BlockSpec(w1e4.shape, lambda i: (0, 0, 0)),
            pl.BlockSpec(b1.shape, lambda i: (0,)),
        ],
        out_specs=[
            pl.BlockSpec((_BLK1, h), lambda i: (i, 0)),
            pl.BlockSpec((h,), lambda i: (0,)),
            pl.BlockSpec((h,), lambda i: (0,)),
        ],
        out_shape=[
            jax.ShapeDtypeStruct((b, h), jnp.float32),
            jax.ShapeDtypeStruct((h,), jnp.float32),
            jax.ShapeDtypeStruct((h,), jnp.float32),
        ],
        compiler_params=pltpu.CompilerParams(
            dimension_semantics=("arbitrary",)
        ),
    )(xn, *embs, w1n, w1e4, b1)


def _bn_relu_matmul(z, s, q, g, beta, w, bias):
    b, h_out = z.shape[0], w.shape[1]

    def body(z_ref, s_ref, q_ref, g_ref, be_ref, w_ref, b_ref, z2_ref, s2_ref, q2_ref):
        mu = s_ref[...] * (1.0 / b)
        var = q_ref[...] * (1.0 / b) - mu * mu
        a = g_ref[...] * jax.lax.rsqrt(var + _EPS)
        c = be_ref[...] - a * mu
        h = jnp.maximum(z_ref[...] * a + c, 0.0)
        z2 = jnp.dot(h, w_ref[...], preferred_element_type=jnp.float32) + b_ref[...]
        z2_ref[...] = z2

        @pl.when(pl.program_id(0) == 0)
        def _():
            s2_ref[...] = jnp.zeros_like(s2_ref)
            q2_ref[...] = jnp.zeros_like(q2_ref)

        s2_ref[...] += jnp.sum(z2, axis=0)
        q2_ref[...] += jnp.sum(z2 * z2, axis=0)

    return pl.pallas_call(
        body,
        grid=(b // _BLK,),
        in_specs=[
            pl.BlockSpec((_BLK, z.shape[1]), lambda i: (i, 0)),
            pl.BlockSpec(s.shape, lambda i: (0,)),
            pl.BlockSpec(q.shape, lambda i: (0,)),
            pl.BlockSpec(g.shape, lambda i: (0,)),
            pl.BlockSpec(beta.shape, lambda i: (0,)),
            pl.BlockSpec(w.shape, lambda i: (0, 0)),
            pl.BlockSpec(bias.shape, lambda i: (0,)),
        ],
        out_specs=[
            pl.BlockSpec((_BLK, h_out), lambda i: (i, 0)),
            pl.BlockSpec((h_out,), lambda i: (0,)),
            pl.BlockSpec((h_out,), lambda i: (0,)),
        ],
        out_shape=[
            jax.ShapeDtypeStruct((b, h_out), jnp.float32),
            jax.ShapeDtypeStruct((h_out,), jnp.float32),
            jax.ShapeDtypeStruct((h_out,), jnp.float32),
        ],
        compiler_params=pltpu.CompilerParams(
            dimension_semantics=("arbitrary",)
        ),
    )(z, s, q, g, beta, w, bias)


def _final(z, s, q, g, beta, w4, b4):
    b = z.shape[0]

    def body(z_ref, s_ref, q_ref, g_ref, be_ref, w_ref, b_ref, o_ref):
        mu = s_ref[...] * (1.0 / b)
        var = q_ref[...] * (1.0 / b) - mu * mu
        a = g_ref[...] * jax.lax.rsqrt(var + _EPS)
        c = be_ref[...] - a * mu
        h = jnp.maximum(z_ref[...] * a + c, 0.0)
        logit = jnp.dot(h, w_ref[...], preferred_element_type=jnp.float32) + b_ref[...]
        o_ref[...] = jax.nn.sigmoid(logit)

    return pl.pallas_call(
        body,
        grid=(b // _BLK,),
        in_specs=[
            pl.BlockSpec((_BLK, z.shape[1]), lambda i: (i, 0)),
            pl.BlockSpec(s.shape, lambda i: (0,)),
            pl.BlockSpec(q.shape, lambda i: (0,)),
            pl.BlockSpec(g.shape, lambda i: (0,)),
            pl.BlockSpec(beta.shape, lambda i: (0,)),
            pl.BlockSpec(w4.shape, lambda i: (0, 0)),
            pl.BlockSpec(b4.shape, lambda i: (0,)),
        ],
        out_specs=pl.BlockSpec((_BLK, 1), lambda i: (i, 0)),
        out_shape=jax.ShapeDtypeStruct((b, 1), jnp.float32),
        compiler_params=pltpu.CompilerParams(
            dimension_semantics=("arbitrary",)
        ),
    )(z, s, q, g, beta, w4, b4)


def kernel(X_numerical, X_categorical, tables, W1, b1, g1, beta1, W2, b2, g2, beta2, W3, b3, g3, beta3, W4, b4):
    f, v, d = tables.shape
    b = X_numerical.shape[0]
    nnum = X_numerical.shape[1]

    t416 = tables.transpose(0, 2, 1).reshape(f * d, v)

    xc = X_categorical.astype(jnp.int32)
    vcat_pm = jnp.stack(
        [xc[:, 0:8], xc[:, 8:16], xc[:, 16:24],
         jnp.concatenate([xc[:, 24:26], xc[:, 20:26]], axis=1)], axis=0)
    k_off = jnp.arange(8, dtype=jnp.int32)[None, None, :]
    idx2d = (vcat_pm * 8 + k_off).reshape(_NPL * b * 8 // 128, 128)

    rows_per_plane = b * 8 // 128
    embs = [None] * _NPL
    for j in (3, 0, 1, 2):
        plane = _table_plane(t416, v, j)
        rows = _sc_gather(plane.reshape(v * 8, d), idx2d,
                          j * rows_per_plane, b * 8)
        embs[j] = rows.reshape(b, 8 * d)

    w1n = W1[:nnum]
    w1e_pad = jnp.zeros((_IPR * d, W1.shape[1]), jnp.float32).at[: f * d].set(W1[nnum:])
    w1e4 = w1e_pad.reshape(_NPL, 8 * d, W1.shape[1])
    z1, s1, q1 = _layer1(X_numerical, embs, w1n, w1e4, b1)
    z2, s2, q2 = _bn_relu_matmul(z1, s1, q1, g1, beta1, W2, b2)
    z3, s3, q3 = _bn_relu_matmul(z2, s2, q2, g2, beta2, W3, b3)
    out = _final(z3, s3, q3, g3, beta3, W4, b4)
    return out.reshape(b)

# --- scband reference (transcript-rebuilt; emitter-appended) ---
"""Pipeline reference for scband-embedding-feedforward-nn-37615323578597 (READ-ONLY COPY).

The authoritative reference and input builder live on the scoring server;
editing this copy changes nothing except your own understanding.
"""

import jax, jax.numpy as jnp
import numpy as np

B = 16384
NUM = 13
F = 26
V = 100000
D = 16
HID = [256, 128, 64]
EPS = 1e-5


def setup_inputs(seed: int = 0) -> dict:
    key = jax.random.key(seed)
    ks = jax.random.split(key, 16)
    inp = {}
    inp["X_numerical"] = jax.random.normal(ks[0], (B, NUM), dtype=jnp.float32)
    inp["X_categorical"] = jax.random.randint(ks[1], (B, F), 0, V)
    # all 26 embedding tables share (V, D) shape -> stack into one tensor [F, V, D]
    inp["tables"] = jax.random.normal(ks[2], (F, V, D), dtype=jnp.float32) * 0.05
    dims = [NUM + F * D] + HID
    for i in range(3):
        inp[f"W{i+1}"] = jax.random.normal(ks[3 + 2 * i], (dims[i], dims[i + 1]), dtype=jnp.float32) * (1.0 / np.sqrt(dims[i]))
        inp[f"b{i+1}"] = jnp.zeros((dims[i + 1],), jnp.float32)
        inp[f"g{i+1}"] = jnp.ones((dims[i + 1],), jnp.float32)
        inp[f"beta{i+1}"] = jnp.zeros((dims[i + 1],), jnp.float32)
    inp["W4"] = jax.random.normal(ks[10], (HID[-1], 1), dtype=jnp.float32) * (1.0 / np.sqrt(HID[-1]))
    inp["b4"] = jnp.zeros((1,), jnp.float32)
    return inp


def _bn(x, g, b):
    # BatchNorm1d in training mode: biased batch statistics
    mu = jnp.mean(x, axis=0)
    var = jnp.var(x, axis=0)
    return g * (x - mu) / jnp.sqrt(var + EPS) + b


def reference(X_numerical, X_categorical, tables, W1, b1, g1, beta1, W2, b2, g2, beta2, W3, b3, g3, beta3, W4, b4):
    # per-field embedding lookup: tables[i][X_categorical[:, i]] for each field i
    emb = tables[jnp.arange(F)[None, :], X_categorical]  # [B, F, D]
    embedded_cat = emb.reshape(X_categorical.shape[0], F * D)
    x = jnp.concatenate([X_numerical, embedded_cat], axis=1)
    for W, b, g, be in ((W1, b1, g1, beta1), (W2, b2, g2, beta2), (W3, b3, g3, beta3)):
        x = x @ W + b
        x = _bn(x, g, be)
        x = jax.nn.relu(x)
        # dropout is identity in eval / deterministic reference
    out = jax.nn.sigmoid(x @ W4 + b4)
    return out.squeeze()

if __name__ == "__main__":
    import jax
    _d = setup_inputs()
    print(jax.jit(kernel)(*tuple(_d.values())))

</pallas_src>

<mosaic_0001>
#map = affine_map<(d0, d1) -> (0, 0)>
module attributes {stable_mosaic.version = 14 : i64} {
  func.func @gather_kernel(%arg0: i32, %arg1: i32, %arg2: memref<800000x16xf32, #tpu.memory_space<hbm>>, %arg3: memref<4096x128xi32, #tpu.memory_space<hbm>>, %arg4: memref<131072x16xf32, #tpu.memory_space<hbm>>) attributes {dimension_semantics = [#tpu.dimension_semantics<core_parallel>, #tpu.dimension_semantics<subcore_parallel>], iteration_bounds = array<i64: 2, 16>, scalar_prefetch = 0 : i64, scratch_operands = 0 : i64, tpu.core_type = #tpu.core_type<sc_vector_subcore>, window_params = [{transform_indices = #map}, {transform_indices = #map}, {transform_indices = #map}]} {
    %mul3A = arith.constant 1 : i32
    %mul3A_0 = arith.muli %arg1, %mul3A : i32
    %add3A = arith.constant 0 : i32
    %add3A_1 = arith.addi %add3A, %mul3A_0 : i32
    %mul3A_2 = arith.constant 16 : i32
    %mul3A_3 = arith.muli %arg0, %mul3A_2 : i32
    %add3A_4 = arith.addi %add3A_1, %mul3A_3 : i32
    %mul3A_5 = arith.constant 8 : i32
    %mul3A_6 = arith.muli %add3A_4, %mul3A_5 : i32
    "tpu.region"() ({
      %run_scoped3A = memref.alloca() : memref<2x4x128xi32, #tpu.memory_space<vmem>>
      %run_scoped3A_7 = tpu.sem_alloc : memref<2x!tpu.dma_semaphore, #tpu.memory_space<semaphore_mem>>
      %run_scoped3A_8 = memref.alloca() : memref<2x512x16xf32, #tpu.memory_space<vmem>>
      %run_scoped3A_9 = tpu.sem_alloc : memref<2x!tpu.dma_semaphore, #tpu.memory_space<semaphore_mem>>
      %add3A_10 = arith.constant 0 : i32
      %add3A_11 = arith.addi %add3A_10, %mul3A_6 : i32
      %select_n3A = arith.constant true
      %select_n3A_12 = arith.constant 0 : i32
      %select_n3A_13 = arith.constant -1 : i32
      %select_n3A_14 = arith.select %select_n3A, %select_n3A_13, %select_n3A_12 : i32
      %eq3A = arith.constant -1 : i32
      %eq3A_15 = arith.cmpi eq, %select_n3A_14, %eq3A : i32
      %select_n3A_16 = arith.constant 7 : i32
      %select_n3A_17 = arith.select %eq3A_15, %select_n3A_16, %select_n3A_14 : i32
      %add3A_18 = arith.addi %select_n3A_17, %mul3A_6 : i32
      %select_n3A_19 = arith.constant true
      %select_n3A_20 = arith.constant 0 : i32
      %select_n3A_21 = arith.constant 1 : i32
      %select_n3A_22 = arith.select %select_n3A_19, %select_n3A_21, %select_n3A_20 : i32
      %eq3A_23 = arith.constant 8 : i32
      %eq3A_24 = arith.cmpi eq, %select_n3A_22, %eq3A_23 : i32
      %select_n3A_25 = arith.constant 0 : i32
      %select_n3A_26 = arith.select %eq3A_24, %select_n3A_25, %select_n3A_22 : i32
      %add3A_27 = arith.addi %select_n3A_26, %mul3A_6 : i32
      %add3A_28 = arith.constant 1 : i32
      %add3A_29 = arith.addi %select_n3A_26, %add3A_28 : i32
      %select_n3A_30 = arith.constant true
      %select_n3A_31 = arith.select %select_n3A_30, %add3A_29, %select_n3A_26 : i32
      %eq3A_32 = arith.constant 8 : i32
      %eq3A_33 = arith.cmpi eq, %select_n3A_31, %eq3A_32 : i32
      %select_n3A_34 = arith.constant 0 : i32
      %select_n3A_35 = arith.select %eq3A_33, %select_n3A_34, %select_n3A_31 : i32
      %add3A_36 = arith.addi %select_n3A_35, %mul3A_6 : i32
      "tpu.trace_start"() <{level = 10 : i32, message = "ep_initialize_0"}> : () -> ()
      %rem3A = arith.constant 0 : i32
      %rem3A_37 = arith.constant 2 : i32
      %rem3A_38 = arith.remui %rem3A, %rem3A_37 : i32
      %add3A_39 = arith.constant 768 : i32
      %add3A_40 = arith.addi %add3A_39, %add3A_11 : i32
      %mul3A_41 = arith.constant 4 : i32
      %mul3A_42 = arith.muli %mul3A_41, %add3A_40 : i32
      %dma_start3A = arith.constant 0 : i32
      %dma_start3A_43 = arith.constant 0 : i32
      %dma_start3A_44 = tpu.memref_slice %run_scoped3A[%rem3A_38, %dma_start3A, %dma_start3A_43] : memref<2x4x128xi32, #tpu.memory_space<vmem>> -> memref<1x4x128xi32, #tpu.memory_space<vmem>>
      %dma_start3A_45 = tpu.memref_squeeze %dma_start3A_44 : memref<1x4x128xi32, #tpu.memory_space<vmem>> -> memref<4x128xi32, #tpu.memory_space<vmem>>
      %dma_start3A_46 = arith.constant 0 : i32
      %dma_start3A_47 = tpu.memref_slice %arg3[%mul3A_42, %dma_start3A_46] : memref<4096x128xi32, #tpu.memory_space<hbm>> -> memref<4x128xi32, #tpu.memory_space<hbm>>
      %dma_start3A_48 = tpu.memref_slice %run_scoped3A_7[%rem3A_38] : memref<2x!tpu.dma_semaphore, #tpu.memory_space<semaphore_mem>> -> memref<1x!tpu.dma_semaphore, #tpu.memory_space<semaphore_mem>>
      %dma_start3A_49 = tpu.memref_squeeze %dma_start3A_48 : memref<1x!tpu.dma_semaphore, #tpu.memory_space<semaphore_mem>> -> memref<!tpu.dma_semaphore, #tpu.memory_space<semaphore_mem>>
      %dma_start3A_50 = arith.constant 0 : i32
      %dma_start3A_51 = arith.constant 0 : i32
      %dma_start3A_52 = tpu.memref_slice %run_scoped3A[%rem3A_38, %dma_start3A_50, %dma_start3A_51] : memref<2x4x128xi32, #tpu.memory_space<vmem>> -> memref<1x4x128xi32, #tpu.memory_space<vmem>>
      %dma_start3A_53 = tpu.memref_squeeze %dma_start3A_52 : memref<1x4x128xi32, #tpu.memory_space<vmem>> -> memref<4x128xi32, #tpu.memory_space<vmem>>
      %dma_start3A_54 = arith.constant 0 : i32
      %dma_start3A_55 = tpu.memref_slice %arg3[%mul3A_42, %dma_start3A_54] : memref<4096x128xi32, #tpu.memory_space<hbm>> -> memref<4x128xi32, #tpu.memory_space<hbm>>
      tpu.enqueue_dma source(%dma_start3A_55 : memref<4x128xi32, #tpu.memory_space<hbm>>) target(%dma_start3A_53 : memref<4x128xi32, #tpu.memory_space<vmem>>) target_semaphore(%dma_start3A_49 : memref<!tpu.dma_semaphore, #tpu.memory_space<semaphore_mem>>)
      %add3A_56 = arith.constant 0 : i32
      %add3A_57 = arith.constant 1 : i32
      %add3A_58 = arith.addi %add3A_56, %add3A_57 : i32
      %select_n3A_59 = arith.constant true
      %select_n3A_60 = arith.constant 0 : i32
      %select_n3A_61 = arith.select %select_n3A_59, %add3A_58, %select_n3A_60 : i32
      "tpu.trace_stop"() : () -> ()
      %scan3A = arith.constant 0 : i32
      %scan3A_62 = arith.constant 0 : i32
      %scan3A_63 = arith.constant 0 : i32
      %scan3A_64 = arith.constant 0 : i32
      %scan3A_65 = arith.constant 0 : i32
      %scan3A_66 = arith.constant 8 : i32
      %scan3A_67 = arith.addi %scan3A_65, %scan3A_66 : i32
      %scan3A_68 = arith.constant 1 : i32
      %scan3A_69:5 = scf.for %scan3A_123 = %scan3A_65 to %scan3A_67 step %scan3A_68 iter_args(%scan3A_124 = %select_n3A_61, %scan3A_125 = %scan3A, %scan3A_126 = %scan3A_62, %scan3A_127 = %scan3A_63, %scan3A_128 = %scan3A_64) -> (i32, i32, i32, i32, i32)  : i32 {
        %eq3A_129 = arith.constant 0 : i32
        %eq3A_130 = arith.cmpi eq, %scan3A_123, %eq3A_129 : i32
        %eq3A_131 = arith.constant 7 : i32
        %eq3A_132 = arith.cmpi eq, %scan3A_123, %eq3A_131 : i32
        %add3A_133 = arith.addi %scan3A_128, %mul3A_6 : i32
        %sub3A_134 = arith.constant 1 : i32
        %sub3A_135 = arith.subi %scan3A_128, %sub3A_134 : i32
        %select_n3A_136 = arith.constant true
        %select_n3A_137 = arith.select %select_n3A_136, %sub3A_135, %scan3A_128 : i32
        %eq3A_138 = arith.constant -1 : i32
        %eq3A_139 = arith.cmpi eq, %select_n3A_137, %eq3A_138 : i32
        %select_n3A_140 = arith.constant 7 : i32
        %select_n3A_141 = arith.select %eq3A_139, %select_n3A_140, %select_n3A_137 : i32
        %add3A_142 = arith.addi %select_n3A_141, %mul3A_6 : i32
        %add3A_143 = arith.constant 1 : i32
        %add3A_144 = arith.addi %scan3A_128, %add3A_143 : i32
        %select_n3A_145 = arith.constant true
        %select_n3A_146 = arith.select %select_n3A_145, %add3A_144, %scan3A_128 : i32
        %eq3A_147 = arith.constant 8 : i32
        %eq3A_148 = arith.cmpi eq, %select_n3A_146, %eq3A_147 : i32
        %select_n3A_149 = arith.constant 0 : i32
        %select_n3A_150 = arith.select %eq3A_148, %select_n3A_149, %select_n3A_146 : i32
        %add3A_151 = arith.addi %select_n3A_150, %mul3A_6 : i32
        %add3A_152 = arith.constant 1 : i32
        %add3A_153 = arith.addi %select_n3A_150, %add3A_152 : i32
        %select_n3A_154 = arith.constant true
        %select_n3A_155 = arith.select %select_n3A_154, %add3A_153, %select_n3A_150 : i32
        %eq3A_156 = arith.constant 8 : i32
        %eq3A_157 = arith.cmpi eq, %select_n3A_155, %eq3A_156 : i32
        %select_n3A_158 = arith.constant 0 : i32
        %select_n3A_159 = arith.select %eq3A_157, %select_n3A_158, %select_n3A_155 : i32
        %add3A_160 = arith.addi %select_n3A_159, %mul3A_6 : i32
        %add3A_161 = arith.constant 768 : i32
        %add3A_162 = arith.addi %add3A_161, %add3A_133 : i32
        %add3A_163 = arith.constant 768 : i32
        %add3A_164 = arith.addi %add3A_163, %add3A_151 : i32
        %ne3A = arith.cmpi ne, %add3A_162, %add3A_164 : i32
        %or3A = arith.constant false
        %or3A_165 = arith.ori %or3A, %ne3A : i1
        %or3A_166 = arith.constant false
        %or3A_167 = arith.ori %or3A_165, %or3A_166 : i1
        %ge3A = arith.constant 7 : i32
        %ge3A_168 = arith.cmpi sge, %scan3A_123, %ge3A : i32
        %not3A = arith.constant true
        %not3A_169 = arith.xori %ge3A_168, %not3A : i1
        %and3A = arith.andi %or3A_167, %not3A_169 : i1
        %convert_element_type3A = arith.extui %and3A : i1 to i32
        %cond3A = arith.constant 0 : i32
        %cond3A_170 = arith.cmpi ne, %convert_element_type3A, %cond3A : i32
        scf.if %cond3A_170 {
          "tpu.trace_start"() <{level = 10 : i32, message = "ep_copy_in"}> : () -> ()
          %rem3A_295 = arith.constant 2 : i32
          %rem3A_296 = arith.remui %scan3A_124, %rem3A_295 : i32
          %add3A_297 = arith.constant 768 : i32
          %add3A_298 = arith.addi %add3A_297, %add3A_151 : i32
          %mul3A_299 = arith.constant 4 : i32
          %mul3A_300 = arith.muli %mul3A_299, %add3A_298 : i32
          %dma_start3A_301 = arith.constant 0 : i32
          %dma_start3A_302 = arith.constant 0 : i32
          %dma_start3A_303 = tpu.memref_slice %run_scoped3A[%rem3A_296, %dma_start3A_301, %dma_start3A_302] : memref<2x4x128xi32, #tpu.memory_space<vmem>> -> memref<1x4x128xi32, #tpu.memory_space<vmem>>
          %dma_start3A_304 = tpu.memref_squeeze %dma_start3A_303 : memref<1x4x128xi32, #tpu.memory_space<vmem>> -> memref<4x128xi32, #tpu.memory_space<vmem>>
          %dma_start3A_305 = arith.constant 0 : i32
          %dma_start3A_306 = tpu.memref_slice %arg3[%mul3A_300, %dma_start3A_305] : memref<4096x128xi32, #tpu.memory_space<hbm>> -> memref<4x128xi32, #tpu.memory_space<hbm>>
          %dma_start3A_307 = tpu.memref_slice %run_scoped3A_7[%rem3A_296] : memref<2x!tpu.dma_semaphore, #tpu.memory_space<semaphore_mem>> -> memref<1x!tpu.dma_semaphore, #tpu.memory_space<semaphore_mem>>
          %dma_start3A_308 = tpu.memref_squeeze %dma_start3A_307 : memref<1x!tpu.dma_semaphore, #tpu.memory_space<semaphore_mem>> -> memref<!tpu.dma_semaphore, #tpu.memory_space<semaphore_mem>>
          %dma_start3A_309 = arith.constant 0 : i32
          %dma_start3A_310 = arith.constant 0 : i32
          %dma_start3A_311 = tpu.memref_slice %run_scoped3A[%rem3A_296, %dma_start3A_309, %dma_start3A_310] : memref<2x4x128xi32, #tpu.memory_space<vmem>> -> memref<1x4x128xi32, #tpu.memory_space<vmem>>
          %dma_start3A_312 = tpu.memref_squeeze %dma_start3A_311 : memref<1x4x128xi32, #tpu.memory_space<vmem>> -> memref<4x128xi32, #tpu.memory_space<vmem>>
          %dma_start3A_313 = arith.constant 0 : i32
          %dma_start3A_314 = tpu.memref_slice %arg3[%mul3A_300, %dma_start3A_313] : memref<4096x128xi32, #tpu.memory_space<hbm>> -> memref<4x128xi32, #tpu.memory_space<hbm>>
          tpu.enqueue_dma source(%dma_start3A_314 : memref<4x128xi32, #tpu.memory_space<hbm>>) target(%dma_start3A_312 : memref<4x128xi32, #tpu.memory_space<vmem>>) target_semaphore(%dma_start3A_308 : memref<!tpu.dma_semaphore, #tpu.memory_space<semaphore_mem>>)
          "tpu.trace_stop"() : () -> ()
        } else {
        }
        %and3A_171 = arith.constant true
        %and3A_172 = arith.andi %and3A, %and3A_171 : i1
        %add3A_173 = arith.constant 1 : i32
        %add3A_174 = arith.addi %scan3A_124, %add3A_173 : i32
        %select_n3A_175 = arith.select %and3A_172, %add3A_174, %scan3A_124 : i32
        %ne3A_176 = arith.cmpi ne, %add3A_133, %add3A_151 : i32
        %or3A_177 = arith.constant false
        %or3A_178 = arith.ori %or3A_177, %ne3A_176 : i1
        %or3A_179 = arith.constant false
        %or3A_180 = arith.ori %or3A_178, %or3A_179 : i1
        %ge3A_181 = arith.constant 7 : i32
        %ge3A_182 = arith.cmpi sge, %scan3A_123, %ge3A_181 : i32
        %not3A_183 = arith.constant true
        %not3A_184 = arith.xori %ge3A_182, %not3A_183 : i1
        %and3A_185 = arith.andi %or3A_180, %not3A_184 : i1
        %add3A_186 = arith.constant 768 : i32
        %add3A_187 = arith.addi %add3A_186, %add3A_133 : i32
        %add3A_188 = arith.constant 768 : i32
        %add3A_189 = arith.addi %add3A_188, %add3A_142 : i32
        %ne3A_190 = arith.cmpi ne, %add3A_187, %add3A_189 : i32
        %or3A_191 = arith.constant false
        %or3A_192 = arith.ori %or3A_191, %ne3A_190 : i1
        %or3A_193 = arith.constant false
        %or3A_194 = arith.ori %or3A_192, %or3A_193 : i1
        %or3A_195 = arith.ori %or3A_194, %eq3A_130 : i1
        %convert_element_type3A_196 = arith.extui %or3A_195 : i1 to i32
        %cond3A_197 = arith.constant 0 : i32
        %cond3A_198 = arith.cmpi ne, %convert_element_type3A_196, %cond3A_197 : i32
        scf.if %cond3A_198 {
          "tpu.trace_start"() <{level = 10 : i32, message = "ep_wait_in"}> : () -> ()
          %add3A_295 = arith.constant 768 : i32
          %add3A_296 = arith.addi %add3A_295, %add3A_133 : i32
          %mul3A_297 = arith.constant 4 : i32
          %mul3A_298 = arith.muli %mul3A_297, %add3A_296 : i32
          %rem3A_299 = arith.constant 2 : i32
          %rem3A_300 = arith.remui %scan3A_125, %rem3A_299 : i32
          %dma_wait3A_301 = arith.constant 0 : i32
          %dma_wait3A_302 = arith.constant 0 : i32
          %dma_wait3A_303 = tpu.memref_slice %run_scoped3A[%rem3A_300, %dma_wait3A_301, %dma_wait3A_302] : memref<2x4x128xi32, #tpu.memory_space<vmem>> -> memref<1x4x128xi32, #tpu.memory_space<vmem>>
          %dma_wait3A_304 = tpu.memref_squeeze %dma_wait3A_303 : memref<1x4x128xi32, #tpu.memory_space<vmem>> -> memref<4x128xi32, #tpu.memory_space<vmem>>
          %dma_wait3A_305 = arith.constant 0 : i32
          %dma_wait3A_306 = tpu.memref_slice %arg3[%mul3A_298, %dma_wait3A_305] : memref<4096x128xi32, #tpu.memory_space<hbm>> -> memref<4x128xi32, #tpu.memory_space<hbm>>
          %dma_wait3A_307 = tpu.memref_slice %run_scoped3A_7[%rem3A_300] : memref<2x!tpu.dma_semaphore, #tpu.memory_space<semaphore_mem>> -> memref<1x!tpu.dma_semaphore, #tpu.memory_space<semaphore_mem>>
          %dma_wait3A_308 = tpu.memref_squeeze %dma_wait3A_307 : memref<1x!tpu.dma_semaphore, #tpu.memory_space<semaphore_mem>> -> memref<!tpu.dma_semaphore, #tpu.memory_space<semaphore_mem>>
          %dma_wait3A_309 = arith.constant 0 : i32
          %dma_wait3A_310 = arith.constant 0 : i32
          %dma_wait3A_311 = tpu.memref_slice %run_scoped3A[%rem3A_300, %dma_wait3A_309, %dma_wait3A_310] : memref<2x4x128xi32, #tpu.memory_space<vmem>> -> memref<1x4x128xi32, #tpu.memory_space<vmem>>
          %dma_wait3A_312 = tpu.memref_squeeze %dma_wait3A_311 : memref<1x4x128xi32, #tpu.memory_space<vmem>> -> memref<4x128xi32, #tpu.memory_space<vmem>>
          %dma_wait3A_313 = arith.constant 0 : i32
          %dma_wait3A_314 = tpu.memref_slice %arg3[%mul3A_298, %dma_wait3A_313] : memref<4096x128xi32, #tpu.memory_space<hbm>> -> memref<4x128xi32, #tpu.memory_space<hbm>>
          tpu.wait_dma2 semaphore(%dma_wait3A_308 : memref<!tpu.dma_semaphore, #tpu.memory_space<semaphore_mem>>) src(%dma_wait3A_314 : memref<4x128xi32, #tpu.memory_space<hbm>>) dst(%dma_wait3A_312 : memref<4x128xi32, #tpu.memory_space<vmem>>)
          "tpu.trace_stop"() : () -> ()
        } else {
        }
        %ne3A_199 = arith.cmpi ne, %add3A_133, %add3A_142 : i32
        %or3A_200 = arith.constant false
        %or3A_201 = arith.ori %or3A_200, %ne3A_199 : i1
        %or3A_202 = arith.constant false
        %or3A_203 = arith.ori %or3A_201, %or3A_202 : i1
        %or3A_204 = arith.ori %or3A_203, %eq3A_130 : i1
        %convert_element_type3A_205 = arith.extui %or3A_204 : i1 to i32
        %cond3A_206 = arith.constant 0 : i32
        %cond3A_207 = arith.cmpi ne, %convert_element_type3A_205, %cond3A_206 : i32
        scf.if %cond3A_207 {
        } else {
        }
        %rem3A_208 = arith.constant 2 : i32
        %rem3A_209 = arith.remui %scan3A_125, %rem3A_208 : i32
        %rem3A_210 = arith.constant 2 : i32
        %rem3A_211 = arith.remui %scan3A_126, %rem3A_210 : i32
        "tpu.trace_start"() <{level = 10 : i32, message = "ep_run_kernel"}> : () -> ()
        "tpu.region"() ({
          %run_scoped3A_295 = tpu.sem_alloc : memref<!tpu.dma_semaphore, #tpu.memory_space<semaphore_mem>>
          %dma_start3A_296 = arith.constant 0 : i32
          %dma_start3A_297 = arith.constant 0 : i32
          %dma_start3A_298 = arith.constant 0 : i32
          %dma_start3A_299 = tpu.memref_slice %run_scoped3A_8[%rem3A_211, %dma_start3A_297, %dma_start3A_298] : memref<2x512x16xf32, #tpu.memory_space<vmem>> -> memref<1x512x16xf32, #tpu.memory_space<vmem>>
          %dma_start3A_300 = tpu.memref_squeeze %dma_start3A_299 : memref<1x512x16xf32, #tpu.memory_space<vmem>> -> memref<512x16xf32, #tpu.memory_space<vmem>>
          %dma_start3A_301 = arith.constant 0 : i32
          %dma_start3A_302 = arith.constant 0 : i32
          %dma_start3A_303 = tpu.memref_slice %dma_start3A_300[%dma_start3A_301, %dma_start3A_302] : memref<512x16xf32, #tpu.memory_space<vmem>> -> memref<128x16xf32, #tpu.memory_space<vmem>>
          %dma_start3A_304 = arith.constant 0 : i32
          %dma_start3A_305 = arith.constant 0 : i32
          %dma_start3A_306 = tpu.memref_slice %run_scoped3A[%rem3A_209, %dma_start3A_304, %dma_start3A_305] : memref<2x4x128xi32, #tpu.memory_space<vmem>> -> memref<1x4x128xi32, #tpu.memory_space<vmem>>
          %dma_start3A_307 = tpu.memref_squeeze %dma_start3A_306 : memref<1x4x128xi32, #tpu.memory_space<vmem>> -> memref<4x128xi32, #tpu.memory_space<vmem>>
          %dma_start3A_308 = arith.constant 0 : i32
          %dma_start3A_309 = tpu.memref_slice %dma_start3A_307[%dma_start3A_296, %dma_start3A_308] : memref<4x128xi32, #tpu.memory_space<vmem>> -> memref<1x128xi32, #tpu.memory_space<vmem>>
          %dma_start3A_310 = tpu.memref_squeeze %dma_start3A_309 : memref<1x128xi32, #tpu.memory_space<vmem>> -> memref<128xi32, #tpu.memory_space<vmem>>
          %dma_start3A_311 = arith.constant 0 : i32
          %dma_start3A_312 = arith.constant 0 : i32
          %dma_start3A_313 = tpu.memref_slice %arg2[%dma_start3A_311, %dma_start3A_312] : memref<800000x16xf32, #tpu.memory_space<hbm>> -> memref<800000x16xf32, #tpu.memory_space<hbm>>
          tpu.enqueue_indirect_dma source(%dma_start3A_313 : memref<800000x16xf32, #tpu.memory_space<hbm>>) target(%dma_start3A_303 : memref<128x16xf32, #tpu.memory_space<vmem>>) offsets(%dma_start3A_310 : memref<128xi32, #tpu.memory_space<vmem>>) semaphore(%run_scoped3A_295 : memref<!tpu.dma_semaphore, #tpu.memory_space<semaphore_mem>>)
          %dma_start3A_314 = arith.constant 1 : i32
          %dma_start3A_315 = arith.constant 0 : i32
          %dma_start3A_316 = arith.constant 0 : i32
          %dma_start3A_317 = tpu.memref_slice %run_scoped3A_8[%rem3A_211, %dma_start3A_315, %dma_start3A_316] : memref<2x512x16xf32, #tpu.memory_space<vmem>> -> memref<1x512x16xf32, #tpu.memory_space<vmem>>
          %dma_start3A_318 = tpu.memref_squeeze %dma_start3A_317 : memref<1x512x16xf32, #tpu.memory_space<vmem>> -> memref<512x16xf32, #tpu.memory_space<vmem>>
          %dma_start3A_319 = arith.constant 128 : i32
          %dma_start3A_320 = arith.constant 0 : i32
          %dma_start3A_321 = tpu.memref_slice %dma_start3A_318[%dma_start3A_319, %dma_start3A_320] : memref<512x16xf32, #tpu.memory_space<vmem>> -> memref<128x16xf32, #tpu.memory_space<vmem>>
          %dma_start3A_322 = arith.constant 0 : i32
          %dma_start3A_323 = arith.constant 0 : i32
          %dma_start3A_324 = tpu.memref_slice %run_scoped3A[%rem3A_209, %dma_start3A_322, %dma_start3A_323] : memref<2x4x128xi32, #tpu.memory_space<vmem>> -> memref<1x4x128xi32, #tpu.memory_space<vmem>>
          %dma_start3A_325 = tpu.memref_squeeze %dma_start3A_324 : memref<1x4x128xi32, #tpu.memory_space<vmem>> -> memref<4x128xi32, #tpu.memory_space<vmem>>
          %dma_start3A_326 = arith.constant 0 : i32
          %dma_start3A_327 = tpu.memref_slice %dma_start3A_325[%dma_start3A_314, %dma_start3A_326] : memref<4x128xi32, #tpu.memory_space<vmem>> -> memref<1x128xi32, #tpu.memory_space<vmem>>
          %dma_start3A_328 = tpu.memref_squeeze %dma_start3A_327 : memref<1x128xi32, #tpu.memory_space<vmem>> -> memref<128xi32, #tpu.memory_space<vmem>>
          %dma_start3A_329 = arith.constant 0 : i32
          %dma_start3A_330 = arith.constant 0 : i32
          %dma_start3A_331 = tpu.memref_slice %arg2[%dma_start3A_329, %dma_start3A_330] : memref<800000x16xf32, #tpu.memory_space<hbm>> -> memref<800000x16xf32, #tpu.memory_space<hbm>>
          tpu.enqueue_indirect_dma source(%dma_start3A_331 : memref<800000x16xf32, #tpu.memory_space<hbm>>) target(%dma_start3A_321 : memref<128x16xf32, #tpu.memory_space<vmem>>) offsets(%dma_start3A_328 : memref<128xi32, #tpu.memory_space<vmem>>) semaphore(%run_scoped3A_295 : memref<!tpu.dma_semaphore, #tpu.memory_space<semaphore_mem>>)
          %dma_start3A_332 = arith.constant 2 : i32
          %dma_start3A_333 = arith.constant 0 : i32
          %dma_start3A_334 = arith.constant 0 : i32
          %dma_start3A_335 = tpu.memref_slice %run_scoped3A_8[%rem3A_211, %dma_start3A_333, %dma_start3A_334] : memref<2x512x16xf32, #tpu.memory_space<vmem>> -> memref<1x512x16xf32, #tpu.memory_space<vmem>>
          %dma_start3A_336 = tpu.memref_squeeze %dma_start3A_335 : memref<1x512x16xf32, #tpu.memory_space<vmem>> -> memref<512x16xf32, #tpu.memory_space<vmem>>
          %dma_start3A_337 = arith.constant 256 : i32
          %dma_start3A_338 = arith.constant 0 : i32
          %dma_start3A_339 = tpu.memref_slice %dma_start3A_336[%dma_start3A_337, %dma_start3A_338] : memref<512x16xf32, #tpu.memory_space<vmem>> -> memref<128x16xf32, #tpu.memory_space<vmem>>
          %dma_start3A_340 = arith.constant 0 : i32
          %dma_start3A_341 = arith.constant 0 : i32
          %dma_start3A_342 = tpu.memref_slice %run_scoped3A[%rem3A_209, %dma_start3A_340, %dma_start3A_341] : memref<2x4x128xi32, #tpu.memory_space<vmem>> -> memref<1x4x128xi32, #tpu.memory_space<vmem>>
          %dma_start3A_343 = tpu.memref_squeeze %dma_start3A_342 : memref<1x4x128xi32, #tpu.memory_space<vmem>> -> memref<4x128xi32, #tpu.memory_space<vmem>>
          %dma_start3A_344 = arith.constant 0 : i32
          %dma_start3A_345 = tpu.memref_slice %dma_start3A_343[%dma_start3A_332, %dma_start3A_344] : memref<4x128xi32, #tpu.memory_space<vmem>> -> memref<1x128xi32, #tpu.memory_space<vmem>>
          %dma_start3A_346 = tpu.memref_squeeze %dma_start3A_345 : memref<1x128xi32, #tpu.memory_space<vmem>> -> memref<128xi32, #tpu.memory_space<vmem>>
          %dma_start3A_347 = arith.constant 0 : i32
          %dma_start3A_348 = arith.constant 0 : i32
          %dma_start3A_349 = tpu.memref_slice %arg2[%dma_start3A_347, %dma_start3A_348] : memref<800000x16xf32, #tpu.memory_space<hbm>> -> memref<800000x16xf32, #tpu.memory_space<hbm>>
          tpu.enqueue_indirect_dma source(%dma_start3A_349 : memref<800000x16xf32, #tpu.memory_space<hbm>>) target(%dma_start3A_339 : memref<128x16xf32, #tpu.memory_space<vmem>>) offsets(%dma_start3A_346 : memref<128xi32, #tpu.memory_space<vmem>>) semaphore(%run_scoped3A_295 : memref<!tpu.dma_semaphore, #tpu.memory_space<semaphore_mem>>)
          %dma_start3A_350 = arith.constant 3 : i32
          %dma_start3A_351 = arith.constant 0 : i32
          %dma_start3A_352 = arith.constant 0 : i32
          %dma_start3A_353 = tpu.memref_slice %run_scoped3A_8[%rem3A_211, %dma_start3A_351, %dma_start3A_352] : memref<2x512x16xf32, #tpu.memory_space<vmem>> -> memref<1x512x16xf32, #tpu.memory_space<vmem>>
          %dma_start3A_354 = tpu.memref_squeeze %dma_start3A_353 : memref<1x512x16xf32, #tpu.memory_space<vmem>> -> memref<512x16xf32, #tpu.memory_space<vmem>>
          %dma_start3A_355 = arith.constant 384 : i32
          %dma_start3A_356 = arith.constant 0 : i32
          %dma_start3A_357 = tpu.memref_slice %dma_start3A_354[%dma_start3A_355, %dma_start3A_356] : memref<512x16xf32, #tpu.memory_space<vmem>> -> memref<128x16xf32, #tpu.memory_space<vmem>>
          %dma_start3A_358 = arith.constant 0 : i32
          %dma_start3A_359 = arith.constant 0 : i32
          %dma_start3A_360 = tpu.memref_slice %run_scoped3A[%rem3A_209, %dma_start3A_358, %dma_start3A_359] : memref<2x4x128xi32, #tpu.memory_space<vmem>> -> memref<1x4x128xi32, #tpu.memory_space<vmem>>
          %dma_start3A_361 = tpu.memref_squeeze %dma_start3A_360 : memref<1x4x128xi32, #tpu.memory_space<vmem>> -> memref<4x128xi32, #tpu.memory_space<vmem>>
          %dma_start3A_362 = arith.constant 0 : i32
          %dma_start3A_363 = tpu.memref_slice %dma_start3A_361[%dma_start3A_350, %dma_start3A_362] : memref<4x128xi32, #tpu.memory_space<vmem>> -> memref<1x128xi32, #tpu.memory_space<vmem>>
          %dma_start3A_364 = tpu.memref_squeeze %dma_start3A_363 : memref<1x128xi32, #tpu.memory_space<vmem>> -> memref<128xi32, #tpu.memory_space<vmem>>
          %dma_start3A_365 = arith.constant 0 : i32
          %dma_start3A_366 = arith.constant 0 : i32
          %dma_start3A_367 = tpu.memref_slice %arg2[%dma_start3A_365, %dma_start3A_366] : memref<800000x16xf32, #tpu.memory_space<hbm>> -> memref<800000x16xf32, #tpu.memory_space<hbm>>
          tpu.enqueue_indirect_dma source(%dma_start3A_367 : memref<800000x16xf32, #tpu.memory_space<hbm>>) target(%dma_start3A_357 : memref<128x16xf32, #tpu.memory_space<vmem>>) offsets(%dma_start3A_364 : memref<128xi32, #tpu.memory_space<vmem>>) semaphore(%run_scoped3A_295 : memref<!tpu.dma_semaphore, #tpu.memory_space<semaphore_mem>>)
          %dma_wait3A_368 = arith.constant 0 : i32
          %dma_wait3A_369 = arith.constant 0 : i32
          %dma_wait3A_370 = arith.constant 0 : i32
          %dma_wait3A_371 = tpu.memref_slice %run_scoped3A_8[%rem3A_211, %dma_wait3A_369, %dma_wait3A_370] : memref<2x512x16xf32, #tpu.memory_space<vmem>> -> memref<1x512x16xf32, #tpu.memory_space<vmem>>
          %dma_wait3A_372 = tpu.memref_squeeze %dma_wait3A_371 : memref<1x512x16xf32, #tpu.memory_space<vmem>> -> memref<512x16xf32, #tpu.memory_space<vmem>>
          %dma_wait3A_373 = arith.constant 0 : i32
          %dma_wait3A_374 = arith.constant 0 : i32
          %dma_wait3A_375 = tpu.memref_slice %dma_wait3A_372[%dma_wait3A_373, %dma_wait3A_374] : memref<512x16xf32, #tpu.memory_space<vmem>> -> memref<128x16xf32, #tpu.memory_space<vmem>>
          %dma_wait3A_376 = arith.constant 0 : i32
          %dma_wait3A_377 = arith.constant 0 : i32
          %dma_wait3A_378 = tpu.memref_slice %run_scoped3A[%rem3A_209, %dma_wait3A_376, %dma_wait3A_377] : memref<2x4x128xi32, #tpu.memory_space<vmem>> -> memref<1x4x128xi32, #tpu.memory_space<vmem>>
          %dma_wait3A_379 = tpu.memref_squeeze %dma_wait3A_378 : memref<1x4x128xi32, #tpu.memory_space<vmem>> -> memref<4x128xi32, #tpu.memory_space<vmem>>
          %dma_wait3A_380 = arith.constant 0 : i32
          %dma_wait3A_381 = tpu.memref_slice %dma_wait3A_379[%dma_wait3A_368, %dma_wait3A_380] : memref<4x128xi32, #tpu.memory_space<vmem>> -> memref<1x128xi32, #tpu.memory_space<vmem>>
          %dma_wait3A_382 = tpu.memref_squeeze %dma_wait3A_381 : memref<1x128xi32, #tpu.memory_space<vmem>> -> memref<128xi32, #tpu.memory_space<vmem>>
          %dma_wait3A_383 = arith.constant 0 : i32
          %dma_wait3A_384 = arith.constant 0 : i32
          %dma_wait3A_385 = tpu.memref_slice %arg2[%dma_wait3A_383, %dma_wait3A_384] : memref<800000x16xf32, #tpu.memory_space<hbm>> -> memref<800000x16xf32, #tpu.memory_space<hbm>>
          tpu.wait_indirect_dma semaphore(%run_scoped3A_295 : memref<!tpu.dma_semaphore, #tpu.memory_space<semaphore_mem>>) src(%dma_wait3A_385 : memref<800000x16xf32, #tpu.memory_space<hbm>>) dst(%dma_wait3A_375 : memref<128x16xf32, #tpu.memory_space<vmem>>)
          %dma_wait3A_386 = arith.constant 1 : i32
          %dma_wait3A_387 = arith.constant 0 : i32
          %dma_wait3A_388 = arith.constant 0 : i32
          %dma_wait3A_389 = tpu.memref_slice %run_scoped3A_8[%rem3A_211, %dma_wait3A_387, %dma_wait3A_388] : memref<2x512x16xf32, #tpu.memory_space<vmem>> -> memref<1x512x16xf32, #tpu.memory_space<vmem>>
          %dma_wait3A_390 = tpu.memref_squeeze %dma_wait3A_389 : memref<1x512x16xf32, #tpu.memory_space<vmem>> -> memref<512x16xf32, #tpu.memory_space<vmem>>
          %dma_wait3A_391 = arith.constant 128 : i32
          %dma_wait3A_392 = arith.constant 0 : i32
          %dma_wait3A_393 = tpu.memref_slice %dma_wait3A_390[%dma_wait3A_391, %dma_wait3A_392] : memref<512x16xf32, #tpu.memory_space<vmem>> -> memref<128x16xf32, #tpu.memory_space<vmem>>
          %dma_wait3A_394 = arith.constant 0 : i32
          %dma_wait3A_395 = arith.constant 0 : i32
          %dma_wait3A_396 = tpu.memref_slice %run_scoped3A[%rem3A_209, %dma_wait3A_394, %dma_wait3A_395] : memref<2x4x128xi32, #tpu.memory_space<vmem>> -> memref<1x4x128xi32, #tpu.memory_space<vmem>>
          %dma_wait3A_397 = tpu.memref_squeeze %dma_wait3A_396 : memref<1x4x128xi32, #tpu.memory_space<vmem>> -> memref<4x128xi32, #tpu.memory_space<vmem>>
          %dma_wait3A_398 = arith.constant 0 : i32
          %dma_wait3A_399 = tpu.memref_slice %dma_wait3A_397[%dma_wait3A_386, %dma_wait3A_398] : memref<4x128xi32, #tpu.memory_space<vmem>> -> memref<1x128xi32, #tpu.memory_space<vmem>>
          %dma_wait3A_400 = tpu.memref_squeeze %dma_wait3A_399 : memref<1x128xi32, #tpu.memory_space<vmem>> -> memref<128xi32, #tpu.memory_space<vmem>>
          %dma_wait3A_401 = arith.constant 0 : i32
          %dma_wait3A_402 = arith.constant 0 : i32
          %dma_wait3A_403 = tpu.memref_slice %arg2[%dma_wait3A_401, %dma_wait3A_402] : memref<800000x16xf32, #tpu.memory_space<hbm>> -> memref<800000x16xf32, #tpu.memory_space<hbm>>
          tpu.wait_indirect_dma semaphore(%run_scoped3A_295 : memref<!tpu.dma_semaphore, #tpu.memory_space<semaphore_mem>>) src(%dma_wait3A_403 : memref<800000x16xf32, #tpu.memory_space<hbm>>) dst(%dma_wait3A_393 : memref<128x16xf32, #tpu.memory_space<vmem>>)
          %dma_wait3A_404 = arith.constant 2 : i32
          %dma_wait3A_405 = arith.constant 0 : i32
          %dma_wait3A_406 = arith.constant 0 : i32
          %dma_wait3A_407 = tpu.memref_slice %run_scoped3A_8[%rem3A_211, %dma_wait3A_405, %dma_wait3A_406] : memref<2x512x16xf32, #tpu.memory_space<vmem>> -> memref<1x512x16xf32, #tpu.memory_space<vmem>>
          %dma_wait3A_408 = tpu.memref_squeeze %dma_wait3A_407 : memref<1x512x16xf32, #tpu.memory_space<vmem>> -> memref<512x16xf32, #tpu.memory_space<vmem>>
          %dma_wait3A_409 = arith.constant 256 : i32
          %dma_wait3A_410 = arith.constant 0 : i32
          %dma_wait3A_411 = tpu.memref_slice %dma_wait3A_408[%dma_wait3A_409, %dma_wait3A_410] : memref<512x16xf32, #tpu.memory_space<vmem>> -> memref<128x16xf32, #tpu.memory_space<vmem>>
          %dma_wait3A_412 = arith.constant 0 : i32
          %dma_wait3A_413 = arith.constant 0 : i32
          %dma_wait3A_414 = tpu.memref_slice %run_scoped3A[%rem3A_209, %dma_wait3A_412, %dma_wait3A_413] : memref<2x4x128xi32, #tpu.memory_space<vmem>> -> memref<1x4x128xi32, #tpu.memory_space<vmem>>
          %dma_wait3A_415 = tpu.memref_squeeze %dma_wait3A_414 : memref<1x4x128xi32, #tpu.memory_space<vmem>> -> memref<4x128xi32, #tpu.memory_space<vmem>>
          %dma_wait3A_416 = arith.constant 0 : i32
          %dma_wait3A_417 = tpu.memref_slice %dma_wait3A_415[%dma_wait3A_404, %dma_wait3A_416] : memref<4x128xi32, #tpu.memory_space<vmem>> -> memref<1x128xi32, #tpu.memory_space<vmem>>
          %dma_wait3A_418 = tpu.memref_squeeze %dma_wait3A_417 : memref<1x128xi32, #tpu.memory_space<vmem>> -> memref<128xi32, #tpu.memory_space<vmem>>
          %dma_wait3A_419 = arith.constant 0 : i32
          %dma_wait3A_420 = arith.constant 0 : i32
          %dma_wait3A_421 = tpu.memref_slice %arg2[%dma_wait3A_419, %dma_wait3A_420] : memref<800000x16xf32, #tpu.memory_space<hbm>> -> memref<800000x16xf32, #tpu.memory_space<hbm>>
          tpu.wait_indirect_dma semaphore(%run_scoped3A_295 : memref<!tpu.dma_semaphore, #tpu.memory_space<semaphore_mem>>) src(%dma_wait3A_421 : memref<800000x16xf32, #tpu.memory_space<hbm>>) dst(%dma_wait3A_411 : memref<128x16xf32, #tpu.memory_space<vmem>>)
          %dma_wait3A_422 = arith.constant 3 : i32
          %dma_wait3A_423 = arith.constant 0 : i32
          %dma_wait3A_424 = arith.constant 0 : i32
          %dma_wait3A_425 = tpu.memref_slice %run_scoped3A_8[%rem3A_211, %dma_wait3A_423, %dma_wait3A_424] : memref<2x512x16xf32, #tpu.memory_space<vmem>> -> memref<1x512x16xf32, #tpu.memory_space<vmem>>
          %dma_wait3A_426 = tpu.memref_squeeze %dma_wait3A_425 : memref<1x512x16xf32, #tpu.memory_space<vmem>> -> memref<512x16xf32, #tpu.memory_space<vmem>>
          %dma_wait3A_427 = arith.constant 384 : i32
          %dma_wait3A_428 = arith.constant 0 : i32
          %dma_wait3A_429 = tpu.memref_slice %dma_wait3A_426[%dma_wait3A_427, %dma_wait3A_428] : memref<512x16xf32, #tpu.memory_space<vmem>> -> memref<128x16xf32, #tpu.memory_space<vmem>>
          %dma_wait3A_430 = arith.constant 0 : i32
          %dma_wait3A_431 = arith.constant 0 : i32
          %dma_wait3A_432 = tpu.memref_slice %run_scoped3A[%rem3A_209, %dma_wait3A_430, %dma_wait3A_431] : memref<2x4x128xi32, #tpu.memory_space<vmem>> -> memref<1x4x128xi32, #tpu.memory_space<vmem>>
          %dma_wait3A_433 = tpu.memref_squeeze %dma_wait3A_432 : memref<1x4x128xi32, #tpu.memory_space<vmem>> -> memref<4x128xi32, #tpu.memory_space<vmem>>
          %dma_wait3A_434 = arith.constant 0 : i32
          %dma_wait3A_435 = tpu.memref_slice %dma_wait3A_433[%dma_wait3A_422, %dma_wait3A_434] : memref<4x128xi32, #tpu.memory_space<vmem>> -> memref<1x128xi32, #tpu.memory_space<vmem>>
          %dma_wait3A_436 = tpu.memref_squeeze %dma_wait3A_435 : memref<1x128xi32, #tpu.memory_space<vmem>> -> memref<128xi32, #tpu.memory_space<vmem>>
          %dma_wait3A_437 = arith.constant 0 : i32
          %dma_wait3A_438 = arith.constant 0 : i32
          %dma_wait3A_439 = tpu.memref_slice %arg2[%dma_wait3A_437, %dma_wait3A_438] : memref<800000x16xf32, #tpu.memory_space<hbm>> -> memref<800000x16xf32, #tpu.memory_space<hbm>>
          tpu.wait_indirect_dma semaphore(%run_scoped3A_295 : memref<!tpu.dma_semaphore, #tpu.memory_space<semaphore_mem>>) src(%dma_wait3A_439 : memref<800000x16xf32, #tpu.memory_space<hbm>>) dst(%dma_wait3A_429 : memref<128x16xf32, #tpu.memory_space<vmem>>)
          tpu.yield
        }) : () -> ()
        "tpu.trace_stop"() : () -> ()
        %add3A_212 = arith.constant 768 : i32
        %add3A_213 = arith.addi %add3A_212, %add3A_133 : i32
        %add3A_214 = arith.constant 768 : i32
        %add3A_215 = arith.addi %add3A_214, %add3A_151 : i32
        %ne3A_216 = arith.cmpi ne, %add3A_213, %add3A_215 : i32
        %or3A_217 = arith.constant false
        %or3A_218 = arith.ori %or3A_217, %ne3A_216 : i1
        %or3A_219 = arith.constant false
        %or3A_220 = arith.ori %or3A_218, %or3A_219 : i1
        %or3A_221 = arith.ori %or3A_220, %eq3A_132 : i1
        %convert_element_type3A_222 = arith.extui %or3A_221 : i1 to i32
        %cond3A_223 = arith.constant 0 : i32
        %cond3A_224 = arith.cmpi ne, %convert_element_type3A_222, %cond3A_223 : i32
        scf.if %cond3A_224 {
        } else {
        }
        %and3A_225 = arith.constant false
        %and3A_226 = arith.andi %or3A_221, %and3A_225 : i1
        %ne3A_227 = arith.cmpi ne, %add3A_133, %add3A_151 : i32
        %or3A_228 = arith.constant false
        %or3A_229 = arith.ori %or3A_228, %ne3A_227 : i1
        %or3A_230 = arith.constant false
        %or3A_231 = arith.ori %or3A_229, %or3A_230 : i1
        %or3A_232 = arith.ori %or3A_231, %eq3A_132 : i1
        %convert_element_type3A_233 = arith.extui %or3A_232 : i1 to i32
        %cond3A_234 = arith.constant 0 : i32
        %cond3A_235 = arith.cmpi ne, %convert_element_type3A_233, %cond3A_234 : i32
        scf.if %cond3A_235 {
          "tpu.trace_start"() <{level = 10 : i32, message = "ep_copy_out"}> : () -> ()
          %rem3A_295 = arith.constant 2 : i32
          %rem3A_296 = arith.remui %scan3A_126, %rem3A_295 : i32
          %mul3A_297 = arith.constant 512 : i32
          %mul3A_298 = arith.muli %mul3A_297, %add3A_133 : i32
          %dma_start3A_299 = arith.constant 0 : i32
          %dma_start3A_300 = arith.constant 0 : i32
          %dma_start3A_301 = tpu.memref_slice %run_scoped3A_8[%rem3A_296, %dma_start3A_299, %dma_start3A_300] : memref<2x512x16xf32, #tpu.memory_space<vmem>> -> memref<1x512x16xf32, #tpu.memory_space<vmem>>
          %dma_start3A_302 = tpu.memref_squeeze %dma_start3A_301 : memref<1x512x16xf32, #tpu.memory_space<vmem>> -> memref<512x16xf32, #tpu.memory_space<vmem>>
          %dma_start3A_303 = arith.constant 0 : i32
          %dma_start3A_304 = tpu.memref_slice %arg4[%mul3A_298, %dma_start3A_303] : memref<131072x16xf32, #tpu.memory_space<hbm>> -> memref<512x16xf32, #tpu.memory_space<hbm>>
          %dma_start3A_305 = tpu.memref_slice %run_scoped3A_9[%rem3A_296] : memref<2x!tpu.dma_semaphore, #tpu.memory_space<semaphore_mem>> -> memref<1x!tpu.dma_semaphore, #tpu.memory_space<semaphore_mem>>
          %dma_start3A_306 = tpu.memref_squeeze %dma_start3A_305 : memref<1x!tpu.dma_semaphore, #tpu.memory_space<semaphore_mem>> -> memref<!tpu.dma_semaphore, #tpu.memory_space<semaphore_mem>>
          %dma_start3A_307 = arith.constant 0 : i32
          %dma_start3A_308 = tpu.memref_slice %arg4[%mul3A_298, %dma_start3A_307] : memref<131072x16xf32, #tpu.memory_space<hbm>> -> memref<512x16xf32, #tpu.memory_space<hbm>>
          %dma_start3A_309 = arith.constant 0 : i32
          %dma_start3A_310 = arith.constant 0 : i32
          %dma_start3A_311 = tpu.memref_slice %run_scoped3A_8[%rem3A_296, %dma_start3A_309, %dma_start3A_310] : memref<2x512x16xf32, #tpu.memory_space<vmem>> -> memref<1x512x16xf32, #tpu.memory_space<vmem>>
          %dma_start3A_312 = tpu.memref_squeeze %dma_start3A_311 : memref<1x512x16xf32, #tpu.memory_space<vmem>> -> memref<512x16xf32, #tpu.memory_space<vmem>>
          tpu.enqueue_dma source(%dma_start3A_312 : memref<512x16xf32, #tpu.memory_space<vmem>>) target(%dma_start3A_308 : memref<512x16xf32, #tpu.memory_space<hbm>>) target_semaphore(%dma_start3A_306 : memref<!tpu.dma_semaphore, #tpu.memory_space<semaphore_mem>>)
          "tpu.trace_stop"() : () -> ()
        } else {
        }
        %and3A_236 = arith.constant true
        %and3A_237 = arith.andi %or3A_232, %and3A_236 : i1
        %add3A_238 = arith.constant 1 : i32
        %add3A_239 = arith.addi %scan3A_126, %add3A_238 : i32
        %select_n3A_240 = arith.select %and3A_237, %add3A_239, %scan3A_126 : i32
        %add3A_241 = arith.constant 768 : i32
        %add3A_242 = arith.addi %add3A_241, %add3A_133 : i32
        %add3A_243 = arith.constant 768 : i32
        %add3A_244 = arith.addi %add3A_243, %add3A_142 : i32
        %ne3A_245 = arith.cmpi ne, %add3A_242, %add3A_244 : i32
        %or3A_246 = arith.constant false
        %or3A_247 = arith.ori %or3A_246, %ne3A_245 : i1
        %or3A_248 = arith.constant false
        %or3A_249 = arith.ori %or3A_247, %or3A_248 : i1
        %not3A_250 = arith.constant true
        %not3A_251 = arith.xori %eq3A_130, %not3A_250 : i1
        %and3A_252 = arith.andi %or3A_249, %not3A_251 : i1
        %convert_element_type3A_253 = arith.extui %and3A_252 : i1 to i32
        %cond3A_254 = arith.constant 0 : i32
        %cond3A_255 = arith.cmpi ne, %convert_element_type3A_253, %cond3A_254 : i32
        scf.if %cond3A_255 {
        } else {
        }
        %and3A_256 = arith.constant false
        %and3A_257 = arith.andi %and3A_252, %and3A_256 : i1
        %ne3A_258 = arith.cmpi ne, %add3A_133, %add3A_142 : i32
        %or3A_259 = arith.constant false
        %or3A_260 = arith.ori %or3A_259, %ne3A_258 : i1
        %or3A_261 = arith.constant false
        %or3A_262 = arith.ori %or3A_260, %or3A_261 : i1
        %not3A_263 = arith.constant true
        %not3A_264 = arith.xori %eq3A_130, %not3A_263 : i1
        %and3A_265 = arith.andi %or3A_262, %not3A_264 : i1
        %convert_element_type3A_266 = arith.extui %and3A_265 : i1 to i32
        %cond3A_267 = arith.constant 0 : i32
        %cond3A_268 = arith.cmpi ne, %convert_element_type3A_266, %cond3A_267 : i32
        scf.if %cond3A_268 {
          "tpu.trace_start"() <{level = 10 : i32, message = "ep_wait_out"}> : () -> ()
          %rem3A_295 = arith.constant 2 : i32
          %rem3A_296 = arith.remui %scan3A_127, %rem3A_295 : i32
          %mul3A_297 = arith.constant 512 : i32
          %mul3A_298 = arith.muli %mul3A_297, %add3A_142 : i32
          %dma_wait3A_299 = arith.constant 0 : i32
          %dma_wait3A_300 = arith.constant 0 : i32
          %dma_wait3A_301 = tpu.memref_slice %run_scoped3A_8[%rem3A_296, %dma_wait3A_299, %dma_wait3A_300] : memref<2x512x16xf32, #tpu.memory_space<vmem>> -> memref<1x512x16xf32, #tpu.memory_space<vmem>>
          %dma_wait3A_302 = tpu.memref_squeeze %dma_wait3A_301 : memref<1x512x16xf32, #tpu.memory_space<vmem>> -> memref<512x16xf32, #tpu.memory_space<vmem>>
          %dma_wait3A_303 = arith.constant 0 : i32
          %dma_wait3A_304 = tpu.memref_slice %arg4[%mul3A_298, %dma_wait3A_303] : memref<131072x16xf32, #tpu.memory_space<hbm>> -> memref<512x16xf32, #tpu.memory_space<hbm>>
          %dma_wait3A_305 = tpu.memref_slice %run_scoped3A_9[%rem3A_296] : memref<2x!tpu.dma_semaphore, #tpu.memory_space<semaphore_mem>> -> memref<1x!tpu.dma_semaphore, #tpu.memory_space<semaphore_mem>>
          %dma_wait3A_306 = tpu.memref_squeeze %dma_wait3A_305 : memref<1x!tpu.dma_semaphore, #tpu.memory_space<semaphore_mem>> -> memref<!tpu.dma_semaphore, #tpu.memory_space<semaphore_mem>>
          %dma_wait3A_307 = arith.constant 0 : i32
          %dma_wait3A_308 = tpu.memref_slice %arg4[%mul3A_298, %dma_wait3A_307] : memref<131072x16xf32, #tpu.memory_space<hbm>> -> memref<512x16xf32, #tpu.memory_space<hbm>>
          %dma_wait3A_309 = arith.constant 0 : i32
          %dma_wait3A_310 = arith.constant 0 : i32
          %dma_wait3A_311 = tpu.memref_slice %run_scoped3A_8[%rem3A_296, %dma_wait3A_309, %dma_wait3A_310] : memref<2x512x16xf32, #tpu.memory_space<vmem>> -> memref<1x512x16xf32, #tpu.memory_space<vmem>>
          %dma_wait3A_312 = tpu.memref_squeeze %dma_wait3A_311 : memref<1x512x16xf32, #tpu.memory_space<vmem>> -> memref<512x16xf32, #tpu.memory_space<vmem>>
          tpu.wait_dma2 semaphore(%dma_wait3A_306 : memref<!tpu.dma_semaphore, #tpu.memory_space<semaphore_mem>>) src(%dma_wait3A_312 : memref<512x16xf32, #tpu.memory_space<vmem>>) dst(%dma_wait3A_308 : memref<512x16xf32, #tpu.memory_space<hbm>>)
          "tpu.trace_stop"() : () -> ()
        } else {
        }
        %and3A_269 = arith.constant true
        %and3A_270 = arith.andi %and3A_265, %and3A_269 : i1
        %add3A_271 = arith.constant 1 : i32
        %add3A_272 = arith.addi %scan3A_127, %add3A_271 : i32
        %select_n3A_273 = arith.select %and3A_270, %add3A_272, %scan3A_127 : i32
        %add3A_274 = arith.constant 768 : i32
        %add3A_275 = arith.addi %add3A_274, %add3A_133 : i32
        %add3A_276 = arith.constant 768 : i32
        %add3A_277 = arith.addi %add3A_276, %add3A_151 : i32
        %ne3A_278 = arith.cmpi ne, %add3A_275, %add3A_277 : i32
        %or3A_279 = arith.constant false
        %or3A_280 = arith.ori %or3A_279, %ne3A_278 : i1
        %or3A_281 = arith.constant false
        %or3A_282 = arith.ori %or3A_280, %or3A_281 : i1
        %or3A_283 = arith.ori %or3A_282, %eq3A_132 : i1
        %add3A_284 = arith.constant 1 : i32
        %add3A_285 = arith.addi %scan3A_125, %add3A_284 : i32
        %select_n3A_286 = arith.select %or3A_283, %add3A_285, %scan3A_125 : i32
        %add3A_287 = arith.constant 1 : i32
        %add3A_288 = arith.addi %scan3A_128, %add3A_287 : i32
        %select_n3A_289 = arith.constant true
        %select_n3A_290 = arith.select %select_n3A_289, %add3A_288, %scan3A_128 : i32
        %eq3A_291 = arith.constant 8 : i32
        %eq3A_292 = arith.cmpi eq, %select_n3A_290, %eq3A_291 : i32
        %select_n3A_293 = arith.constant 0 : i32
        %select_n3A_294 = arith.select %eq3A_292, %select_n3A_293, %select_n3A_290 : i32
        scf.yield %select_n3A_175, %select_n3A_286, %select_n3A_240, %select_n3A_273, %select_n3A_294 : i32, i32, i32, i32, i32
      }
      %scan3A_70 = arith.constant 8 : i32
      %sub3A = arith.constant 1 : i32
      %sub3A_71 = arith.subi %scan3A_69#4, %sub3A : i32
      %select_n3A_72 = arith.constant true
      %select_n3A_73 = arith.select %select_n3A_72, %sub3A_71, %scan3A_69#4 : i32
      %eq3A_74 = arith.constant -1 : i32
      %eq3A_75 = arith.cmpi eq, %select_n3A_73, %eq3A_74 : i32
      %select_n3A_76 = arith.constant 7 : i32
      %select_n3A_77 = arith.select %eq3A_75, %select_n3A_76, %select_n3A_73 : i32
      %add3A_78 = arith.addi %select_n3A_77, %mul3A_6 : i32
      %sub3A_79 = arith.constant 1 : i32
      %sub3A_80 = arith.subi %select_n3A_77, %sub3A_79 : i32
      %select_n3A_81 = arith.constant true
      %select_n3A_82 = arith.select %select_n3A_81, %sub3A_80, %select_n3A_77 : i32
      %eq3A_83 = arith.constant -1 : i32
      %eq3A_84 = arith.cmpi eq, %select_n3A_82, %eq3A_83 : i32
      %select_n3A_85 = arith.constant 7 : i32
      %select_n3A_86 = arith.select %eq3A_84, %select_n3A_85, %select_n3A_82 : i32
      %add3A_87 = arith.addi %select_n3A_86, %mul3A_6 : i32
      %add3A_88 = arith.constant 1 : i32
      %add3A_89 = arith.addi %select_n3A_77, %add3A_88 : i32
      %select_n3A_90 = arith.constant true
      %select_n3A_91 = arith.select %select_n3A_90, %add3A_89, %select_n3A_77 : i32
      %eq3A_92 = arith.constant 8 : i32
      %eq3A_93 = arith.cmpi eq, %select_n3A_91, %eq3A_92 : i32
      %select_n3A_94 = arith.constant 0 : i32
      %select_n3A_95 = arith.select %eq3A_93, %select_n3A_94, %select_n3A_91 : i32
      %add3A_96 = arith.addi %select_n3A_95, %mul3A_6 : i32
      %add3A_97 = arith.constant 1 : i32
      %add3A_98 = arith.addi %select_n3A_95, %add3A_97 : i32
      %select_n3A_99 = arith.constant true
      %select_n3A_100 = arith.select %select_n3A_99, %add3A_98, %select_n3A_95 : i32
      %eq3A_101 = arith.constant 8 : i32
      %eq3A_102 = arith.cmpi eq, %select_n3A_100, %eq3A_101 : i32
      %select_n3A_103 = arith.constant 0 : i32
      %select_n3A_104 = arith.select %eq3A_102, %select_n3A_103, %select_n3A_100 : i32
      %add3A_105 = arith.addi %select_n3A_104, %mul3A_6 : i32
      "tpu.trace_start"() <{level = 10 : i32, message = "ep_finalize"}> : () -> ()
      %rem3A_106 = arith.constant 2 : i32
      %rem3A_107 = arith.remui %scan3A_69#3, %rem3A_106 : i32
      %mul3A_108 = arith.constant 512 : i32
      %mul3A_109 = arith.muli %mul3A_108, %add3A_78 : i32
      %dma_wait3A = arith.constant 0 : i32
      %dma_wait3A_110 = arith.constant 0 : i32
      %dma_wait3A_111 = tpu.memref_slice %run_scoped3A_8[%rem3A_107, %dma_wait3A, %dma_wait3A_110] : memref<2x512x16xf32, #tpu.memory_space<vmem>> -> memref<1x512x16xf32, #tpu.memory_space<vmem>>
      %dma_wait3A_112 = tpu.memref_squeeze %dma_wait3A_111 : memref<1x512x16xf32, #tpu.memory_space<vmem>> -> memref<512x16xf32, #tpu.memory_space<vmem>>
      %dma_wait3A_113 = arith.constant 0 : i32
      %dma_wait3A_114 = tpu.memref_slice %arg4[%mul3A_109, %dma_wait3A_113] : memref<131072x16xf32, #tpu.memory_space<hbm>> -> memref<512x16xf32, #tpu.memory_space<hbm>>
      %dma_wait3A_115 = tpu.memref_slice %run_scoped3A_9[%rem3A_107] : memref<2x!tpu.dma_semaphore, #tpu.memory_space<semaphore_mem>> -> memref<1x!tpu.dma_semaphore, #tpu.memory_space<semaphore_mem>>
      %dma_wait3A_116 = tpu.memref_squeeze %dma_wait3A_115 : memref<1x!tpu.dma_semaphore, #tpu.memory_space<semaphore_mem>> -> memref<!tpu.dma_semaphore, #tpu.memory_space<semaphore_mem>>
      %dma_wait3A_117 = arith.constant 0 : i32
      %dma_wait3A_118 = tpu.memref_slice %arg4[%mul3A_109, %dma_wait3A_117] : memref<131072x16xf32, #tpu.memory_space<hbm>> -> memref<512x16xf32, #tpu.memory_space<hbm>>
      %dma_wait3A_119 = arith.constant 0 : i32
      %dma_wait3A_120 = arith.constant 0 : i32
      %dma_wait3A_121 = tpu.memref_slice %run_scoped3A_8[%rem3A_107, %dma_wait3A_119, %dma_wait3A_120] : memref<2x512x16xf32, #tpu.memory_space<vmem>> -> memref<1x512x16xf32, #tpu.memory_space<vmem>>
      %dma_wait3A_122 = tpu.memref_squeeze %dma_wait3A_121 : memref<1x512x16xf32, #tpu.memory_space<vmem>> -> memref<512x16xf32, #tpu.memory_space<vmem>>
      tpu.wait_dma2 semaphore(%dma_wait3A_116 : memref<!tpu.dma_semaphore, #tpu.memory_space<semaphore_mem>>) src(%dma_wait3A_122 : memref<512x16xf32, #tpu.memory_space<vmem>>) dst(%dma_wait3A_118 : memref<512x16xf32, #tpu.memory_space<hbm>>)
      "tpu.trace_stop"() : () -> ()
      tpu.yield
    }) : () -> ()
    return
  }
}

#map = affine_map<(d0, d1) -> (0, 0)>
module attributes {stable_mosaic.version = 14 : i64} {
  func.func @gather_kernel(%arg0: i32, %arg1: i32, %arg2: memref<800000x16xf32, #tpu.memory_space<hbm>>, %arg3: memref<4096x128xi32, #tpu.memory_space<hbm>>, %arg4: memref<131072x16xf32, #tpu.memory_space<hbm>>) attributes {dimension_semantics = [#tpu.dimension_semantics<core_parallel>, #tpu.dimension_semantics<subcore_parallel>], iteration_bounds = array<i64: 2, 16>, scalar_prefetch = 0 : i64, scratch_operands = 0 : i64, tpu.core_type = #tpu.core_type<sc_vector_subcore>, window_params = [{transform_indices = #map}, {transform_indices = #map}, {transform_indices = #map}]} {
    %mul3A = arith.constant 1 : i32
    %mul3A_0 = arith.muli %arg1, %mul3A : i32
    %add3A = arith.constant 0 : i32
    %add3A_1 = arith.addi %add3A, %mul3A_0 : i32
    %mul3A_2 = arith.constant 16 : i32
    %mul3A_3 = arith.muli %arg0, %mul3A_2 : i32
    %add3A_4 = arith.addi %add3A_1, %mul3A_3 : i32
    %mul3A_5 = arith.constant 8 : i32
    %mul3A_6 = arith.muli %add3A_4, %mul3A_5 : i32
    "tpu.region"() ({
      %run_scoped3A = memref.alloca() : memref<2x4x128xi32, #tpu.memory_space<vmem>>
      %run_scoped3A_7 = tpu.sem_alloc : memref<2x!tpu.dma_semaphore, #tpu.memory_space<semaphore_mem>>
      %run_scoped3A_8 = memref.alloca() : memref<2x512x16xf32, #tpu.memory_space<vmem>>
      %run_scoped3A_9 = tpu.sem_alloc : memref<2x!tpu.dma_semaphore, #tpu.memory_space<semaphore_mem>>
      %add3A_10 = arith.constant 0 : i32
      %add3A_11 = arith.addi %add3A_10, %mul3A_6 : i32
      %select_n3A = arith.constant true
      %select_n3A_12 = arith.constant 0 : i32
      %select_n3A_13 = arith.constant -1 : i32
      %select_n3A_14 = arith.select %select_n3A, %select_n3A_13, %select_n3A_12 : i32
      %eq3A = arith.constant -1 : i32
      %eq3A_15 = arith.cmpi eq, %select_n3A_14, %eq3A : i32
      %select_n3A_16 = arith.constant 7 : i32
      %select_n3A_17 = arith.select %eq3A_15, %select_n3A_16, %select_n3A_14 : i32
      %add3A_18 = arith.addi %select_n3A_17, %mul3A_6 : i32
      %select_n3A_19 = arith.constant true
      %select_n3A_20 = arith.constant 0 : i32
      %select_n3A_21 = arith.constant 1 : i32
      %select_n3A_22 = arith.select %select_n3A_19, %select_n3A_21, %select_n3A_20 : i32
      %eq3A_23 = arith.constant 8 : i32
      %eq3A_24 = arith.cmpi eq, %select_n3A_22, %eq3A_23 : i32
      %select_n3A_25 = arith.constant 0 : i32
      %select_n3A_26 = arith.select %eq3A_24, %select_n3A_25, %select_n3A_22 : i32
      %add3A_27 = arith.addi %select_n3A_26, %mul3A_6 : i32
      %add3A_28 = arith.constant 1 : i32
      %add3A_29 = arith.addi %select_n3A_26, %add3A_28 : i32
      %select_n3A_30 = arith.constant true
      %select_n3A_31 = arith.select %select_n3A_30, %add3A_29, %select_n3A_26 : i32
      %eq3A_32 = arith.constant 8 : i32
      %eq3A_33 = arith.cmpi eq, %select_n3A_31, %eq3A_32 : i32
      %select_n3A_34 = arith.constant 0 : i32
      %select_n3A_35 = arith.select %eq3A_33, %select_n3A_34, %select_n3A_31 : i32
      %add3A_36 = arith.addi %select_n3A_35, %mul3A_6 : i32
      "tpu.trace_start"() <{level = 10 : i32, message = "ep_initialize_0"}> : () -> ()
      %rem3A = arith.constant 0 : i32
      %rem3A_37 = arith.constant 2 : i32
      %rem3A_38 = arith.remui %rem3A, %rem3A_37 : i32
      %add3A_39 = arith.constant 512 : i32
      %add3A_40 = arith.addi %add3A_39, %add3A_11 : i32
      %mul3A_41 = arith.constant 4 : i32
      %mul3A_42 = arith.muli %mul3A_41, %add3A_40 : i32
      %dma_start3A = arith.constant 0 : i32
      %dma_start3A_43 = arith.constant 0 : i32
      %dma_start3A_44 = tpu.memref_slice %run_scoped3A[%rem3A_38, %dma_start3A, %dma_start3A_43] : memref<2x4x128xi32, #tpu.memory_space<vmem>> -> memref<1x4x128xi32, #tpu.memory_space<vmem>>
      %dma_start3A_45 = tpu.memref_squeeze %dma_start3A_44 : memref<1x4x128xi32, #tpu.memory_space<vmem>> -> memref<4x128xi32, #tpu.memory_space<vmem>>
      %dma_start3A_46 = arith.constant 0 : i32
      %dma_start3A_47 = tpu.memref_slice %arg3[%mul3A_42, %dma_start3A_46] : memref<4096x128xi32, #tpu.memory_space<hbm>> -> memref<4x128xi32, #tpu.memory_space<hbm>>
      %dma_start3A_48 = tpu.memref_slice %run_scoped3A_7[%rem3A_38] : memref<2x!tpu.dma_semaphore, #tpu.memory_space<semaphore_mem>> -> memref<1x!tpu.dma_semaphore, #tpu.memory_space<semaphore_mem>>
      %dma_start3A_49 = tpu.memref_squeeze %dma_start3A_48 : memref<1x!tpu.dma_semaphore, #tpu.memory_space<semaphore_mem>> -> memref<!tpu.dma_semaphore, #tpu.memory_space<semaphore_mem>>
      %dma_start3A_50 = arith.constant 0 : i32
      %dma_start3A_51 = arith.constant 0 : i32
      %dma_start3A_52 = tpu.memref_slice %run_scoped3A[%rem3A_38, %dma_start3A_50, %dma_start3A_51] : memref<2x4x128xi32, #tpu.memory_space<vmem>> -> memref<1x4x128xi32, #tpu.memory_space<vmem>>
      %dma_start3A_53 = tpu.memref_squeeze %dma_start3A_52 : memref<1x4x128xi32, #tpu.memory_space<vmem>> -> memref<4x128xi32, #tpu.memory_space<vmem>>
      %dma_start3A_54 = arith.constant 0 : i32
      %dma_start3A_55 = tpu.memref_slice %arg3[%mul3A_42, %dma_start3A_54] : memref<4096x128xi32, #tpu.memory_space<hbm>> -> memref<4x128xi32, #tpu.memory_space<hbm>>
      tpu.enqueue_dma source(%dma_start3A_55 : memref<4x128xi32, #tpu.memory_space<hbm>>) target(%dma_start3A_53 : memref<4x128xi32, #tpu.memory_space<vmem>>) target_semaphore(%dma_start3A_49 : memref<!tpu.dma_semaphore, #tpu.memory_space<semaphore_mem>>)
      %add3A_56 = arith.constant 0 : i32
      %add3A_57 = arith.constant 1 : i32
      %add3A_58 = arith.addi %add3A_56, %add3A_57 : i32
      %select_n3A_59 = arith.constant true
      %select_n3A_60 = arith.constant 0 : i32
      %select_n3A_61 = arith.select %select_n3A_59, %add3A_58, %select_n3A_60 : i32
      "tpu.trace_stop"() : () -> ()
      %scan3A = arith.constant 0 : i32
      %scan3A_62 = arith.constant 0 : i32
      %scan3A_63 = arith.constant 0 : i32
      %scan3A_64 = arith.constant 0 : i32
      %scan3A_65 = arith.constant 0 : i32
      %scan3A_66 = arith.constant 8 : i32
      %scan3A_67 = arith.addi %scan3A_65, %scan3A_66 : i32
      %scan3A_68 = arith.constant 1 : i32
      %scan3A_69:5 = scf.for %scan3A_123 = %scan3A_65 to %scan3A_67 step %scan3A_68 iter_args(%scan3A_124 = %select_n3A_61, %scan3A_125 = %scan3A, %scan3A_126 = %scan3A_62, %scan3A_127 = %scan3A_63, %scan3A_128 = %scan3A_64) -> (i32, i32, i32, i32, i32)  : i32 {
        %eq3A_129 = arith.constant 0 : i32
        %eq3A_130 = arith.cmpi eq, %scan3A_123, %eq3A_129 : i32
        %eq3A_131 = arith.constant 7 : i32
        %eq3A_132 = arith.cmpi eq, %scan3A_123, %eq3A_131 : i32
        %add3A_133 = arith.addi %scan3A_128, %mul3A_6 : i32
        %sub3A_134 = arith.constant 1 : i32
        %sub3A_135 = arith.subi %scan3A_128, %sub3A_134 : i32
        %select_n3A_136 = arith.constant true
        %select_n3A_137 = arith.select %select_n3A_136, %sub3A_135, %scan3A_128 : i32
        %eq3A_138 = arith.constant -1 : i32
        %eq3A_139 = arith.cmpi eq, %select_n3A_137, %eq3A_138 : i32
        %select_n3A_140 = arith.constant 7 : i32
        %select_n3A_141 = arith.select %eq3A_139, %select_n3A_140, %select_n3A_137 : i32
        %add3A_142 = arith.addi %select_n3A_141, %mul3A_6 : i32
        %add3A_143 = arith.constant 1 : i32
        %add3A_144 = arith.addi %scan3A_128, %add3A_143 : i32
        %select_n3A_145 = arith.constant true
        %select_n3A_146 = arith.select %select_n3A_145, %add3A_144, %scan3A_128 : i32
        %eq3A_147 = arith.constant 8 : i32
        %eq3A_148 = arith.cmpi eq, %select_n3A_146, %eq3A_147 : i32
        %select_n3A_149 = arith.constant 0 : i32
        %select_n3A_150 = arith.select %eq3A_148, %select_n3A_149, %select_n3A_146 : i32
        %add3A_151 = arith.addi %select_n3A_150, %mul3A_6 : i32
        %add3A_152 = arith.constant 1 : i32
        %add3A_153 = arith.addi %select_n3A_150, %add3A_152 : i32
        %select_n3A_154 = arith.constant true
        %select_n3A_155 = arith.select %select_n3A_154, %add3A_153, %select_n3A_150 : i32
        %eq3A_156 = arith.constant 8 : i32
        %eq3A_157 = arith.cmpi eq, %select_n3A_155, %eq3A_156 : i32
        %select_n3A_158 = arith.constant 0 : i32
        %select_n3A_159 = arith.select %eq3A_157, %select_n3A_158, %select_n3A_155 : i32
        %add3A_160 = arith.addi %select_n3A_159, %mul3A_6 : i32
        %add3A_161 = arith.constant 512 : i32
        %add3A_162 = arith.addi %add3A_161, %add3A_133 : i32
        %add3A_163 = arith.constant 512 : i32
        %add3A_164 = arith.addi %add3A_163, %add3A_151 : i32
        %ne3A = arith.cmpi ne, %add3A_162, %add3A_164 : i32
        %or3A = arith.constant false
        %or3A_165 = arith.ori %or3A, %ne3A : i1
        %or3A_166 = arith.constant false
        %or3A_167 = arith.ori %or3A_165, %or3A_166 : i1
        %ge3A = arith.constant 7 : i32
        %ge3A_168 = arith.cmpi sge, %scan3A_123, %ge3A : i32
        %not3A = arith.constant true
        %not3A_169 = arith.xori %ge3A_168, %not3A : i1
        %and3A = arith.andi %or3A_167, %not3A_169 : i1
        %convert_element_type3A = arith.extui %and3A : i1 to i32
        %cond3A = arith.constant 0 : i32
        %cond3A_170 = arith.cmpi ne, %convert_element_type3A, %cond3A : i32
        scf.if %cond3A_170 {
          "tpu.trace_start"() <{level = 10 : i32, message = "ep_copy_in"}> : () -> ()
          %rem3A_295 = arith.constant 2 : i32
          %rem3A_296 = arith.remui %scan3A_124, %rem3A_295 : i32
          %add3A_297 = arith.constant 512 : i32
          %add3A_298 = arith.addi %add3A_297, %add3A_151 : i32
          %mul3A_299 = arith.constant 4 : i32
          %mul3A_300 = arith.muli %mul3A_299, %add3A_298 : i32
          %dma_start3A_301 = arith.constant 0 : i32
          %dma_start3A_302 = arith.constant 0 : i32
          %dma_start3A_303 = tpu.memref_slice %run_scoped3A[%rem3A_296, %dma_start3A_301, %dma_start3A_302] : memref<2x4x128xi32, #tpu.memory_space<vmem>> -> memref<1x4x128xi32, #tpu.memory_space<vmem>>
          %dma_start3A_304 = tpu.memref_squeeze %dma_start3A_303 : memref<1x4x128xi32, #tpu.memory_space<vmem>> -> memref<4x128xi32, #tpu.memory_space<vmem>>
          %dma_start3A_305 = arith.constant 0 : i32
          %dma_start3A_306 = tpu.memref_slice %arg3[%mul3A_300, %dma_start3A_305] : memref<4096x128xi32, #tpu.memory_space<hbm>> -> memref<4x128xi32, #tpu.memory_space<hbm>>
          %dma_start3A_307 = tpu.memref_slice %run_scoped3A_7[%rem3A_296] : memref<2x!tpu.dma_semaphore, #tpu.memory_space<semaphore_mem>> -> memref<1x!tpu.dma_semaphore, #tpu.memory_space<semaphore_mem>>
          %dma_start3A_308 = tpu.memref_squeeze %dma_start3A_307 : memref<1x!tpu.dma_semaphore, #tpu.memory_space<semaphore_mem>> -> memref<!tpu.dma_semaphore, #tpu.memory_space<semaphore_mem>>
          %dma_start3A_309 = arith.constant 0 : i32
          %dma_start3A_310 = arith.constant 0 : i32
          %dma_start3A_311 = tpu.memref_slice %run_scoped3A[%rem3A_296, %dma_start3A_309, %dma_start3A_310] : memref<2x4x128xi32, #tpu.memory_space<vmem>> -> memref<1x4x128xi32, #tpu.memory_space<vmem>>
          %dma_start3A_312 = tpu.memref_squeeze %dma_start3A_311 : memref<1x4x128xi32, #tpu.memory_space<vmem>> -> memref<4x128xi32, #tpu.memory_space<vmem>>
          %dma_start3A_313 = arith.constant 0 : i32
          %dma_start3A_314 = tpu.memref_slice %arg3[%mul3A_300, %dma_start3A_313] : memref<4096x128xi32, #tpu.memory_space<hbm>> -> memref<4x128xi32, #tpu.memory_space<hbm>>
          tpu.enqueue_dma source(%dma_start3A_314 : memref<4x128xi32, #tpu.memory_space<hbm>>) target(%dma_start3A_312 : memref<4x128xi32, #tpu.memory_space<vmem>>) target_semaphore(%dma_start3A_308 : memref<!tpu.dma_semaphore, #tpu.memory_space<semaphore_mem>>)
          "tpu.trace_stop"() : () -> ()
        } else {
        }
        %and3A_171 = arith.constant true
        %and3A_172 = arith.andi %and3A, %and3A_171 : i1
        %add3A_173 = arith.constant 1 : i32
        %add3A_174 = arith.addi %scan3A_124, %add3A_173 : i32
        %select_n3A_175 = arith.select %and3A_172, %add3A_174, %scan3A_124 : i32
        %ne3A_176 = arith.cmpi ne, %add3A_133, %add3A_151 : i32
        %or3A_177 = arith.constant false
        %or3A_178 = arith.ori %or3A_177, %ne3A_176 : i1
        %or3A_179 = arith.constant false
        %or3A_180 = arith.ori %or3A_178, %or3A_179 : i1
        %ge3A_181 = arith.constant 7 : i32
        %ge3A_182 = arith.cmpi sge, %scan3A_123, %ge3A_181 : i32
        %not3A_183 = arith.constant true
        %not3A_184 = arith.xori %ge3A_182, %not3A_183 : i1
        %and3A_185 = arith.andi %or3A_180, %not3A_184 : i1
        %add3A_186 = arith.constant 512 : i32
        %add3A_187 = arith.addi %add3A_186, %add3A_133 : i32
        %add3A_188 = arith.constant 512 : i32
        %add3A_189 = arith.addi %add3A_188, %add3A_142 : i32
        %ne3A_190 = arith.cmpi ne, %add3A_187, %add3A_189 : i32
        %or3A_191 = arith.constant false
        %or3A_192 = arith.ori %or3A_191, %ne3A_190 : i1
        %or3A_193 = arith.constant false
        %or3A_194 = arith.ori %or3A_192, %or3A_193 : i1
        %or3A_195 = arith.ori %or3A_194, %eq3A_130 : i1
        %convert_element_type3A_196 = arith.extui %or3A_195 : i1 to i32
        %cond3A_197 = arith.constant 0 : i32
        %cond3A_198 = arith.cmpi ne, %convert_element_type3A_196, %cond3A_197 : i32
        scf.if %cond3A_198 {
          "tpu.trace_start"() <{level = 10 : i32, message = "ep_wait_in"}> : () -> ()
          %add3A_295 = arith.constant 512 : i32
          %add3A_296 = arith.addi %add3A_295, %add3A_133 : i32
          %mul3A_297 = arith.constant 4 : i32
          %mul3A_298 = arith.muli %mul3A_297, %add3A_296 : i32
          %rem3A_299 = arith.constant 2 : i32
          %rem3A_300 = arith.remui %scan3A_125, %rem3A_299 : i32
          %dma_wait3A_301 = arith.constant 0 : i32
          %dma_wait3A_302 = arith.constant 0 : i32
          %dma_wait3A_303 = tpu.memref_slice %run_scoped3A[%rem3A_300, %dma_wait3A_301, %dma_wait3A_302] : memref<2x4x128xi32, #tpu.memory_space<vmem>> -> memref<1x4x128xi32, #tpu.memory_space<vmem>>
          %dma_wait3A_304 = tpu.memref_squeeze %dma_wait3A_303 : memref<1x4x128xi32, #tpu.memory_space<vmem>> -> memref<4x128xi32, #tpu.memory_space<vmem>>
          %dma_wait3A_305 = arith.constant 0 : i32
          %dma_wait3A_306 = tpu.memref_slice %arg3[%mul3A_298, %dma_wait3A_305] : memref<4096x128xi32, #tpu.memory_space<hbm>> -> memref<4x128xi32, #tpu.memory_space<hbm>>
          %dma_wait3A_307 = tpu.memref_slice %run_scoped3A_7[%rem3A_300] : memref<2x!tpu.dma_semaphore, #tpu.memory_space<semaphore_mem>> -> memref<1x!tpu.dma_semaphore, #tpu.memory_space<semaphore_mem>>
          %dma_wait3A_308 = tpu.memref_squeeze %dma_wait3A_307 : memref<1x!tpu.dma_semaphore, #tpu.memory_space<semaphore_mem>> -> memref<!tpu.dma_semaphore, #tpu.memory_space<semaphore_mem>>
          %dma_wait3A_309 = arith.constant 0 : i32
          %dma_wait3A_310 = arith.constant 0 : i32
          %dma_wait3A_311 = tpu.memref_slice %run_scoped3A[%rem3A_300, %dma_wait3A_309, %dma_wait3A_310] : memref<2x4x128xi32, #tpu.memory_space<vmem>> -> memref<1x4x128xi32, #tpu.memory_space<vmem>>
          %dma_wait3A_312 = tpu.memref_squeeze %dma_wait3A_311 : memref<1x4x128xi32, #tpu.memory_space<vmem>> -> memref<4x128xi32, #tpu.memory_space<vmem>>
          %dma_wait3A_313 = arith.constant 0 : i32
          %dma_wait3A_314 = tpu.memref_slice %arg3[%mul3A_298, %dma_wait3A_313] : memref<4096x128xi32, #tpu.memory_space<hbm>> -> memref<4x128xi32, #tpu.memory_space<hbm>>
          tpu.wait_dma2 semaphore(%dma_wait3A_308 : memref<!tpu.dma_semaphore, #tpu.memory_space<semaphore_mem>>) src(%dma_wait3A_314 : memref<4x128xi32, #tpu.memory_space<hbm>>) dst(%dma_wait3A_312 : memref<4x128xi32, #tpu.memory_space<vmem>>)
          "tpu.trace_stop"() : () -> ()
        } else {
        }
        %ne3A_199 = arith.cmpi ne, %add3A_133, %add3A_142 : i32
        %or3A_200 = arith.constant false
        %or3A_201 = arith.ori %or3A_200, %ne3A_199 : i1
        %or3A_202 = arith.constant false
        %or3A_203 = arith.ori %or3A_201, %or3A_202 : i1
        %or3A_204 = arith.ori %or3A_203, %eq3A_130 : i1
        %convert_element_type3A_205 = arith.extui %or3A_204 : i1 to i32
        %cond3A_206 = arith.constant 0 : i32
        %cond3A_207 = arith.cmpi ne, %convert_element_type3A_205, %cond3A_206 : i32
        scf.if %cond3A_207 {
        } else {
        }
        %rem3A_208 = arith.constant 2 : i32
        %rem3A_209 = arith.remui %scan3A_125, %rem3A_208 : i32
        %rem3A_210 = arith.constant 2 : i32
        %rem3A_211 = arith.remui %scan3A_126, %rem3A_210 : i32
        "tpu.trace_start"() <{level = 10 : i32, message = "ep_run_kernel"}> : () -> ()
        "tpu.region"() ({
          %run_scoped3A_295 = tpu.sem_alloc : memref<!tpu.dma_semaphore, #tpu.memory_space<semaphore_mem>>
          %dma_start3A_296 = arith.constant 0 : i32
          %dma_start3A_297 = arith.constant 0 : i32
          %dma_start3A_298 = arith.constant 0 : i32
          %dma_start3A_299 = tpu.memref_slice %run_scoped3A_8[%rem3A_211, %dma_start3A_297, %dma_start3A_298] : memref<2x512x16xf32, #tpu.memory_space<vmem>> -> memref<1x512x16xf32, #tpu.memory_space<vmem>>
          %dma_start3A_300 = tpu.memref_squeeze %dma_start3A_299 : memref<1x512x16xf32, #tpu.memory_space<vmem>> -> memref<512x16xf32, #tpu.memory_space<vmem>>
          %dma_start3A_301 = arith.constant 0 : i32
          %dma_start3A_302 = arith.constant 0 : i32
          %dma_start3A_303 = tpu.memref_slice %dma_start3A_300[%dma_start3A_301, %dma_start3A_302] : memref<512x16xf32, #tpu.memory_space<vmem>> -> memref<128x16xf32, #tpu.memory_space<vmem>>
          %dma_start3A_304 = arith.constant 0 : i32
          %dma_start3A_305 = arith.constant 0 : i32
          %dma_start3A_306 = tpu.memref_slice %run_scoped3A[%rem3A_209, %dma_start3A_304, %dma_start3A_305] : memref<2x4x128xi32, #tpu.memory_space<vmem>> -> memref<1x4x128xi32, #tpu.memory_space<vmem>>
          %dma_start3A_307 = tpu.memref_squeeze %dma_start3A_306 : memref<1x4x128xi32, #tpu.memory_space<vmem>> -> memref<4x128xi32, #tpu.memory_space<vmem>>
          %dma_start3A_308 = arith.constant 0 : i32
          %dma_start3A_309 = tpu.memref_slice %dma_start3A_307[%dma_start3A_296, %dma_start3A_308] : memref<4x128xi32, #tpu.memory_space<vmem>> -> memref<1x128xi32, #tpu.memory_space<vmem>>
          %dma_start3A_310 = tpu.memref_squeeze %dma_start3A_309 : memref<1x128xi32, #tpu.memory_space<vmem>> -> memref<128xi32, #tpu.memory_space<vmem>>
          %dma_start3A_311 = arith.constant 0 : i32
          %dma_start3A_312 = arith.constant 0 : i32
          %dma_start3A_313 = tpu.memref_slice %arg2[%dma_start3A_311, %dma_start3A_312] : memref<800000x16xf32, #tpu.memory_space<hbm>> -> memref<800000x16xf32, #tpu.memory_space<hbm>>
          tpu.enqueue_indirect_dma source(%dma_start3A_313 : memref<800000x16xf32, #tpu.memory_space<hbm>>) target(%dma_start3A_303 : memref<128x16xf32, #tpu.memory_space<vmem>>) offsets(%dma_start3A_310 : memref<128xi32, #tpu.memory_space<vmem>>) semaphore(%run_scoped3A_295 : memref<!tpu.dma_semaphore, #tpu.memory_space<semaphore_mem>>)
          %dma_start3A_314 = arith.constant 1 : i32
          %dma_start3A_315 = arith.constant 0 : i32
          %dma_start3A_316 = arith.constant 0 : i32
          %dma_start3A_317 = tpu.memref_slice %run_scoped3A_8[%rem3A_211, %dma_start3A_315, %dma_start3A_316] : memref<2x512x16xf32, #tpu.memory_space<vmem>> -> memref<1x512x16xf32, #tpu.memory_space<vmem>>
          %dma_start3A_318 = tpu.memref_squeeze %dma_start3A_317 : memref<1x512x16xf32, #tpu.memory_space<vmem>> -> memref<512x16xf32, #tpu.memory_space<vmem>>
          %dma_start3A_319 = arith.constant 128 : i32
          %dma_start3A_320 = arith.constant 0 : i32
          %dma_start3A_321 = tpu.memref_slice %dma_start3A_318[%dma_start3A_319, %dma_start3A_320] : memref<512x16xf32, #tpu.memory_space<vmem>> -> memref<128x16xf32, #tpu.memory_space<vmem>>
          %dma_start3A_322 = arith.constant 0 : i32
          %dma_start3A_323 = arith.constant 0 : i32
          %dma_start3A_324 = tpu.memref_slice %run_scoped3A[%rem3A_209, %dma_start3A_322, %dma_start3A_323] : memref<2x4x128xi32, #tpu.memory_space<vmem>> -> memref<1x4x128xi32, #tpu.memory_space<vmem>>
          %dma_start3A_325 = tpu.memref_squeeze %dma_start3A_324 : memref<1x4x128xi32, #tpu.memory_space<vmem>> -> memref<4x128xi32, #tpu.memory_space<vmem>>
          %dma_start3A_326 = arith.constant 0 : i32
          %dma_start3A_327 = tpu.memref_slice %dma_start3A_325[%dma_start3A_314, %dma_start3A_326] : memref<4x128xi32, #tpu.memory_space<vmem>> -> memref<1x128xi32, #tpu.memory_space<vmem>>
          %dma_start3A_328 = tpu.memref_squeeze %dma_start3A_327 : memref<1x128xi32, #tpu.memory_space<vmem>> -> memref<128xi32, #tpu.memory_space<vmem>>
          %dma_start3A_329 = arith.constant 0 : i32
          %dma_start3A_330 = arith.constant 0 : i32
          %dma_start3A_331 = tpu.memref_slice %arg2[%dma_start3A_329, %dma_start3A_330] : memref<800000x16xf32, #tpu.memory_space<hbm>> -> memref<800000x16xf32, #tpu.memory_space<hbm>>
          tpu.enqueue_indirect_dma source(%dma_start3A_331 : memref<800000x16xf32, #tpu.memory_space<hbm>>) target(%dma_start3A_321 : memref<128x16xf32, #tpu.memory_space<vmem>>) offsets(%dma_start3A_328 : memref<128xi32, #tpu.memory_space<vmem>>) semaphore(%run_scoped3A_295 : memref<!tpu.dma_semaphore, #tpu.memory_space<semaphore_mem>>)
          %dma_start3A_332 = arith.constant 2 : i32
          %dma_start3A_333 = arith.constant 0 : i32
          %dma_start3A_334 = arith.constant 0 : i32
          %dma_start3A_335 = tpu.memref_slice %run_scoped3A_8[%rem3A_211, %dma_start3A_333, %dma_start3A_334] : memref<2x512x16xf32, #tpu.memory_space<vmem>> -> memref<1x512x16xf32, #tpu.memory_space<vmem>>
          %dma_start3A_336 = tpu.memref_squeeze %dma_start3A_335 : memref<1x512x16xf32, #tpu.memory_space<vmem>> -> memref<512x16xf32, #tpu.memory_space<vmem>>
          %dma_start3A_337 = arith.constant 256 : i32
          %dma_start3A_338 = arith.constant 0 : i32
          %dma_start3A_339 = tpu.memref_slice %dma_start3A_336[%dma_start3A_337, %dma_start3A_338] : memref<512x16xf32, #tpu.memory_space<vmem>> -> memref<128x16xf32, #tpu.memory_space<vmem>>
          %dma_start3A_340 = arith.constant 0 : i32
          %dma_start3A_341 = arith.constant 0 : i32
          %dma_start3A_342 = tpu.memref_slice %run_scoped3A[%rem3A_209, %dma_start3A_340, %dma_start3A_341] : memref<2x4x128xi32, #tpu.memory_space<vmem>> -> memref<1x4x128xi32, #tpu.memory_space<vmem>>
          %dma_start3A_343 = tpu.memref_squeeze %dma_start3A_342 : memref<1x4x128xi32, #tpu.memory_space<vmem>> -> memref<4x128xi32, #tpu.memory_space<vmem>>
          %dma_start3A_344 = arith.constant 0 : i32
          %dma_start3A_345 = tpu.memref_slice %dma_start3A_343[%dma_start3A_332, %dma_start3A_344] : memref<4x128xi32, #tpu.memory_space<vmem>> -> memref<1x128xi32, #tpu.memory_space<vmem>>
          %dma_start3A_346 = tpu.memref_squeeze %dma_start3A_345 : memref<1x128xi32, #tpu.memory_space<vmem>> -> memref<128xi32, #tpu.memory_space<vmem>>
          %dma_start3A_347 = arith.constant 0 : i32
          %dma_start3A_348 = arith.constant 0 : i32
          %dma_start3A_349 = tpu.memref_slice %arg2[%dma_start3A_347, %dma_start3A_348] : memref<800000x16xf32, #tpu.memory_space<hbm>> -> memref<800000x16xf32, #tpu.memory_space<hbm>>
          tpu.enqueue_indirect_dma source(%dma_start3A_349 : memref<800000x16xf32, #tpu.memory_space<hbm>>) target(%dma_start3A_339 : memref<128x16xf32, #tpu.memory_space<vmem>>) offsets(%dma_start3A_346 : memref<128xi32, #tpu.memory_space<vmem>>) semaphore(%run_scoped3A_295 : memref<!tpu.dma_semaphore, #tpu.memory_space<semaphore_mem>>)
          %dma_start3A_350 = arith.constant 3 : i32
          %dma_start3A_351 = arith.constant 0 : i32
          %dma_start3A_352 = arith.constant 0 : i32
          %dma_start3A_353 = tpu.memref_slice %run_scoped3A_8[%rem3A_211, %dma_start3A_351, %dma_start3A_352] : memref<2x512x16xf32, #tpu.memory_space<vmem>> -> memref<1x512x16xf32, #tpu.memory_space<vmem>>
          %dma_start3A_354 = tpu.memref_squeeze %dma_start3A_353 : memref<1x512x16xf32, #tpu.memory_space<vmem>> -> memref<512x16xf32, #tpu.memory_space<vmem>>
          %dma_start3A_355 = arith.constant 384 : i32
          %dma_start3A_356 = arith.constant 0 : i32
          %dma_start3A_357 = tpu.memref_slice %dma_start3A_354[%dma_start3A_355, %dma_start3A_356] : memref<512x16xf32, #tpu.memory_space<vmem>> -> memref<128x16xf32, #tpu.memory_space<vmem>>
          %dma_start3A_358 = arith.constant 0 : i32
          %dma_start3A_359 = arith.constant 0 : i32
          %dma_start3A_360 = tpu.memref_slice %run_scoped3A[%rem3A_209, %dma_start3A_358, %dma_start3A_359] : memref<2x4x128xi32, #tpu.memory_space<vmem>> -> memref<1x4x128xi32, #tpu.memory_space<vmem>>
          %dma_start3A_361 = tpu.memref_squeeze %dma_start3A_360 : memref<1x4x128xi32, #tpu.memory_space<vmem>> -> memref<4x128xi32, #tpu.memory_space<vmem>>
          %dma_start3A_362 = arith.constant 0 : i32
          %dma_start3A_363 = tpu.memref_slice %dma_start3A_361[%dma_start3A_350, %dma_start3A_362] : memref<4x128xi32, #tpu.memory_space<vmem>> -> memref<1x128xi32, #tpu.memory_space<vmem>>
          %dma_start3A_364 = tpu.memref_squeeze %dma_start3A_363 : memref<1x128xi32, #tpu.memory_space<vmem>> -> memref<128xi32, #tpu.memory_space<vmem>>
          %dma_start3A_365 = arith.constant 0 : i32
          %dma_start3A_366 = arith.constant 0 : i32
          %dma_start3A_367 = tpu.memref_slice %arg2[%dma_start3A_365, %dma_start3A_366] : memref<800000x16xf32, #tpu.memory_space<hbm>> -> memref<800000x16xf32, #tpu.memory_space<hbm>>
          tpu.enqueue_indirect_dma source(%dma_start3A_367 : memref<800000x16xf32, #tpu.memory_space<hbm>>) target(%dma_start3A_357 : memref<128x16xf32, #tpu.memory_space<vmem>>) offsets(%dma_start3A_364 : memref<128xi32, #tpu.memory_space<vmem>>) semaphore(%run_scoped3A_295 : memref<!tpu.dma_semaphore, #tpu.memory_space<semaphore_mem>>)
          %dma_wait3A_368 = arith.constant 0 : i32
          %dma_wait3A_369 = arith.constant 0 : i32
          %dma_wait3A_370 = arith.constant 0 : i32
          %dma_wait3A_371 = tpu.memref_slice %run_scoped3A_8[%rem3A_211, %dma_wait3A_369, %dma_wait3A_370] : memref<2x512x16xf32, #tpu.memory_space<vmem>> -> memref<1x512x16xf32, #tpu.memory_space<vmem>>
          %dma_wait3A_372 = tpu.memref_squeeze %dma_wait3A_371 : memref<1x512x16xf32, #tpu.memory_space<vmem>> -> memref<512x16xf32, #tpu.memory_space<vmem>>
          %dma_wait3A_373 = arith.constant 0 : i32
          %dma_wait3A_374 = arith.constant 0 : i32
          %dma_wait3A_375 = tpu.memref_slice %dma_wait3A_372[%dma_wait3A_373, %dma_wait3A_374] : memref<512x16xf32, #tpu.memory_space<vmem>> -> memref<128x16xf32, #tpu.memory_space<vmem>>
          %dma_wait3A_376 = arith.constant 0 : i32
          %dma_wait3A_377 = arith.constant 0 : i32
          %dma_wait3A_378 = tpu.memref_slice %run_scoped3A[%rem3A_209, %dma_wait3A_376, %dma_wait3A_377] : memref<2x4x128xi32, #tpu.memory_space<vmem>> -> memref<1x4x128xi32, #tpu.memory_space<vmem>>
          %dma_wait3A_379 = tpu.memref_squeeze %dma_wait3A_378 : memref<1x4x128xi32, #tpu.memory_space<vmem>> -> memref<4x128xi32, #tpu.memory_space<vmem>>
          %dma_wait3A_380 = arith.constant 0 : i32
          %dma_wait3A_381 = tpu.memref_slice %dma_wait3A_379[%dma_wait3A_368, %dma_wait3A_380] : memref<4x128xi32, #tpu.memory_space<vmem>> -> memref<1x128xi32, #tpu.memory_space<vmem>>
          %dma_wait3A_382 = tpu.memref_squeeze %dma_wait3A_381 : memref<1x128xi32, #tpu.memory_space<vmem>> -> memref<128xi32, #tpu.memory_space<vmem>>
          %dma_wait3A_383 = arith.constant 0 : i32
          %dma_wait3A_384 = arith.constant 0 : i32
          %dma_wait3A_385 = tpu.memref_slice %arg2[%dma_wait3A_383, %dma_wait3A_384] : memref<800000x16xf32, #tpu.memory_space<hbm>> -> memref<800000x16xf32, #tpu.memory_space<hbm>>
          tpu.wait_indirect_dma semaphore(%run_scoped3A_295 : memref<!tpu.dma_semaphore, #tpu.memory_space<semaphore_mem>>) src(%dma_wait3A_385 : memref<800000x16xf32, #tpu.memory_space<hbm>>) dst(%dma_wait3A_375 : memref<128x16xf32, #tpu.memory_space<vmem>>)
          %dma_wait3A_386 = arith.constant 1 : i32
          %dma_wait3A_387 = arith.constant 0 : i32
          %dma_wait3A_388 = arith.constant 0 : i32
          %dma_wait3A_389 = tpu.memref_slice %run_scoped3A_8[%rem3A_211, %dma_wait3A_387, %dma_wait3A_388] : memref<2x512x16xf32, #tpu.memory_space<vmem>> -> memref<1x512x16xf32, #tpu.memory_space<vmem>>
          %dma_wait3A_390 = tpu.memref_squeeze %dma_wait3A_389 : memref<1x512x16xf32, #tpu.memory_space<vmem>> -> memref<512x16xf32, #tpu.memory_space<vmem>>
          %dma_wait3A_391 = arith.constant 128 : i32
          %dma_wait3A_392 = arith.constant 0 : i32
          %dma_wait3A_393 = tpu.memref_slice %dma_wait3A_390[%dma_wait3A_391, %dma_wait3A_392] : memref<512x16xf32, #tpu.memory_space<vmem>> -> memref<128x16xf32, #tpu.memory_space<vmem>>
          %dma_wait3A_394 = arith.constant 0 : i32
          %dma_wait3A_395 = arith.constant 0 : i32
          %dma_wait3A_396 = tpu.memref_slice %run_scoped3A[%rem3A_209, %dma_wait3A_394, %dma_wait3A_395] : memref<2x4x128xi32, #tpu.memory_space<vmem>> -> memref<1x4x128xi32, #tpu.memory_space<vmem>>
          %dma_wait3A_397 = tpu.memref_squeeze %dma_wait3A_396 : memref<1x4x128xi32, #tpu.memory_space<vmem>> -> memref<4x128xi32, #tpu.memory_space<vmem>>
          %dma_wait3A_398 = arith.constant 0 : i32
          %dma_wait3A_399 = tpu.memref_slice %dma_wait3A_397[%dma_wait3A_386, %dma_wait3A_398] : memref<4x128xi32, #tpu.memory_space<vmem>> -> memref<1x128xi32, #tpu.memory_space<vmem>>
          %dma_wait3A_400 = tpu.memref_squeeze %dma_wait3A_399 : memref<1x128xi32, #tpu.memory_space<vmem>> -> memref<128xi32, #tpu.memory_space<vmem>>
          %dma_wait3A_401 = arith.constant 0 : i32
          %dma_wait3A_402 = arith.constant 0 : i32
          %dma_wait3A_403 = tpu.memref_slice %arg2[%dma_wait3A_401, %dma_wait3A_402] : memref<800000x16xf32, #tpu.memory_space<hbm>> -> memref<800000x16xf32, #tpu.memory_space<hbm>>
          tpu.wait_indirect_dma semaphore(%run_scoped3A_295 : memref<!tpu.dma_semaphore, #tpu.memory_space<semaphore_mem>>) src(%dma_wait3A_403 : memref<800000x16xf32, #tpu.memory_space<hbm>>) dst(%dma_wait3A_393 : memref<128x16xf32, #tpu.memory_space<vmem>>)
          %dma_wait3A_404 = arith.constant 2 : i32
          %dma_wait3A_405 = arith.constant 0 : i32
          %dma_wait3A_406 = arith.constant 0 : i32
          %dma_wait3A_407 = tpu.memref_slice %run_scoped3A_8[%rem3A_211, %dma_wait3A_405, %dma_wait3A_406] : memref<2x512x16xf32, #tpu.memory_space<vmem>> -> memref<1x512x16xf32, #tpu.memory_space<vmem>>
          %dma_wait3A_408 = tpu.memref_squeeze %dma_wait3A_407 : memref<1x512x16xf32, #tpu.memory_space<vmem>> -> memref<512x16xf32, #tpu.memory_space<vmem>>
          %dma_wait3A_409 = arith.constant 256 : i32
          %dma_wait3A_410 = arith.constant 0 : i32
          %dma_wait3A_411 = tpu.memref_slice %dma_wait3A_408[%dma_wait3A_409, %dma_wait3A_410] : memref<512x16xf32, #tpu.memory_space<vmem>> -> memref<128x16xf32, #tpu.memory_space<vmem>>
          %dma_wait3A_412 = arith.constant 0 : i32
          %dma_wait3A_413 = arith.constant 0 : i32
          %dma_wait3A_414 = tpu.memref_slice %run_scoped3A[%rem3A_209, %dma_wait3A_412, %dma_wait3A_413] : memref<2x4x128xi32, #tpu.memory_space<vmem>> -> memref<1x4x128xi32, #tpu.memory_space<vmem>>
          %dma_wait3A_415 = tpu.memref_squeeze %dma_wait3A_414 : memref<1x4x128xi32, #tpu.memory_space<vmem>> -> memref<4x128xi32, #tpu.memory_space<vmem>>
          %dma_wait3A_416 = arith.constant 0 : i32
          %dma_wait3A_417 = tpu.memref_slice %dma_wait3A_415[%dma_wait3A_404, %dma_wait3A_416] : memref<4x128xi32, #tpu.memory_space<vmem>> -> memref<1x128xi32, #tpu.memory_space<vmem>>
          %dma_wait3A_418 = tpu.memref_squeeze %dma_wait3A_417 : memref<1x128xi32, #tpu.memory_space<vmem>> -> memref<128xi32, #tpu.memory_space<vmem>>
          %dma_wait3A_419 = arith.constant 0 : i32
          %dma_wait3A_420 = arith.constant 0 : i32
          %dma_wait3A_421 = tpu.memref_slice %arg2[%dma_wait3A_419, %dma_wait3A_420] : memref<800000x16xf32, #tpu.memory_space<hbm>> -> memref<800000x16xf32, #tpu.memory_space<hbm>>
          tpu.wait_indirect_dma semaphore(%run_scoped3A_295 : memref<!tpu.dma_semaphore, #tpu.memory_space<semaphore_mem>>) src(%dma_wait3A_421 : memref<800000x16xf32, #tpu.memory_space<hbm>>) dst(%dma_wait3A_411 : memref<128x16xf32, #tpu.memory_space<vmem>>)
          %dma_wait3A_422 = arith.constant 3 : i32
          %dma_wait3A_423 = arith.constant 0 : i32
          %dma_wait3A_424 = arith.constant 0 : i32
          %dma_wait3A_425 = tpu.memref_slice %run_scoped3A_8[%rem3A_211, %dma_wait3A_423, %dma_wait3A_424] : memref<2x512x16xf32, #tpu.memory_space<vmem>> -> memref<1x512x16xf32, #tpu.memory_space<vmem>>
          %dma_wait3A_426 = tpu.memref_squeeze %dma_wait3A_425 : memref<1x512x16xf32, #tpu.memory_space<vmem>> -> memref<512x16xf32, #tpu.memory_space<vmem>>
          %dma_wait3A_427 = arith.constant 384 : i32
          %dma_wait3A_428 = arith.constant 0 : i32
          %dma_wait3A_429 = tpu.memref_slice %dma_wait3A_426[%dma_wait3A_427, %dma_wait3A_428] : memref<512x16xf32, #tpu.memory_space<vmem>> -> memref<128x16xf32, #tpu.memory_space<vmem>>
          %dma_wait3A_430 = arith.constant 0 : i32
          %dma_wait3A_431 = arith.constant 0 : i32
          %dma_wait3A_432 = tpu.memref_slice %run_scoped3A[%rem3A_209, %dma_wait3A_430, %dma_wait3A_431] : memref<2x4x128xi32, #tpu.memory_space<vmem>> -> memref<1x4x128xi32, #tpu.memory_space<vmem>>
          %dma_wait3A_433 = tpu.memref_squeeze %dma_wait3A_432 : memref<1x4x128xi32, #tpu.memory_space<vmem>> -> memref<4x128xi32, #tpu.memory_space<vmem>>
          %dma_wait3A_434 = arith.constant 0 : i32
          %dma_wait3A_435 = tpu.memref_slice %dma_wait3A_433[%dma_wait3A_422, %dma_wait3A_434] : memref<4x128xi32, #tpu.memory_space<vmem>> -> memref<1x128xi32, #tpu.memory_space<vmem>>
          %dma_wait3A_436 = tpu.memref_squeeze %dma_wait3A_435 : memref<1x128xi32, #tpu.memory_space<vmem>> -> memref<128xi32, #tpu.memory_space<vmem>>
          %dma_wait3A_437 = arith.constant 0 : i32
          %dma_wait3A_438 = arith.constant 0 : i32
          %dma_wait3A_439 = tpu.memref_slice %arg2[%dma_wait3A_437, %dma_wait3A_438] : memref<800000x16xf32, #tpu.memory_space<hbm>> -> memref<800000x16xf32, #tpu.memory_space<hbm>>
          tpu.wait_indirect_dma semaphore(%run_scoped3A_295 : memref<!tpu.dma_semaphore, #tpu.memory_space<semaphore_mem>>) src(%dma_wait3A_439 : memref<800000x16xf32, #tpu.memory_space<hbm>>) dst(%dma_wait3A_429 : memref<128x16xf32, #tpu.memory_space<vmem>>)
          tpu.yield
        }) : () -> ()
        "tpu.trace_stop"() : () -> ()
        %add3A_212 = arith.constant 512 : i32
        %add3A_213 = arith.addi %add3A_212, %add3A_133 : i32
        %add3A_214 = arith.constant 512 : i32
        %add3A_215 = arith.addi %add3A_214, %add3A_151 : i32
        %ne3A_216 = arith.cmpi ne, %add3A_213, %add3A_215 : i32
        %or3A_217 = arith.constant false
        %or3A_218 = arith.ori %or3A_217, %ne3A_216 : i1
        %or3A_219 = arith.constant false
        %or3A_220 = arith.ori %or3A_218, %or3A_219 : i1
        %or3A_221 = arith.ori %or3A_220, %eq3A_132 : i1
        %convert_element_type3A_222 = arith.extui %or3A_221 : i1 to i32
        %cond3A_223 = arith.constant 0 : i32
        %cond3A_224 = arith.cmpi ne, %convert_element_type3A_222, %cond3A_223 : i32
        scf.if %cond3A_224 {
        } else {
        }
        %and3A_225 = arith.constant false
        %and3A_226 = arith.andi %or3A_221, %and3A_225 : i1
        %ne3A_227 = arith.cmpi ne, %add3A_133, %add3A_151 : i32
        %or3A_228 = arith.constant false
        %or3A_229 = arith.ori %or3A_228, %ne3A_227 : i1
        %or3A_230 = arith.constant false
        %or3A_231 = arith.ori %or3A_229, %or3A_230 : i1
        %or3A_232 = arith.ori %or3A_231, %eq3A_132 : i1
        %convert_element_type3A_233 = arith.extui %or3A_232 : i1 to i32
        %cond3A_234 = arith.constant 0 : i32
        %cond3A_235 = arith.cmpi ne, %convert_element_type3A_233, %cond3A_234 : i32
        scf.if %cond3A_235 {
          "tpu.trace_start"() <{level = 10 : i32, message = "ep_copy_out"}> : () -> ()
          %rem3A_295 = arith.constant 2 : i32
          %rem3A_296 = arith.remui %scan3A_126, %rem3A_295 : i32
          %mul3A_297 = arith.constant 512 : i32
          %mul3A_298 = arith.muli %mul3A_297, %add3A_133 : i32
          %dma_start3A_299 = arith.constant 0 : i32
          %dma_start3A_300 = arith.constant 0 : i32
          %dma_start3A_301 = tpu.memref_slice %run_scoped3A_8[%rem3A_296, %dma_start3A_299, %dma_start3A_300] : memref<2x512x16xf32, #tpu.memory_space<vmem>> -> memref<1x512x16xf32, #tpu.memory_space<vmem>>
          %dma_start3A_302 = tpu.memref_squeeze %dma_start3A_301 : memref<1x512x16xf32, #tpu.memory_space<vmem>> -> memref<512x16xf32, #tpu.memory_space<vmem>>
          %dma_start3A_303 = arith.constant 0 : i32
          %dma_start3A_304 = tpu.memref_slice %arg4[%mul3A_298, %dma_start3A_303] : memref<131072x16xf32, #tpu.memory_space<hbm>> -> memref<512x16xf32, #tpu.memory_space<hbm>>
          %dma_start3A_305 = tpu.memref_slice %run_scoped3A_9[%rem3A_296] : memref<2x!tpu.dma_semaphore, #tpu.memory_space<semaphore_mem>> -> memref<1x!tpu.dma_semaphore, #tpu.memory_space<semaphore_mem>>
          %dma_start3A_306 = tpu.memref_squeeze %dma_start3A_305 : memref<1x!tpu.dma_semaphore, #tpu.memory_space<semaphore_mem>> -> memref<!tpu.dma_semaphore, #tpu.memory_space<semaphore_mem>>
          %dma_start3A_307 = arith.constant 0 : i32
          %dma_start3A_308 = tpu.memref_slice %arg4[%mul3A_298, %dma_start3A_307] : memref<131072x16xf32, #tpu.memory_space<hbm>> -> memref<512x16xf32, #tpu.memory_space<hbm>>
          %dma_start3A_309 = arith.constant 0 : i32
          %dma_start3A_310 = arith.constant 0 : i32
          %dma_start3A_311 = tpu.memref_slice %run_scoped3A_8[%rem3A_296, %dma_start3A_309, %dma_start3A_310] : memref<2x512x16xf32, #tpu.memory_space<vmem>> -> memref<1x512x16xf32, #tpu.memory_space<vmem>>
          %dma_start3A_312 = tpu.memref_squeeze %dma_start3A_311 : memref<1x512x16xf32, #tpu.memory_space<vmem>> -> memref<512x16xf32, #tpu.memory_space<vmem>>
          tpu.enqueue_dma source(%dma_start3A_312 : memref<512x16xf32, #tpu.memory_space<vmem>>) target(%dma_start3A_308 : memref<512x16xf32, #tpu.memory_space<hbm>>) target_semaphore(%dma_start3A_306 : memref<!tpu.dma_semaphore, #tpu.memory_space<semaphore_mem>>)
          "tpu.trace_stop"() : () -> ()
        } else {
        }
        %and3A_236 = arith.constant true
        %and3A_237 = arith.andi %or3A_232, %and3A_236 : i1
        %add3A_238 = arith.constant 1 : i32
        %add3A_239 = arith.addi %scan3A_126, %add3A_238 : i32
        %select_n3A_240 = arith.select %and3A_237, %add3A_239, %scan3A_126 : i32
        %add3A_241 = arith.constant 512 : i32
        %add3A_242 = arith.addi %add3A_241, %add3A_133 : i32
        %add3A_243 = arith.constant 512 : i32
        %add3A_244 = arith.addi %add3A_243, %add3A_142 : i32
        %ne3A_245 = arith.cmpi ne, %add3A_242, %add3A_244 : i32
        %or3A_246 = arith.constant false
        %or3A_247 = arith.ori %or3A_246, %ne3A_245 : i1
        %or3A_248 = arith.constant false
        %or3A_249 = arith.ori %or3A_247, %or3A_248 : i1
        %not3A_250 = arith.constant true
        %not3A_251 = arith.xori %eq3A_130, %not3A_250 : i1
        %and3A_252 = arith.andi %or3A_249, %not3A_251 : i1
        %convert_element_type3A_253 = arith.extui %and3A_252 : i1 to i32
        %cond3A_254 = arith.constant 0 : i32
        %cond3A_255 = arith.cmpi ne, %convert_element_type3A_253, %cond3A_254 : i32
        scf.if %cond3A_255 {
        } else {
        }
        %and3A_256 = arith.constant false
        %and3A_257 = arith.andi %and3A_252, %and3A_256 : i1
        %ne3A_258 = arith.cmpi ne, %add3A_133, %add3A_142 : i32
        %or3A_259 = arith.constant false
        %or3A_260 = arith.ori %or3A_259, %ne3A_258 : i1
        %or3A_261 = arith.constant false
        %or3A_262 = arith.ori %or3A_260, %or3A_261 : i1
        %not3A_263 = arith.constant true
        %not3A_264 = arith.xori %eq3A_130, %not3A_263 : i1
        %and3A_265 = arith.andi %or3A_262, %not3A_264 : i1
        %convert_element_type3A_266 = arith.extui %and3A_265 : i1 to i32
        %cond3A_267 = arith.constant 0 : i32
        %cond3A_268 = arith.cmpi ne, %convert_element_type3A_266, %cond3A_267 : i32
        scf.if %cond3A_268 {
          "tpu.trace_start"() <{level = 10 : i32, message = "ep_wait_out"}> : () -> ()
          %rem3A_295 = arith.constant 2 : i32
          %rem3A_296 = arith.remui %scan3A_127, %rem3A_295 : i32
          %mul3A_297 = arith.constant 512 : i32
          %mul3A_298 = arith.muli %mul3A_297, %add3A_142 : i32
          %dma_wait3A_299 = arith.constant 0 : i32
          %dma_wait3A_300 = arith.constant 0 : i32
          %dma_wait3A_301 = tpu.memref_slice %run_scoped3A_8[%rem3A_296, %dma_wait3A_299, %dma_wait3A_300] : memref<2x512x16xf32, #tpu.memory_space<vmem>> -> memref<1x512x16xf32, #tpu.memory_space<vmem>>
          %dma_wait3A_302 = tpu.memref_squeeze %dma_wait3A_301 : memref<1x512x16xf32, #tpu.memory_space<vmem>> -> memref<512x16xf32, #tpu.memory_space<vmem>>
          %dma_wait3A_303 = arith.constant 0 : i32
          %dma_wait3A_304 = tpu.memref_slice %arg4[%mul3A_298, %dma_wait3A_303] : memref<131072x16xf32, #tpu.memory_space<hbm>> -> memref<512x16xf32, #tpu.memory_space<hbm>>
          %dma_wait3A_305 = tpu.memref_slice %run_scoped3A_9[%rem3A_296] : memref<2x!tpu.dma_semaphore, #tpu.memory_space<semaphore_mem>> -> memref<1x!tpu.dma_semaphore, #tpu.memory_space<semaphore_mem>>
          %dma_wait3A_306 = tpu.memref_squeeze %dma_wait3A_305 : memref<1x!tpu.dma_semaphore, #tpu.memory_space<semaphore_mem>> -> memref<!tpu.dma_semaphore, #tpu.memory_space<semaphore_mem>>
          %dma_wait3A_307 = arith.constant 0 : i32
          %dma_wait3A_308 = tpu.memref_slice %arg4[%mul3A_298, %dma_wait3A_307] : memref<131072x16xf32, #tpu.memory_space<hbm>> -> memref<512x16xf32, #tpu.memory_space<hbm>>
          %dma_wait3A_309 = arith.constant 0 : i32
          %dma_wait3A_310 = arith.constant 0 : i32
          %dma_wait3A_311 = tpu.memref_slice %run_scoped3A_8[%rem3A_296, %dma_wait3A_309, %dma_wait3A_310] : memref<2x512x16xf32, #tpu.memory_space<vmem>> -> memref<1x512x16xf32, #tpu.memory_space<vmem>>
          %dma_wait3A_312 = tpu.memref_squeeze %dma_wait3A_311 : memref<1x512x16xf32, #tpu.memory_space<vmem>> -> memref<512x16xf32, #tpu.memory_space<vmem>>
          tpu.wait_dma2 semaphore(%dma_wait3A_306 : memref<!tpu.dma_semaphore, #tpu.memory_space<semaphore_mem>>) src(%dma_wait3A_312 : memref<512x16xf32, #tpu.memory_space<vmem>>) dst(%dma_wait3A_308 : memref<512x16xf32, #tpu.memory_space<hbm>>)
          "tpu.trace_stop"() : () -> ()
        } else {
        }
        %and3A_269 = arith.constant true
        %and3A_270 = arith.andi %and3A_265, %and3A_269 : i1
        %add3A_271 = arith.constant 1 : i32
        %add3A_272 = arith.addi %scan3A_127, %add3A_271 : i32
        %select_n3A_273 = arith.select %and3A_270, %add3A_272, %scan3A_127 : i32
        %add3A_274 = arith.constant 512 : i32
        %add3A_275 = arith.addi %add3A_274, %add3A_133 : i32
        %add3A_276 = arith.constant 512 : i32
        %add3A_277 = arith.addi %add3A_276, %add3A_151 : i32
        %ne3A_278 = arith.cmpi ne, %add3A_275, %add3A_277 : i32
        %or3A_279 = arith.constant false
        %or3A_280 = arith.ori %or3A_279, %ne3A_278 : i1
        %or3A_281 = arith.constant false
        %or3A_282 = arith.ori %or3A_280, %or3A_281 : i1
        %or3A_283 = arith.ori %or3A_282, %eq3A_132 : i1
        %add3A_284 = arith.constant 1 : i32
        %add3A_285 = arith.addi %scan3A_125, %add3A_284 : i32
        %select_n3A_286 = arith.select %or3A_283, %add3A_285, %scan3A_125 : i32
        %add3A_287 = arith.constant 1 : i32
        %add3A_288 = arith.addi %scan3A_128, %add3A_287 : i32
        %select_n3A_289 = arith.constant true
        %select_n3A_290 = arith.select %select_n3A_289, %add3A_288, %scan3A_128 : i32
        %eq3A_291 = arith.constant 8 : i32
        %eq3A_292 = arith.cmpi eq, %select_n3A_290, %eq3A_291 : i32
        %select_n3A_293 = arith.constant 0 : i32
        %select_n3A_294 = arith.select %eq3A_292, %select_n3A_293, %select_n3A_290 : i32
        scf.yield %select_n3A_175, %select_n3A_286, %select_n3A_240, %select_n3A_273, %select_n3A_294 : i32, i32, i32, i32, i32
      }
      %scan3A_70 = arith.constant 8 : i32
      %sub3A = arith.constant 1 : i32
      %sub3A_71 = arith.subi %scan3A_69#4, %sub3A : i32
      %select_n3A_72 = arith.constant true
      %select_n3A_73 = arith.select %select_n3A_72, %sub3A_71, %scan3A_69#4 : i32
      %eq3A_74 = arith.constant -1 : i32
      %eq3A_75 = arith.cmpi eq, %select_n3A_73, %eq3A_74 : i32
      %select_n3A_76 = arith.constant 7 : i32
      %select_n3A_77 = arith.select %eq3A_75, %select_n3A_76, %select_n3A_73 : i32
      %add3A_78 = arith.addi %select_n3A_77, %mul3A_6 : i32
      %sub3A_79 = arith.constant 1 : i32
      %sub3A_80 = arith.subi %select_n3A_77, %sub3A_79 : i32
      %select_n3A_81 = arith.constant true
      %select_n3A_82 = arith.select %select_n3A_81, %sub3A_80, %select_n3A_77 : i32
      %eq3A_83 = arith.constant -1 : i32
      %eq3A_84 = arith.cmpi eq, %select_n3A_82, %eq3A_83 : i32
      %select_n3A_85 = arith.constant 7 : i32
      %select_n3A_86 = arith.select %eq3A_84, %select_n3A_85, %select_n3A_82 : i32
      %add3A_87 = arith.addi %select_n3A_86, %mul3A_6 : i32
      %add3A_88 = arith.constant 1 : i32
      %add3A_89 = arith.addi %select_n3A_77, %add3A_88 : i32
      %select_n3A_90 = arith.constant true
      %select_n3A_91 = arith.select %select_n3A_90, %add3A_89, %select_n3A_77 : i32
      %eq3A_92 = arith.constant 8 : i32
      %eq3A_93 = arith.cmpi eq, %select_n3A_91, %eq3A_92 : i32
      %select_n3A_94 = arith.constant 0 : i32
      %select_n3A_95 = arith.select %eq3A_93, %select_n3A_94, %select_n3A_91 : i32
      %add3A_96 = arith.addi %select_n3A_95, %mul3A_6 : i32
      %add3A_97 = arith.constant 1 : i32
      %add3A_98 = arith.addi %select_n3A_95, %add3A_97 : i32
      %select_n3A_99 = arith.constant true
      %select_n3A_100 = arith.select %select_n3A_99, %add3A_98, %select_n3A_95 : i32
      %eq3A_101 = arith.constant 8 : i32
      %eq3A_102 = arith.cmpi eq, %select_n3A_100, %eq3A_101 : i32
      %select_n3A_103 = arith.constant 0 : i32
      %select_n3A_104 = arith.select %eq3A_102, %select_n3A_103, %select_n3A_100 : i32
      %add3A_105 = arith.addi %select_n3A_104, %mul3A_6 : i32
      "tpu.trace_start"() <{level = 10 : i32, message = "ep_finalize"}> : () -> ()
      %rem3A_106 = arith.constant 2 : i32
      %rem3A_107 = arith.remui %scan3A_69#3, %rem3A_106 : i32
      %mul3A_108 = arith.constant 512 : i32
      %mul3A_109 = arith.muli %mul3A_108, %add3A_78 : i32
      %dma_wait3A = arith.constant 0 : i32
      %dma_wait3A_110 = arith.constant 0 : i32
      %dma_wait3A_111 = tpu.memref_slice %run_scoped3A_8[%rem3A_107, %dma_wait3A, %dma_wait3A_110] : memref<2x512x16xf32, #tpu.memory_space<vmem>> -> memref<1x512x16xf32, #tpu.memory_space<vmem>>
      %dma_wait3A_112 = tpu.memref_squeeze %dma_wait3A_111 : memref<1x512x16xf32, #tpu.memory_space<vmem>> -> memref<512x16xf32, #tpu.memory_space<vmem>>
      %dma_wait3A_113 = arith.constant 0 : i32
      %dma_wait3A_114 = tpu.memref_slice %arg4[%mul3A_109, %dma_wait3A_113] : memref<131072x16xf32, #tpu.memory_space<hbm>> -> memref<512x16xf32, #tpu.memory_space<hbm>>
      %dma_wait3A_115 = tpu.memref_slice %run_scoped3A_9[%rem3A_107] : memref<2x!tpu.dma_semaphore, #tpu.memory_space<semaphore_mem>> -> memref<1x!tpu.dma_semaphore, #tpu.memory_space<semaphore_mem>>
      %dma_wait3A_116 = tpu.memref_squeeze %dma_wait3A_115 : memref<1x!tpu.dma_semaphore, #tpu.memory_space<semaphore_mem>> -> memref<!tpu.dma_semaphore, #tpu.memory_space<semaphore_mem>>
      %dma_wait3A_117 = arith.constant 0 : i32
      %dma_wait3A_118 = tpu.memref_slice %arg4[%mul3A_109, %dma_wait3A_117] : memref<131072x16xf32, #tpu.memory_space<hbm>> -> memref<512x16xf32, #tpu.memory_space<hbm>>
      %dma_wait3A_119 = arith.constant 0 : i32
      %dma_wait3A_120 = arith.constant 0 : i32
      %dma_wait3A_121 = tpu.memref_slice %run_scoped3A_8[%rem3A_107, %dma_wait3A_119, %dma_wait3A_120] : memref<2x512x16xf32, #tpu.memory_space<vmem>> -> memref<1x512x16xf32, #tpu.memory_space<vmem>>
      %dma_wait3A_122 = tpu.memref_squeeze %dma_wait3A_121 : memref<1x512x16xf32, #tpu.memory_space<vmem>> -> memref<512x16xf32, #tpu.memory_space<vmem>>
      tpu.wait_dma2 semaphore(%dma_wait3A_116 : memref<!tpu.dma_semaphore, #tpu.memory_space<semaphore_mem>>) src(%dma_wait3A_122 : memref<512x16xf32, #tpu.memory_space<vmem>>) dst(%dma_wait3A_118 : memref<512x16xf32, #tpu.memory_space<hbm>>)
      "tpu.trace_stop"() : () -> ()
      tpu.yield
    }) : () -> ()
    return
  }
}

#map = affine_map<(d0, d1) -> (0, 0)>
module attributes {stable_mosaic.version = 14 : i64} {
  func.func @gather_kernel(%arg0: i32, %arg1: i32, %arg2: memref<800000x16xf32, #tpu.memory_space<hbm>>, %arg3: memref<4096x128xi32, #tpu.memory_space<hbm>>, %arg4: memref<131072x16xf32, #tpu.memory_space<hbm>>) attributes {dimension_semantics = [#tpu.dimension_semantics<core_parallel>, #tpu.dimension_semantics<subcore_parallel>], iteration_bounds = array<i64: 2, 16>, scalar_prefetch = 0 : i64, scratch_operands = 0 : i64, tpu.core_type = #tpu.core_type<sc_vector_subcore>, window_params = [{transform_indices = #map}, {transform_indices = #map}, {transform_indices = #map}]} {
    %mul3A = arith.constant 1 : i32
    %mul3A_0 = arith.muli %arg1, %mul3A : i32
    %add3A = arith.constant 0 : i32
    %add3A_1 = arith.addi %add3A, %mul3A_0 : i32
    %mul3A_2 = arith.constant 16 : i32
    %mul3A_3 = arith.muli %arg0, %mul3A_2 : i32
    %add3A_4 = arith.addi %add3A_1, %mul3A_3 : i32
    %mul3A_5 = arith.constant 8 : i32
    %mul3A_6 = arith.muli %add3A_4, %mul3A_5 : i32
    "tpu.region"() ({
      %run_scoped3A = memref.alloca() : memref<2x4x128xi32, #tpu.memory_space<vmem>>
      %run_scoped3A_7 = tpu.sem_alloc : memref<2x!tpu.dma_semaphore, #tpu.memory_space<semaphore_mem>>
      %run_scoped3A_8 = memref.alloca() : memref<2x512x16xf32, #tpu.memory_space<vmem>>
      %run_scoped3A_9 = tpu.sem_alloc : memref<2x!tpu.dma_semaphore, #tpu.memory_space<semaphore_mem>>
      %add3A_10 = arith.constant 0 : i32
      %add3A_11 = arith.addi %add3A_10, %mul3A_6 : i32
      %select_n3A = arith.constant true
      %select_n3A_12 = arith.constant 0 : i32
      %select_n3A_13 = arith.constant -1 : i32
      %select_n3A_14 = arith.select %select_n3A, %select_n3A_13, %select_n3A_12 : i32
      %eq3A = arith.constant -1 : i32
      %eq3A_15 = arith.cmpi eq, %select_n3A_14, %eq3A : i32
      %select_n3A_16 = arith.constant 7 : i32
      %select_n3A_17 = arith.select %eq3A_15, %select_n3A_16, %select_n3A_14 : i32
      %add3A_18 = arith.addi %select_n3A_17, %mul3A_6 : i32
      %select_n3A_19 = arith.constant true
      %select_n3A_20 = arith.constant 0 : i32
      %select_n3A_21 = arith.constant 1 : i32
      %select_n3A_22 = arith.select %select_n3A_19, %select_n3A_21, %select_n3A_20 : i32
      %eq3A_23 = arith.constant 8 : i32
      %eq3A_24 = arith.cmpi eq, %select_n3A_22, %eq3A_23 : i32
      %select_n3A_25 = arith.constant 0 : i32
      %select_n3A_26 = arith.select %eq3A_24, %select_n3A_25, %select_n3A_22 : i32
      %add3A_27 = arith.addi %select_n3A_26, %mul3A_6 : i32
      %add3A_28 = arith.constant 1 : i32
      %add3A_29 = arith.addi %select_n3A_26, %add3A_28 : i32
      %select_n3A_30 = arith.constant true
      %select_n3A_31 = arith.select %select_n3A_30, %add3A_29, %select_n3A_26 : i32
      %eq3A_32 = arith.constant 8 : i32
      %eq3A_33 = arith.cmpi eq, %select_n3A_31, %eq3A_32 : i32
      %select_n3A_34 = arith.constant 0 : i32
      %select_n3A_35 = arith.select %eq3A_33, %select_n3A_34, %select_n3A_31 : i32
      %add3A_36 = arith.addi %select_n3A_35, %mul3A_6 : i32
      "tpu.trace_start"() <{level = 10 : i32, message = "ep_initialize_0"}> : () -> ()
      %rem3A = arith.constant 0 : i32
      %rem3A_37 = arith.constant 2 : i32
      %rem3A_38 = arith.remui %rem3A, %rem3A_37 : i32
      %add3A_39 = arith.constant 256 : i32
      %add3A_40 = arith.addi %add3A_39, %add3A_11 : i32
      %mul3A_41 = arith.constant 4 : i32
      %mul3A_42 = arith.muli %mul3A_41, %add3A_40 : i32
      %dma_start3A = arith.constant 0 : i32
      %dma_start3A_43 = arith.constant 0 : i32
      %dma_start3A_44 = tpu.memref_slice %run_scoped3A[%rem3A_38, %dma_start3A, %dma_start3A_43] : memref<2x4x128xi32, #tpu.memory_space<vmem>> -> memref<1x4x128xi32, #tpu.memory_space<vmem>>
      %dma_start3A_45 = tpu.memref_squeeze %dma_start3A_44 : memref<1x4x128xi32, #tpu.memory_space<vmem>> -> memref<4x128xi32, #tpu.memory_space<vmem>>
      %dma_start3A_46 = arith.constant 0 : i32
      %dma_start3A_47 = tpu.memref_slice %arg3[%mul3A_42, %dma_start3A_46] : memref<4096x128xi32, #tpu.memory_space<hbm>> -> memref<4x128xi32, #tpu.memory_space<hbm>>
      %dma_start3A_48 = tpu.memref_slice %run_scoped3A_7[%rem3A_38] : memref<2x!tpu.dma_semaphore, #tpu.memory_space<semaphore_mem>> -> memref<1x!tpu.dma_semaphore, #tpu.memory_space<semaphore_mem>>
      %dma_start3A_49 = tpu.memref_squeeze %dma_start3A_48 : memref<1x!tpu.dma_semaphore, #tpu.memory_space<semaphore_mem>> -> memref<!tpu.dma_semaphore, #tpu.memory_space<semaphore_mem>>
      %dma_start3A_50 = arith.constant 0 : i32
      %dma_start3A_51 = arith.constant 0 : i32
      %dma_start3A_52 = tpu.memref_slice %run_scoped3A[%rem3A_38, %dma_start3A_50, %dma_start3A_51] : memref<2x4x128xi32, #tpu.memory_space<vmem>> -> memref<1x4x128xi32, #tpu.memory_space<vmem>>
      %dma_start3A_53 = tpu.memref_squeeze %dma_start3A_52 : memref<1x4x128xi32, #tpu.memory_space<vmem>> -> memref<4x128xi32, #tpu.memory_space<vmem>>
      %dma_start3A_54 = arith.constant 0 : i32
      %dma_start3A_55 = tpu.memref_slice %arg3[%mul3A_42, %dma_start3A_54] : memref<4096x128xi32, #tpu.memory_space<hbm>> -> memref<4x128xi32, #tpu.memory_space<hbm>>
      tpu.enqueue_dma source(%dma_start3A_55 : memref<4x128xi32, #tpu.memory_space<hbm>>) target(%dma_start3A_53 : memref<4x128xi32, #tpu.memory_space<vmem>>) target_semaphore(%dma_start3A_49 : memref<!tpu.dma_semaphore, #tpu.memory_space<semaphore_mem>>)
      %add3A_56 = arith.constant 0 : i32
      %add3A_57 = arith.constant 1 : i32
      %add3A_58 = arith.addi %add3A_56, %add3A_57 : i32
      %select_n3A_59 = arith.constant true
      %select_n3A_60 = arith.constant 0 : i32
      %select_n3A_61 = arith.select %select_n3A_59, %add3A_58, %select_n3A_60 : i32
      "tpu.trace_stop"() : () -> ()
      %scan3A = arith.constant 0 : i32
      %scan3A_62 = arith.constant 0 : i32
      %scan3A_63 = arith.constant 0 : i32
      %scan3A_64 = arith.constant 0 : i32
      %scan3A_65 = arith.constant 0 : i32
      %scan3A_66 = arith.constant 8 : i32
      %scan3A_67 = arith.addi %scan3A_65, %scan3A_66 : i32
      %scan3A_68 = arith.constant 1 : i32
      %scan3A_69:5 = scf.for %scan3A_123 = %scan3A_65 to %scan3A_67 step %scan3A_68 iter_args(%scan3A_124 = %select_n3A_61, %scan3A_125 = %scan3A, %scan3A_126 = %scan3A_62, %scan3A_127 = %scan3A_63, %scan3A_128 = %scan3A_64) -> (i32, i32, i32, i32, i32)  : i32 {
        %eq3A_129 = arith.constant 0 : i32
        %eq3A_130 = arith.cmpi eq, %scan3A_123, %eq3A_129 : i32
        %eq3A_131 = arith.constant 7 : i32
        %eq3A_132 = arith.cmpi eq, %scan3A_123, %eq3A_131 : i32
        %add3A_133 = arith.addi %scan3A_128, %mul3A_6 : i32
        %sub3A_134 = arith.constant 1 : i32
        %sub3A_135 = arith.subi %scan3A_128, %sub3A_134 : i32
        %select_n3A_136 = arith.constant true
        %select_n3A_137 = arith.select %select_n3A_136, %sub3A_135, %scan3A_128 : i32
        %eq3A_138 = arith.constant -1 : i32
        %eq3A_139 = arith.cmpi eq, %select_n3A_137, %eq3A_138 : i32
        %select_n3A_140 = arith.constant 7 : i32
        %select_n3A_141 = arith.select %eq3A_139, %select_n3A_140, %select_n3A_137 : i32
        %add3A_142 = arith.addi %select_n3A_141, %mul3A_6 : i32
        %add3A_143 = arith.constant 1 : i32
        %add3A_144 = arith.addi %scan3A_128, %add3A_143 : i32
        %select_n3A_145 = arith.constant true
        %select_n3A_146 = arith.select %select_n3A_145, %add3A_144, %scan3A_128 : i32
        %eq3A_147 = arith.constant 8 : i32
        %eq3A_148 = arith.cmpi eq, %select_n3A_146, %eq3A_147 : i32
        %select_n3A_149 = arith.constant 0 : i32
        %select_n3A_150 = arith.select %eq3A_148, %select_n3A_149, %select_n3A_146 : i32
        %add3A_151 = arith.addi %select_n3A_150, %mul3A_6 : i32
        %add3A_152 = arith.constant 1 : i32
        %add3A_153 = arith.addi %select_n3A_150, %add3A_152 : i32
        %select_n3A_154 = arith.constant true
        %select_n3A_155 = arith.select %select_n3A_154, %add3A_153, %select_n3A_150 : i32
        %eq3A_156 = arith.constant 8 : i32
        %eq3A_157 = arith.cmpi eq, %select_n3A_155, %eq3A_156 : i32
        %select_n3A_158 = arith.constant 0 : i32
        %select_n3A_159 = arith.select %eq3A_157, %select_n3A_158, %select_n3A_155 : i32
        %add3A_160 = arith.addi %select_n3A_159, %mul3A_6 : i32
        %add3A_161 = arith.constant 256 : i32
        %add3A_162 = arith.addi %add3A_161, %add3A_133 : i32
        %add3A_163 = arith.constant 256 : i32
        %add3A_164 = arith.addi %add3A_163, %add3A_151 : i32
        %ne3A = arith.cmpi ne, %add3A_162, %add3A_164 : i32
        %or3A = arith.constant false
        %or3A_165 = arith.ori %or3A, %ne3A : i1
        %or3A_166 = arith.constant false
        %or3A_167 = arith.ori %or3A_165, %or3A_166 : i1
        %ge3A = arith.constant 7 : i32
        %ge3A_168 = arith.cmpi sge, %scan3A_123, %ge3A : i32
        %not3A = arith.constant true
        %not3A_169 = arith.xori %ge3A_168, %not3A : i1
        %and3A = arith.andi %or3A_167, %not3A_169 : i1
        %convert_element_type3A = arith.extui %and3A : i1 to i32
        %cond3A = arith.constant 0 : i32
        %cond3A_170 = arith.cmpi ne, %convert_element_type3A, %cond3A : i32
        scf.if %cond3A_170 {
          "tpu.trace_start"() <{level = 10 : i32, message = "ep_copy_in"}> : () -> ()
          %rem3A_295 = arith.constant 2 : i32
          %rem3A_296 = arith.remui %scan3A_124, %rem3A_295 : i32
          %add3A_297 = arith.constant 256 : i32
          %add3A_298 = arith.addi %add3A_297, %add3A_151 : i32
          %mul3A_299 = arith.constant 4 : i32
          %mul3A_300 = arith.muli %mul3A_299, %add3A_298 : i32
          %dma_start3A_301 = arith.constant 0 : i32
          %dma_start3A_302 = arith.constant 0 : i32
          %dma_start3A_303 = tpu.memref_slice %run_scoped3A[%rem3A_296, %dma_start3A_301, %dma_start3A_302] : memref<2x4x128xi32, #tpu.memory_space<vmem>> -> memref<1x4x128xi32, #tpu.memory_space<vmem>>
          %dma_start3A_304 = tpu.memref_squeeze %dma_start3A_303 : memref<1x4x128xi32, #tpu.memory_space<vmem>> -> memref<4x128xi32, #tpu.memory_space<vmem>>
          %dma_start3A_305 = arith.constant 0 : i32
          %dma_start3A_306 = tpu.memref_slice %arg3[%mul3A_300, %dma_start3A_305] : memref<4096x128xi32, #tpu.memory_space<hbm>> -> memref<4x128xi32, #tpu.memory_space<hbm>>
          %dma_start3A_307 = tpu.memref_slice %run_scoped3A_7[%rem3A_296] : memref<2x!tpu.dma_semaphore, #tpu.memory_space<semaphore_mem>> -> memref<1x!tpu.dma_semaphore, #tpu.memory_space<semaphore_mem>>
          %dma_start3A_308 = tpu.memref_squeeze %dma_start3A_307 : memref<1x!tpu.dma_semaphore, #tpu.memory_space<semaphore_mem>> -> memref<!tpu.dma_semaphore, #tpu.memory_space<semaphore_mem>>
          %dma_start3A_309 = arith.constant 0 : i32
          %dma_start3A_310 = arith.constant 0 : i32
          %dma_start3A_311 = tpu.memref_slice %run_scoped3A[%rem3A_296, %dma_start3A_309, %dma_start3A_310] : memref<2x4x128xi32, #tpu.memory_space<vmem>> -> memref<1x4x128xi32, #tpu.memory_space<vmem>>
          %dma_start3A_312 = tpu.memref_squeeze %dma_start3A_311 : memref<1x4x128xi32, #tpu.memory_space<vmem>> -> memref<4x128xi32, #tpu.memory_space<vmem>>
          %dma_start3A_313 = arith.constant 0 : i32
          %dma_start3A_314 = tpu.memref_slice %arg3[%mul3A_300, %dma_start3A_313] : memref<4096x128xi32, #tpu.memory_space<hbm>> -> memref<4x128xi32, #tpu.memory_space<hbm>>
          tpu.enqueue_dma source(%dma_start3A_314 : memref<4x128xi32, #tpu.memory_space<hbm>>) target(%dma_start3A_312 : memref<4x128xi32, #tpu.memory_space<vmem>>) target_semaphore(%dma_start3A_308 : memref<!tpu.dma_semaphore, #tpu.memory_space<semaphore_mem>>)
          "tpu.trace_stop"() : () -> ()
        } else {
        }
        %and3A_171 = arith.constant true
        %and3A_172 = arith.andi %and3A, %and3A_171 : i1
        %add3A_173 = arith.constant 1 : i32
        %add3A_174 = arith.addi %scan3A_124, %add3A_173 : i32
        %select_n3A_175 = arith.select %and3A_172, %add3A_174, %scan3A_124 : i32
        %ne3A_176 = arith.cmpi ne, %add3A_133, %add3A_151 : i32
        %or3A_177 = arith.constant false
        %or3A_178 = arith.ori %or3A_177, %ne3A_176 : i1
        %or3A_179 = arith.constant false
        %or3A_180 = arith.ori %or3A_178, %or3A_179 : i1
        %ge3A_181 = arith.constant 7 : i32
        %ge3A_182 = arith.cmpi sge, %scan3A_123, %ge3A_181 : i32
        %not3A_183 = arith.constant true
        %not3A_184 = arith.xori %ge3A_182, %not3A_183 : i1
        %and3A_185 = arith.andi %or3A_180, %not3A_184 : i1
        %add3A_186 = arith.constant 256 : i32
        %add3A_187 = arith.addi %add3A_186, %add3A_133 : i32
        %add3A_188 = arith.constant 256 : i32
        %add3A_189 = arith.addi %add3A_188, %add3A_142 : i32
        %ne3A_190 = arith.cmpi ne, %add3A_187, %add3A_189 : i32
        %or3A_191 = arith.constant false
        %or3A_192 = arith.ori %or3A_191, %ne3A_190 : i1
        %or3A_193 = arith.constant false
        %or3A_194 = arith.ori %or3A_192, %or3A_193 : i1
        %or3A_195 = arith.ori %or3A_194, %eq3A_130 : i1
        %convert_element_type3A_196 = arith.extui %or3A_195 : i1 to i32
        %cond3A_197 = arith.constant 0 : i32
        %cond3A_198 = arith.cmpi ne, %convert_element_type3A_196, %cond3A_197 : i32
        scf.if %cond3A_198 {
          "tpu.trace_start"() <{level = 10 : i32, message = "ep_wait_in"}> : () -> ()
          %add3A_295 = arith.constant 256 : i32
          %add3A_296 = arith.addi %add3A_295, %add3A_133 : i32
          %mul3A_297 = arith.constant 4 : i32
          %mul3A_298 = arith.muli %mul3A_297, %add3A_296 : i32
          %rem3A_299 = arith.constant 2 : i32
          %rem3A_300 = arith.remui %scan3A_125, %rem3A_299 : i32
          %dma_wait3A_301 = arith.constant 0 : i32
          %dma_wait3A_302 = arith.constant 0 : i32
          %dma_wait3A_303 = tpu.memref_slice %run_scoped3A[%rem3A_300, %dma_wait3A_301, %dma_wait3A_302] : memref<2x4x128xi32, #tpu.memory_space<vmem>> -> memref<1x4x128xi32, #tpu.memory_space<vmem>>
          %dma_wait3A_304 = tpu.memref_squeeze %dma_wait3A_303 : memref<1x4x128xi32, #tpu.memory_space<vmem>> -> memref<4x128xi32, #tpu.memory_space<vmem>>
          %dma_wait3A_305 = arith.constant 0 : i32
          %dma_wait3A_306 = tpu.memref_slice %arg3[%mul3A_298, %dma_wait3A_305] : memref<4096x128xi32, #tpu.memory_space<hbm>> -> memref<4x128xi32, #tpu.memory_space<hbm>>
          %dma_wait3A_307 = tpu.memref_slice %run_scoped3A_7[%rem3A_300] : memref<2x!tpu.dma_semaphore, #tpu.memory_space<semaphore_mem>> -> memref<1x!tpu.dma_semaphore, #tpu.memory_space<semaphore_mem>>
          %dma_wait3A_308 = tpu.memref_squeeze %dma_wait3A_307 : memref<1x!tpu.dma_semaphore, #tpu.memory_space<semaphore_mem>> -> memref<!tpu.dma_semaphore, #tpu.memory_space<semaphore_mem>>
          %dma_wait3A_309 = arith.constant 0 : i32
          %dma_wait3A_310 = arith.constant 0 : i32
          %dma_wait3A_311 = tpu.memref_slice %run_scoped3A[%rem3A_300, %dma_wait3A_309, %dma_wait3A_310] : memref<2x4x128xi32, #tpu.memory_space<vmem>> -> memref<1x4x128xi32, #tpu.memory_space<vmem>>
          %dma_wait3A_312 = tpu.memref_squeeze %dma_wait3A_311 : memref<1x4x128xi32, #tpu.memory_space<vmem>> -> memref<4x128xi32, #tpu.memory_space<vmem>>
          %dma_wait3A_313 = arith.constant 0 : i32
          %dma_wait3A_314 = tpu.memref_slice %arg3[%mul3A_298, %dma_wait3A_313] : memref<4096x128xi32, #tpu.memory_space<hbm>> -> memref<4x128xi32, #tpu.memory_space<hbm>>
          tpu.wait_dma2 semaphore(%dma_wait3A_308 : memref<!tpu.dma_semaphore, #tpu.memory_space<semaphore_mem>>) src(%dma_wait3A_314 : memref<4x128xi32, #tpu.memory_space<hbm>>) dst(%dma_wait3A_312 : memref<4x128xi32, #tpu.memory_space<vmem>>)
          "tpu.trace_stop"() : () -> ()
        } else {
        }
        %ne3A_199 = arith.cmpi ne, %add3A_133, %add3A_142 : i32
        %or3A_200 = arith.constant false
        %or3A_201 = arith.ori %or3A_200, %ne3A_199 : i1
        %or3A_202 = arith.constant false
        %or3A_203 = arith.ori %or3A_201, %or3A_202 : i1
        %or3A_204 = arith.ori %or3A_203, %eq3A_130 : i1
        %convert_element_type3A_205 = arith.extui %or3A_204 : i1 to i32
        %cond3A_206 = arith.constant 0 : i32
        %cond3A_207 = arith.cmpi ne, %convert_element_type3A_205, %cond3A_206 : i32
        scf.if %cond3A_207 {
        } else {
        }
        %rem3A_208 = arith.constant 2 : i32
        %rem3A_209 = arith.remui %scan3A_125, %rem3A_208 : i32
        %rem3A_210 = arith.constant 2 : i32
        %rem3A_211 = arith.remui %scan3A_126, %rem3A_210 : i32
        "tpu.trace_start"() <{level = 10 : i32, message = "ep_run_kernel"}> : () -> ()
        "tpu.region"() ({
          %run_scoped3A_295 = tpu.sem_alloc : memref<!tpu.dma_semaphore, #tpu.memory_space<semaphore_mem>>
          %dma_start3A_296 = arith.constant 0 : i32
          %dma_start3A_297 = arith.constant 0 : i32
          %dma_start3A_298 = arith.constant 0 : i32
          %dma_start3A_299 = tpu.memref_slice %run_scoped3A_8[%rem3A_211, %dma_start3A_297, %dma_start3A_298] : memref<2x512x16xf32, #tpu.memory_space<vmem>> -> memref<1x512x16xf32, #tpu.memory_space<vmem>>
          %dma_start3A_300 = tpu.memref_squeeze %dma_start3A_299 : memref<1x512x16xf32, #tpu.memory_space<vmem>> -> memref<512x16xf32, #tpu.memory_space<vmem>>
          %dma_start3A_301 = arith.constant 0 : i32
          %dma_start3A_302 = arith.constant 0 : i32
          %dma_start3A_303 = tpu.memref_slice %dma_start3A_300[%dma_start3A_301, %dma_start3A_302] : memref<512x16xf32, #tpu.memory_space<vmem>> -> memref<128x16xf32, #tpu.memory_space<vmem>>
          %dma_start3A_304 = arith.constant 0 : i32
          %dma_start3A_305 = arith.constant 0 : i32
          %dma_start3A_306 = tpu.memref_slice %run_scoped3A[%rem3A_209, %dma_start3A_304, %dma_start3A_305] : memref<2x4x128xi32, #tpu.memory_space<vmem>> -> memref<1x4x128xi32, #tpu.memory_space<vmem>>
          %dma_start3A_307 = tpu.memref_squeeze %dma_start3A_306 : memref<1x4x128xi32, #tpu.memory_space<vmem>> -> memref<4x128xi32, #tpu.memory_space<vmem>>
          %dma_start3A_308 = arith.constant 0 : i32
          %dma_start3A_309 = tpu.memref_slice %dma_start3A_307[%dma_start3A_296, %dma_start3A_308] : memref<4x128xi32, #tpu.memory_space<vmem>> -> memref<1x128xi32, #tpu.memory_space<vmem>>
          %dma_start3A_310 = tpu.memref_squeeze %dma_start3A_309 : memref<1x128xi32, #tpu.memory_space<vmem>> -> memref<128xi32, #tpu.memory_space<vmem>>
          %dma_start3A_311 = arith.constant 0 : i32
          %dma_start3A_312 = arith.constant 0 : i32
          %dma_start3A_313 = tpu.memref_slice %arg2[%dma_start3A_311, %dma_start3A_312] : memref<800000x16xf32, #tpu.memory_space<hbm>> -> memref<800000x16xf32, #tpu.memory_space<hbm>>
          tpu.enqueue_indirect_dma source(%dma_start3A_313 : memref<800000x16xf32, #tpu.memory_space<hbm>>) target(%dma_start3A_303 : memref<128x16xf32, #tpu.memory_space<vmem>>) offsets(%dma_start3A_310 : memref<128xi32, #tpu.memory_space<vmem>>) semaphore(%run_scoped3A_295 : memref<!tpu.dma_semaphore, #tpu.memory_space<semaphore_mem>>)
          %dma_start3A_314 = arith.constant 1 : i32
          %dma_start3A_315 = arith.constant 0 : i32
          %dma_start3A_316 = arith.constant 0 : i32
          %dma_start3A_317 = tpu.memref_slice %run_scoped3A_8[%rem3A_211, %dma_start3A_315, %dma_start3A_316] : memref<2x512x16xf32, #tpu.memory_space<vmem>> -> memref<1x512x16xf32, #tpu.memory_space<vmem>>
          %dma_start3A_318 = tpu.memref_squeeze %dma_start3A_317 : memref<1x512x16xf32, #tpu.memory_space<vmem>> -> memref<512x16xf32, #tpu.memory_space<vmem>>
          %dma_start3A_319 = arith.constant 128 : i32
          %dma_start3A_320 = arith.constant 0 : i32
          %dma_start3A_321 = tpu.memref_slice %dma_start3A_318[%dma_start3A_319, %dma_start3A_320] : memref<512x16xf32, #tpu.memory_space<vmem>> -> memref<128x16xf32, #tpu.memory_space<vmem>>
          %dma_start3A_322 = arith.constant 0 : i32
          %dma_start3A_323 = arith.constant 0 : i32
          %dma_start3A_324 = tpu.memref_slice %run_scoped3A[%rem3A_209, %dma_start3A_322, %dma_start3A_323] : memref<2x4x128xi32, #tpu.memory_space<vmem>> -> memref<1x4x128xi32, #tpu.memory_space<vmem>>
          %dma_start3A_325 = tpu.memref_squeeze %dma_start3A_324 : memref<1x4x128xi32, #tpu.memory_space<vmem>> -> memref<4x128xi32, #tpu.memory_space<vmem>>
          %dma_start3A_326 = arith.constant 0 : i32
          %dma_start3A_327 = tpu.memref_slice %dma_start3A_325[%dma_start3A_314, %dma_start3A_326] : memref<4x128xi32, #tpu.memory_space<vmem>> -> memref<1x128xi32, #tpu.memory_space<vmem>>
          %dma_start3A_328 = tpu.memref_squeeze %dma_start3A_327 : memref<1x128xi32, #tpu.memory_space<vmem>> -> memref<128xi32, #tpu.memory_space<vmem>>
          %dma_start3A_329 = arith.constant 0 : i32
          %dma_start3A_330 = arith.constant 0 : i32
          %dma_start3A_331 = tpu.memref_slice %arg2[%dma_start3A_329, %dma_start3A_330] : memref<800000x16xf32, #tpu.memory_space<hbm>> -> memref<800000x16xf32, #tpu.memory_space<hbm>>
          tpu.enqueue_indirect_dma source(%dma_start3A_331 : memref<800000x16xf32, #tpu.memory_space<hbm>>) target(%dma_start3A_321 : memref<128x16xf32, #tpu.memory_space<vmem>>) offsets(%dma_start3A_328 : memref<128xi32, #tpu.memory_space<vmem>>) semaphore(%run_scoped3A_295 : memref<!tpu.dma_semaphore, #tpu.memory_space<semaphore_mem>>)
          %dma_start3A_332 = arith.constant 2 : i32
          %dma_start3A_333 = arith.constant 0 : i32
          %dma_start3A_334 = arith.constant 0 : i32
          %dma_start3A_335 = tpu.memref_slice %run_scoped3A_8[%rem3A_211, %dma_start3A_333, %dma_start3A_334] : memref<2x512x16xf32, #tpu.memory_space<vmem>> -> memref<1x512x16xf32, #tpu.memory_space<vmem>>
          %dma_start3A_336 = tpu.memref_squeeze %dma_start3A_335 : memref<1x512x16xf32, #tpu.memory_space<vmem>> -> memref<512x16xf32, #tpu.memory_space<vmem>>
          %dma_start3A_337 = arith.constant 256 : i32
          %dma_start3A_338 = arith.constant 0 : i32
          %dma_start3A_339 = tpu.memref_slice %dma_start3A_336[%dma_start3A_337, %dma_start3A_338] : memref<512x16xf32, #tpu.memory_space<vmem>> -> memref<128x16xf32, #tpu.memory_space<vmem>>
          %dma_start3A_340 = arith.constant 0 : i32
          %dma_start3A_341 = arith.constant 0 : i32
          %dma_start3A_342 = tpu.memref_slice %run_scoped3A[%rem3A_209, %dma_start3A_340, %dma_start3A_341] : memref<2x4x128xi32, #tpu.memory_space<vmem>> -> memref<1x4x128xi32, #tpu.memory_space<vmem>>
          %dma_start3A_343 = tpu.memref_squeeze %dma_start3A_342 : memref<1x4x128xi32, #tpu.memory_space<vmem>> -> memref<4x128xi32, #tpu.memory_space<vmem>>
          %dma_start3A_344 = arith.constant 0 : i32
          %dma_start3A_345 = tpu.memref_slice %dma_start3A_343[%dma_start3A_332, %dma_start3A_344] : memref<4x128xi32, #tpu.memory_space<vmem>> -> memref<1x128xi32, #tpu.memory_space<vmem>>
          %dma_start3A_346 = tpu.memref_squeeze %dma_start3A_345 : memref<1x128xi32, #tpu.memory_space<vmem>> -> memref<128xi32, #tpu.memory_space<vmem>>
          %dma_start3A_347 = arith.constant 0 : i32
          %dma_start3A_348 = arith.constant 0 : i32
          %dma_start3A_349 = tpu.memref_slice %arg2[%dma_start3A_347, %dma_start3A_348] : memref<800000x16xf32, #tpu.memory_space<hbm>> -> memref<800000x16xf32, #tpu.memory_space<hbm>>
          tpu.enqueue_indirect_dma source(%dma_start3A_349 : memref<800000x16xf32, #tpu.memory_space<hbm>>) target(%dma_start3A_339 : memref<128x16xf32, #tpu.memory_space<vmem>>) offsets(%dma_start3A_346 : memref<128xi32, #tpu.memory_space<vmem>>) semaphore(%run_scoped3A_295 : memref<!tpu.dma_semaphore, #tpu.memory_space<semaphore_mem>>)
          %dma_start3A_350 = arith.constant 3 : i32
          %dma_start3A_351 = arith.constant 0 : i32
          %dma_start3A_352 = arith.constant 0 : i32
          %dma_start3A_353 = tpu.memref_slice %run_scoped3A_8[%rem3A_211, %dma_start3A_351, %dma_start3A_352] : memref<2x512x16xf32, #tpu.memory_space<vmem>> -> memref<1x512x16xf32, #tpu.memory_space<vmem>>
          %dma_start3A_354 = tpu.memref_squeeze %dma_start3A_353 : memref<1x512x16xf32, #tpu.memory_space<vmem>> -> memref<512x16xf32, #tpu.memory_space<vmem>>
          %dma_start3A_355 = arith.constant 384 : i32
          %dma_start3A_356 = arith.constant 0 : i32
          %dma_start3A_357 = tpu.memref_slice %dma_start3A_354[%dma_start3A_355, %dma_start3A_356] : memref<512x16xf32, #tpu.memory_space<vmem>> -> memref<128x16xf32, #tpu.memory_space<vmem>>
          %dma_start3A_358 = arith.constant 0 : i32
          %dma_start3A_359 = arith.constant 0 : i32
          %dma_start3A_360 = tpu.memref_slice %run_scoped3A[%rem3A_209, %dma_start3A_358, %dma_start3A_359] : memref<2x4x128xi32, #tpu.memory_space<vmem>> -> memref<1x4x128xi32, #tpu.memory_space<vmem>>
          %dma_start3A_361 = tpu.memref_squeeze %dma_start3A_360 : memref<1x4x128xi32, #tpu.memory_space<vmem>> -> memref<4x128xi32, #tpu.memory_space<vmem>>
          %dma_start3A_362 = arith.constant 0 : i32
          %dma_start3A_363 = tpu.memref_slice %dma_start3A_361[%dma_start3A_350, %dma_start3A_362] : memref<4x128xi32, #tpu.memory_space<vmem>> -> memref<1x128xi32, #tpu.memory_space<vmem>>
          %dma_start3A_364 = tpu.memref_squeeze %dma_start3A_363 : memref<1x128xi32, #tpu.memory_space<vmem>> -> memref<128xi32, #tpu.memory_space<vmem>>
          %dma_start3A_365 = arith.constant 0 : i32
          %dma_start3A_366 = arith.constant 0 : i32
          %dma_start3A_367 = tpu.memref_slice %arg2[%dma_start3A_365, %dma_start3A_366] : memref<800000x16xf32, #tpu.memory_space<hbm>> -> memref<800000x16xf32, #tpu.memory_space<hbm>>
          tpu.enqueue_indirect_dma source(%dma_start3A_367 : memref<800000x16xf32, #tpu.memory_space<hbm>>) target(%dma_start3A_357 : memref<128x16xf32, #tpu.memory_space<vmem>>) offsets(%dma_start3A_364 : memref<128xi32, #tpu.memory_space<vmem>>) semaphore(%run_scoped3A_295 : memref<!tpu.dma_semaphore, #tpu.memory_space<semaphore_mem>>)
          %dma_wait3A_368 = arith.constant 0 : i32
          %dma_wait3A_369 = arith.constant 0 : i32
          %dma_wait3A_370 = arith.constant 0 : i32
          %dma_wait3A_371 = tpu.memref_slice %run_scoped3A_8[%rem3A_211, %dma_wait3A_369, %dma_wait3A_370] : memref<2x512x16xf32, #tpu.memory_space<vmem>> -> memref<1x512x16xf32, #tpu.memory_space<vmem>>
          %dma_wait3A_372 = tpu.memref_squeeze %dma_wait3A_371 : memref<1x512x16xf32, #tpu.memory_space<vmem>> -> memref<512x16xf32, #tpu.memory_space<vmem>>
          %dma_wait3A_373 = arith.constant 0 : i32
          %dma_wait3A_374 = arith.constant 0 : i32
          %dma_wait3A_375 = tpu.memref_slice %dma_wait3A_372[%dma_wait3A_373, %dma_wait3A_374] : memref<512x16xf32, #tpu.memory_space<vmem>> -> memref<128x16xf32, #tpu.memory_space<vmem>>
          %dma_wait3A_376 = arith.constant 0 : i32
          %dma_wait3A_377 = arith.constant 0 : i32
          %dma_wait3A_378 = tpu.memref_slice %run_scoped3A[%rem3A_209, %dma_wait3A_376, %dma_wait3A_377] : memref<2x4x128xi32, #tpu.memory_space<vmem>> -> memref<1x4x128xi32, #tpu.memory_space<vmem>>
          %dma_wait3A_379 = tpu.memref_squeeze %dma_wait3A_378 : memref<1x4x128xi32, #tpu.memory_space<vmem>> -> memref<4x128xi32, #tpu.memory_space<vmem>>
          %dma_wait3A_380 = arith.constant 0 : i32
          %dma_wait3A_381 = tpu.memref_slice %dma_wait3A_379[%dma_wait3A_368, %dma_wait3A_380] : memref<4x128xi32, #tpu.memory_space<vmem>> -> memref<1x128xi32, #tpu.memory_space<vmem>>
          %dma_wait3A_382 = tpu.memref_squeeze %dma_wait3A_381 : memref<1x128xi32, #tpu.memory_space<vmem>> -> memref<128xi32, #tpu.memory_space<vmem>>
          %dma_wait3A_383 = arith.constant 0 : i32
          %dma_wait3A_384 = arith.constant 0 : i32
          %dma_wait3A_385 = tpu.memref_slice %arg2[%dma_wait3A_383, %dma_wait3A_384] : memref<800000x16xf32, #tpu.memory_space<hbm>> -> memref<800000x16xf32, #tpu.memory_space<hbm>>
          tpu.wait_indirect_dma semaphore(%run_scoped3A_295 : memref<!tpu.dma_semaphore, #tpu.memory_space<semaphore_mem>>) src(%dma_wait3A_385 : memref<800000x16xf32, #tpu.memory_space<hbm>>) dst(%dma_wait3A_375 : memref<128x16xf32, #tpu.memory_space<vmem>>)
          %dma_wait3A_386 = arith.constant 1 : i32
          %dma_wait3A_387 = arith.constant 0 : i32
          %dma_wait3A_388 = arith.constant 0 : i32
          %dma_wait3A_389 = tpu.memref_slice %run_scoped3A_8[%rem3A_211, %dma_wait3A_387, %dma_wait3A_388] : memref<2x512x16xf32, #tpu.memory_space<vmem>> -> memref<1x512x16xf32, #tpu.memory_space<vmem>>
          %dma_wait3A_390 = tpu.memref_squeeze %dma_wait3A_389 : memref<1x512x16xf32, #tpu.memory_space<vmem>> -> memref<512x16xf32, #tpu.memory_space<vmem>>
          %dma_wait3A_391 = arith.constant 128 : i32
          %dma_wait3A_392 = arith.constant 0 : i32
          %dma_wait3A_393 = tpu.memref_slice %dma_wait3A_390[%dma_wait3A_391, %dma_wait3A_392] : memref<512x16xf32, #tpu.memory_space<vmem>> -> memref<128x16xf32, #tpu.memory_space<vmem>>
          %dma_wait3A_394 = arith.constant 0 : i32
          %dma_wait3A_395 = arith.constant 0 : i32
          %dma_wait3A_396 = tpu.memref_slice %run_scoped3A[%rem3A_209, %dma_wait3A_394, %dma_wait3A_395] : memref<2x4x128xi32, #tpu.memory_space<vmem>> -> memref<1x4x128xi32, #tpu.memory_space<vmem>>
          %dma_wait3A_397 = tpu.memref_squeeze %dma_wait3A_396 : memref<1x4x128xi32, #tpu.memory_space<vmem>> -> memref<4x128xi32, #tpu.memory_space<vmem>>
          %dma_wait3A_398 = arith.constant 0 : i32
          %dma_wait3A_399 = tpu.memref_slice %dma_wait3A_397[%dma_wait3A_386, %dma_wait3A_398] : memref<4x128xi32, #tpu.memory_space<vmem>> -> memref<1x128xi32, #tpu.memory_space<vmem>>
          %dma_wait3A_400 = tpu.memref_squeeze %dma_wait3A_399 : memref<1x128xi32, #tpu.memory_space<vmem>> -> memref<128xi32, #tpu.memory_space<vmem>>
          %dma_wait3A_401 = arith.constant 0 : i32
          %dma_wait3A_402 = arith.constant 0 : i32
          %dma_wait3A_403 = tpu.memref_slice %arg2[%dma_wait3A_401, %dma_wait3A_402] : memref<800000x16xf32, #tpu.memory_space<hbm>> -> memref<800000x16xf32, #tpu.memory_space<hbm>>
          tpu.wait_indirect_dma semaphore(%run_scoped3A_295 : memref<!tpu.dma_semaphore, #tpu.memory_space<semaphore_mem>>) src(%dma_wait3A_403 : memref<800000x16xf32, #tpu.memory_space<hbm>>) dst(%dma_wait3A_393 : memref<128x16xf32, #tpu.memory_space<vmem>>)
          %dma_wait3A_404 = arith.constant 2 : i32
          %dma_wait3A_405 = arith.constant 0 : i32
          %dma_wait3A_406 = arith.constant 0 : i32
          %dma_wait3A_407 = tpu.memref_slice %run_scoped3A_8[%rem3A_211, %dma_wait3A_405, %dma_wait3A_406] : memref<2x512x16xf32, #tpu.memory_space<vmem>> -> memref<1x512x16xf32, #tpu.memory_space<vmem>>
          %dma_wait3A_408 = tpu.memref_squeeze %dma_wait3A_407 : memref<1x512x16xf32, #tpu.memory_space<vmem>> -> memref<512x16xf32, #tpu.memory_space<vmem>>
          %dma_wait3A_409 = arith.constant 256 : i32
          %dma_wait3A_410 = arith.constant 0 : i32
          %dma_wait3A_411 = tpu.memref_slice %dma_wait3A_408[%dma_wait3A_409, %dma_wait3A_410] : memref<512x16xf32, #tpu.memory_space<vmem>> -> memref<128x16xf32, #tpu.memory_space<vmem>>
          %dma_wait3A_412 = arith.constant 0 : i32
          %dma_wait3A_413 = arith.constant 0 : i32
          %dma_wait3A_414 = tpu.memref_slice %run_scoped3A[%rem3A_209, %dma_wait3A_412, %dma_wait3A_413] : memref<2x4x128xi32, #tpu.memory_space<vmem>> -> memref<1x4x128xi32, #tpu.memory_space<vmem>>
          %dma_wait3A_415 = tpu.memref_squeeze %dma_wait3A_414 : memref<1x4x128xi32, #tpu.memory_space<vmem>> -> memref<4x128xi32, #tpu.memory_space<vmem>>
          %dma_wait3A_416 = arith.constant 0 : i32
          %dma_wait3A_417 = tpu.memref_slice %dma_wait3A_415[%dma_wait3A_404, %dma_wait3A_416] : memref<4x128xi32, #tpu.memory_space<vmem>> -> memref<1x128xi32, #tpu.memory_space<vmem>>
          %dma_wait3A_418 = tpu.memref_squeeze %dma_wait3A_417 : memref<1x128xi32, #tpu.memory_space<vmem>> -> memref<128xi32, #tpu.memory_space<vmem>>
          %dma_wait3A_419 = arith.constant 0 : i32
          %dma_wait3A_420 = arith.constant 0 : i32
          %dma_wait3A_421 = tpu.memref_slice %arg2[%dma_wait3A_419, %dma_wait3A_420] : memref<800000x16xf32, #tpu.memory_space<hbm>> -> memref<800000x16xf32, #tpu.memory_space<hbm>>
          tpu.wait_indirect_dma semaphore(%run_scoped3A_295 : memref<!tpu.dma_semaphore, #tpu.memory_space<semaphore_mem>>) src(%dma_wait3A_421 : memref<800000x16xf32, #tpu.memory_space<hbm>>) dst(%dma_wait3A_411 : memref<128x16xf32, #tpu.memory_space<vmem>>)
          %dma_wait3A_422 = arith.constant 3 : i32
          %dma_wait3A_423 = arith.constant 0 : i32
          %dma_wait3A_424 = arith.constant 0 : i32
          %dma_wait3A_425 = tpu.memref_slice %run_scoped3A_8[%rem3A_211, %dma_wait3A_423, %dma_wait3A_424] : memref<2x512x16xf32, #tpu.memory_space<vmem>> -> memref<1x512x16xf32, #tpu.memory_space<vmem>>
          %dma_wait3A_426 = tpu.memref_squeeze %dma_wait3A_425 : memref<1x512x16xf32, #tpu.memory_space<vmem>> -> memref<512x16xf32, #tpu.memory_space<vmem>>
          %dma_wait3A_427 = arith.constant 384 : i32
          %dma_wait3A_428 = arith.constant 0 : i32
          %dma_wait3A_429 = tpu.memref_slice %dma_wait3A_426[%dma_wait3A_427, %dma_wait3A_428] : memref<512x16xf32, #tpu.memory_space<vmem>> -> memref<128x16xf32, #tpu.memory_space<vmem>>
          %dma_wait3A_430 = arith.constant 0 : i32
          %dma_wait3A_431 = arith.constant 0 : i32
          %dma_wait3A_432 = tpu.memref_slice %run_scoped3A[%rem3A_209, %dma_wait3A_430, %dma_wait3A_431] : memref<2x4x128xi32, #tpu.memory_space<vmem>> -> memref<1x4x128xi32, #tpu.memory_space<vmem>>
          %dma_wait3A_433 = tpu.memref_squeeze %dma_wait3A_432 : memref<1x4x128xi32, #tpu.memory_space<vmem>> -> memref<4x128xi32, #tpu.memory_space<vmem>>
          %dma_wait3A_434 = arith.constant 0 : i32
          %dma_wait3A_435 = tpu.memref_slice %dma_wait3A_433[%dma_wait3A_422, %dma_wait3A_434] : memref<4x128xi32, #tpu.memory_space<vmem>> -> memref<1x128xi32, #tpu.memory_space<vmem>>
          %dma_wait3A_436 = tpu.memref_squeeze %dma_wait3A_435 : memref<1x128xi32, #tpu.memory_space<vmem>> -> memref<128xi32, #tpu.memory_space<vmem>>
          %dma_wait3A_437 = arith.constant 0 : i32
          %dma_wait3A_438 = arith.constant 0 : i32
          %dma_wait3A_439 = tpu.memref_slice %arg2[%dma_wait3A_437, %dma_wait3A_438] : memref<800000x16xf32, #tpu.memory_space<hbm>> -> memref<800000x16xf32, #tpu.memory_space<hbm>>
          tpu.wait_indirect_dma semaphore(%run_scoped3A_295 : memref<!tpu.dma_semaphore, #tpu.memory_space<semaphore_mem>>) src(%dma_wait3A_439 : memref<800000x16xf32, #tpu.memory_space<hbm>>) dst(%dma_wait3A_429 : memref<128x16xf32, #tpu.memory_space<vmem>>)
          tpu.yield
        }) : () -> ()
        "tpu.trace_stop"() : () -> ()
        %add3A_212 = arith.constant 256 : i32
        %add3A_213 = arith.addi %add3A_212, %add3A_133 : i32
        %add3A_214 = arith.constant 256 : i32
        %add3A_215 = arith.addi %add3A_214, %add3A_151 : i32
        %ne3A_216 = arith.cmpi ne, %add3A_213, %add3A_215 : i32
        %or3A_217 = arith.constant false
        %or3A_218 = arith.ori %or3A_217, %ne3A_216 : i1
        %or3A_219 = arith.constant false
        %or3A_220 = arith.ori %or3A_218, %or3A_219 : i1
        %or3A_221 = arith.ori %or3A_220, %eq3A_132 : i1
        %convert_element_type3A_222 = arith.extui %or3A_221 : i1 to i32
        %cond3A_223 = arith.constant 0 : i32
        %cond3A_224 = arith.cmpi ne, %convert_element_type3A_222, %cond3A_223 : i32
        scf.if %cond3A_224 {
        } else {
        }
        %and3A_225 = arith.constant false
        %and3A_226 = arith.andi %or3A_221, %and3A_225 : i1
        %ne3A_227 = arith.cmpi ne, %add3A_133, %add3A_151 : i32
        %or3A_228 = arith.constant false
        %or3A_229 = arith.ori %or3A_228, %ne3A_227 : i1
        %or3A_230 = arith.constant false
        %or3A_231 = arith.ori %or3A_229, %or3A_230 : i1
        %or3A_232 = arith.ori %or3A_231, %eq3A_132 : i1
        %convert_element_type3A_233 = arith.extui %or3A_232 : i1 to i32
        %cond3A_234 = arith.constant 0 : i32
        %cond3A_235 = arith.cmpi ne, %convert_element_type3A_233, %cond3A_234 : i32
        scf.if %cond3A_235 {
          "tpu.trace_start"() <{level = 10 : i32, message = "ep_copy_out"}> : () -> ()
          %rem3A_295 = arith.constant 2 : i32
          %rem3A_296 = arith.remui %scan3A_126, %rem3A_295 : i32
          %mul3A_297 = arith.constant 512 : i32
          %mul3A_298 = arith.muli %mul3A_297, %add3A_133 : i32
          %dma_start3A_299 = arith.constant 0 : i32
          %dma_start3A_300 = arith.constant 0 : i32
          %dma_start3A_301 = tpu.memref_slice %run_scoped3A_8[%rem3A_296, %dma_start3A_299, %dma_start3A_300] : memref<2x512x16xf32, #tpu.memory_space<vmem>> -> memref<1x512x16xf32, #tpu.memory_space<vmem>>
          %dma_start3A_302 = tpu.memref_squeeze %dma_start3A_301 : memref<1x512x16xf32, #tpu.memory_space<vmem>> -> memref<512x16xf32, #tpu.memory_space<vmem>>
          %dma_start3A_303 = arith.constant 0 : i32
          %dma_start3A_304 = tpu.memref_slice %arg4[%mul3A_298, %dma_start3A_303] : memref<131072x16xf32, #tpu.memory_space<hbm>> -> memref<512x16xf32, #tpu.memory_space<hbm>>
          %dma_start3A_305 = tpu.memref_slice %run_scoped3A_9[%rem3A_296] : memref<2x!tpu.dma_semaphore, #tpu.memory_space<semaphore_mem>> -> memref<1x!tpu.dma_semaphore, #tpu.memory_space<semaphore_mem>>
          %dma_start3A_306 = tpu.memref_squeeze %dma_start3A_305 : memref<1x!tpu.dma_semaphore, #tpu.memory_space<semaphore_mem>> -> memref<!tpu.dma_semaphore, #tpu.memory_space<semaphore_mem>>
          %dma_start3A_307 = arith.constant 0 : i32
          %dma_start3A_308 = tpu.memref_slice %arg4[%mul3A_298, %dma_start3A_307] : memref<131072x16xf32, #tpu.memory_space<hbm>> -> memref<512x16xf32, #tpu.memory_space<hbm>>
          %dma_start3A_309 = arith.constant 0 : i32
          %dma_start3A_310 = arith.constant 0 : i32
          %dma_start3A_311 = tpu.memref_slice %run_scoped3A_8[%rem3A_296, %dma_start3A_309, %dma_start3A_310] : memref<2x512x16xf32, #tpu.memory_space<vmem>> -> memref<1x512x16xf32, #tpu.memory_space<vmem>>
          %dma_start3A_312 = tpu.memref_squeeze %dma_start3A_311 : memref<1x512x16xf32, #tpu.memory_space<vmem>> -> memref<512x16xf32, #tpu.memory_space<vmem>>
          tpu.enqueue_dma source(%dma_start3A_312 : memref<512x16xf32, #tpu.memory_space<vmem>>) target(%dma_start3A_308 : memref<512x16xf32, #tpu.memory_space<hbm>>) target_semaphore(%dma_start3A_306 : memref<!tpu.dma_semaphore, #tpu.memory_space<semaphore_mem>>)
          "tpu.trace_stop"() : () -> ()
        } else {
        }
        %and3A_236 = arith.constant true
        %and3A_237 = arith.andi %or3A_232, %and3A_236 : i1
        %add3A_238 = arith.constant 1 : i32
        %add3A_239 = arith.addi %scan3A_126, %add3A_238 : i32
        %select_n3A_240 = arith.select %and3A_237, %add3A_239, %scan3A_126 : i32
        %add3A_241 = arith.constant 256 : i32
        %add3A_242 = arith.addi %add3A_241, %add3A_133 : i32
        %add3A_243 = arith.constant 256 : i32
        %add3A_244 = arith.addi %add3A_243, %add3A_142 : i32
        %ne3A_245 = arith.cmpi ne, %add3A_242, %add3A_244 : i32
        %or3A_246 = arith.constant false
        %or3A_247 = arith.ori %or3A_246, %ne3A_245 : i1
        %or3A_248 = arith.constant false
        %or3A_249 = arith.ori %or3A_247, %or3A_248 : i1
        %not3A_250 = arith.constant true
        %not3A_251 = arith.xori %eq3A_130, %not3A_250 : i1
        %and3A_252 = arith.andi %or3A_249, %not3A_251 : i1
        %convert_element_type3A_253 = arith.extui %and3A_252 : i1 to i32
        %cond3A_254 = arith.constant 0 : i32
        %cond3A_255 = arith.cmpi ne, %convert_element_type3A_253, %cond3A_254 : i32
        scf.if %cond3A_255 {
        } else {
        }
        %and3A_256 = arith.constant false
        %and3A_257 = arith.andi %and3A_252, %and3A_256 : i1
        %ne3A_258 = arith.cmpi ne, %add3A_133, %add3A_142 : i32
        %or3A_259 = arith.constant false
        %or3A_260 = arith.ori %or3A_259, %ne3A_258 : i1
        %or3A_261 = arith.constant false
        %or3A_262 = arith.ori %or3A_260, %or3A_261 : i1
        %not3A_263 = arith.constant true
        %not3A_264 = arith.xori %eq3A_130, %not3A_263 : i1
        %and3A_265 = arith.andi %or3A_262, %not3A_264 : i1
        %convert_element_type3A_266 = arith.extui %and3A_265 : i1 to i32
        %cond3A_267 = arith.constant 0 : i32
        %cond3A_268 = arith.cmpi ne, %convert_element_type3A_266, %cond3A_267 : i32
        scf.if %cond3A_268 {
          "tpu.trace_start"() <{level = 10 : i32, message = "ep_wait_out"}> : () -> ()
          %rem3A_295 = arith.constant 2 : i32
          %rem3A_296 = arith.remui %scan3A_127, %rem3A_295 : i32
          %mul3A_297 = arith.constant 512 : i32
          %mul3A_298 = arith.muli %mul3A_297, %add3A_142 : i32
          %dma_wait3A_299 = arith.constant 0 : i32
          %dma_wait3A_300 = arith.constant 0 : i32
          %dma_wait3A_301 = tpu.memref_slice %run_scoped3A_8[%rem3A_296, %dma_wait3A_299, %dma_wait3A_300] : memref<2x512x16xf32, #tpu.memory_space<vmem>> -> memref<1x512x16xf32, #tpu.memory_space<vmem>>
          %dma_wait3A_302 = tpu.memref_squeeze %dma_wait3A_301 : memref<1x512x16xf32, #tpu.memory_space<vmem>> -> memref<512x16xf32, #tpu.memory_space<vmem>>
          %dma_wait3A_303 = arith.constant 0 : i32
          %dma_wait3A_304 = tpu.memref_slice %arg4[%mul3A_298, %dma_wait3A_303] : memref<131072x16xf32, #tpu.memory_space<hbm>> -> memref<512x16xf32, #tpu.memory_space<hbm>>
          %dma_wait3A_305 = tpu.memref_slice %run_scoped3A_9[%rem3A_296] : memref<2x!tpu.dma_semaphore, #tpu.memory_space<semaphore_mem>> -> memref<1x!tpu.dma_semaphore, #tpu.memory_space<semaphore_mem>>
          %dma_wait3A_306 = tpu.memref_squeeze %dma_wait3A_305 : memref<1x!tpu.dma_semaphore, #tpu.memory_space<semaphore_mem>> -> memref<!tpu.dma_semaphore, #tpu.memory_space<semaphore_mem>>
          %dma_wait3A_307 = arith.constant 0 : i32
          %dma_wait3A_308 = tpu.memref_slice %arg4[%mul3A_298, %dma_wait3A_307] : memref<131072x16xf32, #tpu.memory_space<hbm>> -> memref<512x16xf32, #tpu.memory_space<hbm>>
          %dma_wait3A_309 = arith.constant 0 : i32
          %dma_wait3A_310 = arith.constant 0 : i32
          %dma_wait3A_311 = tpu.memref_slice %run_scoped3A_8[%rem3A_296, %dma_wait3A_309, %dma_wait3A_310] : memref<2x512x16xf32, #tpu.memory_space<vmem>> -> memref<1x512x16xf32, #tpu.memory_space<vmem>>
          %dma_wait3A_312 = tpu.memref_squeeze %dma_wait3A_311 : memref<1x512x16xf32, #tpu.memory_space<vmem>> -> memref<512x16xf32, #tpu.memory_space<vmem>>
          tpu.wait_dma2 semaphore(%dma_wait3A_306 : memref<!tpu.dma_semaphore, #tpu.memory_space<semaphore_mem>>) src(%dma_wait3A_312 : memref<512x16xf32, #tpu.memory_space<vmem>>) dst(%dma_wait3A_308 : memref<512x16xf32, #tpu.memory_space<hbm>>)
          "tpu.trace_stop"() : () -> ()
        } else {
        }
        %and3A_269 = arith.constant true
        %and3A_270 = arith.andi %and3A_265, %and3A_269 : i1
        %add3A_271 = arith.constant 1 : i32
        %add3A_272 = arith.addi %scan3A_127, %add3A_271 : i32
        %select_n3A_273 = arith.select %and3A_270, %add3A_272, %scan3A_127 : i32
        %add3A_274 = arith.constant 256 : i32
        %add3A_275 = arith.addi %add3A_274, %add3A_133 : i32
        %add3A_276 = arith.constant 256 : i32
        %add3A_277 = arith.addi %add3A_276, %add3A_151 : i32
        %ne3A_278 = arith.cmpi ne, %add3A_275, %add3A_277 : i32
        %or3A_279 = arith.constant false
        %or3A_280 = arith.ori %or3A_279, %ne3A_278 : i1
        %or3A_281 = arith.constant false
        %or3A_282 = arith.ori %or3A_280, %or3A_281 : i1
        %or3A_283 = arith.ori %or3A_282, %eq3A_132 : i1
        %add3A_284 = arith.constant 1 : i32
        %add3A_285 = arith.addi %scan3A_125, %add3A_284 : i32
        %select_n3A_286 = arith.select %or3A_283, %add3A_285, %scan3A_125 : i32
        %add3A_287 = arith.constant 1 : i32
        %add3A_288 = arith.addi %scan3A_128, %add3A_287 : i32
        %select_n3A_289 = arith.constant true
        %select_n3A_290 = arith.select %select_n3A_289, %add3A_288, %scan3A_128 : i32
        %eq3A_291 = arith.constant 8 : i32
        %eq3A_292 = arith.cmpi eq, %select_n3A_290, %eq3A_291 : i32
        %select_n3A_293 = arith.constant 0 : i32
        %select_n3A_294 = arith.select %eq3A_292, %select_n3A_293, %select_n3A_290 : i32
        scf.yield %select_n3A_175, %select_n3A_286, %select_n3A_240, %select_n3A_273, %select_n3A_294 : i32, i32, i32, i32, i32
      }
      %scan3A_70 = arith.constant 8 : i32
      %sub3A = arith.constant 1 : i32
      %sub3A_71 = arith.subi %scan3A_69#4, %sub3A : i32
      %select_n3A_72 = arith.constant true
      %select_n3A_73 = arith.select %select_n3A_72, %sub3A_71, %scan3A_69#4 : i32
      %eq3A_74 = arith.constant -1 : i32
      %eq3A_75 = arith.cmpi eq, %select_n3A_73, %eq3A_74 : i32
      %select_n3A_76 = arith.constant 7 : i32
      %select_n3A_77 = arith.select %eq3A_75, %select_n3A_76, %select_n3A_73 : i32
      %add3A_78 = arith.addi %select_n3A_77, %mul3A_6 : i32
      %sub3A_79 = arith.constant 1 : i32
      %sub3A_80 = arith.subi %select_n3A_77, %sub3A_79 : i32
      %select_n3A_81 = arith.constant true
      %select_n3A_82 = arith.select %select_n3A_81, %sub3A_80, %select_n3A_77 : i32
      %eq3A_83 = arith.constant -1 : i32
      %eq3A_84 = arith.cmpi eq, %select_n3A_82, %eq3A_83 : i32
      %select_n3A_85 = arith.constant 7 : i32
      %select_n3A_86 = arith.select %eq3A_84, %select_n3A_85, %select_n3A_82 : i32
      %add3A_87 = arith.addi %select_n3A_86, %mul3A_6 : i32
      %add3A_88 = arith.constant 1 : i32
      %add3A_89 = arith.addi %select_n3A_77, %add3A_88 : i32
      %select_n3A_90 = arith.constant true
      %select_n3A_91 = arith.select %select_n3A_90, %add3A_89, %select_n3A_77 : i32
      %eq3A_92 = arith.constant 8 : i32
      %eq3A_93 = arith.cmpi eq, %select_n3A_91, %eq3A_92 : i32
      %select_n3A_94 = arith.constant 0 : i32
      %select_n3A_95 = arith.select %eq3A_93, %select_n3A_94, %select_n3A_91 : i32
      %add3A_96 = arith.addi %select_n3A_95, %mul3A_6 : i32
      %add3A_97 = arith.constant 1 : i32
      %add3A_98 = arith.addi %select_n3A_95, %add3A_97 : i32
      %select_n3A_99 = arith.constant true
      %select_n3A_100 = arith.select %select_n3A_99, %add3A_98, %select_n3A_95 : i32
      %eq3A_101 = arith.constant 8 : i32
      %eq3A_102 = arith.cmpi eq, %select_n3A_100, %eq3A_101 : i32
      %select_n3A_103 = arith.constant 0 : i32
      %select_n3A_104 = arith.select %eq3A_102, %select_n3A_103, %select_n3A_100 : i32
      %add3A_105 = arith.addi %select_n3A_104, %mul3A_6 : i32
      "tpu.trace_start"() <{level = 10 : i32, message = "ep_finalize"}> : () -> ()
      %rem3A_106 = arith.constant 2 : i32
      %rem3A_107 = arith.remui %scan3A_69#3, %rem3A_106 : i32
      %mul3A_108 = arith.constant 512 : i32
      %mul3A_109 = arith.muli %mul3A_108, %add3A_78 : i32
      %dma_wait3A = arith.constant 0 : i32
      %dma_wait3A_110 = arith.constant 0 : i32
      %dma_wait3A_111 = tpu.memref_slice %run_scoped3A_8[%rem3A_107, %dma_wait3A, %dma_wait3A_110] : memref<2x512x16xf32, #tpu.memory_space<vmem>> -> memref<1x512x16xf32, #tpu.memory_space<vmem>>
      %dma_wait3A_112 = tpu.memref_squeeze %dma_wait3A_111 : memref<1x512x16xf32, #tpu.memory_space<vmem>> -> memref<512x16xf32, #tpu.memory_space<vmem>>
      %dma_wait3A_113 = arith.constant 0 : i32
      %dma_wait3A_114 = tpu.memref_slice %arg4[%mul3A_109, %dma_wait3A_113] : memref<131072x16xf32, #tpu.memory_space<hbm>> -> memref<512x16xf32, #tpu.memory_space<hbm>>
      %dma_wait3A_115 = tpu.memref_slice %run_scoped3A_9[%rem3A_107] : memref<2x!tpu.dma_semaphore, #tpu.memory_space<semaphore_mem>> -> memref<1x!tpu.dma_semaphore, #tpu.memory_space<semaphore_mem>>
      %dma_wait3A_116 = tpu.memref_squeeze %dma_wait3A_115 : memref<1x!tpu.dma_semaphore, #tpu.memory_space<semaphore_mem>> -> memref<!tpu.dma_semaphore, #tpu.memory_space<semaphore_mem>>
      %dma_wait3A_117 = arith.constant 0 : i32
      %dma_wait3A_118 = tpu.memref_slice %arg4[%mul3A_109, %dma_wait3A_117] : memref<131072x16xf32, #tpu.memory_space<hbm>> -> memref<512x16xf32, #tpu.memory_space<hbm>>
      %dma_wait3A_119 = arith.constant 0 : i32
      %dma_wait3A_120 = arith.constant 0 : i32
      %dma_wait3A_121 = tpu.memref_slice %run_scoped3A_8[%rem3A_107, %dma_wait3A_119, %dma_wait3A_120] : memref<2x512x16xf32, #tpu.memory_space<vmem>> -> memref<1x512x16xf32, #tpu.memory_space<vmem>>
      %dma_wait3A_122 = tpu.memref_squeeze %dma_wait3A_121 : memref<1x512x16xf32, #tpu.memory_space<vmem>> -> memref<512x16xf32, #tpu.memory_space<vmem>>
      tpu.wait_dma2 semaphore(%dma_wait3A_116 : memref<!tpu.dma_semaphore, #tpu.memory_space<semaphore_mem>>) src(%dma_wait3A_122 : memref<512x16xf32, #tpu.memory_space<vmem>>) dst(%dma_wait3A_118 : memref<512x16xf32, #tpu.memory_space<hbm>>)
      "tpu.trace_stop"() : () -> ()
      tpu.yield
    }) : () -> ()
    return
  }
}

#map = affine_map<(d0, d1) -> (0, 0)>
module attributes {stable_mosaic.version = 14 : i64} {
  func.func @gather_kernel(%arg0: i32, %arg1: i32, %arg2: memref<800000x16xf32, #tpu.memory_space<hbm>>, %arg3: memref<4096x128xi32, #tpu.memory_space<hbm>>, %arg4: memref<131072x16xf32, #tpu.memory_space<hbm>>) attributes {dimension_semantics = [#tpu.dimension_semantics<core_parallel>, #tpu.dimension_semantics<subcore_parallel>], iteration_bounds = array<i64: 2, 16>, scalar_prefetch = 0 : i64, scratch_operands = 0 : i64, tpu.core_type = #tpu.core_type<sc_vector_subcore>, window_params = [{transform_indices = #map}, {transform_indices = #map}, {transform_indices = #map}]} {
    %mul3A = arith.constant 1 : i32
    %mul3A_0 = arith.muli %arg1, %mul3A : i32
    %add3A = arith.constant 0 : i32
    %add3A_1 = arith.addi %add3A, %mul3A_0 : i32
    %mul3A_2 = arith.constant 16 : i32
    %mul3A_3 = arith.muli %arg0, %mul3A_2 : i32
    %add3A_4 = arith.addi %add3A_1, %mul3A_3 : i32
    %mul3A_5 = arith.constant 8 : i32
    %mul3A_6 = arith.muli %add3A_4, %mul3A_5 : i32
    "tpu.region"() ({
      %run_scoped3A = memref.alloca() : memref<2x4x128xi32, #tpu.memory_space<vmem>>
      %run_scoped3A_7 = tpu.sem_alloc : memref<2x!tpu.dma_semaphore, #tpu.memory_space<semaphore_mem>>
      %run_scoped3A_8 = memref.alloca() : memref<2x512x16xf32, #tpu.memory_space<vmem>>
      %run_scoped3A_9 = tpu.sem_alloc : memref<2x!tpu.dma_semaphore, #tpu.memory_space<semaphore_mem>>
      %add3A_10 = arith.constant 0 : i32
      %add3A_11 = arith.addi %add3A_10, %mul3A_6 : i32
      %select_n3A = arith.constant true
      %select_n3A_12 = arith.constant 0 : i32
      %select_n3A_13 = arith.constant -1 : i32
      %select_n3A_14 = arith.select %select_n3A, %select_n3A_13, %select_n3A_12 : i32
      %eq3A = arith.constant -1 : i32
      %eq3A_15 = arith.cmpi eq, %select_n3A_14, %eq3A : i32
      %select_n3A_16 = arith.constant 7 : i32
      %select_n3A_17 = arith.select %eq3A_15, %select_n3A_16, %select_n3A_14 : i32
      %add3A_18 = arith.addi %select_n3A_17, %mul3A_6 : i32
      %select_n3A_19 = arith.constant true
      %select_n3A_20 = arith.constant 0 : i32
      %select_n3A_21 = arith.constant 1 : i32
      %select_n3A_22 = arith.select %select_n3A_19, %select_n3A_21, %select_n3A_20 : i32
      %eq3A_23 = arith.constant 8 : i32
      %eq3A_24 = arith.cmpi eq, %select_n3A_22, %eq3A_23 : i32
      %select_n3A_25 = arith.constant 0 : i32
      %select_n3A_26 = arith.select %eq3A_24, %select_n3A_25, %select_n3A_22 : i32
      %add3A_27 = arith.addi %select_n3A_26, %mul3A_6 : i32
      %add3A_28 = arith.constant 1 : i32
      %add3A_29 = arith.addi %select_n3A_26, %add3A_28 : i32
      %select_n3A_30 = arith.constant true
      %select_n3A_31 = arith.select %select_n3A_30, %add3A_29, %select_n3A_26 : i32
      %eq3A_32 = arith.constant 8 : i32
      %eq3A_33 = arith.cmpi eq, %select_n3A_31, %eq3A_32 : i32
      %select_n3A_34 = arith.constant 0 : i32
      %select_n3A_35 = arith.select %eq3A_33, %select_n3A_34, %select_n3A_31 : i32
      %add3A_36 = arith.addi %select_n3A_35, %mul3A_6 : i32
      "tpu.trace_start"() <{level = 10 : i32, message = "ep_initialize_0"}> : () -> ()
      %rem3A = arith.constant 0 : i32
      %rem3A_37 = arith.constant 2 : i32
      %rem3A_38 = arith.remui %rem3A, %rem3A_37 : i32
      %add3A_39 = arith.constant 0 : i32
      %add3A_40 = arith.addi %add3A_39, %add3A_11 : i32
      %mul3A_41 = arith.constant 4 : i32
      %mul3A_42 = arith.muli %mul3A_41, %add3A_40 : i32
      %dma_start3A = arith.constant 0 : i32
      %dma_start3A_43 = arith.constant 0 : i32
      %dma_start3A_44 = tpu.memref_slice %run_scoped3A[%rem3A_38, %dma_start3A, %dma_start3A_43] : memref<2x4x128xi32, #tpu.memory_space<vmem>> -> memref<1x4x128xi32, #tpu.memory_space<vmem>>
      %dma_start3A_45 = tpu.memref_squeeze %dma_start3A_44 : memref<1x4x128xi32, #tpu.memory_space<vmem>> -> memref<4x128xi32, #tpu.memory_space<vmem>>
      %dma_start3A_46 = arith.constant 0 : i32
      %dma_start3A_47 = tpu.memref_slice %arg3[%mul3A_42, %dma_start3A_46] : memref<4096x128xi32, #tpu.memory_space<hbm>> -> memref<4x128xi32, #tpu.memory_space<hbm>>
      %dma_start3A_48 = tpu.memref_slice %run_scoped3A_7[%rem3A_38] : memref<2x!tpu.dma_semaphore, #tpu.memory_space<semaphore_mem>> -> memref<1x!tpu.dma_semaphore, #tpu.memory_space<semaphore_mem>>
      %dma_start3A_49 = tpu.memref_squeeze %dma_start3A_48 : memref<1x!tpu.dma_semaphore, #tpu.memory_space<semaphore_mem>> -> memref<!tpu.dma_semaphore, #tpu.memory_space<semaphore_mem>>
      %dma_start3A_50 = arith.constant 0 : i32
      %dma_start3A_51 = arith.constant 0 : i32
      %dma_start3A_52 = tpu.memref_slice %run_scoped3A[%rem3A_38, %dma_start3A_50, %dma_start3A_51] : memref<2x4x128xi32, #tpu.memory_space<vmem>> -> memref<1x4x128xi32, #tpu.memory_space<vmem>>
      %dma_start3A_53 = tpu.memref_squeeze %dma_start3A_52 : memref<1x4x128xi32, #tpu.memory_space<vmem>> -> memref<4x128xi32, #tpu.memory_space<vmem>>
      %dma_start3A_54 = arith.constant 0 : i32
      %dma_start3A_55 = tpu.memref_slice %arg3[%mul3A_42, %dma_start3A_54] : memref<4096x128xi32, #tpu.memory_space<hbm>> -> memref<4x128xi32, #tpu.memory_space<hbm>>
      tpu.enqueue_dma source(%dma_start3A_55 : memref<4x128xi32, #tpu.memory_space<hbm>>) target(%dma_start3A_53 : memref<4x128xi32, #tpu.memory_space<vmem>>) target_semaphore(%dma_start3A_49 : memref<!tpu.dma_semaphore, #tpu.memory_space<semaphore_mem>>)
      %add3A_56 = arith.constant 0 : i32
      %add3A_57 = arith.constant 1 : i32
      %add3A_58 = arith.addi %add3A_56, %add3A_57 : i32
      %select_n3A_59 = arith.constant true
      %select_n3A_60 = arith.constant 0 : i32
      %select_n3A_61 = arith.select %select_n3A_59, %add3A_58, %select_n3A_60 : i32
      "tpu.trace_stop"() : () -> ()
      %scan3A = arith.constant 0 : i32
      %scan3A_62 = arith.constant 0 : i32
      %scan3A_63 = arith.constant 0 : i32
      %scan3A_64 = arith.constant 0 : i32
      %scan3A_65 = arith.constant 0 : i32
      %scan3A_66 = arith.constant 8 : i32
      %scan3A_67 = arith.addi %scan3A_65, %scan3A_66 : i32
      %scan3A_68 = arith.constant 1 : i32
      %scan3A_69:5 = scf.for %scan3A_123 = %scan3A_65 to %scan3A_67 step %scan3A_68 iter_args(%scan3A_124 = %select_n3A_61, %scan3A_125 = %scan3A, %scan3A_126 = %scan3A_62, %scan3A_127 = %scan3A_63, %scan3A_128 = %scan3A_64) -> (i32, i32, i32, i32, i32)  : i32 {
        %eq3A_129 = arith.constant 0 : i32
        %eq3A_130 = arith.cmpi eq, %scan3A_123, %eq3A_129 : i32
        %eq3A_131 = arith.constant 7 : i32
        %eq3A_132 = arith.cmpi eq, %scan3A_123, %eq3A_131 : i32
        %add3A_133 = arith.addi %scan3A_128, %mul3A_6 : i32
        %sub3A_134 = arith.constant 1 : i32
        %sub3A_135 = arith.subi %scan3A_128, %sub3A_134 : i32
        %select_n3A_136 = arith.constant true
        %select_n3A_137 = arith.select %select_n3A_136, %sub3A_135, %scan3A_128 : i32
        %eq3A_138 = arith.constant -1 : i32
        %eq3A_139 = arith.cmpi eq, %select_n3A_137, %eq3A_138 : i32
        %select_n3A_140 = arith.constant 7 : i32
        %select_n3A_141 = arith.select %eq3A_139, %select_n3A_140, %select_n3A_137 : i32
        %add3A_142 = arith.addi %select_n3A_141, %mul3A_6 : i32
        %add3A_143 = arith.constant 1 : i32
        %add3A_144 = arith.addi %scan3A_128, %add3A_143 : i32
        %select_n3A_145 = arith.constant true
        %select_n3A_146 = arith.select %select_n3A_145, %add3A_144, %scan3A_128 : i32
        %eq3A_147 = arith.constant 8 : i32
        %eq3A_148 = arith.cmpi eq, %select_n3A_146, %eq3A_147 : i32
        %select_n3A_149 = arith.constant 0 : i32
        %select_n3A_150 = arith.select %eq3A_148, %select_n3A_149, %select_n3A_146 : i32
        %add3A_151 = arith.addi %select_n3A_150, %mul3A_6 : i32
        %add3A_152 = arith.constant 1 : i32
        %add3A_153 = arith.addi %select_n3A_150, %add3A_152 : i32
        %select_n3A_154 = arith.constant true
        %select_n3A_155 = arith.select %select_n3A_154, %add3A_153, %select_n3A_150 : i32
        %eq3A_156 = arith.constant 8 : i32
        %eq3A_157 = arith.cmpi eq, %select_n3A_155, %eq3A_156 : i32
        %select_n3A_158 = arith.constant 0 : i32
        %select_n3A_159 = arith.select %eq3A_157, %select_n3A_158, %select_n3A_155 : i32
        %add3A_160 = arith.addi %select_n3A_159, %mul3A_6 : i32
        %add3A_161 = arith.constant 0 : i32
        %add3A_162 = arith.addi %add3A_161, %add3A_133 : i32
        %add3A_163 = arith.constant 0 : i32
        %add3A_164 = arith.addi %add3A_163, %add3A_151 : i32
        %ne3A = arith.cmpi ne, %add3A_162, %add3A_164 : i32
        %or3A = arith.constant false
        %or3A_165 = arith.ori %or3A, %ne3A : i1
        %or3A_166 = arith.constant false
        %or3A_167 = arith.ori %or3A_165, %or3A_166 : i1
        %ge3A = arith.constant 7 : i32
        %ge3A_168 = arith.cmpi sge, %scan3A_123, %ge3A : i32
        %not3A = arith.constant true
        %not3A_169 = arith.xori %ge3A_168, %not3A : i1
        %and3A = arith.andi %or3A_167, %not3A_169 : i1
        %convert_element_type3A = arith.extui %and3A : i1 to i32
        %cond3A = arith.constant 0 : i32
        %cond3A_170 = arith.cmpi ne, %convert_element_type3A, %cond3A : i32
        scf.if %cond3A_170 {
          "tpu.trace_start"() <{level = 10 : i32, message = "ep_copy_in"}> : () -> ()
          %rem3A_295 = arith.constant 2 : i32
          %rem3A_296 = arith.remui %scan3A_124, %rem3A_295 : i32
          %add3A_297 = arith.constant 0 : i32
          %add3A_298 = arith.addi %add3A_297, %add3A_151 : i32
          %mul3A_299 = arith.constant 4 : i32
          %mul3A_300 = arith.muli %mul3A_299, %add3A_298 : i32
          %dma_start3A_301 = arith.constant 0 : i32
          %dma_start3A_302 = arith.constant 0 : i32
          %dma_start3A_303 = tpu.memref_slice %run_scoped3A[%rem3A_296, %dma_start3A_301, %dma_start3A_302] : memref<2x4x128xi32, #tpu.memory_space<vmem>> -> memref<1x4x128xi32, #tpu.memory_space<vmem>>
          %dma_start3A_304 = tpu.memref_squeeze %dma_start3A_303 : memref<1x4x128xi32, #tpu.memory_space<vmem>> -> memref<4x128xi32, #tpu.memory_space<vmem>>
          %dma_start3A_305 = arith.constant 0 : i32
          %dma_start3A_306 = tpu.memref_slice %arg3[%mul3A_300, %dma_start3A_305] : memref<4096x128xi32, #tpu.memory_space<hbm>> -> memref<4x128xi32, #tpu.memory_space<hbm>>
          %dma_start3A_307 = tpu.memref_slice %run_scoped3A_7[%rem3A_296] : memref<2x!tpu.dma_semaphore, #tpu.memory_space<semaphore_mem>> -> memref<1x!tpu.dma_semaphore, #tpu.memory_space<semaphore_mem>>
          %dma_start3A_308 = tpu.memref_squeeze %dma_start3A_307 : memref<1x!tpu.dma_semaphore, #tpu.memory_space<semaphore_mem>> -> memref<!tpu.dma_semaphore, #tpu.memory_space<semaphore_mem>>
          %dma_start3A_309 = arith.constant 0 : i32
          %dma_start3A_310 = arith.constant 0 : i32
          %dma_start3A_311 = tpu.memref_slice %run_scoped3A[%rem3A_296, %dma_start3A_309, %dma_start3A_310] : memref<2x4x128xi32, #tpu.memory_space<vmem>> -> memref<1x4x128xi32, #tpu.memory_space<vmem>>
          %dma_start3A_312 = tpu.memref_squeeze %dma_start3A_311 : memref<1x4x128xi32, #tpu.memory_space<vmem>> -> memref<4x128xi32, #tpu.memory_space<vmem>>
          %dma_start3A_313 = arith.constant 0 : i32
          %dma_start3A_314 = tpu.memref_slice %arg3[%mul3A_300, %dma_start3A_313] : memref<4096x128xi32, #tpu.memory_space<hbm>> -> memref<4x128xi32, #tpu.memory_space<hbm>>
          tpu.enqueue_dma source(%dma_start3A_314 : memref<4x128xi32, #tpu.memory_space<hbm>>) target(%dma_start3A_312 : memref<4x128xi32, #tpu.memory_space<vmem>>) target_semaphore(%dma_start3A_308 : memref<!tpu.dma_semaphore, #tpu.memory_space<semaphore_mem>>)
          "tpu.trace_stop"() : () -> ()
        } else {
        }
        %and3A_171 = arith.constant true
        %and3A_172 = arith.andi %and3A, %and3A_171 : i1
        %add3A_173 = arith.constant 1 : i32
        %add3A_174 = arith.addi %scan3A_124, %add3A_173 : i32
        %select_n3A_175 = arith.select %and3A_172, %add3A_174, %scan3A_124 : i32
        %ne3A_176 = arith.cmpi ne, %add3A_133, %add3A_151 : i32
        %or3A_177 = arith.constant false
        %or3A_178 = arith.ori %or3A_177, %ne3A_176 : i1
        %or3A_179 = arith.constant false
        %or3A_180 = arith.ori %or3A_178, %or3A_179 : i1
        %ge3A_181 = arith.constant 7 : i32
        %ge3A_182 = arith.cmpi sge, %scan3A_123, %ge3A_181 : i32
        %not3A_183 = arith.constant true
        %not3A_184 = arith.xori %ge3A_182, %not3A_183 : i1
        %and3A_185 = arith.andi %or3A_180, %not3A_184 : i1
        %add3A_186 = arith.constant 0 : i32
        %add3A_187 = arith.addi %add3A_186, %add3A_133 : i32
        %add3A_188 = arith.constant 0 : i32
        %add3A_189 = arith.addi %add3A_188, %add3A_142 : i32
        %ne3A_190 = arith.cmpi ne, %add3A_187, %add3A_189 : i32
        %or3A_191 = arith.constant false
        %or3A_192 = arith.ori %or3A_191, %ne3A_190 : i1
        %or3A_193 = arith.constant false
        %or3A_194 = arith.ori %or3A_192, %or3A_193 : i1
        %or3A_195 = arith.ori %or3A_194, %eq3A_130 : i1
        %convert_element_type3A_196 = arith.extui %or3A_195 : i1 to i32
        %cond3A_197 = arith.constant 0 : i32
        %cond3A_198 = arith.cmpi ne, %convert_element_type3A_196, %cond3A_197 : i32
        scf.if %cond3A_198 {
          "tpu.trace_start"() <{level = 10 : i32, message = "ep_wait_in"}> : () -> ()
          %add3A_295 = arith.constant 0 : i32
          %add3A_296 = arith.addi %add3A_295, %add3A_133 : i32
          %mul3A_297 = arith.constant 4 : i32
          %mul3A_298 = arith.muli %mul3A_297, %add3A_296 : i32
          %rem3A_299 = arith.constant 2 : i32
          %rem3A_300 = arith.remui %scan3A_125, %rem3A_299 : i32
          %dma_wait3A_301 = arith.constant 0 : i32
          %dma_wait3A_302 = arith.constant 0 : i32
          %dma_wait3A_303 = tpu.memref_slice %run_scoped3A[%rem3A_300, %dma_wait3A_301, %dma_wait3A_302] : memref<2x4x128xi32, #tpu.memory_space<vmem>> -> memref<1x4x128xi32, #tpu.memory_space<vmem>>
          %dma_wait3A_304 = tpu.memref_squeeze %dma_wait3A_303 : memref<1x4x128xi32, #tpu.memory_space<vmem>> -> memref<4x128xi32, #tpu.memory_space<vmem>>
          %dma_wait3A_305 = arith.constant 0 : i32
          %dma_wait3A_306 = tpu.memref_slice %arg3[%mul3A_298, %dma_wait3A_305] : memref<4096x128xi32, #tpu.memory_space<hbm>> -> memref<4x128xi32, #tpu.memory_space<hbm>>
          %dma_wait3A_307 = tpu.memref_slice %run_scoped3A_7[%rem3A_300] : memref<2x!tpu.dma_semaphore, #tpu.memory_space<semaphore_mem>> -> memref<1x!tpu.dma_semaphore, #tpu.memory_space<semaphore_mem>>
          %dma_wait3A_308 = tpu.memref_squeeze %dma_wait3A_307 : memref<1x!tpu.dma_semaphore, #tpu.memory_space<semaphore_mem>> -> memref<!tpu.dma_semaphore, #tpu.memory_space<semaphore_mem>>
          %dma_wait3A_309 = arith.constant 0 : i32
          %dma_wait3A_310 = arith.constant 0 : i32
          %dma_wait3A_311 = tpu.memref_slice %run_scoped3A[%rem3A_300, %dma_wait3A_309, %dma_wait3A_310] : memref<2x4x128xi32, #tpu.memory_space<vmem>> -> memref<1x4x128xi32, #tpu.memory_space<vmem>>
          %dma_wait3A_312 = tpu.memref_squeeze %dma_wait3A_311 : memref<1x4x128xi32, #tpu.memory_space<vmem>> -> memref<4x128xi32, #tpu.memory_space<vmem>>
          %dma_wait3A_313 = arith.constant 0 : i32
          %dma_wait3A_314 = tpu.memref_slice %arg3[%mul3A_298, %dma_wait3A_313] : memref<4096x128xi32, #tpu.memory_space<hbm>> -> memref<4x128xi32, #tpu.memory_space<hbm>>
          tpu.wait_dma2 semaphore(%dma_wait3A_308 : memref<!tpu.dma_semaphore, #tpu.memory_space<semaphore_mem>>) src(%dma_wait3A_314 : memref<4x128xi32, #tpu.memory_space<hbm>>) dst(%dma_wait3A_312 : memref<4x128xi32, #tpu.memory_space<vmem>>)
          "tpu.trace_stop"() : () -> ()
        } else {
        }
        %ne3A_199 = arith.cmpi ne, %add3A_133, %add3A_142 : i32
        %or3A_200 = arith.constant false
        %or3A_201 = arith.ori %or3A_200, %ne3A_199 : i1
        %or3A_202 = arith.constant false
        %or3A_203 = arith.ori %or3A_201, %or3A_202 : i1
        %or3A_204 = arith.ori %or3A_203, %eq3A_130 : i1
        %convert_element_type3A_205 = arith.extui %or3A_204 : i1 to i32
        %cond3A_206 = arith.constant 0 : i32
        %cond3A_207 = arith.cmpi ne, %convert_element_type3A_205, %cond3A_206 : i32
        scf.if %cond3A_207 {
        } else {
        }
        %rem3A_208 = arith.constant 2 : i32
        %rem3A_209 = arith.remui %scan3A_125, %rem3A_208 : i32
        %rem3A_210 = arith.constant 2 : i32
        %rem3A_211 = arith.remui %scan3A_126, %rem3A_210 : i32
        "tpu.trace_start"() <{level = 10 : i32, message = "ep_run_kernel"}> : () -> ()
        "tpu.region"() ({
          %run_scoped3A_295 = tpu.sem_alloc : memref<!tpu.dma_semaphore, #tpu.memory_space<semaphore_mem>>
          %dma_start3A_296 = arith.constant 0 : i32
          %dma_start3A_297 = arith.constant 0 : i32
          %dma_start3A_298 = arith.constant 0 : i32
          %dma_start3A_299 = tpu.memref_slice %run_scoped3A_8[%rem3A_211, %dma_start3A_297, %dma_start3A_298] : memref<2x512x16xf32, #tpu.memory_space<vmem>> -> memref<1x512x16xf32, #tpu.memory_space<vmem>>
          %dma_start3A_300 = tpu.memref_squeeze %dma_start3A_299 : memref<1x512x16xf32, #tpu.memory_space<vmem>> -> memref<512x16xf32, #tpu.memory_space<vmem>>
          %dma_start3A_301 = arith.constant 0 : i32
          %dma_start3A_302 = arith.constant 0 : i32
          %dma_start3A_303 = tpu.memref_slice %dma_start3A_300[%dma_start3A_301, %dma_start3A_302] : memref<512x16xf32, #tpu.memory_space<vmem>> -> memref<128x16xf32, #tpu.memory_space<vmem>>
          %dma_start3A_304 = arith.constant 0 : i32
          %dma_start3A_305 = arith.constant 0 : i32
          %dma_start3A_306 = tpu.memref_slice %run_scoped3A[%rem3A_209, %dma_start3A_304, %dma_start3A_305] : memref<2x4x128xi32, #tpu.memory_space<vmem>> -> memref<1x4x128xi32, #tpu.memory_space<vmem>>
          %dma_start3A_307 = tpu.memref_squeeze %dma_start3A_306 : memref<1x4x128xi32, #tpu.memory_space<vmem>> -> memref<4x128xi32, #tpu.memory_space<vmem>>
          %dma_start3A_308 = arith.constant 0 : i32
          %dma_start3A_309 = tpu.memref_slice %dma_start3A_307[%dma_start3A_296, %dma_start3A_308] : memref<4x128xi32, #tpu.memory_space<vmem>> -> memref<1x128xi32, #tpu.memory_space<vmem>>
          %dma_start3A_310 = tpu.memref_squeeze %dma_start3A_309 : memref<1x128xi32, #tpu.memory_space<vmem>> -> memref<128xi32, #tpu.memory_space<vmem>>
          %dma_start3A_311 = arith.constant 0 : i32
          %dma_start3A_312 = arith.constant 0 : i32
          %dma_start3A_313 = tpu.memref_slice %arg2[%dma_start3A_311, %dma_start3A_312] : memref<800000x16xf32, #tpu.memory_space<hbm>> -> memref<800000x16xf32, #tpu.memory_space<hbm>>
          tpu.enqueue_indirect_dma source(%dma_start3A_313 : memref<800000x16xf32, #tpu.memory_space<hbm>>) target(%dma_start3A_303 : memref<128x16xf32, #tpu.memory_space<vmem>>) offsets(%dma_start3A_310 : memref<128xi32, #tpu.memory_space<vmem>>) semaphore(%run_scoped3A_295 : memref<!tpu.dma_semaphore, #tpu.memory_space<semaphore_mem>>)
          %dma_start3A_314 = arith.constant 1 : i32
          %dma_start3A_315 = arith.constant 0 : i32
          %dma_start3A_316 = arith.constant 0 : i32
          %dma_start3A_317 = tpu.memref_slice %run_scoped3A_8[%rem3A_211, %dma_start3A_315, %dma_start3A_316] : memref<2x512x16xf32, #tpu.memory_space<vmem>> -> memref<1x512x16xf32, #tpu.memory_space<vmem>>
          %dma_start3A_318 = tpu.memref_squeeze %dma_start3A_317 : memref<1x512x16xf32, #tpu.memory_space<vmem>> -> memref<512x16xf32, #tpu.memory_space<vmem>>
          %dma_start3A_319 = arith.constant 128 : i32
          %dma_start3A_320 = arith.constant 0 : i32
          %dma_start3A_321 = tpu.memref_slice %dma_start3A_318[%dma_start3A_319, %dma_start3A_320] : memref<512x16xf32, #tpu.memory_space<vmem>> -> memref<128x16xf32, #tpu.memory_space<vmem>>
          %dma_start3A_322 = arith.constant 0 : i32
          %dma_start3A_323 = arith.constant 0 : i32
          %dma_start3A_324 = tpu.memref_slice %run_scoped3A[%rem3A_209, %dma_start3A_322, %dma_start3A_323] : memref<2x4x128xi32, #tpu.memory_space<vmem>> -> memref<1x4x128xi32, #tpu.memory_space<vmem>>
          %dma_start3A_325 = tpu.memref_squeeze %dma_start3A_324 : memref<1x4x128xi32, #tpu.memory_space<vmem>> -> memref<4x128xi32, #tpu.memory_space<vmem>>
          %dma_start3A_326 = arith.constant 0 : i32
          %dma_start3A_327 = tpu.memref_slice %dma_start3A_325[%dma_start3A_314, %dma_start3A_326] : memref<4x128xi32, #tpu.memory_space<vmem>> -> memref<1x128xi32, #tpu.memory_space<vmem>>
          %dma_start3A_328 = tpu.memref_squeeze %dma_start3A_327 : memref<1x128xi32, #tpu.memory_space<vmem>> -> memref<128xi32, #tpu.memory_space<vmem>>
          %dma_start3A_329 = arith.constant 0 : i32
          %dma_start3A_330 = arith.constant 0 : i32
          %dma_start3A_331 = tpu.memref_slice %arg2[%dma_start3A_329, %dma_start3A_330] : memref<800000x16xf32, #tpu.memory_space<hbm>> -> memref<800000x16xf32, #tpu.memory_space<hbm>>
          tpu.enqueue_indirect_dma source(%dma_start3A_331 : memref<800000x16xf32, #tpu.memory_space<hbm>>) target(%dma_start3A_321 : memref<128x16xf32, #tpu.memory_space<vmem>>) offsets(%dma_start3A_328 : memref<128xi32, #tpu.memory_space<vmem>>) semaphore(%run_scoped3A_295 : memref<!tpu.dma_semaphore, #tpu.memory_space<semaphore_mem>>)
          %dma_start3A_332 = arith.constant 2 : i32
          %dma_start3A_333 = arith.constant 0 : i32
          %dma_start3A_334 = arith.constant 0 : i32
          %dma_start3A_335 = tpu.memref_slice %run_scoped3A_8[%rem3A_211, %dma_start3A_333, %dma_start3A_334] : memref<2x512x16xf32, #tpu.memory_space<vmem>> -> memref<1x512x16xf32, #tpu.memory_space<vmem>>
          %dma_start3A_336 = tpu.memref_squeeze %dma_start3A_335 : memref<1x512x16xf32, #tpu.memory_space<vmem>> -> memref<512x16xf32, #tpu.memory_space<vmem>>
          %dma_start3A_337 = arith.constant 256 : i32
          %dma_start3A_338 = arith.constant 0 : i32
          %dma_start3A_339 = tpu.memref_slice %dma_start3A_336[%dma_start3A_337, %dma_start3A_338] : memref<512x16xf32, #tpu.memory_space<vmem>> -> memref<128x16xf32, #tpu.memory_space<vmem>>
          %dma_start3A_340 = arith.constant 0 : i32
          %dma_start3A_341 = arith.constant 0 : i32
          %dma_start3A_342 = tpu.memref_slice %run_scoped3A[%rem3A_209, %dma_start3A_340, %dma_start3A_341] : memref<2x4x128xi32, #tpu.memory_space<vmem>> -> memref<1x4x128xi32, #tpu.memory_space<vmem>>
          %dma_start3A_343 = tpu.memref_squeeze %dma_start3A_342 : memref<1x4x128xi32, #tpu.memory_space<vmem>> -> memref<4x128xi32, #tpu.memory_space<vmem>>
          %dma_start3A_344 = arith.constant 0 : i32
          %dma_start3A_345 = tpu.memref_slice %dma_start3A_343[%dma_start3A_332, %dma_start3A_344] : memref<4x128xi32, #tpu.memory_space<vmem>> -> memref<1x128xi32, #tpu.memory_space<vmem>>
          %dma_start3A_346 = tpu.memref_squeeze %dma_start3A_345 : memref<1x128xi32, #tpu.memory_space<vmem>> -> memref<128xi32, #tpu.memory_space<vmem>>
          %dma_start3A_347 = arith.constant 0 : i32
          %dma_start3A_348 = arith.constant 0 : i32
          %dma_start3A_349 = tpu.memref_slice %arg2[%dma_start3A_347, %dma_start3A_348] : memref<800000x16xf32, #tpu.memory_space<hbm>> -> memref<800000x16xf32, #tpu.memory_space<hbm>>
          tpu.enqueue_indirect_dma source(%dma_start3A_349 : memref<800000x16xf32, #tpu.memory_space<hbm>>) target(%dma_start3A_339 : memref<128x16xf32, #tpu.memory_space<vmem>>) offsets(%dma_start3A_346 : memref<128xi32, #tpu.memory_space<vmem>>) semaphore(%run_scoped3A_295 : memref<!tpu.dma_semaphore, #tpu.memory_space<semaphore_mem>>)
          %dma_start3A_350 = arith.constant 3 : i32
          %dma_start3A_351 = arith.constant 0 : i32
          %dma_start3A_352 = arith.constant 0 : i32
          %dma_start3A_353 = tpu.memref_slice %run_scoped3A_8[%rem3A_211, %dma_start3A_351, %dma_start3A_352] : memref<2x512x16xf32, #tpu.memory_space<vmem>> -> memref<1x512x16xf32, #tpu.memory_space<vmem>>
          %dma_start3A_354 = tpu.memref_squeeze %dma_start3A_353 : memref<1x512x16xf32, #tpu.memory_space<vmem>> -> memref<512x16xf32, #tpu.memory_space<vmem>>
          %dma_start3A_355 = arith.constant 384 : i32
          %dma_start3A_356 = arith.constant 0 : i32
          %dma_start3A_357 = tpu.memref_slice %dma_start3A_354[%dma_start3A_355, %dma_start3A_356] : memref<512x16xf32, #tpu.memory_space<vmem>> -> memref<128x16xf32, #tpu.memory_space<vmem>>
          %dma_start3A_358 = arith.constant 0 : i32
          %dma_start3A_359 = arith.constant 0 : i32
          %dma_start3A_360 = tpu.memref_slice %run_scoped3A[%rem3A_209, %dma_start3A_358, %dma_start3A_359] : memref<2x4x128xi32, #tpu.memory_space<vmem>> -> memref<1x4x128xi32, #tpu.memory_space<vmem>>
          %dma_start3A_361 = tpu.memref_squeeze %dma_start3A_360 : memref<1x4x128xi32, #tpu.memory_space<vmem>> -> memref<4x128xi32, #tpu.memory_space<vmem>>
          %dma_start3A_362 = arith.constant 0 : i32
          %dma_start3A_363 = tpu.memref_slice %dma_start3A_361[%dma_start3A_350, %dma_start3A_362] : memref<4x128xi32, #tpu.memory_space<vmem>> -> memref<1x128xi32, #tpu.memory_space<vmem>>
          %dma_start3A_364 = tpu.memref_squeeze %dma_start3A_363 : memref<1x128xi32, #tpu.memory_space<vmem>> -> memref<128xi32, #tpu.memory_space<vmem>>
          %dma_start3A_365 = arith.constant 0 : i32
          %dma_start3A_366 = arith.constant 0 : i32
          %dma_start3A_367 = tpu.memref_slice %arg2[%dma_start3A_365, %dma_start3A_366] : memref<800000x16xf32, #tpu.memory_space<hbm>> -> memref<800000x16xf32, #tpu.memory_space<hbm>>
          tpu.enqueue_indirect_dma source(%dma_start3A_367 : memref<800000x16xf32, #tpu.memory_space<hbm>>) target(%dma_start3A_357 : memref<128x16xf32, #tpu.memory_space<vmem>>) offsets(%dma_start3A_364 : memref<128xi32, #tpu.memory_space<vmem>>) semaphore(%run_scoped3A_295 : memref<!tpu.dma_semaphore, #tpu.memory_space<semaphore_mem>>)
          %dma_wait3A_368 = arith.constant 0 : i32
          %dma_wait3A_369 = arith.constant 0 : i32
          %dma_wait3A_370 = arith.constant 0 : i32
          %dma_wait3A_371 = tpu.memref_slice %run_scoped3A_8[%rem3A_211, %dma_wait3A_369, %dma_wait3A_370] : memref<2x512x16xf32, #tpu.memory_space<vmem>> -> memref<1x512x16xf32, #tpu.memory_space<vmem>>
          %dma_wait3A_372 = tpu.memref_squeeze %dma_wait3A_371 : memref<1x512x16xf32, #tpu.memory_space<vmem>> -> memref<512x16xf32, #tpu.memory_space<vmem>>
          %dma_wait3A_373 = arith.constant 0 : i32
          %dma_wait3A_374 = arith.constant 0 : i32
          %dma_wait3A_375 = tpu.memref_slice %dma_wait3A_372[%dma_wait3A_373, %dma_wait3A_374] : memref<512x16xf32, #tpu.memory_space<vmem>> -> memref<128x16xf32, #tpu.memory_space<vmem>>
          %dma_wait3A_376 = arith.constant 0 : i32
          %dma_wait3A_377 = arith.constant 0 : i32
          %dma_wait3A_378 = tpu.memref_slice %run_scoped3A[%rem3A_209, %dma_wait3A_376, %dma_wait3A_377] : memref<2x4x128xi32, #tpu.memory_space<vmem>> -> memref<1x4x128xi32, #tpu.memory_space<vmem>>
          %dma_wait3A_379 = tpu.memref_squeeze %dma_wait3A_378 : memref<1x4x128xi32, #tpu.memory_space<vmem>> -> memref<4x128xi32, #tpu.memory_space<vmem>>
          %dma_wait3A_380 = arith.constant 0 : i32
          %dma_wait3A_381 = tpu.memref_slice %dma_wait3A_379[%dma_wait3A_368, %dma_wait3A_380] : memref<4x128xi32, #tpu.memory_space<vmem>> -> memref<1x128xi32, #tpu.memory_space<vmem>>
          %dma_wait3A_382 = tpu.memref_squeeze %dma_wait3A_381 : memref<1x128xi32, #tpu.memory_space<vmem>> -> memref<128xi32, #tpu.memory_space<vmem>>
          %dma_wait3A_383 = arith.constant 0 : i32
          %dma_wait3A_384 = arith.constant 0 : i32
          %dma_wait3A_385 = tpu.memref_slice %arg2[%dma_wait3A_383, %dma_wait3A_384] : memref<800000x16xf32, #tpu.memory_space<hbm>> -> memref<800000x16xf32, #tpu.memory_space<hbm>>
          tpu.wait_indirect_dma semaphore(%run_scoped3A_295 : memref<!tpu.dma_semaphore, #tpu.memory_space<semaphore_mem>>) src(%dma_wait3A_385 : memref<800000x16xf32, #tpu.memory_space<hbm>>) dst(%dma_wait3A_375 : memref<128x16xf32, #tpu.memory_space<vmem>>)
          %dma_wait3A_386 = arith.constant 1 : i32
          %dma_wait3A_387 = arith.constant 0 : i32
          %dma_wait3A_388 = arith.constant 0 : i32
          %dma_wait3A_389 = tpu.memref_slice %run_scoped3A_8[%rem3A_211, %dma_wait3A_387, %dma_wait3A_388] : memref<2x512x16xf32, #tpu.memory_space<vmem>> -> memref<1x512x16xf32, #tpu.memory_space<vmem>>
          %dma_wait3A_390 = tpu.memref_squeeze %dma_wait3A_389 : memref<1x512x16xf32, #tpu.memory_space<vmem>> -> memref<512x16xf32, #tpu.memory_space<vmem>>
          %dma_wait3A_391 = arith.constant 128 : i32
          %dma_wait3A_392 = arith.constant 0 : i32
          %dma_wait3A_393 = tpu.memref_slice %dma_wait3A_390[%dma_wait3A_391, %dma_wait3A_392] : memref<512x16xf32, #tpu.memory_space<vmem>> -> memref<128x16xf32, #tpu.memory_space<vmem>>
          %dma_wait3A_394 = arith.constant 0 : i32
          %dma_wait3A_395 = arith.constant 0 : i32
          %dma_wait3A_396 = tpu.memref_slice %run_scoped3A[%rem3A_209, %dma_wait3A_394, %dma_wait3A_395] : memref<2x4x128xi32, #tpu.memory_space<vmem>> -> memref<1x4x128xi32, #tpu.memory_space<vmem>>
          %dma_wait3A_397 = tpu.memref_squeeze %dma_wait3A_396 : memref<1x4x128xi32, #tpu.memory_space<vmem>> -> memref<4x128xi32, #tpu.memory_space<vmem>>
          %dma_wait3A_398 = arith.constant 0 : i32
          %dma_wait3A_399 = tpu.memref_slice %dma_wait3A_397[%dma_wait3A_386, %dma_wait3A_398] : memref<4x128xi32, #tpu.memory_space<vmem>> -> memref<1x128xi32, #tpu.memory_space<vmem>>
          %dma_wait3A_400 = tpu.memref_squeeze %dma_wait3A_399 : memref<1x128xi32, #tpu.memory_space<vmem>> -> memref<128xi32, #tpu.memory_space<vmem>>
          %dma_wait3A_401 = arith.constant 0 : i32
          %dma_wait3A_402 = arith.constant 0 : i32
          %dma_wait3A_403 = tpu.memref_slice %arg2[%dma_wait3A_401, %dma_wait3A_402] : memref<800000x16xf32, #tpu.memory_space<hbm>> -> memref<800000x16xf32, #tpu.memory_space<hbm>>
          tpu.wait_indirect_dma semaphore(%run_scoped3A_295 : memref<!tpu.dma_semaphore, #tpu.memory_space<semaphore_mem>>) src(%dma_wait3A_403 : memref<800000x16xf32, #tpu.memory_space<hbm>>) dst(%dma_wait3A_393 : memref<128x16xf32, #tpu.memory_space<vmem>>)
          %dma_wait3A_404 = arith.constant 2 : i32
          %dma_wait3A_405 = arith.constant 0 : i32
          %dma_wait3A_406 = arith.constant 0 : i32
          %dma_wait3A_407 = tpu.memref_slice %run_scoped3A_8[%rem3A_211, %dma_wait3A_405, %dma_wait3A_406] : memref<2x512x16xf32, #tpu.memory_space<vmem>> -> memref<1x512x16xf32, #tpu.memory_space<vmem>>
          %dma_wait3A_408 = tpu.memref_squeeze %dma_wait3A_407 : memref<1x512x16xf32, #tpu.memory_space<vmem>> -> memref<512x16xf32, #tpu.memory_space<vmem>>
          %dma_wait3A_409 = arith.constant 256 : i32
          %dma_wait3A_410 = arith.constant 0 : i32
          %dma_wait3A_411 = tpu.memref_slice %dma_wait3A_408[%dma_wait3A_409, %dma_wait3A_410] : memref<512x16xf32, #tpu.memory_space<vmem>> -> memref<128x16xf32, #tpu.memory_space<vmem>>
          %dma_wait3A_412 = arith.constant 0 : i32
          %dma_wait3A_413 = arith.constant 0 : i32
          %dma_wait3A_414 = tpu.memref_slice %run_scoped3A[%rem3A_209, %dma_wait3A_412, %dma_wait3A_413] : memref<2x4x128xi32, #tpu.memory_space<vmem>> -> memref<1x4x128xi32, #tpu.memory_space<vmem>>
          %dma_wait3A_415 = tpu.memref_squeeze %dma_wait3A_414 : memref<1x4x128xi32, #tpu.memory_space<vmem>> -> memref<4x128xi32, #tpu.memory_space<vmem>>
          %dma_wait3A_416 = arith.constant 0 : i32
          %dma_wait3A_417 = tpu.memref_slice %dma_wait3A_415[%dma_wait3A_404, %dma_wait3A_416] : memref<4x128xi32, #tpu.memory_space<vmem>> -> memref<1x128xi32, #tpu.memory_space<vmem>>
          %dma_wait3A_418 = tpu.memref_squeeze %dma_wait3A_417 : memref<1x128xi32, #tpu.memory_space<vmem>> -> memref<128xi32, #tpu.memory_space<vmem>>
          %dma_wait3A_419 = arith.constant 0 : i32
          %dma_wait3A_420 = arith.constant 0 : i32
          %dma_wait3A_421 = tpu.memref_slice %arg2[%dma_wait3A_419, %dma_wait3A_420] : memref<800000x16xf32, #tpu.memory_space<hbm>> -> memref<800000x16xf32, #tpu.memory_space<hbm>>
          tpu.wait_indirect_dma semaphore(%run_scoped3A_295 : memref<!tpu.dma_semaphore, #tpu.memory_space<semaphore_mem>>) src(%dma_wait3A_421 : memref<800000x16xf32, #tpu.memory_space<hbm>>) dst(%dma_wait3A_411 : memref<128x16xf32, #tpu.memory_space<vmem>>)
          %dma_wait3A_422 = arith.constant 3 : i32
          %dma_wait3A_423 = arith.constant 0 : i32
          %dma_wait3A_424 = arith.constant 0 : i32
          %dma_wait3A_425 = tpu.memref_slice %run_scoped3A_8[%rem3A_211, %dma_wait3A_423, %dma_wait3A_424] : memref<2x512x16xf32, #tpu.memory_space<vmem>> -> memref<1x512x16xf32, #tpu.memory_space<vmem>>
          %dma_wait3A_426 = tpu.memref_squeeze %dma_wait3A_425 : memref<1x512x16xf32, #tpu.memory_space<vmem>> -> memref<512x16xf32, #tpu.memory_space<vmem>>
          %dma_wait3A_427 = arith.constant 384 : i32
          %dma_wait3A_428 = arith.constant 0 : i32
          %dma_wait3A_429 = tpu.memref_slice %dma_wait3A_426[%dma_wait3A_427, %dma_wait3A_428] : memref<512x16xf32, #tpu.memory_space<vmem>> -> memref<128x16xf32, #tpu.memory_space<vmem>>
          %dma_wait3A_430 = arith.constant 0 : i32
          %dma_wait3A_431 = arith.constant 0 : i32
          %dma_wait3A_432 = tpu.memref_slice %run_scoped3A[%rem3A_209, %dma_wait3A_430, %dma_wait3A_431] : memref<2x4x128xi32, #tpu.memory_space<vmem>> -> memref<1x4x128xi32, #tpu.memory_space<vmem>>
          %dma_wait3A_433 = tpu.memref_squeeze %dma_wait3A_432 : memref<1x4x128xi32, #tpu.memory_space<vmem>> -> memref<4x128xi32, #tpu.memory_space<vmem>>
          %dma_wait3A_434 = arith.constant 0 : i32
          %dma_wait3A_435 = tpu.memref_slice %dma_wait3A_433[%dma_wait3A_422, %dma_wait3A_434] : memref<4x128xi32, #tpu.memory_space<vmem>> -> memref<1x128xi32, #tpu.memory_space<vmem>>
          %dma_wait3A_436 = tpu.memref_squeeze %dma_wait3A_435 : memref<1x128xi32, #tpu.memory_space<vmem>> -> memref<128xi32, #tpu.memory_space<vmem>>
          %dma_wait3A_437 = arith.constant 0 : i32
          %dma_wait3A_438 = arith.constant 0 : i32
          %dma_wait3A_439 = tpu.memref_slice %arg2[%dma_wait3A_437, %dma_wait3A_438] : memref<800000x16xf32, #tpu.memory_space<hbm>> -> memref<800000x16xf32, #tpu.memory_space<hbm>>
          tpu.wait_indirect_dma semaphore(%run_scoped3A_295 : memref<!tpu.dma_semaphore, #tpu.memory_space<semaphore_mem>>) src(%dma_wait3A_439 : memref<800000x16xf32, #tpu.memory_space<hbm>>) dst(%dma_wait3A_429 : memref<128x16xf32, #tpu.memory_space<vmem>>)
          tpu.yield
        }) : () -> ()
        "tpu.trace_stop"() : () -> ()
        %add3A_212 = arith.constant 0 : i32
        %add3A_213 = arith.addi %add3A_212, %add3A_133 : i32
        %add3A_214 = arith.constant 0 : i32
        %add3A_215 = arith.addi %add3A_214, %add3A_151 : i32
        %ne3A_216 = arith.cmpi ne, %add3A_213, %add3A_215 : i32
        %or3A_217 = arith.constant false
        %or3A_218 = arith.ori %or3A_217, %ne3A_216 : i1
        %or3A_219 = arith.constant false
        %or3A_220 = arith.ori %or3A_218, %or3A_219 : i1
        %or3A_221 = arith.ori %or3A_220, %eq3A_132 : i1
        %convert_element_type3A_222 = arith.extui %or3A_221 : i1 to i32
        %cond3A_223 = arith.constant 0 : i32
        %cond3A_224 = arith.cmpi ne, %convert_element_type3A_222, %cond3A_223 : i32
        scf.if %cond3A_224 {
        } else {
        }
        %and3A_225 = arith.constant false
        %and3A_226 = arith.andi %or3A_221, %and3A_225 : i1
        %ne3A_227 = arith.cmpi ne, %add3A_133, %add3A_151 : i32
        %or3A_228 = arith.constant false
        %or3A_229 = arith.ori %or3A_228, %ne3A_227 : i1
        %or3A_230 = arith.constant false
        %or3A_231 = arith.ori %or3A_229, %or3A_230 : i1
        %or3A_232 = arith.ori %or3A_231, %eq3A_132 : i1
        %convert_element_type3A_233 = arith.extui %or3A_232 : i1 to i32
        %cond3A_234 = arith.constant 0 : i32
        %cond3A_235 = arith.cmpi ne, %convert_element_type3A_233, %cond3A_234 : i32
        scf.if %cond3A_235 {
          "tpu.trace_start"() <{level = 10 : i32, message = "ep_copy_out"}> : () -> ()
          %rem3A_295 = arith.constant 2 : i32
          %rem3A_296 = arith.remui %scan3A_126, %rem3A_295 : i32
          %mul3A_297 = arith.constant 512 : i32
          %mul3A_298 = arith.muli %mul3A_297, %add3A_133 : i32
          %dma_start3A_299 = arith.constant 0 : i32
          %dma_start3A_300 = arith.constant 0 : i32
          %dma_start3A_301 = tpu.memref_slice %run_scoped3A_8[%rem3A_296, %dma_start3A_299, %dma_start3A_300] : memref<2x512x16xf32, #tpu.memory_space<vmem>> -> memref<1x512x16xf32, #tpu.memory_space<vmem>>
          %dma_start3A_302 = tpu.memref_squeeze %dma_start3A_301 : memref<1x512x16xf32, #tpu.memory_space<vmem>> -> memref<512x16xf32, #tpu.memory_space<vmem>>
          %dma_start3A_303 = arith.constant 0 : i32
          %dma_start3A_304 = tpu.memref_slice %arg4[%mul3A_298, %dma_start3A_303] : memref<131072x16xf32, #tpu.memory_space<hbm>> -> memref<512x16xf32, #tpu.memory_space<hbm>>
          %dma_start3A_305 = tpu.memref_slice %run_scoped3A_9[%rem3A_296] : memref<2x!tpu.dma_semaphore, #tpu.memory_space<semaphore_mem>> -> memref<1x!tpu.dma_semaphore, #tpu.memory_space<semaphore_mem>>
          %dma_start3A_306 = tpu.memref_squeeze %dma_start3A_305 : memref<1x!tpu.dma_semaphore, #tpu.memory_space<semaphore_mem>> -> memref<!tpu.dma_semaphore, #tpu.memory_space<semaphore_mem>>
          %dma_start3A_307 = arith.constant 0 : i32
          %dma_start3A_308 = tpu.memref_slice %arg4[%mul3A_298, %dma_start3A_307] : memref<131072x16xf32, #tpu.memory_space<hbm>> -> memref<512x16xf32, #tpu.memory_space<hbm>>
          %dma_start3A_309 = arith.constant 0 : i32
          %dma_start3A_310 = arith.constant 0 : i32
          %dma_start3A_311 = tpu.memref_slice %run_scoped3A_8[%rem3A_296, %dma_start3A_309, %dma_start3A_310] : memref<2x512x16xf32, #tpu.memory_space<vmem>> -> memref<1x512x16xf32, #tpu.memory_space<vmem>>
          %dma_start3A_312 = tpu.memref_squeeze %dma_start3A_311 : memref<1x512x16xf32, #tpu.memory_space<vmem>> -> memref<512x16xf32, #tpu.memory_space<vmem>>
          tpu.enqueue_dma source(%dma_start3A_312 : memref<512x16xf32, #tpu.memory_space<vmem>>) target(%dma_start3A_308 : memref<512x16xf32, #tpu.memory_space<hbm>>) target_semaphore(%dma_start3A_306 : memref<!tpu.dma_semaphore, #tpu.memory_space<semaphore_mem>>)
          "tpu.trace_stop"() : () -> ()
        } else {
        }
        %and3A_236 = arith.constant true
        %and3A_237 = arith.andi %or3A_232, %and3A_236 : i1
        %add3A_238 = arith.constant 1 : i32
        %add3A_239 = arith.addi %scan3A_126, %add3A_238 : i32
        %select_n3A_240 = arith.select %and3A_237, %add3A_239, %scan3A_126 : i32
        %add3A_241 = arith.constant 0 : i32
        %add3A_242 = arith.addi %add3A_241, %add3A_133 : i32
        %add3A_243 = arith.constant 0 : i32
        %add3A_244 = arith.addi %add3A_243, %add3A_142 : i32
        %ne3A_245 = arith.cmpi ne, %add3A_242, %add3A_244 : i32
        %or3A_246 = arith.constant false
        %or3A_247 = arith.ori %or3A_246, %ne3A_245 : i1
        %or3A_248 = arith.constant false
        %or3A_249 = arith.ori %or3A_247, %or3A_248 : i1
        %not3A_250 = arith.constant true
        %not3A_251 = arith.xori %eq3A_130, %not3A_250 : i1
        %and3A_252 = arith.andi %or3A_249, %not3A_251 : i1
        %convert_element_type3A_253 = arith.extui %and3A_252 : i1 to i32
        %cond3A_254 = arith.constant 0 : i32
        %cond3A_255 = arith.cmpi ne, %convert_element_type3A_253, %cond3A_254 : i32
        scf.if %cond3A_255 {
        } else {
        }
        %and3A_256 = arith.constant false
        %and3A_257 = arith.andi %and3A_252, %and3A_256 : i1
        %ne3A_258 = arith.cmpi ne, %add3A_133, %add3A_142 : i32
        %or3A_259 = arith.constant false
        %or3A_260 = arith.ori %or3A_259, %ne3A_258 : i1
        %or3A_261 = arith.constant false
        %or3A_262 = arith.ori %or3A_260, %or3A_261 : i1
        %not3A_263 = arith.constant true
        %not3A_264 = arith.xori %eq3A_130, %not3A_263 : i1
        %and3A_265 = arith.andi %or3A_262, %not3A_264 : i1
        %convert_element_type3A_266 = arith.extui %and3A_265 : i1 to i32
        %cond3A_267 = arith.constant 0 : i32
        %cond3A_268 = arith.cmpi ne, %convert_element_type3A_266, %cond3A_267 : i32
        scf.if %cond3A_268 {
          "tpu.trace_start"() <{level = 10 : i32, message = "ep_wait_out"}> : () -> ()
          %rem3A_295 = arith.constant 2 : i32
          %rem3A_296 = arith.remui %scan3A_127, %rem3A_295 : i32
          %mul3A_297 = arith.constant 512 : i32
          %mul3A_298 = arith.muli %mul3A_297, %add3A_142 : i32
          %dma_wait3A_299 = arith.constant 0 : i32
          %dma_wait3A_300 = arith.constant 0 : i32
          %dma_wait3A_301 = tpu.memref_slice %run_scoped3A_8[%rem3A_296, %dma_wait3A_299, %dma_wait3A_300] : memref<2x512x16xf32, #tpu.memory_space<vmem>> -> memref<1x512x16xf32, #tpu.memory_space<vmem>>
          %dma_wait3A_302 = tpu.memref_squeeze %dma_wait3A_301 : memref<1x512x16xf32, #tpu.memory_space<vmem>> -> memref<512x16xf32, #tpu.memory_space<vmem>>
          %dma_wait3A_303 = arith.constant 0 : i32
          %dma_wait3A_304 = tpu.memref_slice %arg4[%mul3A_298, %dma_wait3A_303] : memref<131072x16xf32, #tpu.memory_space<hbm>> -> memref<512x16xf32, #tpu.memory_space<hbm>>
          %dma_wait3A_305 = tpu.memref_slice %run_scoped3A_9[%rem3A_296] : memref<2x!tpu.dma_semaphore, #tpu.memory_space<semaphore_mem>> -> memref<1x!tpu.dma_semaphore, #tpu.memory_space<semaphore_mem>>
          %dma_wait3A_306 = tpu.memref_squeeze %dma_wait3A_305 : memref<1x!tpu.dma_semaphore, #tpu.memory_space<semaphore_mem>> -> memref<!tpu.dma_semaphore, #tpu.memory_space<semaphore_mem>>
          %dma_wait3A_307 = arith.constant 0 : i32
          %dma_wait3A_308 = tpu.memref_slice %arg4[%mul3A_298, %dma_wait3A_307] : memref<131072x16xf32, #tpu.memory_space<hbm>> -> memref<512x16xf32, #tpu.memory_space<hbm>>
          %dma_wait3A_309 = arith.constant 0 : i32
          %dma_wait3A_310 = arith.constant 0 : i32
          %dma_wait3A_311 = tpu.memref_slice %run_scoped3A_8[%rem3A_296, %dma_wait3A_309, %dma_wait3A_310] : memref<2x512x16xf32, #tpu.memory_space<vmem>> -> memref<1x512x16xf32, #tpu.memory_space<vmem>>
          %dma_wait3A_312 = tpu.memref_squeeze %dma_wait3A_311 : memref<1x512x16xf32, #tpu.memory_space<vmem>> -> memref<512x16xf32, #tpu.memory_space<vmem>>
          tpu.wait_dma2 semaphore(%dma_wait3A_306 : memref<!tpu.dma_semaphore, #tpu.memory_space<semaphore_mem>>) src(%dma_wait3A_312 : memref<512x16xf32, #tpu.memory_space<vmem>>) dst(%dma_wait3A_308 : memref<512x16xf32, #tpu.memory_space<hbm>>)
          "tpu.trace_stop"() : () -> ()
        } else {
        }
        %and3A_269 = arith.constant true
        %and3A_270 = arith.andi %and3A_265, %and3A_269 : i1
        %add3A_271 = arith.constant 1 : i32
        %add3A_272 = arith.addi %scan3A_127, %add3A_271 : i32
        %select_n3A_273 = arith.select %and3A_270, %add3A_272, %scan3A_127 : i32
        %add3A_274 = arith.constant 0 : i32
        %add3A_275 = arith.addi %add3A_274, %add3A_133 : i32
        %add3A_276 = arith.constant 0 : i32
        %add3A_277 = arith.addi %add3A_276, %add3A_151 : i32
        %ne3A_278 = arith.cmpi ne, %add3A_275, %add3A_277 : i32
        %or3A_279 = arith.constant false
        %or3A_280 = arith.ori %or3A_279, %ne3A_278 : i1
        %or3A_281 = arith.constant false
        %or3A_282 = arith.ori %or3A_280, %or3A_281 : i1
        %or3A_283 = arith.ori %or3A_282, %eq3A_132 : i1
        %add3A_284 = arith.constant 1 : i32
        %add3A_285 = arith.addi %scan3A_125, %add3A_284 : i32
        %select_n3A_286 = arith.select %or3A_283, %add3A_285, %scan3A_125 : i32
        %add3A_287 = arith.constant 1 : i32
        %add3A_288 = arith.addi %scan3A_128, %add3A_287 : i32
        %select_n3A_289 = arith.constant true
        %select_n3A_290 = arith.select %select_n3A_289, %add3A_288, %scan3A_128 : i32
        %eq3A_291 = arith.constant 8 : i32
        %eq3A_292 = arith.cmpi eq, %select_n3A_290, %eq3A_291 : i32
        %select_n3A_293 = arith.constant 0 : i32
        %select_n3A_294 = arith.select %eq3A_292, %select_n3A_293, %select_n3A_290 : i32
        scf.yield %select_n3A_175, %select_n3A_286, %select_n3A_240, %select_n3A_273, %select_n3A_294 : i32, i32, i32, i32, i32
      }
      %scan3A_70 = arith.constant 8 : i32
      %sub3A = arith.constant 1 : i32
      %sub3A_71 = arith.subi %scan3A_69#4, %sub3A : i32
      %select_n3A_72 = arith.constant true
      %select_n3A_73 = arith.select %select_n3A_72, %sub3A_71, %scan3A_69#4 : i32
      %eq3A_74 = arith.constant -1 : i32
      %eq3A_75 = arith.cmpi eq, %select_n3A_73, %eq3A_74 : i32
      %select_n3A_76 = arith.constant 7 : i32
      %select_n3A_77 = arith.select %eq3A_75, %select_n3A_76, %select_n3A_73 : i32
      %add3A_78 = arith.addi %select_n3A_77, %mul3A_6 : i32
      %sub3A_79 = arith.constant 1 : i32
      %sub3A_80 = arith.subi %select_n3A_77, %sub3A_79 : i32
      %select_n3A_81 = arith.constant true
      %select_n3A_82 = arith.select %select_n3A_81, %sub3A_80, %select_n3A_77 : i32
      %eq3A_83 = arith.constant -1 : i32
      %eq3A_84 = arith.cmpi eq, %select_n3A_82, %eq3A_83 : i32
      %select_n3A_85 = arith.constant 7 : i32
      %select_n3A_86 = arith.select %eq3A_84, %select_n3A_85, %select_n3A_82 : i32
      %add3A_87 = arith.addi %select_n3A_86, %mul3A_6 : i32
      %add3A_88 = arith.constant 1 : i32
      %add3A_89 = arith.addi %select_n3A_77, %add3A_88 : i32
      %select_n3A_90 = arith.constant true
      %select_n3A_91 = arith.select %select_n3A_90, %add3A_89, %select_n3A_77 : i32
      %eq3A_92 = arith.constant 8 : i32
      %eq3A_93 = arith.cmpi eq, %select_n3A_91, %eq3A_92 : i32
      %select_n3A_94 = arith.constant 0 : i32
      %select_n3A_95 = arith.select %eq3A_93, %select_n3A_94, %select_n3A_91 : i32
      %add3A_96 = arith.addi %select_n3A_95, %mul3A_6 : i32
      %add3A_97 = arith.constant 1 : i32
      %add3A_98 = arith.addi %select_n3A_95, %add3A_97 : i32
      %select_n3A_99 = arith.constant true
      %select_n3A_100 = arith.select %select_n3A_99, %add3A_98, %select_n3A_95 : i32
      %eq3A_101 = arith.constant 8 : i32
      %eq3A_102 = arith.cmpi eq, %select_n3A_100, %eq3A_101 : i32
      %select_n3A_103 = arith.constant 0 : i32
      %select_n3A_104 = arith.select %eq3A_102, %select_n3A_103, %select_n3A_100 : i32
      %add3A_105 = arith.addi %select_n3A_104, %mul3A_6 : i32
      "tpu.trace_start"() <{level = 10 : i32, message = "ep_finalize"}> : () -> ()
      %rem3A_106 = arith.constant 2 : i32
      %rem3A_107 = arith.remui %scan3A_69#3, %rem3A_106 : i32
      %mul3A_108 = arith.constant 512 : i32
      %mul3A_109 = arith.muli %mul3A_108, %add3A_78 : i32
      %dma_wait3A = arith.constant 0 : i32
      %dma_wait3A_110 = arith.constant 0 : i32
      %dma_wait3A_111 = tpu.memref_slice %run_scoped3A_8[%rem3A_107, %dma_wait3A, %dma_wait3A_110] : memref<2x512x16xf32, #tpu.memory_space<vmem>> -> memref<1x512x16xf32, #tpu.memory_space<vmem>>
      %dma_wait3A_112 = tpu.memref_squeeze %dma_wait3A_111 : memref<1x512x16xf32, #tpu.memory_space<vmem>> -> memref<512x16xf32, #tpu.memory_space<vmem>>
      %dma_wait3A_113 = arith.constant 0 : i32
      %dma_wait3A_114 = tpu.memref_slice %arg4[%mul3A_109, %dma_wait3A_113] : memref<131072x16xf32, #tpu.memory_space<hbm>> -> memref<512x16xf32, #tpu.memory_space<hbm>>
      %dma_wait3A_115 = tpu.memref_slice %run_scoped3A_9[%rem3A_107] : memref<2x!tpu.dma_semaphore, #tpu.memory_space<semaphore_mem>> -> memref<1x!tpu.dma_semaphore, #tpu.memory_space<semaphore_mem>>
      %dma_wait3A_116 = tpu.memref_squeeze %dma_wait3A_115 : memref<1x!tpu.dma_semaphore, #tpu.memory_space<semaphore_mem>> -> memref<!tpu.dma_semaphore, #tpu.memory_space<semaphore_mem>>
      %dma_wait3A_117 = arith.constant 0 : i32
      %dma_wait3A_118 = tpu.memref_slice %arg4[%mul3A_109, %dma_wait3A_117] : memref<131072x16xf32, #tpu.memory_space<hbm>> -> memref<512x16xf32, #tpu.memory_space<hbm>>
      %dma_wait3A_119 = arith.constant 0 : i32
      %dma_wait3A_120 = arith.constant 0 : i32
      %dma_wait3A_121 = tpu.memref_slice %run_scoped3A_8[%rem3A_107, %dma_wait3A_119, %dma_wait3A_120] : memref<2x512x16xf32, #tpu.memory_space<vmem>> -> memref<1x512x16xf32, #tpu.memory_space<vmem>>
      %dma_wait3A_122 = tpu.memref_squeeze %dma_wait3A_121 : memref<1x512x16xf32, #tpu.memory_space<vmem>> -> memref<512x16xf32, #tpu.memory_space<vmem>>
      tpu.wait_dma2 semaphore(%dma_wait3A_116 : memref<!tpu.dma_semaphore, #tpu.memory_space<semaphore_mem>>) src(%dma_wait3A_122 : memref<512x16xf32, #tpu.memory_space<vmem>>) dst(%dma_wait3A_118 : memref<512x16xf32, #tpu.memory_space<hbm>>)
      "tpu.trace_stop"() : () -> ()
      tpu.yield
    }) : () -> ()
    return
  }
}

module attributes {stable_mosaic.version = 14 : i64} {
  func.func @body(%arg0: i32, %arg1: memref<128x8192xf32, #tpu.memory_space<vmem>>, %arg2: memref<8192x128xf32, #tpu.memory_space<vmem>>) attributes {dimension_semantics = [#tpu.dimension_semantics<arbitrary>], iteration_bounds = array<i64: 13>, scalar_prefetch = 0 : i64, scratch_operands = 0 : i64, tpu.core_type = #tpu.core_type<tc>, window_params = [{transform_indices = @transform_0, window_bounds = array<i64: 128, 8192>}, {transform_indices = @transform_1, window_bounds = array<i64: 8192, 128>}]} {
    %get3A = arith.constant 0 : index
    %get3A_0 = arith.constant 0 : index
    %get3A_1 = vector.load %arg1[%get3A, %get3A_0] : memref<128x8192xf32, #tpu.memory_space<vmem>>, vector<128x8192xf32>
    %transpose3A = tpu.transpose %get3A_1, [1, 0] : vector<128x8192xf32> -> vector<8192x128xf32>
    %swap3A = arith.constant 0 : index
    %swap3A_2 = arith.constant 0 : index
    %swap3A_3 = vector.load %arg2[%swap3A, %swap3A_2] : memref<8192x128xf32, #tpu.memory_space<vmem>>, vector<8192x128xf32>
    tpu.vector_store %arg2[%swap3A, %swap3A_2], %transpose3A {strides = array<i32>} : memref<8192x128xf32, #tpu.memory_space<vmem>>, vector<8192x128xf32>,
    return
  }
  func.func @transform_0(%arg0: i32) -> (i32, i32) {
    %c0_i32 = arith.constant 0 : i32
    %c0_i32_0 = arith.constant 0 : i32
    return %c0_i32, %arg0 : i32, i32
  }
  func.func @transform_1(%arg0: i32) -> (i32, i32) {
    %c0_i32 = arith.constant 0 : i32
    %c0_i32_0 = arith.constant 0 : i32
    return %arg0, %c0_i32 : i32, i32
  }
}

module attributes {stable_mosaic.version = 14 : i64} {
  func.func @body(%arg0: i32, %arg1: memref<128x8192xf32, #tpu.memory_space<vmem>>, %arg2: memref<8192x128xf32, #tpu.memory_space<vmem>>) attributes {dimension_semantics = [#tpu.dimension_semantics<arbitrary>], iteration_bounds = array<i64: 13>, scalar_prefetch = 0 : i64, scratch_operands = 0 : i64, tpu.core_type = #tpu.core_type<tc>, window_params = [{transform_indices = @transform_0, window_bounds = array<i64: 128, 8192>}, {transform_indices = @transform_1, window_bounds = array<i64: 8192, 128>}]} {
    %get3A = arith.constant 0 : index
    %get3A_0 = arith.constant 0 : index
    %get3A_1 = vector.load %arg1[%get3A, %get3A_0] : memref<128x8192xf32, #tpu.memory_space<vmem>>, vector<128x8192xf32>
    %transpose3A = tpu.transpose %get3A_1, [1, 0] : vector<128x8192xf32> -> vector<8192x128xf32>
    %swap3A = arith.constant 0 : index
    %swap3A_2 = arith.constant 0 : index
    %swap3A_3 = vector.load %arg2[%swap3A, %swap3A_2] : memref<8192x128xf32, #tpu.memory_space<vmem>>, vector<8192x128xf32>
    tpu.vector_store %arg2[%swap3A, %swap3A_2], %transpose3A {strides = array<i32>} : memref<8192x128xf32, #tpu.memory_space<vmem>>, vector<8192x128xf32>,
    return
  }
  func.func @transform_0(%arg0: i32) -> (i32, i32) {
    %c1_i32 = arith.constant 1 : i32
    %c0_i32 = arith.constant 0 : i32
    return %c1_i32, %arg0 : i32, i32
  }
  func.func @transform_1(%arg0: i32) -> (i32, i32) {
    %c0_i32 = arith.constant 0 : i32
    %c0_i32_0 = arith.constant 0 : i32
    return %arg0, %c0_i32 : i32, i32
  }
}

module attributes {stable_mosaic.version = 14 : i64} {
  func.func @body(%arg0: i32, %arg1: memref<128x8192xf32, #tpu.memory_space<vmem>>, %arg2: memref<8192x128xf32, #tpu.memory_space<vmem>>) attributes {dimension_semantics = [#tpu.dimension_semantics<arbitrary>], iteration_bounds = array<i64: 13>, scalar_prefetch = 0 : i64, scratch_operands = 0 : i64, tpu.core_type = #tpu.core_type<tc>, window_params = [{transform_indices = @transform_0, window_bounds = array<i64: 128, 8192>}, {transform_indices = @transform_1, window_bounds = array<i64: 8192, 128>}]} {
    %get3A = arith.constant 0 : index
    %get3A_0 = arith.constant 0 : index
    %get3A_1 = vector.load %arg1[%get3A, %get3A_0] : memref<128x8192xf32, #tpu.memory_space<vmem>>, vector<128x8192xf32>
    %transpose3A = tpu.transpose %get3A_1, [1, 0] : vector<128x8192xf32> -> vector<8192x128xf32>
    %swap3A = arith.constant 0 : index
    %swap3A_2 = arith.constant 0 : index
    %swap3A_3 = vector.load %arg2[%swap3A, %swap3A_2] : memref<8192x128xf32, #tpu.memory_space<vmem>>, vector<8192x128xf32>
    tpu.vector_store %arg2[%swap3A, %swap3A_2], %transpose3A {strides = array<i32>} : memref<8192x128xf32, #tpu.memory_space<vmem>>, vector<8192x128xf32>,
    return
  }
  func.func @transform_0(%arg0: i32) -> (i32, i32) {
    %c2_i32 = arith.constant 2 : i32
    %c0_i32 = arith.constant 0 : i32
    return %c2_i32, %arg0 : i32, i32
  }
  func.func @transform_1(%arg0: i32) -> (i32, i32) {
    %c0_i32 = arith.constant 0 : i32
    %c0_i32_0 = arith.constant 0 : i32
    return %arg0, %c0_i32 : i32, i32
  }
}

module attributes {stable_mosaic.version = 14 : i64} {
  func.func @body(%arg0: i32, %arg1: memref<32x8192xf32, #tpu.memory_space<vmem>>, %arg2: memref<8192x128xf32, #tpu.memory_space<vmem>>) attributes {dimension_semantics = [#tpu.dimension_semantics<arbitrary>], iteration_bounds = array<i64: 13>, scalar_prefetch = 0 : i64, scratch_operands = 0 : i64, tpu.core_type = #tpu.core_type<tc>, window_params = [{transform_indices = @transform_0, window_bounds = array<i64: 32, 8192>}, {transform_indices = @transform_1, window_bounds = array<i64: 8192, 128>}]} {
    %get3A = arith.constant 0 : index
    %get3A_0 = arith.constant 0 : index
    %get3A_1 = vector.load %arg1[%get3A, %get3A_0] : memref<32x8192xf32, #tpu.memory_space<vmem>>, vector<32x8192xf32>
    %transpose3A = tpu.transpose %get3A_1, [1, 0] : vector<32x8192xf32> -> vector<8192x32xf32>
    %broadcast_in_dim3A = arith.constant 0.000000e+00 : f32
    %broadcast_in_dim3A_2 = vector.broadcast %broadcast_in_dim3A : f32 to vector<8192x96xf32>
    %concatenate3A = tpu.concatenate %transpose3A, %broadcast_in_dim3A_2 in 1 : vector<8192x32xf32>, vector<8192x96xf32> -> vector<8192x128xf32>
    %swap3A = arith.constant 0 : index
    %swap3A_3 = arith.constant 0 : index
    %swap3A_4 = vector.load %arg2[%swap3A, %swap3A_3] : memref<8192x128xf32, #tpu.memory_space<vmem>>, vector<8192x128xf32>
    tpu.vector_store %arg2[%swap3A, %swap3A_3], %concatenate3A {strides = array<i32>} : memref<8192x128xf32, #tpu.memory_space<vmem>>, vector<8192x128xf32>,
    return
  }
  func.func @transform_0(%arg0: i32) -> (i32, i32) {
    %c12_i32 = arith.constant 12 : i32
    %c0_i32 = arith.constant 0 : i32
    return %c12_i32, %arg0 : i32, i32
  }
  func.func @transform_1(%arg0: i32) -> (i32, i32) {
    %c0_i32 = arith.constant 0 : i32
    %c0_i32_0 = arith.constant 0 : i32
    return %arg0, %c0_i32 : i32, i32
  }
}

module attributes {stable_mosaic.version = 14 : i64} {
  func.func @body(%arg0: i32, %arg1: memref<2048x13xf32, #tpu.memory_space<vmem>>, %arg2: memref<2048x128xf32, #tpu.memory_space<vmem>>, %arg3: memref<2048x128xf32, #tpu.memory_space<vmem>>, %arg4: memref<2048x128xf32, #tpu.memory_space<vmem>>, %arg5: memref<2048x128xf32, #tpu.memory_space<vmem>>, %arg6: memref<13x256xf32, #tpu.memory_space<vmem>>, %arg7: memref<4x128x256xf32, #tpu.memory_space<vmem>>, %arg8: memref<256xf32, #tpu.memory_space<vmem>>, %arg9: memref<2048x256xf32, #tpu.memory_space<vmem>>, %arg10: memref<256xf32, #tpu.memory_space<vmem>>, %arg11: memref<256xf32, #tpu.memory_space<vmem>>) attributes {dimension_semantics = [#tpu.dimension_semantics<arbitrary>], iteration_bounds = array<i64: 8>, scalar_prefetch = 0 : i64, scratch_operands = 0 : i64, tpu.core_type = #tpu.core_type<tc>, window_params = [{transform_indices = @transform_0, window_bounds = array<i64: 2048, 13>}, {transform_indices = @transform_1, window_bounds = array<i64: 2048, 128>}, {transform_indices = @transform_2, window_bounds = array<i64: 2048, 128>}, {transform_indices = @transform_3, window_bounds = array<i64: 2048, 128>}, {transform_indices = @transform_4, window_bounds = array<i64: 2048, 128>}, {pipeline_mode = #tpu.pipeline_mode<synchronous>, transform_indices = @transform_5, window_bounds = array<i64: 13, 256>}, {pipeline_mode = #tpu.pipeline_mode<synchronous>, transform_indices = @transform_6, window_bounds = array<i64: 4, 128, 256>}, {pipeline_mode = #tpu.pipeline_mode<synchronous>, transform_indices = @transform_7, window_bounds = array<i64: 256>}, {transform_indices = @transform_8, window_bounds = array<i64: 2048, 256>}, {pipeline_mode = #tpu.pipeline_mode<synchronous>, transform_indices = @transform_9, window_bounds = array<i64: 256>}, {pipeline_mode = #tpu.pipeline_mode<synchronous>, transform_indices = @transform_10, window_bounds = array<i64: 256>}]} {
    %get3A = arith.constant 0 : index
    %get3A_0 = arith.constant 0 : index
    %get3A_1 = vector.load %arg1[%get3A, %get3A_0] : memref<2048x13xf32, #tpu.memory_space<vmem>>, vector<2048x13xf32>
    %get3A_2 = arith.constant 0 : index
    %get3A_3 = arith.constant 0 : index
    %get3A_4 = vector.load %arg6[%get3A_2, %get3A_3] : memref<13x256xf32, #tpu.memory_space<vmem>>, vector<13x256xf32>
    %dot_general3A = arith.constant dense<0.000000e+00> : vector<2048x256xf32>
    %dot_general3A_5 = tpu.matmul %get3A_1, %get3A_4, %dot_general3A {dimension_numbers = #tpu.dot_dimension_numbers<[1], [0], [0], [1], [0, 0, 1, 1], [], []>, transpose_lhs_hint = false} : vector<2048x13xf32>, vector<13x256xf32>, vector<2048x256xf32> -> vector<2048x256xf32>
    %get3A_6 = arith.constant 0 : index
    %get3A_7 = arith.constant 0 : index
    %get3A_8 = vector.load %arg2[%get3A_6, %get3A_7] : memref<2048x128xf32, #tpu.memory_space<vmem>>, vector<2048x128xf32>
    %get3A_9 = arith.constant 0 : index
    %get3A_10 = arith.constant 0 : index
    %get3A_11 = arith.constant 0 : index
    %get3A_12 = vector.load %arg7[%get3A_9, %get3A_10, %get3A_11] : memref<4x128x256xf32, #tpu.memory_space<vmem>>, vector<1x128x256xf32>
    %get3A_13 = vector.shape_cast %get3A_12 : vector<1x128x256xf32> to vector<128x256xf32>
    %dot_general3A_14 = arith.constant dense<0.000000e+00> : vector<2048x256xf32>
    %dot_general3A_15 = tpu.matmul %get3A_8, %get3A_13, %dot_general3A_14 {dimension_numbers = #tpu.dot_dimension_numbers<[1], [0], [0], [1], [0, 0, 1, 1], [], []>, transpose_lhs_hint = false} : vector<2048x128xf32>, vector<128x256xf32>, vector<2048x256xf32> -> vector<2048x256xf32>
    %add3A = arith.addf %dot_general3A_5, %dot_general3A_15 : vector<2048x256xf32>
    %get3A_16 = arith.constant 0 : index
    %get3A_17 = arith.constant 0 : index
    %get3A_18 = vector.load %arg3[%get3A_16, %get3A_17] : memref<2048x128xf32, #tpu.memory_space<vmem>>, vector<2048x128xf32>
    %get3A_19 = arith.constant 1 : index
    %get3A_20 = arith.constant 0 : index
    %get3A_21 = arith.constant 0 : index
    %get3A_22 = vector.load %arg7[%get3A_19, %get3A_20, %get3A_21] : memref<4x128x256xf32, #tpu.memory_space<vmem>>, vector<1x128x256xf32>
    %get3A_23 = vector.shape_cast %get3A_22 : vector<1x128x256xf32> to vector<128x256xf32>
    %dot_general3A_24 = arith.constant dense<0.000000e+00> : vector<2048x256xf32>
    %dot_general3A_25 = tpu.matmul %get3A_18, %get3A_23, %dot_general3A_24 {dimension_numbers = #tpu.dot_dimension_numbers<[1], [0], [0], [1], [0, 0, 1, 1], [], []>, transpose_lhs_hint = false} : vector<2048x128xf32>, vector<128x256xf32>, vector<2048x256xf32> -> vector<2048x256xf32>
    %add3A_26 = arith.addf %add3A, %dot_general3A_25 : vector<2048x256xf32>
    %get3A_27 = arith.constant 0 : index
    %get3A_28 = arith.constant 0 : index
    %get3A_29 = vector.load %arg4[%get3A_27, %get3A_28] : memref<2048x128xf32, #tpu.memory_space<vmem>>, vector<2048x128xf32>
    %get3A_30 = arith.constant 2 : index
    %get3A_31 = arith.constant 0 : index
    %get3A_32 = arith.constant 0 : index
    %get3A_33 = vector.load %arg7[%get3A_30, %get3A_31, %get3A_32] : memref<4x128x256xf32, #tpu.memory_space<vmem>>, vector<1x128x256xf32>
    %get3A_34 = vector.shape_cast %get3A_33 : vector<1x128x256xf32> to vector<128x256xf32>
    %dot_general3A_35 = arith.constant dense<0.000000e+00> : vector<2048x256xf32>
    %dot_general3A_36 = tpu.matmul %get3A_29, %get3A_34, %dot_general3A_35 {dimension_numbers = #tpu.dot_dimension_numbers<[1], [0], [0], [1], [0, 0, 1, 1], [], []>, transpose_lhs_hint = false} : vector<2048x128xf32>, vector<128x256xf32>, vector<2048x256xf32> -> vector<2048x256xf32>
    %add3A_37 = arith.addf %add3A_26, %dot_general3A_36 : vector<2048x256xf32>
    %get3A_38 = arith.constant 0 : index
    %get3A_39 = arith.constant 0 : index
    %get3A_40 = vector.load %arg5[%get3A_38, %get3A_39] : memref<2048x128xf32, #tpu.memory_space<vmem>>, vector<2048x128xf32>
    %get3A_41 = arith.constant 3 : index
    %get3A_42 = arith.constant 0 : index
    %get3A_43 = arith.constant 0 : index
    %get3A_44 = vector.load %arg7[%get3A_41, %get3A_42, %get3A_43] : memref<4x128x256xf32, #tpu.memory_space<vmem>>, vector<1x128x256xf32>
    %get3A_45 = vector.shape_cast %get3A_44 : vector<1x128x256xf32> to vector<128x256xf32>
    %dot_general3A_46 = arith.constant dense<0.000000e+00> : vector<2048x256xf32>
    %dot_general3A_47 = tpu.matmul %get3A_40, %get3A_45, %dot_general3A_46 {dimension_numbers = #tpu.dot_dimension_numbers<[1], [0], [0], [1], [0, 0, 1, 1], [], []>, transpose_lhs_hint = false} : vector<2048x128xf32>, vector<128x256xf32>, vector<2048x256xf32> -> vector<2048x256xf32>
    %add3A_48 = arith.addf %add3A_37, %dot_general3A_47 : vector<2048x256xf32>
    %get3A_49 = arith.constant 0 : index
    %get3A_50 = vector.load %arg8[%get3A_49] : memref<256xf32, #tpu.memory_space<vmem>>, vector<256xf32>
    %broadcast_in_dim3A = vector.shape_cast %get3A_50 : vector<256xf32> to vector<1x256xf32>
    %add3A_51 = vector.broadcast %broadcast_in_dim3A : vector<1x256xf32> to vector<2048x256xf32>
    %add3A_52 = arith.addf %add3A_48, %add3A_51 : vector<2048x256xf32>
    %swap3A = arith.constant 0 : index
    %swap3A_53 = arith.constant 0 : index
    %swap3A_54 = vector.load %arg9[%swap3A, %swap3A_53] : memref<2048x256xf32, #tpu.memory_space<vmem>>, vector<2048x256xf32>
    tpu.vector_store %arg9[%swap3A, %swap3A_53], %add3A_52 {strides = array<i32>} : memref<2048x256xf32, #tpu.memory_space<vmem>>, vector<2048x256xf32>,
    %eq3A = arith.constant 0 : i32
    %eq3A_55 = arith.cmpi eq, %arg0, %eq3A : i32
    %convert_element_type3A = arith.extui %eq3A_55 : i1 to i32
    %cond3A = arith.constant 0 : i32
    %cond3A_56 = arith.cmpi ne, %convert_element_type3A, %cond3A : i32
    scf.if %cond3A_56 {
      %broadcast_in_dim3A_70 = arith.constant 0.000000e+00 : f32
      %broadcast_in_dim3A_71 = vector.broadcast %broadcast_in_dim3A_70 : f32 to vector<256xf32>
      %swap3A_72 = arith.constant 0 : index
      %swap3A_73 = vector.load %arg10[%swap3A_72] : memref<256xf32, #tpu.memory_space<vmem>>, vector<256xf32>
      tpu.vector_store %arg10[%swap3A_72], %broadcast_in_dim3A_71 {strides = array<i32>} : memref<256xf32, #tpu.memory_space<vmem>>, vector<256xf32>,
      %broadcast_in_dim3A_74 = arith.constant 0.000000e+00 : f32
      %broadcast_in_dim3A_75 = vector.broadcast %broadcast_in_dim3A_74 : f32 to vector<256xf32>
      %swap3A_76 = arith.constant 0 : index
      %swap3A_77 = vector.load %arg11[%swap3A_76] : memref<256xf32, #tpu.memory_space<vmem>>, vector<256xf32>
      tpu.vector_store %arg11[%swap3A_76], %broadcast_in_dim3A_75 {strides = array<i32>} : memref<256xf32, #tpu.memory_space<vmem>>, vector<256xf32>,
    } else {
    }
    %get3A_57 = arith.constant 0 : index
    %get3A_58 = vector.load %arg10[%get3A_57] : memref<256xf32, #tpu.memory_space<vmem>>, vector<256xf32>
    %reduce_sum3A = arith.constant dense<0.000000e+00> : vector<256xf32>
    %reduce_sum3A_59 = vector.multi_reduction <add>, %add3A_52, %reduce_sum3A [0] : vector<2048x256xf32> to vector<256xf32>
    %add3A_60 = arith.addf %get3A_58, %reduce_sum3A_59 : vector<256xf32>
    %swap3A_61 = arith.constant 0 : index
    %swap3A_62 = vector.load %arg10[%swap3A_61] : memref<256xf32, #tpu.memory_space<vmem>>, vector<256xf32>
    tpu.vector_store %arg10[%swap3A_61], %add3A_60 {strides = array<i32>} : memref<256xf32, #tpu.memory_space<vmem>>, vector<256xf32>,
    %get3A_63 = arith.constant 0 : index
    %get3A_64 = vector.load %arg11[%get3A_63] : memref<256xf32, #tpu.memory_space<vmem>>, vector<256xf32>
    %mul3A = arith.mulf %add3A_52, %add3A_52 : vector<2048x256xf32>
    %reduce_sum3A_65 = arith.constant dense<0.000000e+00> : vector<256xf32>
    %reduce_sum3A_66 = vector.multi_reduction <add>, %mul3A, %reduce_sum3A_65 [0] : vector<2048x256xf32> to vector<256xf32>
    %add3A_67 = arith.addf %get3A_64, %reduce_sum3A_66 : vector<256xf32>
    %swap3A_68 = arith.constant 0 : index
    %swap3A_69 = vector.load %arg11[%swap3A_68] : memref<256xf32, #tpu.memory_space<vmem>>, vector<256xf32>
    tpu.vector_store %arg11[%swap3A_68], %add3A_67 {strides = array<i32>} : memref<256xf32, #tpu.memory_space<vmem>>, vector<256xf32>,
    return
  }
  func.func @transform_0(%arg0: i32) -> (i32, i32) {
    %c0_i32 = arith.constant 0 : i32
    %c0_i32_0 = arith.constant 0 : i32
    return %arg0, %c0_i32 : i32, i32
  }
  func.func @transform_1(%arg0: i32) -> (i32, i32) {
    %c0_i32 = arith.constant 0 : i32
    %c0_i32_0 = arith.constant 0 : i32
    return %arg0, %c0_i32 : i32, i32
  }
  func.func @transform_2(%arg0: i32) -> (i32, i32) {
    %c0_i32 = arith.constant 0 : i32
    %c0_i32_0 = arith.constant 0 : i32
    return %arg0, %c0_i32 : i32, i32
  }
  func.func @transform_3(%arg0: i32) -> (i32, i32) {
    %c0_i32 = arith.constant 0 : i32
    %c0_i32_0 = arith.constant 0 : i32
    return %arg0, %c0_i32 : i32, i32
  }
  func.func @transform_4(%arg0: i32) -> (i32, i32) {
    %c0_i32 = arith.constant 0 : i32
    %c0_i32_0 = arith.constant 0 : i32
    return %arg0, %c0_i32 : i32, i32
  }
  func.func @transform_5(%arg0: i32) -> (i32, i32) {
    %c0_i32 = arith.constant 0 : i32
    %c0_i32_0 = arith.constant 0 : i32
    %c0_i32_1 = arith.constant 0 : i32
    return %c0_i32, %c0_i32_0 : i32, i32
  }
  func.func @transform_6(%arg0: i32) -> (i32, i32, i32) {
    %c0_i32 = arith.constant 0 : i32
    %c0_i32_0 = arith.constant 0 : i32
    %c0_i32_1 = arith.constant 0 : i32
    %c0_i32_2 = arith.constant 0 : i32
    return %c0_i32, %c0_i32_0, %c0_i32_1 : i32, i32, i32
  }
  func.func @transform_7(%arg0: i32) -> i32 {
    %c0_i32 = arith.constant 0 : i32
    %c0_i32_0 = arith.constant 0 : i32
    return %c0_i32 : i32
  }
  func.func @transform_8(%arg0: i32) -> (i32, i32) {
    %c0_i32 = arith.constant 0 : i32
    %c0_i32_0 = arith.constant 0 : i32
    return %arg0, %c0_i32 : i32, i32
  }
  func.func @transform_9(%arg0: i32) -> i32 {
    %c0_i32 = arith.constant 0 : i32
    %c0_i32_0 = arith.constant 0 : i32
    return %c0_i32 : i32
  }
  func.func @transform_10(%arg0: i32) -> i32 {
    %c0_i32 = arith.constant 0 : i32
    %c0_i32_0 = arith.constant 0 : i32
    return %c0_i32 : i32
  }
}

module attributes {stable_mosaic.version = 14 : i64} {
  func.func @body(%arg0: i32, %arg1: memref<2048x256xf32, #tpu.memory_space<vmem>>, %arg2: memref<256xf32, #tpu.memory_space<vmem>>, %arg3: memref<256xf32, #tpu.memory_space<vmem>>, %arg4: memref<256xf32, #tpu.memory_space<vmem>>, %arg5: memref<256xf32, #tpu.memory_space<vmem>>, %arg6: memref<256x128xf32, #tpu.memory_space<vmem>>, %arg7: memref<128xf32, #tpu.memory_space<vmem>>, %arg8: memref<2048x128xf32, #tpu.memory_space<vmem>>, %arg9: memref<128xf32, #tpu.memory_space<vmem>>, %arg10: memref<128xf32, #tpu.memory_space<vmem>>) attributes {dimension_semantics = [#tpu.dimension_semantics<arbitrary>], iteration_bounds = array<i64: 8>, scalar_prefetch = 0 : i64, scratch_operands = 0 : i64, tpu.core_type = #tpu.core_type<tc>, window_params = [{transform_indices = @transform_0, window_bounds = array<i64: 2048, 256>}, {pipeline_mode = #tpu.pipeline_mode<synchronous>, transform_indices = @transform_1, window_bounds = array<i64: 256>}, {pipeline_mode = #tpu.pipeline_mode<synchronous>, transform_indices = @transform_2, window_bounds = array<i64: 256>}, {pipeline_mode = #tpu.pipeline_mode<synchronous>, transform_indices = @transform_3, window_bounds = array<i64: 256>}, {pipeline_mode = #tpu.pipeline_mode<synchronous>, transform_indices = @transform_4, window_bounds = array<i64: 256>}, {pipeline_mode = #tpu.pipeline_mode<synchronous>, transform_indices = @transform_5, window_bounds = array<i64: 256, 128>}, {pipeline_mode = #tpu.pipeline_mode<synchronous>, transform_indices = @transform_6, window_bounds = array<i64: 128>}, {transform_indices = @transform_7, window_bounds = array<i64: 2048, 128>}, {pipeline_mode = #tpu.pipeline_mode<synchronous>, transform_indices = @transform_8, window_bounds = array<i64: 128>}, {pipeline_mode = #tpu.pipeline_mode<synchronous>, transform_indices = @transform_9, window_bounds = array<i64: 128>}]} {
    %get3A = arith.constant 0 : index
    %get3A_0 = vector.load %arg2[%get3A] : memref<256xf32, #tpu.memory_space<vmem>>, vector<256xf32>
    %mul3A = arith.constant 6.10351563E-5 : f32
    %mul3A_1 = vector.broadcast %mul3A : f32 to vector<256xf32>
    %mul3A_2 = arith.mulf %get3A_0, %mul3A_1 : vector<256xf32>
    %get3A_3 = arith.constant 0 : index
    %get3A_4 = vector.load %arg3[%get3A_3] : memref<256xf32, #tpu.memory_space<vmem>>, vector<256xf32>
    %mul3A_5 = arith.constant 6.10351563E-5 : f32
    %mul3A_6 = vector.broadcast %mul3A_5 : f32 to vector<256xf32>
    %mul3A_7 = arith.mulf %get3A_4, %mul3A_6 : vector<256xf32>
    %mul3A_8 = arith.mulf %mul3A_2, %mul3A_2 : vector<256xf32>
    %sub3A = arith.subf %mul3A_7, %mul3A_8 : vector<256xf32>
    %get3A_9 = arith.constant 0 : index
    %get3A_10 = vector.load %arg4[%get3A_9] : memref<256xf32, #tpu.memory_space<vmem>>, vector<256xf32>
    %add3A = arith.constant 9.99999974E-6 : f32
    %add3A_11 = vector.broadcast %add3A : f32 to vector<256xf32>
    %add3A_12 = arith.addf %sub3A, %add3A_11 : vector<256xf32>
    %rsqrt3A = math.rsqrt %add3A_12 : vector<256xf32>
    %mul3A_13 = arith.mulf %get3A_10, %rsqrt3A : vector<256xf32>
    %get3A_14 = arith.constant 0 : index
    %get3A_15 = vector.load %arg5[%get3A_14] : memref<256xf32, #tpu.memory_space<vmem>>, vector<256xf32>
    %mul3A_16 = arith.mulf %mul3A_13, %mul3A_2 : vector<256xf32>
    %sub3A_17 = arith.subf %get3A_15, %mul3A_16 : vector<256xf32>
    %get3A_18 = arith.constant 0 : index
    %get3A_19 = arith.constant 0 : index
    %get3A_20 = vector.load %arg1[%get3A_18, %get3A_19] : memref<2048x256xf32, #tpu.memory_space<vmem>>, vector<2048x256xf32>
    %broadcast_in_dim3A = vector.shape_cast %mul3A_13 : vector<256xf32> to vector<1x256xf32>
    %mul3A_21 = vector.broadcast %broadcast_in_dim3A : vector<1x256xf32> to vector<2048x256xf32>
    %mul3A_22 = arith.mulf %get3A_20, %mul3A_21 : vector<2048x256xf32>
    %broadcast_in_dim3A_23 = vector.shape_cast %sub3A_17 : vector<256xf32> to vector<1x256xf32>
    %add3A_24 = vector.broadcast %broadcast_in_dim3A_23 : vector<1x256xf32> to vector<2048x256xf32>
    %add3A_25 = arith.addf %mul3A_22, %add3A_24 : vector<2048x256xf32>
    %max3A = arith.constant 0.000000e+00 : f32
    %max3A_26 = vector.broadcast %max3A : f32 to vector<2048x256xf32>
    %max3A_27 = arith.maximumf %add3A_25, %max3A_26 : vector<2048x256xf32>
    %get3A_28 = arith.constant 0 : index
    %get3A_29 = arith.constant 0 : index
    %get3A_30 = vector.load %arg6[%get3A_28, %get3A_29] : memref<256x128xf32, #tpu.memory_space<vmem>>, vector<256x128xf32>
    %dot_general3A = arith.constant dense<0.000000e+00> : vector<2048x128xf32>
    %dot_general3A_31 = tpu.matmul %max3A_27, %get3A_30, %dot_general3A {dimension_numbers = #tpu.dot_dimension_numbers<[1], [0], [0], [1], [0, 0, 1, 1], [], []>, transpose_lhs_hint = false} : vector<2048x256xf32>, vector<256x128xf32>, vector<2048x128xf32> -> vector<2048x128xf32>
    %get3A_32 = arith.constant 0 : index
    %get3A_33 = vector.load %arg7[%get3A_32] : memref<128xf32, #tpu.memory_space<vmem>>, vector<128xf32>
    %broadcast_in_dim3A_34 = vector.shape_cast %get3A_33 : vector<128xf32> to vector<1x128xf32>
    %add3A_35 = vector.broadcast %broadcast_in_dim3A_34 : vector<1x128xf32> to vector<2048x128xf32>
    %add3A_36 = arith.addf %dot_general3A_31, %add3A_35 : vector<2048x128xf32>
    %swap3A = arith.constant 0 : index
    %swap3A_37 = arith.constant 0 : index
    %swap3A_38 = vector.load %arg8[%swap3A, %swap3A_37] : memref<2048x128xf32, #tpu.memory_space<vmem>>, vector<2048x128xf32>
    tpu.vector_store %arg8[%swap3A, %swap3A_37], %add3A_36 {strides = array<i32>} : memref<2048x128xf32, #tpu.memory_space<vmem>>, vector<2048x128xf32>,
    %eq3A = arith.constant 0 : i32
    %eq3A_39 = arith.cmpi eq, %arg0, %eq3A : i32
    %convert_element_type3A = arith.extui %eq3A_39 : i1 to i32
    %cond3A = arith.constant 0 : i32
    %cond3A_40 = arith.cmpi ne, %convert_element_type3A, %cond3A : i32
    scf.if %cond3A_40 {
      %broadcast_in_dim3A_55 = arith.constant 0.000000e+00 : f32
      %broadcast_in_dim3A_56 = vector.broadcast %broadcast_in_dim3A_55 : f32 to vector<128xf32>
      %swap3A_57 = arith.constant 0 : index
      %swap3A_58 = vector.load %arg9[%swap3A_57] : memref<128xf32, #tpu.memory_space<vmem>>, vector<128xf32>
      tpu.vector_store %arg9[%swap3A_57], %broadcast_in_dim3A_56 {strides = array<i32>} : memref<128xf32, #tpu.memory_space<vmem>>, vector<128xf32>,
      %broadcast_in_dim3A_59 = arith.constant 0.000000e+00 : f32
      %broadcast_in_dim3A_60 = vector.broadcast %broadcast_in_dim3A_59 : f32 to vector<128xf32>
      %swap3A_61 = arith.constant 0 : index
      %swap3A_62 = vector.load %arg10[%swap3A_61] : memref<128xf32, #tpu.memory_space<vmem>>, vector<128xf32>
      tpu.vector_store %arg10[%swap3A_61], %broadcast_in_dim3A_60 {strides = array<i32>} : memref<128xf32, #tpu.memory_space<vmem>>, vector<128xf32>,
    } else {
    }
    %get3A_41 = arith.constant 0 : index
    %get3A_42 = vector.load %arg9[%get3A_41] : memref<128xf32, #tpu.memory_space<vmem>>, vector<128xf32>
    %reduce_sum3A = arith.constant dense<0.000000e+00> : vector<128xf32>
    %reduce_sum3A_43 = vector.multi_reduction <add>, %add3A_36, %reduce_sum3A [0] : vector<2048x128xf32> to vector<128xf32>
    %add3A_44 = arith.addf %get3A_42, %reduce_sum3A_43 : vector<128xf32>
    %swap3A_45 = arith.constant 0 : index
    %swap3A_46 = vector.load %arg9[%swap3A_45] : memref<128xf32, #tpu.memory_space<vmem>>, vector<128xf32>
    tpu.vector_store %arg9[%swap3A_45], %add3A_44 {strides = array<i32>} : memref<128xf32, #tpu.memory_space<vmem>>, vector<128xf32>,
    %get3A_47 = arith.constant 0 : index
    %get3A_48 = vector.load %arg10[%get3A_47] : memref<128xf32, #tpu.memory_space<vmem>>, vector<128xf32>
    %mul3A_49 = arith.mulf %add3A_36, %add3A_36 : vector<2048x128xf32>
    %reduce_sum3A_50 = arith.constant dense<0.000000e+00> : vector<128xf32>
    %reduce_sum3A_51 = vector.multi_reduction <add>, %mul3A_49, %reduce_sum3A_50 [0] : vector<2048x128xf32> to vector<128xf32>
    %add3A_52 = arith.addf %get3A_48, %reduce_sum3A_51 : vector<128xf32>
    %swap3A_53 = arith.constant 0 : index
    %swap3A_54 = vector.load %arg10[%swap3A_53] : memref<128xf32, #tpu.memory_space<vmem>>, vector<128xf32>
    tpu.vector_store %arg10[%swap3A_53], %add3A_52 {strides = array<i32>} : memref<128xf32, #tpu.memory_space<vmem>>, vector<128xf32>,
    return
  }
  func.func @transform_0(%arg0: i32) -> (i32, i32) {
    %c0_i32 = arith.constant 0 : i32
    %c0_i32_0 = arith.constant 0 : i32
    return %arg0, %c0_i32 : i32, i32
  }
  func.func @transform_1(%arg0: i32) -> i32 {
    %c0_i32 = arith.constant 0 : i32
    %c0_i32_0 = arith.constant 0 : i32
    return %c0_i32 : i32
  }
  func.func @transform_2(%arg0: i32) -> i32 {
    %c0_i32 = arith.constant 0 : i32
    %c0_i32_0 = arith.constant 0 : i32
    return %c0_i32 : i32
  }
  func.func @transform_3(%arg0: i32) -> i32 {
    %c0_i32 = arith.constant 0 : i32
    %c0_i32_0 = arith.constant 0 : i32
    return %c0_i32 : i32
  }
  func.func @transform_4(%arg0: i32) -> i32 {
    %c0_i32 = arith.constant 0 : i32
    %c0_i32_0 = arith.constant 0 : i32
    return %c0_i32 : i32
  }
  func.func @transform_5(%arg0: i32) -> (i32, i32) {
    %c0_i32 = arith.constant 0 : i32
    %c0_i32_0 = arith.constant 0 : i32
    %c0_i32_1 = arith.constant 0 : i32
    return %c0_i32, %c0_i32_0 : i32, i32
  }
  func.func @transform_6(%arg0: i32) -> i32 {
    %c0_i32 = arith.constant 0 : i32
    %c0_i32_0 = arith.constant 0 : i32
    return %c0_i32 : i32
  }
  func.func @transform_7(%arg0: i32) -> (i32, i32) {
    %c0_i32 = arith.constant 0 : i32
    %c0_i32_0 = arith.constant 0 : i32
    return %arg0, %c0_i32 : i32, i32
  }
  func.func @transform_8(%arg0: i32) -> i32 {
    %c0_i32 = arith.constant 0 : i32
    %c0_i32_0 = arith.constant 0 : i32
    return %c0_i32 : i32
  }
  func.func @transform_9(%arg0: i32) -> i32 {
    %c0_i32 = arith.constant 0 : i32
    %c0_i32_0 = arith.constant 0 : i32
    return %c0_i32 : i32
  }
}

module attributes {stable_mosaic.version = 14 : i64} {
  func.func @body(%arg0: i32, %arg1: memref<2048x128xf32, #tpu.memory_space<vmem>>, %arg2: memref<128xf32, #tpu.memory_space<vmem>>, %arg3: memref<128xf32, #tpu.memory_space<vmem>>, %arg4: memref<128xf32, #tpu.memory_space<vmem>>, %arg5: memref<128xf32, #tpu.memory_space<vmem>>, %arg6: memref<128x64xf32, #tpu.memory_space<vmem>>, %arg7: memref<64xf32, #tpu.memory_space<vmem>>, %arg8: memref<2048x64xf32, #tpu.memory_space<vmem>>, %arg9: memref<64xf32, #tpu.memory_space<vmem>>, %arg10: memref<64xf32, #tpu.memory_space<vmem>>) attributes {dimension_semantics = [#tpu.dimension_semantics<arbitrary>], iteration_bounds = array<i64: 8>, scalar_prefetch = 0 : i64, scratch_operands = 0 : i64, tpu.core_type = #tpu.core_type<tc>, window_params = [{transform_indices = @transform_0, window_bounds = array<i64: 2048, 128>}, {pipeline_mode = #tpu.pipeline_mode<synchronous>, transform_indices = @transform_1, window_bounds = array<i64: 128>}, {pipeline_mode = #tpu.pipeline_mode<synchronous>, transform_indices = @transform_2, window_bounds = array<i64: 128>}, {pipeline_mode = #tpu.pipeline_mode<synchronous>, transform_indices = @transform_3, window_bounds = array<i64: 128>}, {pipeline_mode = #tpu.pipeline_mode<synchronous>, transform_indices = @transform_4, window_bounds = array<i64: 128>}, {pipeline_mode = #tpu.pipeline_mode<synchronous>, transform_indices = @transform_5, window_bounds = array<i64: 128, 64>}, {pipeline_mode = #tpu.pipeline_mode<synchronous>, transform_indices = @transform_6, window_bounds = array<i64: 64>}, {transform_indices = @transform_7, window_bounds = array<i64: 2048, 64>}, {pipeline_mode = #tpu.pipeline_mode<synchronous>, transform_indices = @transform_8, window_bounds = array<i64: 64>}, {pipeline_mode = #tpu.pipeline_mode<synchronous>, transform_indices = @transform_9, window_bounds = array<i64: 64>}]} {
    %get3A = arith.constant 0 : index
    %get3A_0 = vector.load %arg2[%get3A] : memref<128xf32, #tpu.memory_space<vmem>>, vector<128xf32>
    %mul3A = arith.constant 6.10351563E-5 : f32
    %mul3A_1 = vector.broadcast %mul3A : f32 to vector<128xf32>
    %mul3A_2 = arith.mulf %get3A_0, %mul3A_1 : vector<128xf32>
    %get3A_3 = arith.constant 0 : index
    %get3A_4 = vector.load %arg3[%get3A_3] : memref<128xf32, #tpu.memory_space<vmem>>, vector<128xf32>
    %mul3A_5 = arith.constant 6.10351563E-5 : f32
    %mul3A_6 = vector.broadcast %mul3A_5 : f32 to vector<128xf32>
    %mul3A_7 = arith.mulf %get3A_4, %mul3A_6 : vector<128xf32>
    %mul3A_8 = arith.mulf %mul3A_2, %mul3A_2 : vector<128xf32>
    %sub3A = arith.subf %mul3A_7, %mul3A_8 : vector<128xf32>
    %get3A_9 = arith.constant 0 : index
    %get3A_10 = vector.load %arg4[%get3A_9] : memref<128xf32, #tpu.memory_space<vmem>>, vector<128xf32>
    %add3A = arith.constant 9.99999974E-6 : f32
    %add3A_11 = vector.broadcast %add3A : f32 to vector<128xf32>
    %add3A_12 = arith.addf %sub3A, %add3A_11 : vector<128xf32>
    %rsqrt3A = math.rsqrt %add3A_12 : vector<128xf32>
    %mul3A_13 = arith.mulf %get3A_10, %rsqrt3A : vector<128xf32>
    %get3A_14 = arith.constant 0 : index
    %get3A_15 = vector.load %arg5[%get3A_14] : memref<128xf32, #tpu.memory_space<vmem>>, vector<128xf32>
    %mul3A_16 = arith.mulf %mul3A_13, %mul3A_2 : vector<128xf32>
    %sub3A_17 = arith.subf %get3A_15, %mul3A_16 : vector<128xf32>
    %get3A_18 = arith.constant 0 : index
    %get3A_19 = arith.constant 0 : index
    %get3A_20 = vector.load %arg1[%get3A_18, %get3A_19] : memref<2048x128xf32, #tpu.memory_space<vmem>>, vector<2048x128xf32>
    %broadcast_in_dim3A = vector.shape_cast %mul3A_13 : vector<128xf32> to vector<1x128xf32>
    %mul3A_21 = vector.broadcast %broadcast_in_dim3A : vector<1x128xf32> to vector<2048x128xf32>
    %mul3A_22 = arith.mulf %get3A_20, %mul3A_21 : vector<2048x128xf32>
    %broadcast_in_dim3A_23 = vector.shape_cast %sub3A_17 : vector<128xf32> to vector<1x128xf32>
    %add3A_24 = vector.broadcast %broadcast_in_dim3A_23 : vector<1x128xf32> to vector<2048x128xf32>
    %add3A_25 = arith.addf %mul3A_22, %add3A_24 : vector<2048x128xf32>
    %max3A = arith.constant 0.000000e+00 : f32
    %max3A_26 = vector.broadcast %max3A : f32 to vector<2048x128xf32>
    %max3A_27 = arith.maximumf %add3A_25, %max3A_26 : vector<2048x128xf32>
    %get3A_28 = arith.constant 0 : index
    %get3A_29 = arith.constant 0 : index
    %get3A_30 = vector.load %arg6[%get3A_28, %get3A_29] : memref<128x64xf32, #tpu.memory_space<vmem>>, vector<128x64xf32>
    %dot_general3A = arith.constant dense<0.000000e+00> : vector<2048x64xf32>
    %dot_general3A_31 = tpu.matmul %max3A_27, %get3A_30, %dot_general3A {dimension_numbers = #tpu.dot_dimension_numbers<[1], [0], [0], [1], [0, 0, 1, 1], [], []>, transpose_lhs_hint = false} : vector<2048x128xf32>, vector<128x64xf32>, vector<2048x64xf32> -> vector<2048x64xf32>
    %get3A_32 = arith.constant 0 : index
    %get3A_33 = vector.load %arg7[%get3A_32] : memref<64xf32, #tpu.memory_space<vmem>>, vector<64xf32>
    %broadcast_in_dim3A_34 = vector.shape_cast %get3A_33 : vector<64xf32> to vector<1x64xf32>
    %add3A_35 = vector.broadcast %broadcast_in_dim3A_34 : vector<1x64xf32> to vector<2048x64xf32>
    %add3A_36 = arith.addf %dot_general3A_31, %add3A_35 : vector<2048x64xf32>
    %swap3A = arith.constant 0 : index
    %swap3A_37 = arith.constant 0 : index
    %swap3A_38 = vector.load %arg8[%swap3A, %swap3A_37] : memref<2048x64xf32, #tpu.memory_space<vmem>>, vector<2048x64xf32>
    tpu.vector_store %arg8[%swap3A, %swap3A_37], %add3A_36 {strides = array<i32>} : memref<2048x64xf32, #tpu.memory_space<vmem>>, vector<2048x64xf32>,
    %eq3A = arith.constant 0 : i32
    %eq3A_39 = arith.cmpi eq, %arg0, %eq3A : i32
    %convert_element_type3A = arith.extui %eq3A_39 : i1 to i32
    %cond3A = arith.constant 0 : i32
    %cond3A_40 = arith.cmpi ne, %convert_element_type3A, %cond3A : i32
    scf.if %cond3A_40 {
      %broadcast_in_dim3A_55 = arith.constant 0.000000e+00 : f32
      %broadcast_in_dim3A_56 = vector.broadcast %broadcast_in_dim3A_55 : f32 to vector<64xf32>
      %swap3A_57 = arith.constant 0 : index
      %swap3A_58 = vector.load %arg9[%swap3A_57] : memref<64xf32, #tpu.memory_space<vmem>>, vector<64xf32>
      tpu.vector_store %arg9[%swap3A_57], %broadcast_in_dim3A_56 {strides = array<i32>} : memref<64xf32, #tpu.memory_space<vmem>>, vector<64xf32>,
      %broadcast_in_dim3A_59 = arith.constant 0.000000e+00 : f32
      %broadcast_in_dim3A_60 = vector.broadcast %broadcast_in_dim3A_59 : f32 to vector<64xf32>
      %swap3A_61 = arith.constant 0 : index
      %swap3A_62 = vector.load %arg10[%swap3A_61] : memref<64xf32, #tpu.memory_space<vmem>>, vector<64xf32>
      tpu.vector_store %arg10[%swap3A_61], %broadcast_in_dim3A_60 {strides = array<i32>} : memref<64xf32, #tpu.memory_space<vmem>>, vector<64xf32>,
    } else {
    }
    %get3A_41 = arith.constant 0 : index
    %get3A_42 = vector.load %arg9[%get3A_41] : memref<64xf32, #tpu.memory_space<vmem>>, vector<64xf32>
    %reduce_sum3A = arith.constant dense<0.000000e+00> : vector<64xf32>
    %reduce_sum3A_43 = vector.multi_reduction <add>, %add3A_36, %reduce_sum3A [0] : vector<2048x64xf32> to vector<64xf32>
    %add3A_44 = arith.addf %get3A_42, %reduce_sum3A_43 : vector<64xf32>
    %swap3A_45 = arith.constant 0 : index
    %swap3A_46 = vector.load %arg9[%swap3A_45] : memref<64xf32, #tpu.memory_space<vmem>>, vector<64xf32>
    tpu.vector_store %arg9[%swap3A_45], %add3A_44 {strides = array<i32>} : memref<64xf32, #tpu.memory_space<vmem>>, vector<64xf32>,
    %get3A_47 = arith.constant 0 : index
    %get3A_48 = vector.load %arg10[%get3A_47] : memref<64xf32, #tpu.memory_space<vmem>>, vector<64xf32>
    %mul3A_49 = arith.mulf %add3A_36, %add3A_36 : vector<2048x64xf32>
    %reduce_sum3A_50 = arith.constant dense<0.000000e+00> : vector<64xf32>
    %reduce_sum3A_51 = vector.multi_reduction <add>, %mul3A_49, %reduce_sum3A_50 [0] : vector<2048x64xf32> to vector<64xf32>
    %add3A_52 = arith.addf %get3A_48, %reduce_sum3A_51 : vector<64xf32>
    %swap3A_53 = arith.constant 0 : index
    %swap3A_54 = vector.load %arg10[%swap3A_53] : memref<64xf32, #tpu.memory_space<vmem>>, vector<64xf32>
    tpu.vector_store %arg10[%swap3A_53], %add3A_52 {strides = array<i32>} : memref<64xf32, #tpu.memory_space<vmem>>, vector<64xf32>,
    return
  }
  func.func @transform_0(%arg0: i32) -> (i32, i32) {
    %c0_i32 = arith.constant 0 : i32
    %c0_i32_0 = arith.constant 0 : i32
    return %arg0, %c0_i32 : i32, i32
  }
  func.func @transform_1(%arg0: i32) -> i32 {
    %c0_i32 = arith.constant 0 : i32
    %c0_i32_0 = arith.constant 0 : i32
    return %c0_i32 : i32
  }
  func.func @transform_2(%arg0: i32) -> i32 {
    %c0_i32 = arith.constant 0 : i32
    %c0_i32_0 = arith.constant 0 : i32
    return %c0_i32 : i32
  }
  func.func @transform_3(%arg0: i32) -> i32 {
    %c0_i32 = arith.constant 0 : i32
    %c0_i32_0 = arith.constant 0 : i32
    return %c0_i32 : i32
  }
  func.func @transform_4(%arg0: i32) -> i32 {
    %c0_i32 = arith.constant 0 : i32
    %c0_i32_0 = arith.constant 0 : i32
    return %c0_i32 : i32
  }
  func.func @transform_5(%arg0: i32) -> (i32, i32) {
    %c0_i32 = arith.constant 0 : i32
    %c0_i32_0 = arith.constant 0 : i32
    %c0_i32_1 = arith.constant 0 : i32
    return %c0_i32, %c0_i32_0 : i32, i32
  }
  func.func @transform_6(%arg0: i32) -> i32 {
    %c0_i32 = arith.constant 0 : i32
    %c0_i32_0 = arith.constant 0 : i32
    return %c0_i32 : i32
  }
  func.func @transform_7(%arg0: i32) -> (i32, i32) {
    %c0_i32 = arith.constant 0 : i32
    %c0_i32_0 = arith.constant 0 : i32
    return %arg0, %c0_i32 : i32, i32
  }
  func.func @transform_8(%arg0: i32) -> i32 {
    %c0_i32 = arith.constant 0 : i32
    %c0_i32_0 = arith.constant 0 : i32
    return %c0_i32 : i32
  }
  func.func @transform_9(%arg0: i32) -> i32 {
    %c0_i32 = arith.constant 0 : i32
    %c0_i32_0 = arith.constant 0 : i32
    return %c0_i32 : i32
  }
}

module attributes {stable_mosaic.version = 14 : i64} {
  func.func @body(%arg0: i32, %arg1: memref<2048x64xf32, #tpu.memory_space<vmem>>, %arg2: memref<64xf32, #tpu.memory_space<vmem>>, %arg3: memref<64xf32, #tpu.memory_space<vmem>>, %arg4: memref<64xf32, #tpu.memory_space<vmem>>, %arg5: memref<64xf32, #tpu.memory_space<vmem>>, %arg6: memref<64x1xf32, #tpu.memory_space<vmem>>, %arg7: memref<1xf32, #tpu.memory_space<vmem>>, %arg8: memref<2048x1xf32, #tpu.memory_space<vmem>>) attributes {dimension_semantics = [#tpu.dimension_semantics<arbitrary>], iteration_bounds = array<i64: 8>, scalar_prefetch = 0 : i64, scratch_operands = 0 : i64, tpu.core_type = #tpu.core_type<tc>, window_params = [{transform_indices = @transform_0, window_bounds = array<i64: 2048, 64>}, {pipeline_mode = #tpu.pipeline_mode<synchronous>, transform_indices = @transform_1, window_bounds = array<i64: 64>}, {pipeline_mode = #tpu.pipeline_mode<synchronous>, transform_indices = @transform_2, window_bounds = array<i64: 64>}, {pipeline_mode = #tpu.pipeline_mode<synchronous>, transform_indices = @transform_3, window_bounds = array<i64: 64>}, {pipeline_mode = #tpu.pipeline_mode<synchronous>, transform_indices = @transform_4, window_bounds = array<i64: 64>}, {pipeline_mode = #tpu.pipeline_mode<synchronous>, transform_indices = @transform_5, window_bounds = array<i64: 64, 1>}, {pipeline_mode = #tpu.pipeline_mode<synchronous>, transform_indices = @transform_6, window_bounds = array<i64: 1>}, {transform_indices = @transform_7, window_bounds = array<i64: 2048, 1>}]} {
    %get3A = arith.constant 0 : index
    %get3A_0 = vector.load %arg2[%get3A] : memref<64xf32, #tpu.memory_space<vmem>>, vector<64xf32>
    %mul3A = arith.constant 6.10351563E-5 : f32
    %mul3A_1 = vector.broadcast %mul3A : f32 to vector<64xf32>
    %mul3A_2 = arith.mulf %get3A_0, %mul3A_1 : vector<64xf32>
    %get3A_3 = arith.constant 0 : index
    %get3A_4 = vector.load %arg3[%get3A_3] : memref<64xf32, #tpu.memory_space<vmem>>, vector<64xf32>
    %mul3A_5 = arith.constant 6.10351563E-5 : f32
    %mul3A_6 = vector.broadcast %mul3A_5 : f32 to vector<64xf32>
    %mul3A_7 = arith.mulf %get3A_4, %mul3A_6 : vector<64xf32>
    %mul3A_8 = arith.mulf %mul3A_2, %mul3A_2 : vector<64xf32>
    %sub3A = arith.subf %mul3A_7, %mul3A_8 : vector<64xf32>
    %get3A_9 = arith.constant 0 : index
    %get3A_10 = vector.load %arg4[%get3A_9] : memref<64xf32, #tpu.memory_space<vmem>>, vector<64xf32>
    %add3A = arith.constant 9.99999974E-6 : f32
    %add3A_11 = vector.broadcast %add3A : f32 to vector<64xf32>
    %add3A_12 = arith.addf %sub3A, %add3A_11 : vector<64xf32>
    %rsqrt3A = math.rsqrt %add3A_12 : vector<64xf32>
    %mul3A_13 = arith.mulf %get3A_10, %rsqrt3A : vector<64xf32>
    %get3A_14 = arith.constant 0 : index
    %get3A_15 = vector.load %arg5[%get3A_14] : memref<64xf32, #tpu.memory_space<vmem>>, vector<64xf32>
    %mul3A_16 = arith.mulf %mul3A_13, %mul3A_2 : vector<64xf32>
    %sub3A_17 = arith.subf %get3A_15, %mul3A_16 : vector<64xf32>
    %get3A_18 = arith.constant 0 : index
    %get3A_19 = arith.constant 0 : index
    %get3A_20 = vector.load %arg1[%get3A_18, %get3A_19] : memref<2048x64xf32, #tpu.memory_space<vmem>>, vector<2048x64xf32>
    %broadcast_in_dim3A = vector.shape_cast %mul3A_13 : vector<64xf32> to vector<1x64xf32>
    %mul3A_21 = vector.broadcast %broadcast_in_dim3A : vector<1x64xf32> to vector<2048x64xf32>
    %mul3A_22 = arith.mulf %get3A_20, %mul3A_21 : vector<2048x64xf32>
    %broadcast_in_dim3A_23 = vector.shape_cast %sub3A_17 : vector<64xf32> to vector<1x64xf32>
    %add3A_24 = vector.broadcast %broadcast_in_dim3A_23 : vector<1x64xf32> to vector<2048x64xf32>
    %add3A_25 = arith.addf %mul3A_22, %add3A_24 : vector<2048x64xf32>
    %max3A = arith.constant 0.000000e+00 : f32
    %max3A_26 = vector.broadcast %max3A : f32 to vector<2048x64xf32>
    %max3A_27 = arith.maximumf %add3A_25, %max3A_26 : vector<2048x64xf32>
    %get3A_28 = arith.constant 0 : index
    %get3A_29 = arith.constant 0 : index
    %get3A_30 = vector.load %arg6[%get3A_28, %get3A_29] : memref<64x1xf32, #tpu.memory_space<vmem>>, vector<64x1xf32>
    %dot_general3A = arith.constant dense<0.000000e+00> : vector<2048x1xf32>
    %dot_general3A_31 = tpu.matmul %max3A_27, %get3A_30, %dot_general3A {dimension_numbers = #tpu.dot_dimension_numbers<[1], [0], [0], [1], [0, 0, 1, 1], [], []>, transpose_lhs_hint = false} : vector<2048x64xf32>, vector<64x1xf32>, vector<2048x1xf32> -> vector<2048x1xf32>
    %get3A_32 = arith.constant 0 : index
    %get3A_33 = vector.load %arg7[%get3A_32] : memref<1xf32, #tpu.memory_space<vmem>>, vector<1xf32>
    %broadcast_in_dim3A_34 = vector.shape_cast %get3A_33 : vector<1xf32> to vector<1x1xf32>
    %add3A_35 = vector.broadcast %broadcast_in_dim3A_34 : vector<1x1xf32> to vector<2048x1xf32>
    %add3A_36 = arith.addf %dot_general3A_31, %add3A_35 : vector<2048x1xf32>
    %logistic3A = arith.negf %add3A_36 : vector<2048x1xf32>
    %logistic3A_37 = math.exp %logistic3A : vector<2048x1xf32>
    %logistic3A_38 = arith.constant 1.000000e+00 : f32
    %logistic3A_39 = vector.broadcast %logistic3A_38 : f32 to vector<2048x1xf32>
    %logistic3A_40 = arith.addf %logistic3A_39, %logistic3A_37 : vector<2048x1xf32>
    %logistic3A_41 = arith.divf %logistic3A_39, %logistic3A_40 : vector<2048x1xf32>
    %swap3A = arith.constant 0 : index
    %swap3A_42 = arith.constant 0 : index
    %swap3A_43 = vector.load %arg8[%swap3A, %swap3A_42] : memref<2048x1xf32, #tpu.memory_space<vmem>>, vector<2048x1xf32>
    tpu.vector_store %arg8[%swap3A, %swap3A_42], %logistic3A_41 {strides = array<i32>} : memref<2048x1xf32, #tpu.memory_space<vmem>>, vector<2048x1xf32>,
    return
  }
  func.func @transform_0(%arg0: i32) -> (i32, i32) {
    %c0_i32 = arith.constant 0 : i32
    %c0_i32_0 = arith.constant 0 : i32
    return %arg0, %c0_i32 : i32, i32
  }
  func.func @transform_1(%arg0: i32) -> i32 {
    %c0_i32 = arith.constant 0 : i32
    %c0_i32_0 = arith.constant 0 : i32
    return %c0_i32 : i32
  }
  func.func @transform_2(%arg0: i32) -> i32 {
    %c0_i32 = arith.constant 0 : i32
    %c0_i32_0 = arith.constant 0 : i32
    return %c0_i32 : i32
  }
  func.func @transform_3(%arg0: i32) -> i32 {
    %c0_i32 = arith.constant 0 : i32
    %c0_i32_0 = arith.constant 0 : i32
    return %c0_i32 : i32
  }
  func.func @transform_4(%arg0: i32) -> i32 {
    %c0_i32 = arith.constant 0 : i32
    %c0_i32_0 = arith.constant 0 : i32
    return %c0_i32 : i32
  }
  func.func @transform_5(%arg0: i32) -> (i32, i32) {
    %c0_i32 = arith.constant 0 : i32
    %c0_i32_0 = arith.constant 0 : i32
    %c0_i32_1 = arith.constant 0 : i32
    return %c0_i32, %c0_i32_0 : i32, i32
  }
  func.func @transform_6(%arg0: i32) -> i32 {
    %c0_i32 = arith.constant 0 : i32
    %c0_i32_0 = arith.constant 0 : i32
    return %c0_i32 : i32
  }
  func.func @transform_7(%arg0: i32) -> (i32, i32) {
    %c0_i32 = arith.constant 0 : i32
    %c0_i32_0 = arith.constant 0 : i32
    return %arg0, %c0_i32 : i32, i32
  }
}

</mosaic_0001>

<sc_bundles>
// kernel: kernel.14.cloned.1.call-start
scs
__scs_entry_jumppad:
0x0: {  	(pc) =	sbr.rel $0x88, $3  }
0x1: {  	(tag) =	ssettag $0x0;
	lr =	simm.s32 $0x1  }
0x2: {  	[smem:$0x3F90] =	sst lr;
	_ =	strace $0xD0000000  }
0x3: {  	_ = 	snop  }
0x4: {  	_ = 	snop  }
0x5: {  	_ = 	snop  }
0x6: {  	_ = 	snop  }
0x7: {  	_ = 	snop  }
__scs_overlays_trampoline_lowered:
0x8: {  	[smem:$0x3F9F] =	sst s0  }
0x9: {  	[smem:$0x3FA0] =	sst s1  }
0xa: {  	[smem:$0x3FA1] =	sst s2  }
0xb: {  	[smem:$0x3FA2] =	sst s3  }
0xc: {  	[smem:$0x3FA3] =	sst s4  }
0xd: {  	[smem:$0x3FA4] =	sst s5  }
0xe: {  	[smem:$0x3FA5] =	sst s6  }
0xf: {  	[smem:$0x3FA6] =	sst s7  }
0x10: {  	[smem:$0x3FA7] =	sst s8  }
0x11: {  	[smem:$0x3FA8] =	sst s9;
	s0 =	simm.s32 @!p0 $0x0  }
0x12: {  	s1 =	sld [smem:$0x3F8E];
	s0 =	simm.s32 @p0 $0x1  }
0x13: {  	[smem:$0x3FA9] =	sst s0;
	s0 =	simm.s32 @!p1 $0x0  }
0x14: {  	s2 =	sld [smem:$0x3F8D];
	s0 =	simm.s32 @p1 $0x1  }
0x15: {  	[smem:$0x3FAA] =	sst s0;
	s0 =	simm.s32 @!p2 $0x0  }
0x16: {  	s3 =	sld [smem:$0x3FDB];
	s0 =	simm.s32 @p2 $0x1  }
0x17: {  	s4 =	simm.s32 $0x1BF5;
	[smem:$0x3FAC] =	sst s0  }
0x18: {  	s0 =	sld [smem:$0x3F8F];
	_ =	swait.ge [sflag:s4], $0x0  }
0x19: {  	s7 =	sld [smem:$0x3F90]  }
0x1a: {  	s8 =	sadd.s32 $0xFFFFE003, lr  }
0x1b: {  	s9 =	sadd.s32 $0xFFFFFEF7, lr;
	s5 =	simm.s32 $0xFFFFFFFF;
	p2 =	slt.u32 s8, $0xFFFFF086  }
0x1c: {  	p1 =	slt.u32 s9, $0xF7A;
	s5 =	simm.s32 @!p2 $0x0  }
0x1d: {  	s5 =	simm.s32 @p1 $0x1;
	p0 =	seq.s32 s7, s2  }
0x1e: {  	s7 =	smul.u32 @!p0 $0xF7A, s2;
	p2 =	seq.s32 @!p0 s5, $0x0  }
0x1f: {  	s9 =	smul.u32 $0xF7A, s1;
	s8 =	simm.s32 @!p0 $0x1BF5;
	p2 =	por !p2, p0  }
0x20: {  	[sflag:s8] =	ssyncset.s32 @!p0 $0xFFFFF086;
	s6 =	sadd.s32 @!p0 s3, s7;
	s7 =	simm.s32 @!p0 $0x108  }
0x21: {  	s3 =	sadd.s32 s3, s9;
	s6 =	sadd.s32 @!p0 $0x88, s6;
	s7 =	simm.s32 @p2 $0x1082  }
0x22: {  	[simem:s7], [sflag:s8] =	dma.local @!p0 [hbm:s6], $0xF7A  }
0x23: {  	s9 =	sor.u32 $0xD0000000, s2;
	s6 =	simm.s32 $0x108;
	_ =	swait.ge @!p0 [sflag:s8], $0x0  }
0x24: {  	s3 =	sadd.s32 $0x88, s3;
	s6 =	simm.s32 @!p1 $0x1082;
	[sflag:s4] =	ssyncset.s32 $0xFFFFF086  }
0x25: {  	[simem:s6], [sflag:s4] =	dma.local [hbm:s3], $0xF7A  }
0x26: {  	[smem:$0x3F90] =	sst s1;
	(tag) =	ssettag s2;
	_ =	strace s9  }
0x27: {  	s1 =	sld [smem:$0x3FA0]  }
0x28: {  	s2 =	sld [smem:$0x3FA1]  }
0x29: {  	s4 =	sld [smem:$0x3FA3]  }
0x2a: {  	p0 =	seq.s32 s5, $0x0;
	s5 =	sld [smem:$0x3FA4]  }
0x2b: {  	s6 =	sld [smem:$0x3FA5]  }
0x2c: {  	s7 =	sld [smem:$0x3FA6]  }
0x2d: {  	s3 =	simm.s32 $0x108;
	s8 =	sld [smem:$0x3FA7]  }
0x2e: {  	s3 =	simm.s32 @!p0 $0x1082;
	s9 =	sld [smem:$0x3FA8]  }
0x2f: {  	lr =	sadd.s32 s0, s3;
	s0 =	sld [smem:$0x3F9F]  }
0x30: {  	s3 =	sld [smem:$0x3FA2]  }
0x31: {  	[smem:$0x3FAB] =	sst s10  }
0x32: {  	s10 =	sld [smem:$0x3FA9];
	_ =	sdelay $0x3  }
0x33: {  	p0 =	seq.s32 s10, $0x1;
	s10 =	sld [smem:$0x3FAB];
	_ =	sdelay $0x3  }
0x34: {  	[smem:$0x3FAB] =	sst s10  }
0x35: {  	s10 =	sld [smem:$0x3FAA];
	_ =	sdelay $0x3  }
0x36: {  	p1 =	seq.s32 s10, $0x1;
	s10 =	sld [smem:$0x3FAB];
	_ =	sdelay $0x3  }
0x37: {  	[smem:$0x3FAB] =	sst s10  }
0x38: {  	s10 =	sld [smem:$0x3FAC]  }
0x39: {  	_ = 	snop;
	(pc) =	sbr.ind lr, $3  }
0x3a: {  	_ = 	snop  }
0x3b: {  	_ = 	snop  }
0x3c: {  	p2 =	seq.s32 s10, $0x1;
	s10 =	sld [smem:$0x3FAB]  }
0x3d: {  	_ =	shalt  }
0x3e: {  	_ =	shalt  }
0x3f: {  	_ =	shalt  }
0x40: {  	_ =	shalt  }
0x41: {  	_ =	shalt  }
0x42: {  	_ =	shalt  }
0x43: {  	_ =	shalt  }
0x44: {  	_ =	shalt  }
0x45: {  	_ =	shalt  }
0x46: {  	_ =	shalt  }
0x47: {  	_ =	shalt  }
0x48: {  	_ =	shalt  }
0x49: {  	_ =	shalt  }
0x4a: {  	_ =	shalt  }
0x4b: {  	_ =	shalt  }
0x4c: {  	_ =	shalt  }
0x4d: {  	_ =	shalt  }
0x4e: {  	_ =	shalt  }
0x4f: {  	_ =	shalt  }
0x50: {  	_ =	shalt  }
0x51: {  	_ =	shalt  }
0x52: {  	_ =	shalt  }
0x53: {  	_ =	shalt  }
0x54: {  	_ =	shalt  }
0x55: {  	_ =	shalt  }
0x56: {  	_ =	shalt  }
0x57: {  	_ =	shalt  }
0x58: {  	_ =	shalt  }
0x59: {  	_ =	shalt  }
0x5a: {  	_ =	shalt  }
0x5b: {  	_ =	shalt  }
0x5c: {  	_ =	shalt  }
0x5d: {  	_ =	shalt  }
0x5e: {  	_ =	shalt  }
0x5f: {  	_ =	shalt  }
0x60: {  	_ =	shalt  }
0x61: {  	_ =	shalt  }
0x62: {  	_ =	shalt  }
0x63: {  	_ =	shalt  }
0x64: {  	_ =	shalt  }
0x65: {  	_ =	shalt  }
0x66: {  	_ =	shalt  }
0x67: {  	_ =	shalt  }
0x68: {  	_ =	shalt  }
0x69: {  	_ =	shalt  }
0x6a: {  	_ =	shalt  }
0x6b: {  	_ =	shalt  }
0x6c: {  	_ =	shalt  }
0x6d: {  	_ =	shalt  }
0x6e: {  	_ =	shalt  }
0x6f: {  	_ =	shalt  }
0x70: {  	_ =	shalt  }
0x71: {  	_ =	shalt  }
0x72: {  	_ =	shalt  }
0x73: {  	_ =	shalt  }
0x74: {  	_ =	shalt  }
0x75: {  	_ =	shalt  }
0x76: {  	_ =	shalt  }
0x77: {  	_ =	shalt  }
0x78: {  	_ =	shalt  }
0x79: {  	_ =	shalt  }
0x7a: {  	_ =	shalt  }
0x7b: {  	_ =	shalt  }
0x7c: {  	_ =	shalt  }
0x7d: {  	_ =	shalt  }
0x7e: {  	_ =	shalt  }
0x7f: {  	_ =	shalt  }
0x80: {  	_ =	shalt  }
0x81: {  	_ =	shalt  }
0x82: {  	_ =	shalt  }
0x83: {  	_ =	shalt  }
0x84: {  	_ =	shalt  }
0x85: {  	_ =	shalt  }
0x86: {  	_ =	shalt  }
0x87: {  	_ =	shalt  }
.Lfunc_end0:
.L_simem_size_0:
called_computation_lowered:
.L_overlay_start_0:
0x88: {  	s2 =	sld [smem:$0x3FD9]  }
0x89: {  	s3 =	sld [smem:$0x3FFE];
	_ =	sdelay $0x1  }
0x8a: {  	s1 =	srdreg.scid  }
0x8b: {  	s0 =	sand.u32 $0x1, s1  }
0x8c: {  	s17 =	sshll.u32 s0, $0xA;
	s2 =	sadd.s32 s3, s2  }
0x8d: {  	s2 =	sadd.s32 s2, s17  }
0x8e: {  	[smem:$0x3FB7] =	sst s2  }
0x8f: {  	_ = 	snop  }
0x90: {  	(tm) =	ssettm $0x1  }
0x91: {  	s18 =	sld [smem:$0x3FFB];
	_ =	sdelay $0x3  }
0x92: {  	_ =	strace s18  }
0x93: {  	s2 =	sld [smem:$0x3FFC];
	_ =	sdelay $0x3  }
0x94: {  	_ =	strace s2  }
0x95: {  	s2 =	sld [smem:$0x3FFD];
	_ =	sdelay $0x3  }
0x96: {  	_ =	strace s2  }
0x97: {  	_ =	strace $0x8FFFFFFF  }
0x98: {  	s19 =	sld [smem:$0x3FDB];
	_ =	sdelay $0x1  }
0x99: {  	s20 =	simm.s32 $_scs_section_size  }
0x9a: {  	s4 =	simm.s32 $_size__tile_overlayer_lowered;
	s5 =	simm.s32 $_tile_overlayer_lowered  }
0x9b: {  	s6 =	simm.s32 $0x1BFF;
	s21 =	sshll.u32 s5, $0x1;
	s3 =	sadd.s32 s20, s19  }
0x9c: {  	s22 =	simm.s32 $0x0;
	s4 =	sshll.u32 s4, $0x1;
	s5 =	sadd.s32 s21, s3  }
0x9d: {  	[timem:s22], [sflag:s6] =	dma.local [hbm:s5], s4  }
0x9e: {  	_ =	swait.ge [sflag:s6], s4  }
0x9f: {  	s4 =	ssub.s32 $0x0, s4;
	[sflag:s6] =	ssyncset.done $0x0  }
0xa0: {  	[sflag:s6] =	ssyncadd.s32 s4;
	_ =	sdelay $0x1  }
0xa1: {  	s23 =	simm.s32 $0x1B8B  }
0xa2: {  	_ =	swait.ge [sflag:s23], $0x1  }
0xa3: {  	[sflag:s23] =	ssyncset.done $0x0  }
0xa4: {  	[sflag:s23] =	ssyncadd.s32 $0xFFFFFFFF  }
0xa5: {  	s4 =	sld [smem:$0x0]  }
0xa6: {  	s5 =	sand.u32 $0xFFFFFFFE, s1  }
0xa7: {  	p0 =	sne.s32 s1, s5  }
0xa8: {  	s5 =	sshll.u32 @p0 s5, $0xE  }
0xa9: {  	s5 =	sadd.s32 @p0 $0x11B8D, s5;
	s6 =	sshll.u32 @p0 s4, $0x11  }
0xaa: {  	s5 =	sor.u32 @p0 s6, s5  }
0xab: {  	[sflag:s5] =	ssyncadd.remote.s32 @p0 $0x1;
	_ =	sdelay $0x1  }
0xac: {  	s5 =	simm.s32 @p0 $0x1B8D  }
0xad: {  	_ =	swait.eq @p0 [sflag:s5], $0x1  }
0xae: {  	[sflag:s5] =	ssyncadd.s32 @p0 $0xFFFFFFFF  }
0xaf: {  	s6 =	sshll.u32 @!p0 s1, $0xE  }
0xb0: {  	s6 =	sor.u32 @!p0 $0x4000, s6;
	s5 =	simm.s32 @!p0 $0x1B8D  }
0xb1: {  	s4 =	sshll.u32 @!p0 s4, $0x11;
	s6 =	sadd.s32 @!p0 $0x11B8D, s6;
	_ =	swait.eq @!p0 [sflag:s5], $0x1  }
0xb2: {  	s4 =	sor.u32 @!p0 s4, s6;
	[sflag:s5] =	ssyncadd.s32 @!p0 $0xFFFFFFFF  }
0xb3: {  	s25 =	simm.s32 $0x1B8E;
	s24 =	sld [smem:$0x3FFE];
	[sflag:s4] =	ssyncadd.remote.s32 @!p0 $0x1  }
0xb4: {  	s26 =	simm.s32 $execute0_lowered;
	[smem:$0x3FD2] =	sst s25  }
0xb5: {  	s5 =	sshll.u32 s26, $0x1;
	_ =	strace $0x80000064;
	[dreg:$0x1] =	wrdreg $0xFFFFFFFF  }
0xb6: {  	s28 =	simm.s32 $_size_execute0_lowered;
	s3 =	sadd.s32 s3, s5;
	[dreg:$0x0] =	wrdreg $0x0  }
0xb7: {  	s5 =	sshll.u32 s28, $0x1;
	[dreg:$0x2] =	wrdreg s3  }
0xb8: {  	[dreg:$0x3] =	wrdreg s5  }
0xb9: {  	[dreg:$0x4] =	wrdreg $0xC0  }
0xba: {  	_ =	task [dreg:s22], $0x5FFFF  }
0xbb: {  	[dreg:$0x1] =	wrdreg $0xFFFFFFFF  }
0xbc: {  	[dreg:$0x0] =	wrdreg $0x60  }
0xbd: {  	[dreg:$0x2] =	wrdreg s24  }
0xbe: {  	[dreg:$0x3] =	wrdreg $0x9  }
0xbf: {  	_ =	task.clear_ibuf [dreg:s22], $0x4FFFF;
	_ =	strace $0x90000064  }
0xc0: {  	s29 =	simm.s32 $0x9;
	_ =	strace $0x8000006D  }
0xc1: {  	_ =	swait.ge [sflag:s29], $0x1  }
0xc2: {  	[sflag:s29] =	ssyncadd.s32 $0xFFFFFFFF  }
0xc3: {  	_ =	strace $0x9000006D  }
0xc4: {  	_ =	sfence  }
0xc5: {  	s30 =	sld [smem:$0x0];
	_ =	sdelay $0x2  }
0xc6: {  	s31 =	sshll.u32 s1, $0xD;
	s1 =	sshrl.u32 s1, $0x2  }
0xc7: {  	s4 =	sand.u32 $0x4000, s31;
	s1 =	sadd.s32 s1, s30  }
0xc8: {  	s0 =	sor.u32 s4, s0;
	s1 =	sshll.u32 s1, $0x11  }
0xc9: {  	s0 =	sor.u32 s1, s0  }
0xca: {  	s0 =	sadd.s32 $0x8F2B, s0  }
0xcb: {  	[sflag:s0] =	ssyncadd.remote.s32 $0x1  }
0xcc: {  	_ =	sfence.sel $0xFFFF  }
0xcd: {  	[dreg:$0x0] =	wrdreg $0xFFFFFFFF;
	(pc) =	sbr.abs _section_cstart, $3  }
0xce: {  	[dreg:$0x1] =	wrdreg $0xFFFFFFFF  }
0xcf: {  	_ =	task.clear_ibuf [dreg:s22], $0x2FFFF;
	_ =	strace $0x9FFFFFFF  }
0xd0: {  	(tm) =	ssettm $0x7FFFFFFF  }
0xd1: {  	_ =	shalt  }
tec
execute0_lowered:
.L_overlay_start_1:
0x0: {  	(tag) =	ssettag $0x1  }
0x1: {  	s6 =	rddreg [dreg:$0x0]  }
0x2: {  	s3 =	srdreg.scid;
	s2 =	simm.s32 $0x0;
	s0 =	stileid.u32  }
0x3: {  	s10 =	simm.s32 $0x5;
	s11 =	simm.s32 $0x4;
	s12 =	simm.s32 $0x0  }
0x4: {  	s7 =	sand.u32 $0x1, s3;
	[smem:$0x7FF] =	sst s2;
	s5 =	sshll.u32 s0, $0x3  }
0x5: {  	s3 =	sadd.s32 $0x5A7000, s6;
	s4 =	sshll.u32 s7, $0x7;
	_ =	strace $0x80000065  }
0x6: {  	s7 =	ssub.s32 $0x2, s7;
	s4 =	sor.u32 s5, s4;
	s5 =	sadd.s32 $0x103200, s6  }
0x7: {  	s6 =	sadd.s32 $0xC3200, s6;
	s9 =	sshrl.u32 s7, $0x1;
	s8 =	sshll.u32 s4, $0x6  }
0x8: {  	[dreg:$0x2] =	wrdreg s6;
	s7 =	ssub.s32 s7, s9;
	s8 =	sadd.s32 s8, s5  }
0x9: {  	s9 =	simm.s32 $0x80;
	s7 =	smax.u32 s7, $0x1;
	s6 =	sadd.s32 $0xC000, s8  }
.LBB2_1:
0xa: {  	_ =	strace $0x80000066;
	s13 =	simm.s32 $0x1;
	p0 =	por $0x0, $0x0  }
0xb: {  	[tilespmem:s2], [sflag:$0x1] =	stream.linear.gather [hbm4b:s6+s2], $0x200, $0x200038;
	[tilespmem:$0x4400] =	vst v63  }
0xc: {  	s13 =	simm.s32 @p0 $0x0  }
0xd: {  	p1 =	por $0x1, $0x1;
	p0 =	sne.s32 s13, $0x0  }
0xe: {  	p1 =	por !p1, !p0  }
0xf: {  	p1 =	por !p1, !p1  }
0x10: {  	s14 =	sadd.s32 @p1 s4, s13  }
0x11: {  	s0 =	simm.s32 $0x1;
	s20 =	sand.u32 $0x1, s2;
	s14 =	sshll.u32 @p1 s14, $0x9  }
0x12: {  	_ =	strace $0x90000066;
	s15 =	sand.u32 @p1 $0x1, s0;
	s14 =	sadd.s32 @p1 $0x60000, s14  }
0x13: {  	s17 =	simm.s32 @p1 $0x0;
	_ =	strace @p1 $0x80000067;
	s14 =	sshrl.u32 @p1 s14, $0x3  }
0x14: {  	s16 =	sshll.u32 @p1 s15, $0x9;
	s15 =	sadd.s32 @p1 $0x1, s15;
	s14 =	sadd.s32 @p1 s5, s14  }
0x15: {  	[tilespmem:s16], [sflag:s15] =	stream.linear.gather @p1 [hbm4b:s14+s17], $0x200, $0x200038;
	[tilespmem:$0x4400] =	vst v63  }
0x16: {  	p3 =	por $0x1, $0x1;
	s24 =	simm.s32 $0x0;
	_ =	strace @p1 $0x90000067  }
0x17: {  	p2 =	por $0x0, $0x0;
	s23 =	sadd.s32 $0x1, s20;
	_ =	strace $0x80000068  }
0x18: {  	p4 =	por $0x0, $0x0;
	s18 =	sshll.u32 s20, $0xD;
	_ =	swait.ge [sflag:s23], $0x200  }
0x19: {  	p6 =	por $0x1, $0x1;
	s25 =	sor.u32 $0xC00, s18;
	[sflag:s23] =	ssyncset.done $0x0  }
0x1a: {  	s26 =	sor.u32 $0x1400, s18;
	s21 =	sadd.s32 $0x1, s13;
	[sflag:s23] =	ssyncadd.s32 $0xFFFFFE00  }
0x1b: {  	s31 =	sor.u32 $0x1C00, s18;
	p5 =	seq.s32 s21, $0x8;
	_ =	strace $0x90000068  }
0x1c: {  	s15 =	sand.u32 $0x200, s24;
	s23 =	sor.u32 $0x400, s18;
	_ =	strace $0x80000069  }
0x1d: {  	[tilespmem:s23], [sflag:$0x5] =	stream.indirect.gather [hbm4b:s3+s9], $0x10, s15, s9, $0x2000b8;
	[tilespmem:$0x4400] =	vst v63  }
0x1e: {  	p0 =	por p0, p0;
	s21 =	simm.s32 @p5 $0x0;
	s19 =	sor.u32 $0x80, s15  }
0x1f: {  	[tilespmem:s25], [sflag:$0x5] =	stream.indirect.gather [hbm4b:s3+s9], $0x10, s19, s9, $0x2000b8;
	[tilespmem:$0x4400] =	vst v63  }
0x20: {  	s14 =	simm.s32 $0x7;
	s16 =	simm.s32 $0x1;
	s30 =	sor.u32 $0x100, s15  }
0x21: {  	[tilespmem:s26], [sflag:$0x5] =	stream.indirect.gather [hbm4b:s3+s9], $0x10, s30, s9, $0x2000b8;
	[tilespmem:$0x4400] =	vst v63  }
0x22: {  	s16 =	simm.s32 @!p1 $0x0;
	p1 =	por p3, p3;
	s15 =	sor.u32 $0x180, s15  }
0x23: {  	[tilespmem:s31], [sflag:$0x5] =	stream.indirect.gather [hbm4b:s3+s9], $0x10, s15, s9, $0x2000b8;
	[tilespmem:$0x4400] =	vst v63  }
0x24: {  	s17 =	sadd.s32 $0x1, s16;
	s16 =	sand.u32 @!p3 $0x1, s2;
	_ =	swait.ge [sflag:s10], $0x800  }
0x25: {  	p3 =	por $0x0, $0x0;
	s18 =	simm.s32 $0x6;
	[sflag:s10] =	ssyncset.done $0x0  }
0x26: {  	s19 =	sadd.s32 $0x0, s4;
	s15 =	simm.s32 $0x1;
	[sflag:s10] =	ssyncadd.s32 $0xFFFFF800  }
0x27: {  	s15 =	simm.s32 @!p4 $0x0;
	p4 =	sne.s32 s13, s21;
	_ =	swait.ge [sflag:s10], $0x800  }
0x28: {  	s15 =	sadd.s32 $0x0, s15;
	p5 =	por !p6, !p4;
	[sflag:s10] =	ssyncset.done $0x0  }
0x29: {  	p6 =	por p3, p0;
	p3 =	por !p5, !p5;
	[sflag:s10] =	ssyncadd.s32 $0xFFFFF800  }
0x2a: {  	s28 =	simm.s32 @p6 $0x0;
	s29 =	sshll.u32 @p6 s19, $0xA;
	_ =	swait.ge [sflag:s10], $0x800  }
0x2b: {  	s19 =	simm.s32 $0x0;
	s26 =	sand.u32 @p3 $0x1, s17;
	[sflag:s10] =	ssyncset.done $0x0  }
0x2c: {  	s22 =	sadd.s32 @p3 s4, s21;
	s25 =	sshll.u32 @p3 s26, $0x9;
	[sflag:s10] =	ssyncadd.s32 $0xFFFFF800  }
0x2d: {  	s24 =	sshll.u32 @p3 s22, $0x9;
	s22 =	simm.s32 $0x0;
	_ =	swait.ge [sflag:s10], $0x800  }
.LBB2_2:
0x2e: {  	p0 =	por p4, p4  }
0x2f: {  	s0 =	simm.s32 @!p0 $0x0  }
0x30: {  	[sflag:s10] =	ssyncset.done $0x0;
	s0 =	simm.s32 @p0 $0x1  }
0x31: {  	[sflag:s10] =	ssyncadd.s32 $0xFFFFF800;
	[smem:$0x7FD] =	sst s0  }
0x32: {  	_ =	strace $0x90000069  }
0x33: {  	_ =	strace @p6 $0x8000006A  }
0x34: {  	s29 =	sand.u32 @p6 $0x1FFFFC00, s29;
	s1 =	rddreg [dreg:$0x2]  }
0x35: {  	s20 =	sadd.s32 @p6 $0x3, s20;
	s1 =	sadd.s32 @p6 s1, s29  }
0x36: {  	[hbm4b:s1+s28] =	stream.linear.scatter @p6 [tilespmem:s23], [sflag:s20], $0x2000, $0x200038;
	[tilespmem:$0x4400] =	vst v63  }
0x37: {  	_ =	strace @p6 $0x9000006A  }
0x38: {  	s20 =	sadd.s32 @!p1 $0x3, s16;
	_ =	strace @!p1 $0x8000006B  }
0x39: {  	_ =	swait.ge @!p1 [sflag:s20], $0x2000  }
0x3a: {  	s30 =	sadd.s32 @p3 $0x60000, s24;
	s26 =	sadd.s32 @p3 $0x1, s26;
	[sflag:s20] =	ssyncset.done @!p1 $0x0  }
0x3b: {  	s30 =	sshrl.u32 @p3 s30, $0x3;
	s0 =	simm.s32 $0x1;
	[sflag:s20] =	ssyncadd.s32 @!p1 $0xFFFFE000  }
0x3c: {  	s30 =	sadd.s32 @p3 s5, s30;
	s0 =	simm.s32 @!p6 $0x0;
	_ =	strace @!p1 $0x9000006B  }
0x3d: {  	s22 =	sadd.s32 s0, s22;
	s1 =	simm.s32 @p3 $0x0;
	_ =	strace @p3 $0x80000067  }
0x3e: {  	[tilespmem:s25], [sflag:s26] =	stream.linear.gather @p3 [hbm4b:s30+s1], $0x200, $0x200038;
	[tilespmem:$0x4400] =	vst v63  }
0x3f: {  	s19 =	sadd.s32 s0, s19;
	s0 =	sand.u32 $0x1, s22;
	_ =	strace @p3 $0x90000067  }
0x40: {  	s0 =	sadd.s32 $0x1, s0;
	_ =	strace $0x80000068  }
0x41: {  	s31 =	simm.s32 $0x1;
	_ =	swait.ge [sflag:s0], $0x200  }
0x42: {  	s31 =	simm.s32 @!p3 $0x0;
	[sflag:s0] =	ssyncset.done $0x0  }
0x43: {  	s17 =	sadd.s32 s31, s17;
	s20 =	sand.u32 $0x1, s19;
	[sflag:s0] =	ssyncadd.s32 $0xFFFFFE00  }
0x44: {  	s31 =	sshll.u32 s22, $0x9;
	s0 =	sshll.u32 s20, $0xD;
	_ =	strace $0x90000068  }
0x45: {  	s1 =	sand.u32 $0x200, s31;
	s23 =	sor.u32 $0x400, s0;
	_ =	strace $0x80000069  }
0x46: {  	[tilespmem:s23], [sflag:$0x5] =	stream.indirect.gather [hbm4b:s3+s9], $0x10, s1, s9, $0x2000b8;
	[tilespmem:$0x4400] =	vst v63  }
0x47: {  	s31 =	sor.u32 $0x80, s1;
	s30 =	sor.u32 $0xC00, s0  }
0x48: {  	[tilespmem:s30], [sflag:$0x5] =	stream.indirect.gather [hbm4b:s3+s9], $0x10, s31, s9, $0x2000b8;
	[tilespmem:$0x4400] =	vst v63  }
0x49: {  	s26 =	sor.u32 $0x1400, s0;
	s30 =	sor.u32 $0x100, s1  }
0x4a: {  	[tilespmem:s26], [sflag:$0x5] =	stream.indirect.gather [hbm4b:s3+s9], $0x10, s30, s9, $0x2000b8;
	[tilespmem:$0x4400] =	vst v63  }
0x4b: {  	s0 =	sor.u32 $0x1C00, s0;
	s1 =	sor.u32 $0x180, s1  }
0x4c: {  	[tilespmem:s0], [sflag:$0x5] =	stream.indirect.gather [hbm4b:s3+s9], $0x10, s1, s9, $0x2000b8;
	[tilespmem:$0x4400] =	vst v63  }
0x4d: {  	s24 =	smov.u32 s14;
	s14 =	smov.u32 s18;
	_ =	swait.ge [sflag:s10], $0x800  }
0x4e: {  	s18 =	sadd.s32 $0xFFFFFFFF, s18;
	s8 =	sand.u32 @!p2 $0x1, s15;
	[sflag:s10] =	ssyncset.done $0x0  }
0x4f: {  	p5 =	sne.s32 s18, $0x0;
	p4 =	sne.s32 s24, $0x8;
	[sflag:s10] =	ssyncadd.s32 $0xFFFFF800  }
0x50: {  	p0 =	sne.s32 s14, $0x1;
	s16 =	smov.u32 s8;
	_ =	swait.ge [sflag:s10], $0x800  }
0x51: {  	p1 =	por p2, p2;
	p2 =	seq.s32 s14, $0x8;
	[sflag:s10] =	ssyncset.done $0x0  }
0x52: {  	s0 =	sadd.s32 s4, s13;
	s13 =	smov.u32 s21;
	[sflag:s10] =	ssyncadd.s32 $0xFFFFF800  }
0x53: {  	s21 =	sadd.s32 $0x1, s21;
	s1 =	simm.s32 $0x1;
	_ =	swait.ge [sflag:s10], $0x800  }
0x54: {  	p6 =	seq.s32 s21, $0x8;
	s1 =	simm.s32 @!p4 $0x0;
	s31 =	sld [smem:$0x7FD]  }
0x55: {  	p3 =	seq.s32 s24, $0x1;
	s21 =	simm.s32 @p6 $0x0;
	s15 =	sadd.s32 s1, s15  }
.Ltmp0:
0x56: {  	p4 =	sne.s32 s13, s21;
	[sflag:s10] =	ssyncset.done $0x0;
	(pc) =	sbr.rel @p5 .LBB2_2-.Ltmp0, $4  }
0x57: {  	p0 =	por !p0, !p4;
	[sflag:s10] =	ssyncadd.s32 $0xFFFFF800;
	p6 =	seq.s32 s31, $0x1  }
0x58: {  	_ =	swait.ge [sflag:s10], $0x800;
	p6 =	por p3, p6;
	p3 =	por !p0, !p0  }
0x59: {  	s28 =	simm.s32 @p6 $0x0;
	s26 =	sand.u32 @p3 $0x1, s17;
	s1 =	sadd.s32 @p3 s4, s21  }
0x5a: {  	s29 =	sshll.u32 @p6 s0, $0xA;
	s25 =	sshll.u32 @p3 s26, $0x9;
	s24 =	sshll.u32 @p3 s1, $0x9  }
0x5b: {  	[sflag:s10] =	ssyncset.done $0x0  }
0x5c: {  	[sflag:s10] =	ssyncadd.s32 $0xFFFFF800  }
0x5d: {  	_ =	strace $0x90000069  }
0x5e: {  	_ =	strace @p6 $0x8000006A  }
0x5f: {  	s1 =	sand.u32 @p6 $0x1FFFFC00, s29;
	s0 =	rddreg [dreg:$0x2]  }
0x60: {  	s8 =	sadd.s32 @p6 $0x3, s20;
	s0 =	sadd.s32 @p6 s0, s1  }
0x61: {  	[hbm4b:s0+s28] =	stream.linear.scatter @p6 [tilespmem:s23], [sflag:s8], $0x2000, $0x200038;
	[tilespmem:$0x4400] =	vst v63  }
0x62: {  	_ =	strace @p6 $0x9000006A  }
0x63: {  	s0 =	sadd.s32 @!p1 $0x3, s16;
	_ =	strace @!p1 $0x8000006B  }
0x64: {  	_ =	swait.ge @!p1 [sflag:s0], $0x2000  }
0x65: {  	s17 =	simm.s32 @p3 $0x0;
	s1 =	sadd.s32 @p3 $0x60000, s24;
	[sflag:s0] =	ssyncset.done @!p1 $0x0  }
0x66: {  	s8 =	simm.s32 $0x1;
	s1 =	sshrl.u32 @p3 s1, $0x3;
	[sflag:s0] =	ssyncadd.s32 @!p1 $0xFFFFE000  }
0x67: {  	s16 =	sadd.s32 @p3 $0x1, s26;
	s8 =	simm.s32 @!p6 $0x0;
	_ =	strace @!p1 $0x9000006B  }
0x68: {  	s24 =	sadd.s32 s8, s22;
	s0 =	sadd.s32 @p3 s5, s1;
	_ =	strace @p3 $0x80000067  }
0x69: {  	[tilespmem:s25], [sflag:s16] =	stream.linear.gather @p3 [hbm4b:s0+s17], $0x200, $0x200038;
	[tilespmem:$0x4400] =	vst v63  }
0x6a: {  	s28 =	sand.u32 $0x1, s24;
	_ =	strace @p3 $0x90000067  }
0x6b: {  	s0 =	sadd.s32 $0x1, s28;
	_ =	strace $0x80000068  }
0x6c: {  	_ =	swait.ge [sflag:s0], $0x200  }
0x6d: {  	s8 =	sadd.s32 s8, s19;
	[sflag:s0] =	ssyncset.done $0x0  }
0x6e: {  	[sflag:s0] =	ssyncadd.s32 $0xFFFFFE00;
	s0 =	sand.u32 $0x1, s8  }
0x6f: {  	s1 =	sshll.u32 s24, $0x9;
	_ =	strace $0x90000068;
	s8 =	sshll.u32 s0, $0xD  }
0x70: {  	s1 =	sand.u32 $0x200, s1;
	_ =	strace $0x80000069;
	s16 =	sor.u32 $0x400, s8  }
0x71: {  	[tilespmem:s16], [sflag:$0x5] =	stream.indirect.gather [hbm4b:s3+s9], $0x10, s1, s9, $0x2000b8;
	[tilespmem:$0x4400] =	vst v63  }
0x72: {  	s18 =	sor.u32 $0x80, s1;
	s29 =	sor.u32 $0xC00, s8  }
0x73: {  	[tilespmem:s29], [sflag:$0x5] =	stream.indirect.gather [hbm4b:s3+s9], $0x10, s18, s9, $0x2000b8;
	[tilespmem:$0x4400] =	vst v63  }
0x74: {  	s31 =	sor.u32 $0x100, s1;
	s30 =	sor.u32 $0x1400, s8  }
0x75: {  	[tilespmem:s30], [sflag:$0x5] =	stream.indirect.gather [hbm4b:s3+s9], $0x10, s31, s9, $0x2000b8;
	[tilespmem:$0x4400] =	vst v63  }
0x76: {  	s8 =	sor.u32 $0x1C00, s8;
	s1 =	sor.u32 $0x180, s1  }
0x77: {  	[tilespmem:s8], [sflag:$0x5] =	stream.indirect.gather [hbm4b:s3+s9], $0x10, s1, s9, $0x2000b8;
	[tilespmem:$0x4400] =	vst v63  }
0x78: {  	_ =	swait.ge [sflag:s10], $0x800  }
0x79: {  	[sflag:s10] =	ssyncset.done $0x0  }
0x7a: {  	[sflag:s10] =	ssyncadd.s32 $0xFFFFF800  }
0x7b: {  	_ =	swait.ge [sflag:s10], $0x800  }
0x7c: {  	[sflag:s10] =	ssyncset.done $0x0  }
0x7d: {  	[sflag:s10] =	ssyncadd.s32 $0xFFFFF800  }
0x7e: {  	_ =	swait.ge [sflag:s10], $0x800  }
0x7f: {  	[sflag:s10] =	ssyncset.done $0x0  }
0x80: {  	[sflag:s10] =	ssyncadd.s32 $0xFFFFF800  }
0x81: {  	_ =	swait.ge [sflag:s10], $0x800  }
0x82: {  	[sflag:s10] =	ssyncset.done $0x0  }
0x83: {  	p0 =	por p4, p4;
	p6 =	seq.s32 s14, $0x1;
	[sflag:s10] =	ssyncadd.s32 $0xFFFFF800  }
0x84: {  	p0 =	por p6, p0;
	s1 =	sadd.s32 s4, s13;
	_ =	strace $0x90000069  }
0x85: {  	s1 =	sshll.u32 @p0 s1, $0xA;
	_ =	strace @p0 $0x8000006A  }
0x86: {  	s1 =	sand.u32 @p0 $0x1FFFFC00, s1;
	s8 =	rddreg [dreg:$0x2]  }
0x87: {  	s0 =	sadd.s32 @p0 $0x3, s0;
	s13 =	simm.s32 @p0 $0x0;
	s1 =	sadd.s32 @p0 s8, s1  }
0x88: {  	[hbm4b:s1+s13] =	stream.linear.scatter @p0 [tilespmem:s16], [sflag:s0], $0x2000, $0x200038;
	[tilespmem:$0x4400] =	vst v63  }
0x89: {  	p1 =	por p2, p2;
	s0 =	sand.u32 @!p2 $0x1, s15;
	_ =	strace @p0 $0x9000006A  }
0x8a: {  	s0 =	sadd.s32 @!p1 $0x3, s0;
	_ =	strace @!p1 $0x8000006B  }
0x8b: {  	_ =	swait.ge @!p1 [sflag:s0], $0x2000  }
0x8c: {  	[sflag:s0] =	ssyncset.done @!p1 $0x0  }
0x8d: {  	s12 =	sadd.s32 $0x1, s12;
	[sflag:s0] =	ssyncadd.s32 @!p1 $0xFFFFE000  }
0x8e: {  	p0 =	sne.s32 s12, s7;
	_ =	strace @!p1 $0x9000006B  }
.Ltmp1:
0x8f: {  	_ =	strace $0x8000006C;
	(pc) =	sbr.rel @p0 .LBB2_1-.Ltmp1, $4  }
0x90: {  	_ =	swait.ge [sflag:s11], $0x2000  }
0x91: {  	[sflag:s11] =	ssyncset.done $0x0  }
0x92: {  	[sflag:s11] =	ssyncadd.s32 $0xFFFFE000  }
0x93: {  	_ =	strace $0x9000006C  }
0x94: {  	_ =	sfence.sel $0x180000  }
0x95: {  	[bflag:$0x0] =	sbarrier.arrive $0xFFFF  }
0x96: {  	_ =	strace $0x90000065  }
0x97: {  	s0 =	stileid.u32;
	[bflag:$0x2] =	sbarrier.arrive $0xFFFF  }
0x98: {  	p0 =	sne.s32 s0, $0x0;
	s0 =	rddreg [dreg:$0x1]  }
0x99: {  	s0 =	sadd.s32 @!p0 $0x100000, s0  }
0x9a: {  	[sflag:s0] =	ssyncadd.tile.s32 @!p0 $0x1;
	_ =	shalt  }
.Lfunc_end2:
_tile_overlayer_lowered:
.L_overlay_start_2:
0x9b: {  	(tag) =	ssettag $0x2  }
0x9c: {  	s0 =	rddreg [dreg:$0x0];
	s2 =	stileid.u32  }
0x9d: {  	s1 =	rddreg [dreg:$0x1];
	p0 =	sne.s32 s2, $0x0  }
0x9e: {  	s3 =	rddreg [dreg:$0x2];
	[bflag:$0x3] =	sbarrier.arrive $0xFFFF;
	s2 =	simm.s32 @!p0 $0x1C01  }
0x9f: {  	[timem:s3], [sflag:s2] =	dma.local @!p0 [hbm:s0], s1  }
0xa0: {  	s0 =	simm.s32 @!p0 $0x1  }
0xa1: {  	_ =	swait.ge @!p0 [sflag:s0], s1  }
0xa2: {  	s1 =	ssub.s32 @!p0 $0x0, s1;
	[sflag:s0] =	ssyncset.done @!p0 $0x0  }
0xa3: {  	[sflag:s0] =	ssyncadd.s32 @!p0 s1  }
0xa4: {  	[bflag:$0x3] =	sbarrier.arrive $0xFFFF  }
0xa5: {  	_ =	shalt  }

// kernel: kernel.17.cloned.1.call-start
scs
__scs_entry_jumppad:
0x0: {  	(pc) =	sbr.rel $0x88, $3  }
0x1: {  	(tag) =	ssettag $0x0;
	lr =	simm.s32 $0x1  }
0x2: {  	[smem:$0x3F90] =	sst lr;
	_ =	strace $0xD0000000  }
0x3: {  	_ = 	snop  }
0x4: {  	_ = 	snop  }
0x5: {  	_ = 	snop  }
0x6: {  	_ = 	snop  }
0x7: {  	_ = 	snop  }
__scs_overlays_trampoline_lowered:
0x8: {  	[smem:$0x3F9F] =	sst s0  }
0x9: {  	[smem:$0x3FA0] =	sst s1  }
0xa: {  	[smem:$0x3FA1] =	sst s2  }
0xb: {  	[smem:$0x3FA2] =	sst s3  }
0xc: {  	[smem:$0x3FA3] =	sst s4  }
0xd: {  	[smem:$0x3FA4] =	sst s5  }
0xe: {  	[smem:$0x3FA5] =	sst s6  }
0xf: {  	[smem:$0x3FA6] =	sst s7  }
0x10: {  	[smem:$0x3FA7] =	sst s8  }
0x11: {  	[smem:$0x3FA8] =	sst s9;
	s0 =	simm.s32 @!p0 $0x0  }
0x12: {  	s1 =	sld [smem:$0x3F8E];
	s0 =	simm.s32 @p0 $0x1  }
0x13: {  	[smem:$0x3FA9] =	sst s0;
	s0 =	simm.s32 @!p1 $0x0  }
0x14: {  	s2 =	sld [smem:$0x3F8D];
	s0 =	simm.s32 @p1 $0x1  }
0x15: {  	[smem:$0x3FAA] =	sst s0;
	s0 =	simm.s32 @!p2 $0x0  }
0x16: {  	s3 =	sld [smem:$0x3FDB];
	s0 =	simm.s32 @p2 $0x1  }
0x17: {  	s4 =	simm.s32 $0x1BF5;
	[smem:$0x3FAC] =	sst s0  }
0x18: {  	s0 =	sld [smem:$0x3F8F];
	_ =	swait.ge [sflag:s4], $0x0  }
0x19: {  	s7 =	sld [smem:$0x3F90]  }
0x1a: {  	s8 =	sadd.s32 $0xFFFFE003, lr  }
0x1b: {  	s9 =	sadd.s32 $0xFFFFFEF7, lr;
	s5 =	simm.s32 $0xFFFFFFFF;
	p2 =	slt.u32 s8, $0xFFFFF086  }
0x1c: {  	p1 =	slt.u32 s9, $0xF7A;
	s5 =	simm.s32 @!p2 $0x0  }
0x1d: {  	s5 =	simm.s32 @p1 $0x1;
	p0 =	seq.s32 s7, s2  }
0x1e: {  	s7 =	smul.u32 @!p0 $0xF7A, s2;
	p2 =	seq.s32 @!p0 s5, $0x0  }
0x1f: {  	s9 =	smul.u32 $0xF7A, s1;
	s8 =	simm.s32 @!p0 $0x1BF5;
	p2 =	por !p2, p0  }
0x20: {  	[sflag:s8] =	ssyncset.s32 @!p0 $0xFFFFF086;
	s6 =	sadd.s32 @!p0 s3, s7;
	s7 =	simm.s32 @!p0 $0x108  }
0x21: {  	s3 =	sadd.s32 s3, s9;
	s6 =	sadd.s32 @!p0 $0x88, s6;
	s7 =	simm.s32 @p2 $0x1082  }
0x22: {  	[simem:s7], [sflag:s8] =	dma.local @!p0 [hbm:s6], $0xF7A  }
0x23: {  	s9 =	sor.u32 $0xD0000000, s2;
	s6 =	simm.s32 $0x108;
	_ =	swait.ge @!p0 [sflag:s8], $0x0  }
0x24: {  	s3 =	sadd.s32 $0x88, s3;
	s6 =	simm.s32 @!p1 $0x1082;
	[sflag:s4] =	ssyncset.s32 $0xFFFFF086  }
0x25: {  	[simem:s6], [sflag:s4] =	dma.local [hbm:s3], $0xF7A  }
0x26: {  	[smem:$0x3F90] =	sst s1;
	(tag) =	ssettag s2;
	_ =	strace s9  }
0x27: {  	s1 =	sld [smem:$0x3FA0]  }
0x28: {  	s2 =	sld [smem:$0x3FA1]  }
0x29: {  	s4 =	sld [smem:$0x3FA3]  }
0x2a: {  	p0 =	seq.s32 s5, $0x0;
	s5 =	sld [smem:$0x3FA4]  }
0x2b: {  	s6 =	sld [smem:$0x3FA5]  }
0x2c: {  	s7 =	sld [smem:$0x3FA6]  }
0x2d: {  	s3 =	simm.s32 $0x108;
	s8 =	sld [smem:$0x3FA7]  }
0x2e: {  	s3 =	simm.s32 @!p0 $0x1082;
	s9 =	sld [smem:$0x3FA8]  }
0x2f: {  	lr =	sadd.s32 s0, s3;
	s0 =	sld [smem:$0x3F9F]  }
0x30: {  	s3 =	sld [smem:$0x3FA2]  }
0x31: {  	[smem:$0x3FAB] =	sst s10  }
0x32: {  	s10 =	sld [smem:$0x3FA9];
	_ =	sdelay $0x3  }
0x33: {  	p0 =	seq.s32 s10, $0x1;
	s10 =	sld [smem:$0x3FAB];
	_ =	sdelay $0x3  }
0x34: {  	[smem:$0x3FAB] =	sst s10  }
0x35: {  	s10 =	sld [smem:$0x3FAA];
	_ =	sdelay $0x3  }
0x36: {  	p1 =	seq.s32 s10, $0x1;
	s10 =	sld [smem:$0x3FAB];
	_ =	sdelay $0x3  }
0x37: {  	[smem:$0x3FAB] =	sst s10  }
0x38: {  	s10 =	sld [smem:$0x3FAC]  }
0x39: {  	_ = 	snop;
	(pc) =	sbr.ind lr, $3  }
0x3a: {  	_ = 	snop  }
0x3b: {  	_ = 	snop  }
0x3c: {  	p2 =	seq.s32 s10, $0x1;
	s10 =	sld [smem:$0x3FAB]  }
0x3d: {  	_ =	shalt  }
0x3e: {  	_ =	shalt  }
0x3f: {  	_ =	shalt  }
0x40: {  	_ =	shalt  }
0x41: {  	_ =	shalt  }
0x42: {  	_ =	shalt  }
0x43: {  	_ =	shalt  }
0x44: {  	_ =	shalt  }
0x45: {  	_ =	shalt  }
0x46: {  	_ =	shalt  }
0x47: {  	_ =	shalt  }
0x48: {  	_ =	shalt  }
0x49: {  	_ =	shalt  }
0x4a: {  	_ =	shalt  }
0x4b: {  	_ =	shalt  }
0x4c: {  	_ =	shalt  }
0x4d: {  	_ =	shalt  }
0x4e: {  	_ =	shalt  }
0x4f: {  	_ =	shalt  }
0x50: {  	_ =	shalt  }
0x51: {  	_ =	shalt  }
0x52: {  	_ =	shalt  }
0x53: {  	_ =	shalt  }
0x54: {  	_ =	shalt  }
0x55: {  	_ =	shalt  }
0x56: {  	_ =	shalt  }
0x57: {  	_ =	shalt  }
0x58: {  	_ =	shalt  }
0x59: {  	_ =	shalt  }
0x5a: {  	_ =	shalt  }
0x5b: {  	_ =	shalt  }
0x5c: {  	_ =	shalt  }
0x5d: {  	_ =	shalt  }
0x5e: {  	_ =	shalt  }
0x5f: {  	_ =	shalt  }
0x60: {  	_ =	shalt  }
0x61: {  	_ =	shalt  }
0x62: {  	_ =	shalt  }
0x63: {  	_ =	shalt  }
0x64: {  	_ =	shalt  }
0x65: {  	_ =	shalt  }
0x66: {  	_ =	shalt  }
0x67: {  	_ =	shalt  }
0x68: {  	_ =	shalt  }
0x69: {  	_ =	shalt  }
0x6a: {  	_ =	shalt  }
0x6b: {  	_ =	shalt  }
0x6c: {  	_ =	shalt  }
0x6d: {  	_ =	shalt  }
0x6e: {  	_ =	shalt  }
0x6f: {  	_ =	shalt  }
0x70: {  	_ =	shalt  }
0x71: {  	_ =	shalt  }
0x72: {  	_ =	shalt  }
0x73: {  	_ =	shalt  }
0x74: {  	_ =	shalt  }
0x75: {  	_ =	shalt  }
0x76: {  	_ =	shalt  }
0x77: {  	_ =	shalt  }
0x78: {  	_ =	shalt  }
0x79: {  	_ =	shalt  }
0x7a: {  	_ =	shalt  }
0x7b: {  	_ =	shalt  }
0x7c: {  	_ =	shalt  }
0x7d: {  	_ =	shalt  }
0x7e: {  	_ =	shalt  }
0x7f: {  	_ =	shalt  }
0x80: {  	_ =	shalt  }
0x81: {  	_ =	shalt  }
0x82: {  	_ =	shalt  }
0x83: {  	_ =	shalt  }
0x84: {  	_ =	shalt  }
0x85: {  	_ =	shalt  }
0x86: {  	_ =	shalt  }
0x87: {  	_ =	shalt  }
.Lfunc_end0:
.L_simem_size_0:
called_computation.1_lowered:
.L_overlay_start_0:
0x88: {  	s2 =	sld [smem:$0x3FD9]  }
0x89: {  	s3 =	sld [smem:$0x3FFE];
	_ =	sdelay $0x1  }
0x8a: {  	s1 =	srdreg.scid  }
0x8b: {  	s0 =	sand.u32 $0x1, s1  }
0x8c: {  	s16 =	sshll.u32 s0, $0xA;
	s2 =	sadd.s32 s3, s2  }
0x8d: {  	s2 =	sadd.s32 s2, s16  }
0x8e: {  	[smem:$0x3FB7] =	sst s2  }
0x8f: {  	_ = 	snop  }
0x90: {  	(tm) =	ssettm $0x1  }
0x91: {  	s17 =	sld [smem:$0x3FFB];
	_ =	sdelay $0x3  }
0x92: {  	_ =	strace s17  }
0x93: {  	s2 =	sld [smem:$0x3FFC];
	_ =	sdelay $0x3  }
0x94: {  	_ =	strace s2  }
0x95: {  	s2 =	sld [smem:$0x3FFD];
	_ =	sdelay $0x3  }
0x96: {  	_ =	strace s2  }
0x97: {  	_ =	strace $0x8FFFFFFF  }
0x98: {  	s18 =	sld [smem:$0x3FDB];
	_ =	sdelay $0x1  }
0x99: {  	s19 =	simm.s32 $_scs_section_size  }
0x9a: {  	s4 =	simm.s32 $_size__tile_overlayer_lowered;
	s5 =	simm.s32 $_tile_overlayer_lowered  }
0x9b: {  	s22 =	simm.s32 $0x1BFF;
	s21 =	sshll.u32 s5, $0x1;
	s2 =	sadd.s32 s19, s18  }
0x9c: {  	s6 =	simm.s32 $0x0;
	s20 =	sshll.u32 s4, $0x1;
	s4 =	sadd.s32 s21, s2  }
0x9d: {  	[timem:s6], [sflag:s22] =	dma.local [hbm:s4], s20  }
0x9e: {  	_ =	swait.ge [sflag:s22], s20  }
0x9f: {  	s3 =	ssub.s32 $0x0, s20;
	[sflag:s22] =	ssyncset.done $0x0  }
0xa0: {  	[sflag:s22] =	ssyncadd.s32 s3;
	_ =	sdelay $0x1  }
0xa1: {  	s23 =	simm.s32 $0x1B8B  }
0xa2: {  	_ =	swait.ge [sflag:s23], $0x1  }
0xa3: {  	[sflag:s23] =	ssyncset.done $0x0  }
0xa4: {  	s25 =	simm.s32 $0x1B8E;
	s24 =	sld [smem:$0x3FFE];
	[sflag:s23] =	ssyncadd.s32 $0xFFFFFFFF  }
0xa5: {  	s26 =	simm.s32 $execute0_lowered;
	[smem:$0x3FD2] =	sst s25  }
0xa6: {  	s4 =	sshll.u32 s26, $0x1;
	_ =	strace $0x80000046;
	[dreg:$0x1] =	wrdreg $0xFFFFFFFF  }
0xa7: {  	s28 =	simm.s32 $_size_execute0_lowered;
	s2 =	sadd.s32 s2, s4;
	[dreg:$0x0] =	wrdreg $0x0  }
0xa8: {  	s4 =	sshll.u32 s28, $0x1;
	[dreg:$0x2] =	wrdreg s2  }
0xa9: {  	[dreg:$0x3] =	wrdreg s4  }
0xaa: {  	[dreg:$0x4] =	wrdreg $0xC0  }
0xab: {  	_ =	task [dreg:s6], $0x5FFFF  }
0xac: {  	[dreg:$0x1] =	wrdreg $0xFFFFFFFF  }
0xad: {  	[dreg:$0x0] =	wrdreg $0x60  }
0xae: {  	[dreg:$0x2] =	wrdreg s24  }
0xaf: {  	[dreg:$0x3] =	wrdreg $0xA  }
0xb0: {  	_ =	task.clear_ibuf [dreg:s6], $0x4FFFF;
	_ =	strace $0x90000046  }
0xb1: {  	s29 =	simm.s32 $0xA;
	_ =	strace $0x8000004F  }
0xb2: {  	_ =	swait.ge [sflag:s29], $0x1  }
0xb3: {  	[sflag:s29] =	ssyncadd.s32 $0xFFFFFFFF  }
0xb4: {  	_ =	strace $0x9000004F  }
0xb5: {  	_ =	sfence  }
0xb6: {  	s30 =	sld [smem:$0x0];
	_ =	sdelay $0x2  }
0xb7: {  	s31 =	sshll.u32 s1, $0xD;
	s1 =	sshrl.u32 s1, $0x2  }
0xb8: {  	s3 =	sand.u32 $0x4000, s31;
	s1 =	sadd.s32 s1, s30  }
0xb9: {  	s0 =	sor.u32 s3, s0;
	s1 =	sshll.u32 s1, $0x11  }
0xba: {  	s0 =	sor.u32 s1, s0  }
0xbb: {  	s0 =	sadd.s32 $0x8F2B, s0  }
0xbc: {  	[sflag:s0] =	ssyncadd.remote.s32 $0x1  }
0xbd: {  	_ =	sfence.sel $0xFFFF  }
0xbe: {  	[dreg:$0x0] =	wrdreg $0xFFFFFFFF;
	(pc) =	sbr.abs _section_cstart, $3  }
0xbf: {  	[dreg:$0x1] =	wrdreg $0xFFFFFFFF  }
0xc0: {  	_ =	task.clear_ibuf [dreg:s6], $0x2FFFF;
	_ =	strace $0x9FFFFFFF  }
0xc1: {  	(tm) =	ssettm $0x7FFFFFFF  }
tec
execute0_lowered:
.L_overlay_start_1:
0x0: {  	(tag) =	ssettag $0x1  }
0x1: {  	s5 =	rddreg [dreg:$0x0]  }
0x2: {  	s1 =	simm.s32 $0x0;
	s2 =	srdreg.scid;
	s10 =	simm.s32 $0x5  }
0x3: {  	s11 =	simm.s32 $0x4;
	s12 =	simm.s32 $0x0;
	[smem:$0x7FF] =	sst s1  }
0x4: {  	s3 =	sadd.s32 $0x113200, s5;
	s6 =	sand.u32 $0x1, s2;
	s4 =	sadd.s32 $0x103200, s5  }
0x5: {  	s2 =	stileid.u32;
	s5 =	sadd.s32 $0x3200, s5;
	s7 =	sshll.u32 s6, $0x4  }
0x6: {  	_ =	strace $0x80000047;
	s6 =	ssub.s32 $0x2, s6;
	s7 =	sor.u32 s2, s7  }
0x7: {  	[dreg:$0x2] =	wrdreg s5;
	s31 =	sshrl.u32 s6, $0x1;
	s8 =	sshll.u32 s7, $0x9  }
0x8: {  	s9 =	ssub.s32 s6, s31;
	s5 =	sshll.u32 s7, $0x3;
	s6 =	sadd.s32 s4, s8  }
0x9: {  	s7 =	smax.u32 s9, $0x1;
	s8 =	simm.s32 $0x1;
	s9 =	simm.s32 $0x80  }
.LBB2_1:
0xa: {  	_ =	strace $0x80000048;
	s13 =	simm.s32 $0x1;
	p0 =	por $0x0, $0x0  }
0xb: {  	[tilespmem:s1], [sflag:$0x1] =	stream.linear.gather [hbm4b:s6+s1], $0x200, $0x200038;
	[tilespmem:$0x4400] =	vst v63  }
0xc: {  	s13 =	simm.s32 @p0 $0x0  }
0xd: {  	p5 =	por $0x1, $0x1;
	p3 =	sne.s32 s13, $0x0  }
0xe: {  	p0 =	por !p5, !p3  }
0xf: {  	p0 =	por !p0, !p0  }
0x10: {  	s14 =	sadd.s32 @p0 s5, s13  }
0x11: {  	_ =	strace $0x90000048;
	s15 =	sand.u32 @p0 $0x1, s8;
	s14 =	sshll.u32 @p0 s14, $0x6  }
0x12: {  	s16 =	simm.s32 @p0 $0x0;
	_ =	strace @p0 $0x80000049;
	s14 =	sand.u32 @p0 $0x1FFFFFC0, s14  }
0x13: {  	s17 =	sshll.u32 @p0 s15, $0x9;
	s15 =	sadd.s32 @p0 $0x1, s15;
	s14 =	sadd.s32 @p0 s4, s14  }
0x14: {  	[tilespmem:s17], [sflag:s15] =	stream.linear.gather @p0 [hbm4b:s14+s16], $0x200, $0x200038;
	[tilespmem:$0x4400] =	vst v63  }
0x15: {  	s21 =	sand.u32 $0x1, s1;
	_ =	strace @p0 $0x90000049  }
0x16: {  	s20 =	sadd.s32 $0x1, s21;
	_ =	strace $0x8000004A  }
0x17: {  	_ =	swait.ge [sflag:s20], $0x200  }
0x18: {  	[sflag:s20] =	ssyncset.done $0x0  }
0x19: {  	s23 =	simm.s32 $0x0;
	[sflag:s20] =	ssyncadd.s32 $0xFFFFFE00  }
0x1a: {  	p1 =	por $0x1, $0x1;
	s22 =	sshll.u32 s21, $0xD;
	_ =	strace $0x9000004A  }
0x1b: {  	s15 =	sand.u32 $0x200, s23;
	s20 =	sor.u32 $0x400, s22;
	_ =	strace $0x8000004B  }
0x1c: {  	[tilespmem:s20], [sflag:$0x5] =	stream.indirect.gather [hbm4b:s3+s9], $0x10, s15, s9, $0x2000b8;
	[tilespmem:$0x4400] =	vst v63  }
0x1d: {  	p4 =	por $0x0, $0x0;
	s24 =	sor.u32 $0xC00, s22;
	s25 =	sor.u32 $0x80, s15  }
0x1e: {  	[tilespmem:s24], [sflag:$0x5] =	stream.indirect.gather [hbm4b:s3+s9], $0x10, s25, s9, $0x2000b8;
	[tilespmem:$0x4400] =	vst v63  }
0x1f: {  	s18 =	simm.s32 $0x1;
	s26 =	sor.u32 $0x1400, s22;
	s31 =	sor.u32 $0x100, s15  }
0x20: {  	[tilespmem:s26], [sflag:$0x5] =	stream.indirect.gather [hbm4b:s3+s9], $0x10, s31, s9, $0x2000b8;
	[tilespmem:$0x4400] =	vst v63  }
0x21: {  	p6 =	por $0x1, $0x1;
	s14 =	sor.u32 $0x1C00, s22;
	s15 =	sor.u32 $0x180, s15  }
0x22: {  	[tilespmem:s14], [sflag:$0x5] =	stream.indirect.gather [hbm4b:s3+s9], $0x10, s15, s9, $0x2000b8;
	[tilespmem:$0x4400] =	vst v63  }
0x23: {  	s29 =	simm.s32 $0x1;
	p2 =	por p1, p1;
	_ =	swait.ge [sflag:s10], $0x800  }
0x24: {  	s19 =	sadd.s32 $0x1, s13;
	p5 =	por $0x0, $0x0;
	[sflag:s10] =	ssyncset.done $0x0  }
0x25: {  	s18 =	simm.s32 @!p0 $0x0;
	s17 =	simm.s32 $0x6;
	[sflag:s10] =	ssyncadd.s32 $0xFFFFF800  }
0x26: {  	s16 =	sand.u32 @!p1 $0x1, s1;
	p1 =	por $0x0, $0x0;
	_ =	swait.ge [sflag:s10], $0x800  }
0x27: {  	s23 =	sadd.s32 $0x1, s18;
	s18 =	simm.s32 $0x0;
	[sflag:s10] =	ssyncset.done $0x0  }
0x28: {  	s22 =	simm.s32 $0x0;
	s24 =	simm.s32 $0x1;
	[sflag:s10] =	ssyncadd.s32 $0xFFFFF800  }
0x29: {  	s24 =	simm.s32 @!p5 $0x0;
	p5 =	seq.s32 s19, $0x8;
	_ =	swait.ge [sflag:s10], $0x800  }
0x2a: {  	s19 =	simm.s32 @p5 $0x0;
	p5 =	por p4, p3;
	[sflag:s10] =	ssyncset.done $0x0  }
0x2b: {  	p0 =	sne.s32 s13, s19;
	s29 =	simm.s32 @!p5 $0x0;
	[sflag:s10] =	ssyncadd.s32 $0xFFFFF800  }
0x2c: {  	s14 =	simm.s32 $0x7;
	s15 =	sadd.s32 $0x0, s5;
	_ =	swait.ge [sflag:s10], $0x800  }
0x2d: {  	p6 =	por !p6, !p0;
	s30 =	sshll.u32 @p5 s15, $0xA;
	[sflag:s10] =	ssyncset.done $0x0  }
0x2e: {  	p3 =	por !p6, !p6;
	s15 =	simm.s32 $0x0;
	[sflag:s10] =	ssyncadd.s32 $0xFFFFF800  }
0x2f: {  	s28 =	sand.u32 @p3 $0x1, s23;
	s25 =	sadd.s32 @p3 s5, s19;
	_ =	strace $0x9000004B  }
.LBB2_2:
0x30: {  	s31 =	sshll.u32 @p3 s25, $0x6;
	_ =	strace @p5 $0x8000004C;
	s21 =	sadd.s32 @p5 $0x3, s21  }
0x31: {  	s26 =	smov.u32 s13;
	s30 =	sand.u32 @p5 $0x1FFFFC00, s30;
	s18 =	sadd.s32 s29, s18  }
0x32: {  	s22 =	sadd.s32 s29, s22;
	s13 =	sand.u32 @p3 $0x1FFFFFC0, s31;
	s31 =	rddreg [dreg:$0x2]  }
0x33: {  	s0 =	sadd.s32 @p3 s4, s13;
	s13 =	simm.s32 @p5 $0x0;
	s29 =	sadd.s32 @p5 s31, s30  }
0x34: {  	[hbm4b:s29+s13] =	stream.linear.scatter @p5 [tilespmem:s20], [sflag:s21], $0x2000, $0x200038;
	[tilespmem:$0x4400] =	vst v63  }
0x35: {  	_ =	strace @p5 $0x9000004C  }
0x36: {  	s20 =	sadd.s32 @!p2 $0x3, s16;
	_ =	strace @!p2 $0x8000004D  }
0x37: {  	_ =	swait.ge @!p2 [sflag:s20], $0x2000  }
0x38: {  	s15 =	sadd.s32 s24, s15;
	[sflag:s20] =	ssyncset.done @!p2 $0x0  }
0x39: {  	s24 =	sand.u32 @!p1 $0x1, s15;
	[sflag:s20] =	ssyncadd.s32 @!p2 $0xFFFFE000  }
0x3a: {  	s16 =	smov.u32 s24;
	s21 =	simm.s32 @p3 $0x0;
	_ =	strace @!p2 $0x9000004D  }
0x3b: {  	s24 =	sshll.u32 @p3 s28, $0x9;
	s28 =	sadd.s32 @p3 $0x1, s28;
	_ =	strace @p3 $0x80000049  }
0x3c: {  	[tilespmem:s24], [sflag:s28] =	stream.linear.gather @p3 [hbm4b:s0+s21], $0x200, $0x200038;
	[tilespmem:$0x4400] =	vst v63  }
0x3d: {  	s31 =	sand.u32 $0x1, s22;
	_ =	strace @p3 $0x90000049  }
0x3e: {  	s29 =	sadd.s32 $0x1, s31;
	_ =	strace $0x8000004A  }
0x3f: {  	_ =	swait.ge [sflag:s29], $0x200  }
0x40: {  	[sflag:s29] =	ssyncset.done $0x0  }
0x41: {  	s21 =	sand.u32 $0x1, s18;
	[sflag:s29] =	ssyncadd.s32 $0xFFFFFE00  }
0x42: {  	s31 =	sshll.u32 s22, $0x9;
	s0 =	sshll.u32 s21, $0xD;
	_ =	strace $0x9000004A  }
0x43: {  	s24 =	sand.u32 $0x200, s31;
	s20 =	sor.u32 $0x400, s0;
	_ =	strace $0x8000004B  }
0x44: {  	[tilespmem:s20], [sflag:$0x5] =	stream.indirect.gather [hbm4b:s3+s9], $0x10, s24, s9, $0x2000b8;
	[tilespmem:$0x4400] =	vst v63  }
0x45: {  	s25 =	smov.u32 s14;
	s28 =	sor.u32 $0xC00, s0;
	s29 =	sor.u32 $0x80, s24  }
0x46: {  	[tilespmem:s28], [sflag:$0x5] =	stream.indirect.gather [hbm4b:s3+s9], $0x10, s29, s9, $0x2000b8;
	[tilespmem:$0x4400] =	vst v63  }
0x47: {  	s14 =	smov.u32 s17;
	s28 =	sor.u32 $0x1400, s0;
	s29 =	sor.u32 $0x100, s24  }
0x48: {  	[tilespmem:s28], [sflag:$0x5] =	stream.indirect.gather [hbm4b:s3+s9], $0x10, s29, s9, $0x2000b8;
	[tilespmem:$0x4400] =	vst v63  }
0x49: {  	s17 =	sadd.s32 $0xFFFFFFFF, s17;
	s0 =	sor.u32 $0x1C00, s0;
	s24 =	sor.u32 $0x180, s24  }
0x4a: {  	[tilespmem:s0], [sflag:$0x5] =	stream.indirect.gather [hbm4b:s3+s9], $0x10, s24, s9, $0x2000b8;
	[tilespmem:$0x4400] =	vst v63  }
0x4b: {  	p4 =	sne.s32 s17, $0x0;
	p6 =	sne.s32 s25, $0x8;
	_ =	swait.ge [sflag:s10], $0x800  }
0x4c: {  	s13 =	smov.u32 s19;
	s19 =	sadd.s32 $0x1, s19;
	[sflag:s10] =	ssyncset.done $0x0  }
0x4d: {  	p5 =	seq.s32 s25, $0x1;
	s25 =	simm.s32 $0x1;
	[sflag:s10] =	ssyncadd.s32 $0xFFFFF800  }
0x4e: {  	s25 =	simm.s32 @!p3 $0x0;
	p5 =	por p5, p0;
	_ =	swait.ge [sflag:s10], $0x800  }
0x4f: {  	s23 =	sadd.s32 s25, s23;
	p2 =	por p1, p1;
	[sflag:s10] =	ssyncset.done $0x0  }
0x50: {  	p1 =	seq.s32 s14, $0x8;
	s29 =	simm.s32 $0x1;
	[sflag:s10] =	ssyncadd.s32 $0xFFFFF800  }
0x51: {  	s29 =	simm.s32 @!p5 $0x0;
	s24 =	simm.s32 $0x1;
	_ =	swait.ge [sflag:s10], $0x800  }
0x52: {  	s24 =	simm.s32 @!p6 $0x0;
	p6 =	seq.s32 s19, $0x8;
	[sflag:s10] =	ssyncset.done $0x0  }
.Ltmp0:
0x53: {  	s19 =	simm.s32 @p6 $0x0;
	[sflag:s10] =	ssyncadd.s32 $0xFFFFF800;
	(pc) =	sbr.rel @p4 .LBB2_2-.Ltmp0, $4  }
0x54: {  	p6 =	sne.s32 s14, $0x1;
	p0 =	sne.s32 s13, s19;
	_ =	swait.ge [sflag:s10], $0x800  }
0x55: {  	s0 =	sadd.s32 s5, s26;
	p3 =	por !p6, !p0;
	[sflag:s10] =	ssyncset.done $0x0  }
0x56: {  	s30 =	sshll.u32 @p5 s0, $0xA;
	p3 =	por !p3, !p3;
	[sflag:s10] =	ssyncadd.s32 $0xFFFFF800  }
0x57: {  	s28 =	sand.u32 @p3 $0x1, s23;
	s25 =	sadd.s32 @p3 s5, s19;
	_ =	strace $0x9000004B  }
0x58: {  	_ =	strace @p5 $0x8000004C  }
0x59: {  	s17 =	sand.u32 @p5 $0x1FFFFC00, s30;
	s0 =	rddreg [dreg:$0x2]  }
0x5a: {  	s19 =	sadd.s32 @p5 $0x3, s21;
	s21 =	simm.s32 @p5 $0x0;
	s0 =	sadd.s32 @p5 s0, s17  }
0x5b: {  	[hbm4b:s0+s21] =	stream.linear.scatter @p5 [tilespmem:s20], [sflag:s19], $0x2000, $0x200038;
	[tilespmem:$0x4400] =	vst v63  }
0x5c: {  	_ =	strace @p5 $0x9000004C  }
0x5d: {  	s0 =	sadd.s32 @!p2 $0x3, s16;
	_ =	strace @!p2 $0x8000004D  }
0x5e: {  	_ =	swait.ge @!p2 [sflag:s0], $0x2000  }
0x5f: {  	s22 =	sadd.s32 s29, s22;
	[sflag:s0] =	ssyncset.done @!p2 $0x0  }
0x60: {  	s16 =	sshll.u32 @p3 s25, $0x6;
	s19 =	sshll.u32 @p3 s28, $0x9;
	[sflag:s0] =	ssyncadd.s32 @!p2 $0xFFFFE000  }
0x61: {  	s17 =	simm.s32 @p3 $0x0;
	s16 =	sand.u32 @p3 $0x1FFFFFC0, s16;
	_ =	strace @!p2 $0x9000004D  }
0x62: {  	s20 =	sadd.s32 @p3 $0x1, s28;
	s16 =	sadd.s32 @p3 s4, s16;
	_ =	strace @p3 $0x80000049  }
0x63: {  	[tilespmem:s19], [sflag:s20] =	stream.linear.gather @p3 [hbm4b:s16+s17], $0x200, $0x200038;
	[tilespmem:$0x4400] =	vst v63  }
0x64: {  	s23 =	sand.u32 $0x1, s22;
	_ =	strace @p3 $0x90000049  }
0x65: {  	s16 =	sadd.s32 $0x1, s23;
	_ =	strace $0x8000004A  }
0x66: {  	_ =	swait.ge [sflag:s16], $0x200  }
0x67: {  	s25 =	sadd.s32 s29, s18;
	[sflag:s16] =	ssyncset.done $0x0  }
0x68: {  	s17 =	sand.u32 $0x1, s25;
	[sflag:s16] =	ssyncadd.s32 $0xFFFFFE00  }
0x69: {  	s0 =	sshll.u32 s22, $0x9;
	s26 =	sshll.u32 s17, $0xD;
	_ =	strace $0x9000004A  }
0x6a: {  	s0 =	sand.u32 $0x200, s0;
	s18 =	sor.u32 $0x400, s26;
	_ =	strace $0x8000004B  }
0x6b: {  	[tilespmem:s18], [sflag:$0x5] =	stream.indirect.gather [hbm4b:s3+s9], $0x10, s0, s9, $0x2000b8;
	[tilespmem:$0x4400] =	vst v63  }
0x6c: {  	s29 =	sor.u32 $0x80, s0;
	s28 =	sor.u32 $0xC00, s26  }
0x6d: {  	[tilespmem:s28], [sflag:$0x5] =	stream.indirect.gather [hbm4b:s3+s9], $0x10, s29, s9, $0x2000b8;
	[tilespmem:$0x4400] =	vst v63  }
0x6e: {  	s31 =	sor.u32 $0x100, s0;
	s30 =	sor.u32 $0x1400, s26  }
0x6f: {  	[tilespmem:s30], [sflag:$0x5] =	stream.indirect.gather [hbm4b:s3+s9], $0x10, s31, s9, $0x2000b8;
	[tilespmem:$0x4400] =	vst v63  }
0x70: {  	s16 =	sor.u32 $0x1C00, s26;
	s0 =	sor.u32 $0x180, s0  }
0x71: {  	[tilespmem:s16], [sflag:$0x5] =	stream.indirect.gather [hbm4b:s3+s9], $0x10, s0, s9, $0x2000b8;
	[tilespmem:$0x4400] =	vst v63  }
0x72: {  	_ =	swait.ge [sflag:s10], $0x800  }
0x73: {  	[sflag:s10] =	ssyncset.done $0x0  }
0x74: {  	[sflag:s10] =	ssyncadd.s32 $0xFFFFF800  }
0x75: {  	_ =	swait.ge [sflag:s10], $0x800  }
0x76: {  	[sflag:s10] =	ssyncset.done $0x0  }
0x77: {  	[sflag:s10] =	ssyncadd.s32 $0xFFFFF800  }
0x78: {  	_ =	swait.ge [sflag:s10], $0x800  }
0x79: {  	[sflag:s10] =	ssyncset.done $0x0  }
0x7a: {  	[sflag:s10] =	ssyncadd.s32 $0xFFFFF800  }
0x7b: {  	_ =	swait.ge [sflag:s10], $0x800  }
0x7c: {  	[sflag:s10] =	ssyncset.done $0x0  }
0x7d: {  	p6 =	seq.s32 s14, $0x1;
	[sflag:s10] =	ssyncadd.s32 $0xFFFFF800  }
0x7e: {  	p0 =	por p6, p0;
	s0 =	sadd.s32 s5, s13;
	_ =	strace $0x9000004B  }
0x7f: {  	s0 =	sshll.u32 @p0 s0, $0xA;
	_ =	strace @p0 $0x8000004C  }
0x80: {  	s14 =	sadd.s32 s24, s15;
	s0 =	sand.u32 @p0 $0x1FFFFC00, s0;
	s13 =	rddreg [dreg:$0x2]  }
0x81: {  	s15 =	sadd.s32 @p0 $0x3, s17;
	s16 =	simm.s32 @p0 $0x0;
	s0 =	sadd.s32 @p0 s13, s0  }
0x82: {  	[hbm4b:s0+s16] =	stream.linear.scatter @p0 [tilespmem:s18], [sflag:s15], $0x2000, $0x200038;
	[tilespmem:$0x4400] =	vst v63  }
0x83: {  	s0 =	sand.u32 @!p1 $0x1, s14;
	p1 =	por p1, p1;
	_ =	strace @p0 $0x9000004C  }
0x84: {  	s0 =	sadd.s32 @!p1 $0x3, s0;
	_ =	strace @!p1 $0x8000004D  }
0x85: {  	_ =	swait.ge @!p1 [sflag:s0], $0x2000  }
0x86: {  	[sflag:s0] =	ssyncset.done @!p1 $0x0  }
0x87: {  	s12 =	sadd.s32 $0x1, s12;
	[sflag:s0] =	ssyncadd.s32 @!p1 $0xFFFFE000  }
0x88: {  	p0 =	sne.s32 s12, s7;
	_ =	strace @!p1 $0x9000004D  }
.Ltmp1:
0x89: {  	_ =	strace $0x8000004E;
	(pc) =	sbr.rel @p0 .LBB2_1-.Ltmp1, $4  }
0x8a: {  	_ =	swait.ge [sflag:s11], $0x2000  }
0x8b: {  	[sflag:s11] =	ssyncset.done $0x0  }
0x8c: {  	[sflag:s11] =	ssyncadd.s32 $0xFFFFE000  }
0x8d: {  	_ =	strace $0x9000004E  }
0x8e: {  	_ =	sfence.sel $0x180000  }
0x8f: {  	[bflag:$0x0] =	sbarrier.arrive $0xFFFF  }
0x90: {  	_ =	strace $0x90000047  }
0x91: {  	[bflag:$0x2] =	sbarrier.arrive $0xFFFF  }
0x92: {  	p0 =	sne.s32 s2, $0x0;
	s0 =	rddreg [dreg:$0x1]  }
0x93: {  	s0 =	sadd.s32 @!p0 $0x100000, s0  }
0x94: {  	[sflag:s0] =	ssyncadd.tile.s32 @!p0 $0x1;
	_ =	shalt  }
.Lfunc_end2:
_tile_overlayer_lowered:
.L_overlay_start_2:
0x95: {  	(tag) =	ssettag $0x2  }
0x96: {  	s0 =	rddreg [dreg:$0x0];
	s2 =	stileid.u32  }
0x97: {  	s1 =	rddreg [dreg:$0x1];
	p0 =	sne.s32 s2, $0x0  }
0x98: {  	s3 =	rddreg [dreg:$0x2];
	[bflag:$0x3] =	sbarrier.arrive $0xFFFF;
	s2 =	simm.s32 @!p0 $0x1C01  }
0x99: {  	[timem:s3], [sflag:s2] =	dma.local @!p0 [hbm:s0], s1  }
0x9a: {  	s0 =	simm.s32 @!p0 $0x1  }
0x9b: {  	_ =	swait.ge @!p0 [sflag:s0], s1  }
0x9c: {  	s1 =	ssub.s32 @!p0 $0x0, s1;
	[sflag:s0] =	ssyncset.done @!p0 $0x0  }
0x9d: {  	[sflag:s0] =	ssyncadd.s32 @!p0 s1  }
0x9e: {  	[bflag:$0x3] =	sbarrier.arrive $0xFFFF  }
0x9f: {  	_ =	shalt  }

// kernel: kernel.20.cloned.1.call-start
scs
__scs_entry_jumppad:
0x0: {  	(pc) =	sbr.rel $0x88, $3  }
0x1: {  	(tag) =	ssettag $0x0;
	lr =	simm.s32 $0x1  }
0x2: {  	[smem:$0x3F90] =	sst lr;
	_ =	strace $0xD0000000  }
0x3: {  	_ = 	snop  }
0x4: {  	_ = 	snop  }
0x5: {  	_ = 	snop  }
0x6: {  	_ = 	snop  }
0x7: {  	_ = 	snop  }
__scs_overlays_trampoline_lowered:
0x8: {  	[smem:$0x3F9F] =	sst s0  }
0x9: {  	[smem:$0x3FA0] =	sst s1  }
0xa: {  	[smem:$0x3FA1] =	sst s2  }
0xb: {  	[smem:$0x3FA2] =	sst s3  }
0xc: {  	[smem:$0x3FA3] =	sst s4  }
0xd: {  	[smem:$0x3FA4] =	sst s5  }
0xe: {  	[smem:$0x3FA5] =	sst s6  }
0xf: {  	[smem:$0x3FA6] =	sst s7  }
0x10: {  	[smem:$0x3FA7] =	sst s8  }
0x11: {  	[smem:$0x3FA8] =	sst s9;
	s0 =	simm.s32 @!p0 $0x0  }
0x12: {  	s1 =	sld [smem:$0x3F8E];
	s0 =	simm.s32 @p0 $0x1  }
0x13: {  	[smem:$0x3FA9] =	sst s0;
	s0 =	simm.s32 @!p1 $0x0  }
0x14: {  	s2 =	sld [smem:$0x3F8D];
	s0 =	simm.s32 @p1 $0x1  }
0x15: {  	[smem:$0x3FAA] =	sst s0;
	s0 =	simm.s32 @!p2 $0x0  }
0x16: {  	s3 =	sld [smem:$0x3FDB];
	s0 =	simm.s32 @p2 $0x1  }
0x17: {  	s4 =	simm.s32 $0x1BF5;
	[smem:$0x3FAC] =	sst s0  }
0x18: {  	s0 =	sld [smem:$0x3F8F];
	_ =	swait.ge [sflag:s4], $0x0  }
0x19: {  	s7 =	sld [smem:$0x3F90]  }
0x1a: {  	s8 =	sadd.s32 $0xFFFFE003, lr  }
0x1b: {  	s9 =	sadd.s32 $0xFFFFFEF7, lr;
	s5 =	simm.s32 $0xFFFFFFFF;
	p2 =	slt.u32 s8, $0xFFFFF086  }
0x1c: {  	p1 =	slt.u32 s9, $0xF7A;
	s5 =	simm.s32 @!p2 $0x0  }
0x1d: {  	s5 =	simm.s32 @p1 $0x1;
	p0 =	seq.s32 s7, s2  }
0x1e: {  	s7 =	smul.u32 @!p0 $0xF7A, s2;
	p2 =	seq.s32 @!p0 s5, $0x0  }
0x1f: {  	s9 =	smul.u32 $0xF7A, s1;
	s8 =	simm.s32 @!p0 $0x1BF5;
	p2 =	por !p2, p0  }
0x20: {  	[sflag:s8] =	ssyncset.s32 @!p0 $0xFFFFF086;
	s6 =	sadd.s32 @!p0 s3, s7;
	s7 =	simm.s32 @!p0 $0x108  }
0x21: {  	s3 =	sadd.s32 s3, s9;
	s6 =	sadd.s32 @!p0 $0x88, s6;
	s7 =	simm.s32 @p2 $0x1082  }
0x22: {  	[simem:s7], [sflag:s8] =	dma.local @!p0 [hbm:s6], $0xF7A  }
0x23: {  	s9 =	sor.u32 $0xD0000000, s2;
	s6 =	simm.s32 $0x108;
	_ =	swait.ge @!p0 [sflag:s8], $0x0  }
0x24: {  	s3 =	sadd.s32 $0x88, s3;
	s6 =	simm.s32 @!p1 $0x1082;
	[sflag:s4] =	ssyncset.s32 $0xFFFFF086  }
0x25: {  	[simem:s6], [sflag:s4] =	dma.local [hbm:s3], $0xF7A  }
0x26: {  	[smem:$0x3F90] =	sst s1;
	(tag) =	ssettag s2;
	_ =	strace s9  }
0x27: {  	s1 =	sld [smem:$0x3FA0]  }
0x28: {  	s2 =	sld [smem:$0x3FA1]  }
0x29: {  	s4 =	sld [smem:$0x3FA3]  }
0x2a: {  	p0 =	seq.s32 s5, $0x0;
	s5 =	sld [smem:$0x3FA4]  }
0x2b: {  	s6 =	sld [smem:$0x3FA5]  }
0x2c: {  	s7 =	sld [smem:$0x3FA6]  }
0x2d: {  	s3 =	simm.s32 $0x108;
	s8 =	sld [smem:$0x3FA7]  }
0x2e: {  	s3 =	simm.s32 @!p0 $0x1082;
	s9 =	sld [smem:$0x3FA8]  }
0x2f: {  	lr =	sadd.s32 s0, s3;
	s0 =	sld [smem:$0x3F9F]  }
0x30: {  	s3 =	sld [smem:$0x3FA2]  }
0x31: {  	[smem:$0x3FAB] =	sst s10  }
0x32: {  	s10 =	sld [smem:$0x3FA9];
	_ =	sdelay $0x3  }
0x33: {  	p0 =	seq.s32 s10, $0x1;
	s10 =	sld [smem:$0x3FAB];
	_ =	sdelay $0x3  }
0x34: {  	[smem:$0x3FAB] =	sst s10  }
0x35: {  	s10 =	sld [smem:$0x3FAA];
	_ =	sdelay $0x3  }
0x36: {  	p1 =	seq.s32 s10, $0x1;
	s10 =	sld [smem:$0x3FAB];
	_ =	sdelay $0x3  }
0x37: {  	[smem:$0x3FAB] =	sst s10  }
0x38: {  	s10 =	sld [smem:$0x3FAC]  }
0x39: {  	_ = 	snop;
	(pc) =	sbr.ind lr, $3  }
0x3a: {  	_ = 	snop  }
0x3b: {  	_ = 	snop  }
0x3c: {  	p2 =	seq.s32 s10, $0x1;
	s10 =	sld [smem:$0x3FAB]  }
0x3d: {  	_ =	shalt  }
0x3e: {  	_ =	shalt  }
0x3f: {  	_ =	shalt  }
0x40: {  	_ =	shalt  }
0x41: {  	_ =	shalt  }
0x42: {  	_ =	shalt  }
0x43: {  	_ =	shalt  }
0x44: {  	_ =	shalt  }
0x45: {  	_ =	shalt  }
0x46: {  	_ =	shalt  }
0x47: {  	_ =	shalt  }
0x48: {  	_ =	shalt  }
0x49: {  	_ =	shalt  }
0x4a: {  	_ =	shalt  }
0x4b: {  	_ =	shalt  }
0x4c: {  	_ =	shalt  }
0x4d: {  	_ =	shalt  }
0x4e: {  	_ =	shalt  }
0x4f: {  	_ =	shalt  }
0x50: {  	_ =	shalt  }
0x51: {  	_ =	shalt  }
0x52: {  	_ =	shalt  }
0x53: {  	_ =	shalt  }
0x54: {  	_ =	shalt  }
0x55: {  	_ =	shalt  }
0x56: {  	_ =	shalt  }
0x57: {  	_ =	shalt  }
0x58: {  	_ =	shalt  }
0x59: {  	_ =	shalt  }
0x5a: {  	_ =	shalt  }
0x5b: {  	_ =	shalt  }
0x5c: {  	_ =	shalt  }
0x5d: {  	_ =	shalt  }
0x5e: {  	_ =	shalt  }
0x5f: {  	_ =	shalt  }
0x60: {  	_ =	shalt  }
0x61: {  	_ =	shalt  }
0x62: {  	_ =	shalt  }
0x63: {  	_ =	shalt  }
0x64: {  	_ =	shalt  }
0x65: {  	_ =	shalt  }
0x66: {  	_ =	shalt  }
0x67: {  	_ =	shalt  }
0x68: {  	_ =	shalt  }
0x69: {  	_ =	shalt  }
0x6a: {  	_ =	shalt  }
0x6b: {  	_ =	shalt  }
0x6c: {  	_ =	shalt  }
0x6d: {  	_ =	shalt  }
0x6e: {  	_ =	shalt  }
0x6f: {  	_ =	shalt  }
0x70: {  	_ =	shalt  }
0x71: {  	_ =	shalt  }
0x72: {  	_ =	shalt  }
0x73: {  	_ =	shalt  }
0x74: {  	_ =	shalt  }
0x75: {  	_ =	shalt  }
0x76: {  	_ =	shalt  }
0x77: {  	_ =	shalt  }
0x78: {  	_ =	shalt  }
0x79: {  	_ =	shalt  }
0x7a: {  	_ =	shalt  }
0x7b: {  	_ =	shalt  }
0x7c: {  	_ =	shalt  }
0x7d: {  	_ =	shalt  }
0x7e: {  	_ =	shalt  }
0x7f: {  	_ =	shalt  }
0x80: {  	_ =	shalt  }
0x81: {  	_ =	shalt  }
0x82: {  	_ =	shalt  }
0x83: {  	_ =	shalt  }
0x84: {  	_ =	shalt  }
0x85: {  	_ =	shalt  }
0x86: {  	_ =	shalt  }
0x87: {  	_ =	shalt  }
.Lfunc_end0:
.L_simem_size_0:
called_computation.2_lowered:
.L_overlay_start_0:
0x88: {  	s2 =	sld [smem:$0x3FD9]  }
0x89: {  	s3 =	sld [smem:$0x3FFE];
	_ =	sdelay $0x1  }
0x8a: {  	s1 =	srdreg.scid  }
0x8b: {  	s0 =	sand.u32 $0x1, s1  }
0x8c: {  	s17 =	sshll.u32 s0, $0xA;
	s2 =	sadd.s32 s3, s2  }
0x8d: {  	s2 =	sadd.s32 s2, s17  }
0x8e: {  	[smem:$0x3FB7] =	sst s2  }
0x8f: {  	_ = 	snop  }
0x90: {  	(tm) =	ssettm $0x1  }
0x91: {  	s18 =	sld [smem:$0x3FFB];
	_ =	sdelay $0x3  }
0x92: {  	_ =	strace s18  }
0x93: {  	s2 =	sld [smem:$0x3FFC];
	_ =	sdelay $0x3  }
0x94: {  	_ =	strace s2  }
0x95: {  	s2 =	sld [smem:$0x3FFD];
	_ =	sdelay $0x3  }
0x96: {  	_ =	strace s2  }
0x97: {  	_ =	strace $0x8FFFFFFF  }
0x98: {  	s19 =	sld [smem:$0x3FDB];
	_ =	sdelay $0x1  }
0x99: {  	s20 =	simm.s32 $_scs_section_size  }
0x9a: {  	s4 =	simm.s32 $_size__tile_overlayer_lowered;
	s5 =	simm.s32 $_tile_overlayer_lowered  }
0x9b: {  	s6 =	simm.s32 $0x1BFF;
	s21 =	sshll.u32 s5, $0x1;
	s3 =	sadd.s32 s20, s19  }
0x9c: {  	s22 =	simm.s32 $0x0;
	s4 =	sshll.u32 s4, $0x1;
	s5 =	sadd.s32 s21, s3  }
0x9d: {  	[timem:s22], [sflag:s6] =	dma.local [hbm:s5], s4  }
0x9e: {  	_ =	swait.ge [sflag:s6], s4  }
0x9f: {  	s4 =	ssub.s32 $0x0, s4;
	[sflag:s6] =	ssyncset.done $0x0  }
0xa0: {  	[sflag:s6] =	ssyncadd.s32 s4;
	_ =	sdelay $0x1  }
0xa1: {  	s23 =	simm.s32 $0x1B8B  }
0xa2: {  	_ =	swait.ge [sflag:s23], $0x1  }
0xa3: {  	[sflag:s23] =	ssyncset.done $0x0  }
0xa4: {  	[sflag:s23] =	ssyncadd.s32 $0xFFFFFFFF  }
0xa5: {  	s4 =	sld [smem:$0x0]  }
0xa6: {  	s5 =	sand.u32 $0xFFFFFFFE, s1  }
0xa7: {  	p0 =	sne.s32 s1, s5  }
0xa8: {  	s5 =	sshll.u32 @p0 s5, $0xE  }
0xa9: {  	s5 =	sadd.s32 @p0 $0x11B8D, s5;
	s6 =	sshll.u32 @p0 s4, $0x11  }
0xaa: {  	s5 =	sor.u32 @p0 s6, s5  }
0xab: {  	[sflag:s5] =	ssyncadd.remote.s32 @p0 $0x1;
	_ =	sdelay $0x1  }
0xac: {  	s5 =	simm.s32 @p0 $0x1B8D  }
0xad: {  	_ =	swait.eq @p0 [sflag:s5], $0x1  }
0xae: {  	[sflag:s5] =	ssyncadd.s32 @p0 $0xFFFFFFFF  }
0xaf: {  	s6 =	sshll.u32 @!p0 s1, $0xE  }
0xb0: {  	s6 =	sor.u32 @!p0 $0x4000, s6;
	s5 =	simm.s32 @!p0 $0x1B8D  }
0xb1: {  	s4 =	sshll.u32 @!p0 s4, $0x11;
	s6 =	sadd.s32 @!p0 $0x11B8D, s6;
	_ =	swait.eq @!p0 [sflag:s5], $0x1  }
0xb2: {  	s4 =	sor.u32 @!p0 s4, s6;
	[sflag:s5] =	ssyncadd.s32 @!p0 $0xFFFFFFFF  }
0xb3: {  	s25 =	simm.s32 $0x1B8E;
	s24 =	sld [smem:$0x3FFE];
	[sflag:s4] =	ssyncadd.remote.s32 @!p0 $0x1  }
0xb4: {  	s26 =	simm.s32 $execute0_lowered;
	[smem:$0x3FD2] =	sst s25  }
0xb5: {  	s5 =	sshll.u32 s26, $0x1;
	_ =	strace $0x80000050;
	[dreg:$0x1] =	wrdreg $0xFFFFFFFF  }
0xb6: {  	s28 =	simm.s32 $_size_execute0_lowered;
	s3 =	sadd.s32 s3, s5;
	[dreg:$0x0] =	wrdreg $0x0  }
0xb7: {  	s5 =	sshll.u32 s28, $0x1;
	[dreg:$0x2] =	wrdreg s3  }
0xb8: {  	[dreg:$0x3] =	wrdreg s5  }
0xb9: {  	[dreg:$0x4] =	wrdreg $0xC0  }
0xba: {  	_ =	task [dreg:s22], $0x5FFFF  }
0xbb: {  	[dreg:$0x1] =	wrdreg $0xFFFFFFFF  }
0xbc: {  	[dreg:$0x0] =	wrdreg $0x60  }
0xbd: {  	[dreg:$0x2] =	wrdreg s24  }
0xbe: {  	[dreg:$0x3] =	wrdreg $0xB  }
0xbf: {  	_ =	task.clear_ibuf [dreg:s22], $0x4FFFF;
	_ =	strace $0x90000050  }
0xc0: {  	s29 =	simm.s32 $0xB;
	_ =	strace $0x80000059  }
0xc1: {  	_ =	swait.ge [sflag:s29], $0x1  }
0xc2: {  	[sflag:s29] =	ssyncadd.s32 $0xFFFFFFFF  }
0xc3: {  	_ =	strace $0x90000059  }
0xc4: {  	_ =	sfence  }
0xc5: {  	s30 =	sld [smem:$0x0];
	_ =	sdelay $0x2  }
0xc6: {  	s31 =	sshll.u32 s1, $0xD;
	s1 =	sshrl.u32 s1, $0x2  }
0xc7: {  	s4 =	sand.u32 $0x4000, s31;
	s1 =	sadd.s32 s1, s30  }
0xc8: {  	s0 =	sor.u32 s4, s0;
	s1 =	sshll.u32 s1, $0x11  }
0xc9: {  	s0 =	sor.u32 s1, s0  }
0xca: {  	s0 =	sadd.s32 $0x8F2B, s0  }
0xcb: {  	[sflag:s0] =	ssyncadd.remote.s32 $0x1  }
0xcc: {  	_ =	sfence.sel $0xFFFF  }
0xcd: {  	[dreg:$0x0] =	wrdreg $0xFFFFFFFF;
	(pc) =	sbr.abs _section_cstart, $3  }
0xce: {  	[dreg:$0x1] =	wrdreg $0xFFFFFFFF  }
0xcf: {  	_ =	task.clear_ibuf [dreg:s22], $0x2FFFF;
	_ =	strace $0x9FFFFFFF  }
0xd0: {  	(tm) =	ssettm $0x7FFFFFFF  }
0xd1: {  	_ =	shalt  }
tec
execute0_lowered:
.L_overlay_start_1:
0x0: {  	(tag) =	ssettag $0x1  }
0x1: {  	s6 =	rddreg [dreg:$0x0]  }
0x2: {  	s3 =	srdreg.scid;
	s2 =	simm.s32 $0x0;
	s0 =	stileid.u32  }
0x3: {  	s10 =	simm.s32 $0x5;
	s11 =	simm.s32 $0x4;
	s12 =	simm.s32 $0x0  }
0x4: {  	s7 =	sand.u32 $0x1, s3;
	[smem:$0x7FF] =	sst s2;
	s5 =	sshll.u32 s0, $0x3  }
0x5: {  	s3 =	sadd.s32 $0x299C00, s6;
	s4 =	sshll.u32 s7, $0x7;
	_ =	strace $0x80000051  }
0x6: {  	s7 =	ssub.s32 $0x2, s7;
	s4 =	sor.u32 s5, s4;
	s5 =	sadd.s32 $0x103200, s6  }
0x7: {  	s6 =	sadd.s32 $0x43200, s6;
	s9 =	sshrl.u32 s7, $0x1;
	s8 =	sshll.u32 s4, $0x6  }
0x8: {  	[dreg:$0x2] =	wrdreg s6;
	s7 =	ssub.s32 s7, s9;
	s8 =	sadd.s32 s8, s5  }
0x9: {  	s9 =	simm.s32 $0x80;
	s7 =	smax.u32 s7, $0x1;
	s6 =	sadd.s32 $0x4000, s8  }
.LBB2_1:
0xa: {  	_ =	strace $0x80000052;
	s13 =	simm.s32 $0x1;
	p0 =	por $0x0, $0x0  }
0xb: {  	[tilespmem:s2], [sflag:$0x1] =	stream.linear.gather [hbm4b:s6+s2], $0x200, $0x200038;
	[tilespmem:$0x4400] =	vst v63  }
0xc: {  	s13 =	simm.s32 @p0 $0x0  }
0xd: {  	p1 =	por $0x1, $0x1;
	p0 =	sne.s32 s13, $0x0  }
0xe: {  	p1 =	por !p1, !p0  }
0xf: {  	p1 =	por !p1, !p1  }
0x10: {  	s14 =	sadd.s32 @p1 s4, s13  }
0x11: {  	s0 =	simm.s32 $0x1;
	s20 =	sand.u32 $0x1, s2;
	s14 =	sshll.u32 @p1 s14, $0x9  }
0x12: {  	_ =	strace $0x90000052;
	s15 =	sand.u32 @p1 $0x1, s0;
	s14 =	sadd.s32 @p1 $0x20000, s14  }
0x13: {  	s17 =	simm.s32 @p1 $0x0;
	_ =	strace @p1 $0x80000053;
	s14 =	sshrl.u32 @p1 s14, $0x3  }
0x14: {  	s16 =	sshll.u32 @p1 s15, $0x9;
	s15 =	sadd.s32 @p1 $0x1, s15;
	s14 =	sadd.s32 @p1 s5, s14  }
0x15: {  	[tilespmem:s16], [sflag:s15] =	stream.linear.gather @p1 [hbm4b:s14+s17], $0x200, $0x200038;
	[tilespmem:$0x4400] =	vst v63  }
0x16: {  	p3 =	por $0x1, $0x1;
	s24 =	simm.s32 $0x0;
	_ =	strace @p1 $0x90000053  }
0x17: {  	p2 =	por $0x0, $0x0;
	s23 =	sadd.s32 $0x1, s20;
	_ =	strace $0x80000054  }
0x18: {  	p4 =	por $0x0, $0x0;
	s18 =	sshll.u32 s20, $0xD;
	_ =	swait.ge [sflag:s23], $0x200  }
0x19: {  	p6 =	por $0x1, $0x1;
	s25 =	sor.u32 $0xC00, s18;
	[sflag:s23] =	ssyncset.done $0x0  }
0x1a: {  	s26 =	sor.u32 $0x1400, s18;
	s21 =	sadd.s32 $0x1, s13;
	[sflag:s23] =	ssyncadd.s32 $0xFFFFFE00  }
0x1b: {  	s31 =	sor.u32 $0x1C00, s18;
	p5 =	seq.s32 s21, $0x8;
	_ =	strace $0x90000054  }
0x1c: {  	s15 =	sand.u32 $0x200, s24;
	s23 =	sor.u32 $0x400, s18;
	_ =	strace $0x80000055  }
0x1d: {  	[tilespmem:s23], [sflag:$0x5] =	stream.indirect.gather [hbm4b:s3+s9], $0x10, s15, s9, $0x2000b8;
	[tilespmem:$0x4400] =	vst v63  }
0x1e: {  	p0 =	por p0, p0;
	s21 =	simm.s32 @p5 $0x0;
	s19 =	sor.u32 $0x80, s15  }
0x1f: {  	[tilespmem:s25], [sflag:$0x5] =	stream.indirect.gather [hbm4b:s3+s9], $0x10, s19, s9, $0x2000b8;
	[tilespmem:$0x4400] =	vst v63  }
0x20: {  	s14 =	simm.s32 $0x7;
	s16 =	simm.s32 $0x1;
	s30 =	sor.u32 $0x100, s15  }
0x21: {  	[tilespmem:s26], [sflag:$0x5] =	stream.indirect.gather [hbm4b:s3+s9], $0x10, s30, s9, $0x2000b8;
	[tilespmem:$0x4400] =	vst v63  }
0x22: {  	s16 =	simm.s32 @!p1 $0x0;
	p1 =	por p3, p3;
	s15 =	sor.u32 $0x180, s15  }
0x23: {  	[tilespmem:s31], [sflag:$0x5] =	stream.indirect.gather [hbm4b:s3+s9], $0x10, s15, s9, $0x2000b8;
	[tilespmem:$0x4400] =	vst v63  }
0x24: {  	s17 =	sadd.s32 $0x1, s16;
	s16 =	sand.u32 @!p3 $0x1, s2;
	_ =	swait.ge [sflag:s10], $0x800  }
0x25: {  	p3 =	por $0x0, $0x0;
	s18 =	simm.s32 $0x6;
	[sflag:s10] =	ssyncset.done $0x0  }
0x26: {  	s19 =	sadd.s32 $0x0, s4;
	s15 =	simm.s32 $0x1;
	[sflag:s10] =	ssyncadd.s32 $0xFFFFF800  }
0x27: {  	s15 =	simm.s32 @!p4 $0x0;
	p4 =	sne.s32 s13, s21;
	_ =	swait.ge [sflag:s10], $0x800  }
0x28: {  	s15 =	sadd.s32 $0x0, s15;
	p5 =	por !p6, !p4;
	[sflag:s10] =	ssyncset.done $0x0  }
0x29: {  	p6 =	por p3, p0;
	p3 =	por !p5, !p5;
	[sflag:s10] =	ssyncadd.s32 $0xFFFFF800  }
0x2a: {  	s28 =	simm.s32 @p6 $0x0;
	s29 =	sshll.u32 @p6 s19, $0xA;
	_ =	swait.ge [sflag:s10], $0x800  }
0x2b: {  	s19 =	simm.s32 $0x0;
	s26 =	sand.u32 @p3 $0x1, s17;
	[sflag:s10] =	ssyncset.done $0x0  }
0x2c: {  	s22 =	sadd.s32 @p3 s4, s21;
	s25 =	sshll.u32 @p3 s26, $0x9;
	[sflag:s10] =	ssyncadd.s32 $0xFFFFF800  }
0x2d: {  	s24 =	sshll.u32 @p3 s22, $0x9;
	s22 =	simm.s32 $0x0;
	_ =	swait.ge [sflag:s10], $0x800  }
.LBB2_2:
0x2e: {  	p0 =	por p4, p4  }
0x2f: {  	s0 =	simm.s32 @!p0 $0x0  }
0x30: {  	[sflag:s10] =	ssyncset.done $0x0;
	s0 =	simm.s32 @p0 $0x1  }
0x31: {  	[sflag:s10] =	ssyncadd.s32 $0xFFFFF800;
	[smem:$0x7FD] =	sst s0  }
0x32: {  	_ =	strace $0x90000055  }
0x33: {  	_ =	strace @p6 $0x80000056  }
0x34: {  	s29 =	sand.u32 @p6 $0x1FFFFC00, s29;
	s1 =	rddreg [dreg:$0x2]  }
0x35: {  	s20 =	sadd.s32 @p6 $0x3, s20;
	s1 =	sadd.s32 @p6 s1, s29  }
0x36: {  	[hbm4b:s1+s28] =	stream.linear.scatter @p6 [tilespmem:s23], [sflag:s20], $0x2000, $0x200038;
	[tilespmem:$0x4400] =	vst v63  }
0x37: {  	_ =	strace @p6 $0x90000056  }
0x38: {  	s20 =	sadd.s32 @!p1 $0x3, s16;
	_ =	strace @!p1 $0x80000057  }
0x39: {  	_ =	swait.ge @!p1 [sflag:s20], $0x2000  }
0x3a: {  	s30 =	sadd.s32 @p3 $0x20000, s24;
	s26 =	sadd.s32 @p3 $0x1, s26;
	[sflag:s20] =	ssyncset.done @!p1 $0x0  }
0x3b: {  	s30 =	sshrl.u32 @p3 s30, $0x3;
	s0 =	simm.s32 $0x1;
	[sflag:s20] =	ssyncadd.s32 @!p1 $0xFFFFE000  }
0x3c: {  	s30 =	sadd.s32 @p3 s5, s30;
	s0 =	simm.s32 @!p6 $0x0;
	_ =	strace @!p1 $0x90000057  }
0x3d: {  	s22 =	sadd.s32 s0, s22;
	s1 =	simm.s32 @p3 $0x0;
	_ =	strace @p3 $0x80000053  }
0x3e: {  	[tilespmem:s25], [sflag:s26] =	stream.linear.gather @p3 [hbm4b:s30+s1], $0x200, $0x200038;
	[tilespmem:$0x4400] =	vst v63  }
0x3f: {  	s19 =	sadd.s32 s0, s19;
	s0 =	sand.u32 $0x1, s22;
	_ =	strace @p3 $0x90000053  }
0x40: {  	s0 =	sadd.s32 $0x1, s0;
	_ =	strace $0x80000054  }
0x41: {  	s31 =	simm.s32 $0x1;
	_ =	swait.ge [sflag:s0], $0x200  }
0x42: {  	s31 =	simm.s32 @!p3 $0x0;
	[sflag:s0] =	ssyncset.done $0x0  }
0x43: {  	s17 =	sadd.s32 s31, s17;
	s20 =	sand.u32 $0x1, s19;
	[sflag:s0] =	ssyncadd.s32 $0xFFFFFE00  }
0x44: {  	s31 =	sshll.u32 s22, $0x9;
	s0 =	sshll.u32 s20, $0xD;
	_ =	strace $0x90000054  }
0x45: {  	s1 =	sand.u32 $0x200, s31;
	s23 =	sor.u32 $0x400, s0;
	_ =	strace $0x80000055  }
0x46: {  	[tilespmem:s23], [sflag:$0x5] =	stream.indirect.gather [hbm4b:s3+s9], $0x10, s1, s9, $0x2000b8;
	[tilespmem:$0x4400] =	vst v63  }
0x47: {  	s31 =	sor.u32 $0x80, s1;
	s30 =	sor.u32 $0xC00, s0  }
0x48: {  	[tilespmem:s30], [sflag:$0x5] =	stream.indirect.gather [hbm4b:s3+s9], $0x10, s31, s9, $0x2000b8;
	[tilespmem:$0x4400] =	vst v63  }
0x49: {  	s26 =	sor.u32 $0x1400, s0;
	s30 =	sor.u32 $0x100, s1  }
0x4a: {  	[tilespmem:s26], [sflag:$0x5] =	stream.indirect.gather [hbm4b:s3+s9], $0x10, s30, s9, $0x2000b8;
	[tilespmem:$0x4400] =	vst v63  }
0x4b: {  	s0 =	sor.u32 $0x1C00, s0;
	s1 =	sor.u32 $0x180, s1  }
0x4c: {  	[tilespmem:s0], [sflag:$0x5] =	stream.indirect.gather [hbm4b:s3+s9], $0x10, s1, s9, $0x2000b8;
	[tilespmem:$0x4400] =	vst v63  }
0x4d: {  	s24 =	smov.u32 s14;
	s14 =	smov.u32 s18;
	_ =	swait.ge [sflag:s10], $0x800  }
0x4e: {  	s18 =	sadd.s32 $0xFFFFFFFF, s18;
	s8 =	sand.u32 @!p2 $0x1, s15;
	[sflag:s10] =	ssyncset.done $0x0  }
0x4f: {  	p5 =	sne.s32 s18, $0x0;
	p4 =	sne.s32 s24, $0x8;
	[sflag:s10] =	ssyncadd.s32 $0xFFFFF800  }
0x50: {  	p0 =	sne.s32 s14, $0x1;
	s16 =	smov.u32 s8;
	_ =	swait.ge [sflag:s10], $0x800  }
0x51: {  	p1 =	por p2, p2;
	p2 =	seq.s32 s14, $0x8;
	[sflag:s10] =	ssyncset.done $0x0  }
0x52: {  	s0 =	sadd.s32 s4, s13;
	s13 =	smov.u32 s21;
	[sflag:s10] =	ssyncadd.s32 $0xFFFFF800  }
0x53: {  	s21 =	sadd.s32 $0x1, s21;
	s1 =	simm.s32 $0x1;
	_ =	swait.ge [sflag:s10], $0x800  }
0x54: {  	p6 =	seq.s32 s21, $0x8;
	s1 =	simm.s32 @!p4 $0x0;
	s31 =	sld [smem:$0x7FD]  }
0x55: {  	p3 =	seq.s32 s24, $0x1;
	s21 =	simm.s32 @p6 $0x0;
	s15 =	sadd.s32 s1, s15  }
.Ltmp0:
0x56: {  	p4 =	sne.s32 s13, s21;
	[sflag:s10] =	ssyncset.done $0x0;
	(pc) =	sbr.rel @p5 .LBB2_2-.Ltmp0, $4  }
0x57: {  	p0 =	por !p0, !p4;
	[sflag:s10] =	ssyncadd.s32 $0xFFFFF800;
	p6 =	seq.s32 s31, $0x1  }
0x58: {  	_ =	swait.ge [sflag:s10], $0x800;
	p6 =	por p3, p6;
	p3 =	por !p0, !p0  }
0x59: {  	s28 =	simm.s32 @p6 $0x0;
	s26 =	sand.u32 @p3 $0x1, s17;
	s1 =	sadd.s32 @p3 s4, s21  }
0x5a: {  	s29 =	sshll.u32 @p6 s0, $0xA;
	s25 =	sshll.u32 @p3 s26, $0x9;
	s24 =	sshll.u32 @p3 s1, $0x9  }
0x5b: {  	[sflag:s10] =	ssyncset.done $0x0  }
0x5c: {  	[sflag:s10] =	ssyncadd.s32 $0xFFFFF800  }
0x5d: {  	_ =	strace $0x90000055  }
0x5e: {  	_ =	strace @p6 $0x80000056  }
0x5f: {  	s1 =	sand.u32 @p6 $0x1FFFFC00, s29;
	s0 =	rddreg [dreg:$0x2]  }
0x60: {  	s8 =	sadd.s32 @p6 $0x3, s20;
	s0 =	sadd.s32 @p6 s0, s1  }
0x61: {  	[hbm4b:s0+s28] =	stream.linear.scatter @p6 [tilespmem:s23], [sflag:s8], $0x2000, $0x200038;
	[tilespmem:$0x4400] =	vst v63  }
0x62: {  	_ =	strace @p6 $0x90000056  }
0x63: {  	s0 =	sadd.s32 @!p1 $0x3, s16;
	_ =	strace @!p1 $0x80000057  }
0x64: {  	_ =	swait.ge @!p1 [sflag:s0], $0x2000  }
0x65: {  	s17 =	simm.s32 @p3 $0x0;
	s1 =	sadd.s32 @p3 $0x20000, s24;
	[sflag:s0] =	ssyncset.done @!p1 $0x0  }
0x66: {  	s8 =	simm.s32 $0x1;
	s1 =	sshrl.u32 @p3 s1, $0x3;
	[sflag:s0] =	ssyncadd.s32 @!p1 $0xFFFFE000  }
0x67: {  	s16 =	sadd.s32 @p3 $0x1, s26;
	s8 =	simm.s32 @!p6 $0x0;
	_ =	strace @!p1 $0x90000057  }
0x68: {  	s24 =	sadd.s32 s8, s22;
	s0 =	sadd.s32 @p3 s5, s1;
	_ =	strace @p3 $0x80000053  }
0x69: {  	[tilespmem:s25], [sflag:s16] =	stream.linear.gather @p3 [hbm4b:s0+s17], $0x200, $0x200038;
	[tilespmem:$0x4400] =	vst v63  }
0x6a: {  	s28 =	sand.u32 $0x1, s24;
	_ =	strace @p3 $0x90000053  }
0x6b: {  	s0 =	sadd.s32 $0x1, s28;
	_ =	strace $0x80000054  }
0x6c: {  	_ =	swait.ge [sflag:s0], $0x200  }
0x6d: {  	s8 =	sadd.s32 s8, s19;
	[sflag:s0] =	ssyncset.done $0x0  }
0x6e: {  	[sflag:s0] =	ssyncadd.s32 $0xFFFFFE00;
	s0 =	sand.u32 $0x1, s8  }
0x6f: {  	s1 =	sshll.u32 s24, $0x9;
	_ =	strace $0x90000054;
	s8 =	sshll.u32 s0, $0xD  }
0x70: {  	s1 =	sand.u32 $0x200, s1;
	_ =	strace $0x80000055;
	s16 =	sor.u32 $0x400, s8  }
0x71: {  	[tilespmem:s16], [sflag:$0x5] =	stream.indirect.gather [hbm4b:s3+s9], $0x10, s1, s9, $0x2000b8;
	[tilespmem:$0x4400] =	vst v63  }
0x72: {  	s18 =	sor.u32 $0x80, s1;
	s29 =	sor.u32 $0xC00, s8  }
0x73: {  	[tilespmem:s29], [sflag:$0x5] =	stream.indirect.gather [hbm4b:s3+s9], $0x10, s18, s9, $0x2000b8;
	[tilespmem:$0x4400] =	vst v63  }
0x74: {  	s31 =	sor.u32 $0x100, s1;
	s30 =	sor.u32 $0x1400, s8  }
0x75: {  	[tilespmem:s30], [sflag:$0x5] =	stream.indirect.gather [hbm4b:s3+s9], $0x10, s31, s9, $0x2000b8;
	[tilespmem:$0x4400] =	vst v63  }
0x76: {  	s8 =	sor.u32 $0x1C00, s8;
	s1 =	sor.u32 $0x180, s1  }
0x77: {  	[tilespmem:s8], [sflag:$0x5] =	stream.indirect.gather [hbm4b:s3+s9], $0x10, s1, s9, $0x2000b8;
	[tilespmem:$0x4400] =	vst v63  }
0x78: {  	_ =	swait.ge [sflag:s10], $0x800  }
0x79: {  	[sflag:s10] =	ssyncset.done $0x0  }
0x7a: {  	[sflag:s10] =	ssyncadd.s32 $0xFFFFF800  }
0x7b: {  	_ =	swait.ge [sflag:s10], $0x800  }
0x7c: {  	[sflag:s10] =	ssyncset.done $0x0  }
0x7d: {  	[sflag:s10] =	ssyncadd.s32 $0xFFFFF800  }
0x7e: {  	_ =	swait.ge [sflag:s10], $0x800  }
0x7f: {  	[sflag:s10] =	ssyncset.done $0x0  }
0x80: {  	[sflag:s10] =	ssyncadd.s32 $0xFFFFF800  }
0x81: {  	_ =	swait.ge [sflag:s10], $0x800  }
0x82: {  	[sflag:s10] =	ssyncset.done $0x0  }
0x83: {  	p0 =	por p4, p4;
	p6 =	seq.s32 s14, $0x1;
	[sflag:s10] =	ssyncadd.s32 $0xFFFFF800  }
0x84: {  	p0 =	por p6, p0;
	s1 =	sadd.s32 s4, s13;
	_ =	strace $0x90000055  }
0x85: {  	s1 =	sshll.u32 @p0 s1, $0xA;
	_ =	strace @p0 $0x80000056  }
0x86: {  	s1 =	sand.u32 @p0 $0x1FFFFC00, s1;
	s8 =	rddreg [dreg:$0x2]  }
0x87: {  	s0 =	sadd.s32 @p0 $0x3, s0;
	s13 =	simm.s32 @p0 $0x0;
	s1 =	sadd.s32 @p0 s8, s1  }
0x88: {  	[hbm4b:s1+s13] =	stream.linear.scatter @p0 [tilespmem:s16], [sflag:s0], $0x2000, $0x200038;
	[tilespmem:$0x4400] =	vst v63  }
0x89: {  	p1 =	por p2, p2;
	s0 =	sand.u32 @!p2 $0x1, s15;
	_ =	strace @p0 $0x90000056  }
0x8a: {  	s0 =	sadd.s32 @!p1 $0x3, s0;
	_ =	strace @!p1 $0x80000057  }
0x8b: {  	_ =	swait.ge @!p1 [sflag:s0], $0x2000  }
0x8c: {  	[sflag:s0] =	ssyncset.done @!p1 $0x0  }
0x8d: {  	s12 =	sadd.s32 $0x1, s12;
	[sflag:s0] =	ssyncadd.s32 @!p1 $0xFFFFE000  }
0x8e: {  	p0 =	sne.s32 s12, s7;
	_ =	strace @!p1 $0x90000057  }
.Ltmp1:
0x8f: {  	_ =	strace $0x80000058;
	(pc) =	sbr.rel @p0 .LBB2_1-.Ltmp1, $4  }
0x90: {  	_ =	swait.ge [sflag:s11], $0x2000  }
0x91: {  	[sflag:s11] =	ssyncset.done $0x0  }
0x92: {  	[sflag:s11] =	ssyncadd.s32 $0xFFFFE000  }
0x93: {  	_ =	strace $0x90000058  }
0x94: {  	_ =	sfence.sel $0x180000  }
0x95: {  	[bflag:$0x0] =	sbarrier.arrive $0xFFFF  }
0x96: {  	_ =	strace $0x90000051  }
0x97: {  	s0 =	stileid.u32;
	[bflag:$0x2] =	sbarrier.arrive $0xFFFF  }
0x98: {  	p0 =	sne.s32 s0, $0x0;
	s0 =	rddreg [dreg:$0x1]  }
0x99: {  	s0 =	sadd.s32 @!p0 $0x100000, s0  }
0x9a: {  	[sflag:s0] =	ssyncadd.tile.s32 @!p0 $0x1;
	_ =	shalt  }
.Lfunc_end2:
_tile_overlayer_lowered:
.L_overlay_start_2:
0x9b: {  	(tag) =	ssettag $0x2  }
0x9c: {  	s0 =	rddreg [dreg:$0x0];
	s2 =	stileid.u32  }
0x9d: {  	s1 =	rddreg [dreg:$0x1];
	p0 =	sne.s32 s2, $0x0  }
0x9e: {  	s3 =	rddreg [dreg:$0x2];
	[bflag:$0x3] =	sbarrier.arrive $0xFFFF;
	s2 =	simm.s32 @!p0 $0x1C01  }
0x9f: {  	[timem:s3], [sflag:s2] =	dma.local @!p0 [hbm:s0], s1  }
0xa0: {  	s0 =	simm.s32 @!p0 $0x1  }
0xa1: {  	_ =	swait.ge @!p0 [sflag:s0], s1  }
0xa2: {  	s1 =	ssub.s32 @!p0 $0x0, s1;
	[sflag:s0] =	ssyncset.done @!p0 $0x0  }
0xa3: {  	[sflag:s0] =	ssyncadd.s32 @!p0 s1  }
0xa4: {  	[bflag:$0x3] =	sbarrier.arrive $0xFFFF  }
0xa5: {  	_ =	shalt  }

// kernel: kernel.23.cloned.1.call-start
scs
__scs_entry_jumppad:
0x0: {  	(pc) =	sbr.rel $0x88, $3  }
0x1: {  	(tag) =	ssettag $0x0;
	lr =	simm.s32 $0x1  }
0x2: {  	[smem:$0x3F90] =	sst lr;
	_ =	strace $0xD0000000  }
0x3: {  	_ = 	snop  }
0x4: {  	_ = 	snop  }
0x5: {  	_ = 	snop  }
0x6: {  	_ = 	snop  }
0x7: {  	_ = 	snop  }
__scs_overlays_trampoline_lowered:
0x8: {  	[smem:$0x3F9F] =	sst s0  }
0x9: {  	[smem:$0x3FA0] =	sst s1  }
0xa: {  	[smem:$0x3FA1] =	sst s2  }
0xb: {  	[smem:$0x3FA2] =	sst s3  }
0xc: {  	[smem:$0x3FA3] =	sst s4  }
0xd: {  	[smem:$0x3FA4] =	sst s5  }
0xe: {  	[smem:$0x3FA5] =	sst s6  }
0xf: {  	[smem:$0x3FA6] =	sst s7  }
0x10: {  	[smem:$0x3FA7] =	sst s8  }
0x11: {  	[smem:$0x3FA8] =	sst s9;
	s0 =	simm.s32 @!p0 $0x0  }
0x12: {  	s1 =	sld [smem:$0x3F8E];
	s0 =	simm.s32 @p0 $0x1  }
0x13: {  	[smem:$0x3FA9] =	sst s0;
	s0 =	simm.s32 @!p1 $0x0  }
0x14: {  	s2 =	sld [smem:$0x3F8D];
	s0 =	simm.s32 @p1 $0x1  }
0x15: {  	[smem:$0x3FAA] =	sst s0;
	s0 =	simm.s32 @!p2 $0x0  }
0x16: {  	s3 =	sld [smem:$0x3FDB];
	s0 =	simm.s32 @p2 $0x1  }
0x17: {  	s4 =	simm.s32 $0x1BF5;
	[smem:$0x3FAC] =	sst s0  }
0x18: {  	s0 =	sld [smem:$0x3F8F];
	_ =	swait.ge [sflag:s4], $0x0  }
0x19: {  	s7 =	sld [smem:$0x3F90]  }
0x1a: {  	s8 =	sadd.s32 $0xFFFFE003, lr  }
0x1b: {  	s9 =	sadd.s32 $0xFFFFFEF7, lr;
	s5 =	simm.s32 $0xFFFFFFFF;
	p2 =	slt.u32 s8, $0xFFFFF086  }
0x1c: {  	p1 =	slt.u32 s9, $0xF7A;
	s5 =	simm.s32 @!p2 $0x0  }
0x1d: {  	s5 =	simm.s32 @p1 $0x1;
	p0 =	seq.s32 s7, s2  }
0x1e: {  	s7 =	smul.u32 @!p0 $0xF7A, s2;
	p2 =	seq.s32 @!p0 s5, $0x0  }
0x1f: {  	s9 =	smul.u32 $0xF7A, s1;
	s8 =	simm.s32 @!p0 $0x1BF5;
	p2 =	por !p2, p0  }
0x20: {  	[sflag:s8] =	ssyncset.s32 @!p0 $0xFFFFF086;
	s6 =	sadd.s32 @!p0 s3, s7;
	s7 =	simm.s32 @!p0 $0x108  }
0x21: {  	s3 =	sadd.s32 s3, s9;
	s6 =	sadd.s32 @!p0 $0x88, s6;
	s7 =	simm.s32 @p2 $0x1082  }
0x22: {  	[simem:s7], [sflag:s8] =	dma.local @!p0 [hbm:s6], $0xF7A  }
0x23: {  	s9 =	sor.u32 $0xD0000000, s2;
	s6 =	simm.s32 $0x108;
	_ =	swait.ge @!p0 [sflag:s8], $0x0  }
0x24: {  	s3 =	sadd.s32 $0x88, s3;
	s6 =	simm.s32 @!p1 $0x1082;
	[sflag:s4] =	ssyncset.s32 $0xFFFFF086  }
0x25: {  	[simem:s6], [sflag:s4] =	dma.local [hbm:s3], $0xF7A  }
0x26: {  	[smem:$0x3F90] =	sst s1;
	(tag) =	ssettag s2;
	_ =	strace s9  }
0x27: {  	s1 =	sld [smem:$0x3FA0]  }
0x28: {  	s2 =	sld [smem:$0x3FA1]  }
0x29: {  	s4 =	sld [smem:$0x3FA3]  }
0x2a: {  	p0 =	seq.s32 s5, $0x0;
	s5 =	sld [smem:$0x3FA4]  }
0x2b: {  	s6 =	sld [smem:$0x3FA5]  }
0x2c: {  	s7 =	sld [smem:$0x3FA6]  }
0x2d: {  	s3 =	simm.s32 $0x108;
	s8 =	sld [smem:$0x3FA7]  }
0x2e: {  	s3 =	simm.s32 @!p0 $0x1082;
	s9 =	sld [smem:$0x3FA8]  }
0x2f: {  	lr =	sadd.s32 s0, s3;
	s0 =	sld [smem:$0x3F9F]  }
0x30: {  	s3 =	sld [smem:$0x3FA2]  }
0x31: {  	[smem:$0x3FAB] =	sst s10  }
0x32: {  	s10 =	sld [smem:$0x3FA9];
	_ =	sdelay $0x3  }
0x33: {  	p0 =	seq.s32 s10, $0x1;
	s10 =	sld [smem:$0x3FAB];
	_ =	sdelay $0x3  }
0x34: {  	[smem:$0x3FAB] =	sst s10  }
0x35: {  	s10 =	sld [smem:$0x3FAA];
	_ =	sdelay $0x3  }
0x36: {  	p1 =	seq.s32 s10, $0x1;
	s10 =	sld [smem:$0x3FAB];
	_ =	sdelay $0x3  }
0x37: {  	[smem:$0x3FAB] =	sst s10  }
0x38: {  	s10 =	sld [smem:$0x3FAC]  }
0x39: {  	_ = 	snop;
	(pc) =	sbr.ind lr, $3  }
0x3a: {  	_ = 	snop  }
0x3b: {  	_ = 	snop  }
0x3c: {  	p2 =	seq.s32 s10, $0x1;
	s10 =	sld [smem:$0x3FAB]  }
0x3d: {  	_ =	shalt  }
0x3e: {  	_ =	shalt  }
0x3f: {  	_ =	shalt  }
0x40: {  	_ =	shalt  }
0x41: {  	_ =	shalt  }
0x42: {  	_ =	shalt  }
0x43: {  	_ =	shalt  }
0x44: {  	_ =	shalt  }
0x45: {  	_ =	shalt  }
0x46: {  	_ =	shalt  }
0x47: {  	_ =	shalt  }
0x48: {  	_ =	shalt  }
0x49: {  	_ =	shalt  }
0x4a: {  	_ =	shalt  }
0x4b: {  	_ =	shalt  }
0x4c: {  	_ =	shalt  }
0x4d: {  	_ =	shalt  }
0x4e: {  	_ =	shalt  }
0x4f: {  	_ =	shalt  }
0x50: {  	_ =	shalt  }
0x51: {  	_ =	shalt  }
0x52: {  	_ =	shalt  }
0x53: {  	_ =	shalt  }
0x54: {  	_ =	shalt  }
0x55: {  	_ =	shalt  }
0x56: {  	_ =	shalt  }
0x57: {  	_ =	shalt  }
0x58: {  	_ =	shalt  }
0x59: {  	_ =	shalt  }
0x5a: {  	_ =	shalt  }
0x5b: {  	_ =	shalt  }
0x5c: {  	_ =	shalt  }
0x5d: {  	_ =	shalt  }
0x5e: {  	_ =	shalt  }
0x5f: {  	_ =	shalt  }
0x60: {  	_ =	shalt  }
0x61: {  	_ =	shalt  }
0x62: {  	_ =	shalt  }
0x63: {  	_ =	shalt  }
0x64: {  	_ =	shalt  }
0x65: {  	_ =	shalt  }
0x66: {  	_ =	shalt  }
0x67: {  	_ =	shalt  }
0x68: {  	_ =	shalt  }
0x69: {  	_ =	shalt  }
0x6a: {  	_ =	shalt  }
0x6b: {  	_ =	shalt  }
0x6c: {  	_ =	shalt  }
0x6d: {  	_ =	shalt  }
0x6e: {  	_ =	shalt  }
0x6f: {  	_ =	shalt  }
0x70: {  	_ =	shalt  }
0x71: {  	_ =	shalt  }
0x72: {  	_ =	shalt  }
0x73: {  	_ =	shalt  }
0x74: {  	_ =	shalt  }
0x75: {  	_ =	shalt  }
0x76: {  	_ =	shalt  }
0x77: {  	_ =	shalt  }
0x78: {  	_ =	shalt  }
0x79: {  	_ =	shalt  }
0x7a: {  	_ =	shalt  }
0x7b: {  	_ =	shalt  }
0x7c: {  	_ =	shalt  }
0x7d: {  	_ =	shalt  }
0x7e: {  	_ =	shalt  }
0x7f: {  	_ =	shalt  }
0x80: {  	_ =	shalt  }
0x81: {  	_ =	shalt  }
0x82: {  	_ =	shalt  }
0x83: {  	_ =	shalt  }
0x84: {  	_ =	shalt  }
0x85: {  	_ =	shalt  }
0x86: {  	_ =	shalt  }
0x87: {  	_ =	shalt  }
.Lfunc_end0:
.L_simem_size_0:
called_computation.3_lowered:
.L_overlay_start_0:
0x88: {  	s2 =	sld [smem:$0x3FD9]  }
0x89: {  	s3 =	sld [smem:$0x3FFE];
	_ =	sdelay $0x1  }
0x8a: {  	s1 =	srdreg.scid  }
0x8b: {  	s0 =	sand.u32 $0x1, s1  }
0x8c: {  	s17 =	sshll.u32 s0, $0xA;
	s2 =	sadd.s32 s3, s2  }
0x8d: {  	s2 =	sadd.s32 s2, s17  }
0x8e: {  	[smem:$0x3FB7] =	sst s2  }
0x8f: {  	_ = 	snop  }
0x90: {  	(tm) =	ssettm $0x1  }
0x91: {  	s18 =	sld [smem:$0x3FFB];
	_ =	sdelay $0x3  }
0x92: {  	_ =	strace s18  }
0x93: {  	s2 =	sld [smem:$0x3FFC];
	_ =	sdelay $0x3  }
0x94: {  	_ =	strace s2  }
0x95: {  	s2 =	sld [smem:$0x3FFD];
	_ =	sdelay $0x3  }
0x96: {  	_ =	strace s2  }
0x97: {  	_ =	strace $0x8FFFFFFF  }
0x98: {  	s19 =	sld [smem:$0x3FDB];
	_ =	sdelay $0x1  }
0x99: {  	s20 =	simm.s32 $_scs_section_size  }
0x9a: {  	s4 =	simm.s32 $_size__tile_overlayer_lowered;
	s5 =	simm.s32 $_tile_overlayer_lowered  }
0x9b: {  	s6 =	simm.s32 $0x1BFF;
	s21 =	sshll.u32 s5, $0x1;
	s3 =	sadd.s32 s20, s19  }
0x9c: {  	s22 =	simm.s32 $0x0;
	s4 =	sshll.u32 s4, $0x1;
	s5 =	sadd.s32 s21, s3  }
0x9d: {  	[timem:s22], [sflag:s6] =	dma.local [hbm:s5], s4  }
0x9e: {  	_ =	swait.ge [sflag:s6], s4  }
0x9f: {  	s4 =	ssub.s32 $0x0, s4;
	[sflag:s6] =	ssyncset.done $0x0  }
0xa0: {  	[sflag:s6] =	ssyncadd.s32 s4;
	_ =	sdelay $0x1  }
0xa1: {  	s23 =	simm.s32 $0x1B8B  }
0xa2: {  	_ =	swait.ge [sflag:s23], $0x1  }
0xa3: {  	[sflag:s23] =	ssyncset.done $0x0  }
0xa4: {  	[sflag:s23] =	ssyncadd.s32 $0xFFFFFFFF  }
0xa5: {  	s4 =	sld [smem:$0x0]  }
0xa6: {  	s5 =	sand.u32 $0xFFFFFFFE, s1  }
0xa7: {  	p0 =	sne.s32 s1, s5  }
0xa8: {  	s5 =	sshll.u32 @p0 s5, $0xE  }
0xa9: {  	s5 =	sadd.s32 @p0 $0x11B8D, s5;
	s6 =	sshll.u32 @p0 s4, $0x11  }
0xaa: {  	s5 =	sor.u32 @p0 s6, s5  }
0xab: {  	[sflag:s5] =	ssyncadd.remote.s32 @p0 $0x1;
	_ =	sdelay $0x1  }
0xac: {  	s5 =	simm.s32 @p0 $0x1B8D  }
0xad: {  	_ =	swait.eq @p0 [sflag:s5], $0x1  }
0xae: {  	[sflag:s5] =	ssyncadd.s32 @p0 $0xFFFFFFFF  }
0xaf: {  	s6 =	sshll.u32 @!p0 s1, $0xE  }
0xb0: {  	s6 =	sor.u32 @!p0 $0x4000, s6;
	s5 =	simm.s32 @!p0 $0x1B8D  }
0xb1: {  	s4 =	sshll.u32 @!p0 s4, $0x11;
	s6 =	sadd.s32 @!p0 $0x11B8D, s6;
	_ =	swait.eq @!p0 [sflag:s5], $0x1  }
0xb2: {  	s4 =	sor.u32 @!p0 s4, s6;
	[sflag:s5] =	ssyncadd.s32 @!p0 $0xFFFFFFFF  }
0xb3: {  	s25 =	simm.s32 $0x1B8E;
	s24 =	sld [smem:$0x3FFE];
	[sflag:s4] =	ssyncadd.remote.s32 @!p0 $0x1  }
0xb4: {  	s26 =	simm.s32 $execute0_lowered;
	[smem:$0x3FD2] =	sst s25  }
0xb5: {  	s5 =	sshll.u32 s26, $0x1;
	_ =	strace $0x8000005A;
	[dreg:$0x1] =	wrdreg $0xFFFFFFFF  }
0xb6: {  	s28 =	simm.s32 $_size_execute0_lowered;
	s3 =	sadd.s32 s3, s5;
	[dreg:$0x0] =	wrdreg $0x0  }
0xb7: {  	s5 =	sshll.u32 s28, $0x1;
	[dreg:$0x2] =	wrdreg s3  }
0xb8: {  	[dreg:$0x3] =	wrdreg s5  }
0xb9: {  	[dreg:$0x4] =	wrdreg $0xC0  }
0xba: {  	_ =	task [dreg:s22], $0x5FFFF  }
0xbb: {  	[dreg:$0x1] =	wrdreg $0xFFFFFFFF  }
0xbc: {  	[dreg:$0x0] =	wrdreg $0x60  }
0xbd: {  	[dreg:$0x2] =	wrdreg s24  }
0xbe: {  	[dreg:$0x3] =	wrdreg $0xC  }
0xbf: {  	_ =	task.clear_ibuf [dreg:s22], $0x4FFFF;
	_ =	strace $0x9000005A  }
0xc0: {  	s29 =	simm.s32 $0xC;
	_ =	strace $0x80000063  }
0xc1: {  	_ =	swait.ge [sflag:s29], $0x1  }
0xc2: {  	[sflag:s29] =	ssyncadd.s32 $0xFFFFFFFF  }
0xc3: {  	_ =	strace $0x90000063  }
0xc4: {  	_ =	sfence  }
0xc5: {  	s30 =	sld [smem:$0x0];
	_ =	sdelay $0x2  }
0xc6: {  	s31 =	sshll.u32 s1, $0xD;
	s1 =	sshrl.u32 s1, $0x2  }
0xc7: {  	s4 =	sand.u32 $0x4000, s31;
	s1 =	sadd.s32 s1, s30  }
0xc8: {  	s0 =	sor.u32 s4, s0;
	s1 =	sshll.u32 s1, $0x11  }
0xc9: {  	s0 =	sor.u32 s1, s0  }
0xca: {  	s0 =	sadd.s32 $0x8F2B, s0  }
0xcb: {  	[sflag:s0] =	ssyncadd.remote.s32 $0x1  }
0xcc: {  	_ =	sfence.sel $0xFFFF  }
0xcd: {  	[dreg:$0x0] =	wrdreg $0xFFFFFFFF;
	(pc) =	sbr.abs _section_cstart, $3  }
0xce: {  	[dreg:$0x1] =	wrdreg $0xFFFFFFFF  }
0xcf: {  	_ =	task.clear_ibuf [dreg:s22], $0x2FFFF;
	_ =	strace $0x9FFFFFFF  }
0xd0: {  	(tm) =	ssettm $0x7FFFFFFF  }
0xd1: {  	_ =	shalt  }
tec
execute0_lowered:
.L_overlay_start_1:
0x0: {  	(tag) =	ssettag $0x1  }
0x1: {  	s6 =	rddreg [dreg:$0x0]  }
0x2: {  	s3 =	srdreg.scid;
	s2 =	simm.s32 $0x0;
	s0 =	stileid.u32  }
0x3: {  	s10 =	simm.s32 $0x5;
	s11 =	simm.s32 $0x4;
	s12 =	simm.s32 $0x0  }
0x4: {  	s7 =	sand.u32 $0x1, s3;
	[smem:$0x7FF] =	sst s2;
	s5 =	sshll.u32 s0, $0x3  }
0x5: {  	s3 =	sadd.s32 $0x420600, s6;
	s4 =	sshll.u32 s7, $0x7;
	_ =	strace $0x8000005B  }
0x6: {  	s7 =	ssub.s32 $0x2, s7;
	s4 =	sor.u32 s5, s4;
	s5 =	sadd.s32 $0x103200, s6  }
0x7: {  	s6 =	sadd.s32 $0x83200, s6;
	s9 =	sshrl.u32 s7, $0x1;
	s8 =	sshll.u32 s4, $0x6  }
0x8: {  	[dreg:$0x2] =	wrdreg s6;
	s7 =	ssub.s32 s7, s9;
	s8 =	sadd.s32 s8, s5  }
0x9: {  	s9 =	simm.s32 $0x80;
	s7 =	smax.u32 s7, $0x1;
	s6 =	sadd.s32 $0x8000, s8  }
.LBB2_1:
0xa: {  	_ =	strace $0x8000005C;
	s13 =	simm.s32 $0x1;
	p0 =	por $0x0, $0x0  }
0xb: {  	[tilespmem:s2], [sflag:$0x1] =	stream.linear.gather [hbm4b:s6+s2], $0x200, $0x200038;
	[tilespmem:$0x4400] =	vst v63  }
0xc: {  	s13 =	simm.s32 @p0 $0x0  }
0xd: {  	p1 =	por $0x1, $0x1;
	p0 =	sne.s32 s13, $0x0  }
0xe: {  	p1 =	por !p1, !p0  }
0xf: {  	p1 =	por !p1, !p1  }
0x10: {  	s14 =	sadd.s32 @p1 s4, s13  }
0x11: {  	s0 =	simm.s32 $0x1;
	s20 =	sand.u32 $0x1, s2;
	s14 =	sshll.u32 @p1 s14, $0x9  }
0x12: {  	_ =	strace $0x9000005C;
	s15 =	sand.u32 @p1 $0x1, s0;
	s14 =	sadd.s32 @p1 $0x40000, s14  }
0x13: {  	s17 =	simm.s32 @p1 $0x0;
	_ =	strace @p1 $0x8000005D;
	s14 =	sshrl.u32 @p1 s14, $0x3  }
0x14: {  	s16 =	sshll.u32 @p1 s15, $0x9;
	s15 =	sadd.s32 @p1 $0x1, s15;
	s14 =	sadd.s32 @p1 s5, s14  }
0x15: {  	[tilespmem:s16], [sflag:s15] =	stream.linear.gather @p1 [hbm4b:s14+s17], $0x200, $0x200038;
	[tilespmem:$0x4400] =	vst v63  }
0x16: {  	p3 =	por $0x1, $0x1;
	s24 =	simm.s32 $0x0;
	_ =	strace @p1 $0x9000005D  }
0x17: {  	p2 =	por $0x0, $0x0;
	s23 =	sadd.s32 $0x1, s20;
	_ =	strace $0x8000005E  }
0x18: {  	p4 =	por $0x0, $0x0;
	s18 =	sshll.u32 s20, $0xD;
	_ =	swait.ge [sflag:s23], $0x200  }
0x19: {  	p6 =	por $0x1, $0x1;
	s25 =	sor.u32 $0xC00, s18;
	[sflag:s23] =	ssyncset.done $0x0  }
0x1a: {  	s26 =	sor.u32 $0x1400, s18;
	s21 =	sadd.s32 $0x1, s13;
	[sflag:s23] =	ssyncadd.s32 $0xFFFFFE00  }
0x1b: {  	s31 =	sor.u32 $0x1C00, s18;
	p5 =	seq.s32 s21, $0x8;
	_ =	strace $0x9000005E  }
0x1c: {  	s15 =	sand.u32 $0x200, s24;
	s23 =	sor.u32 $0x400, s18;
	_ =	strace $0x8000005F  }
0x1d: {  	[tilespmem:s23], [sflag:$0x5] =	stream.indirect.gather [hbm4b:s3+s9], $0x10, s15, s9, $0x2000b8;
	[tilespmem:$0x4400] =	vst v63  }
0x1e: {  	p0 =	por p0, p0;
	s21 =	simm.s32 @p5 $0x0;
	s19 =	sor.u32 $0x80, s15  }
0x1f: {  	[tilespmem:s25], [sflag:$0x5] =	stream.indirect.gather [hbm4b:s3+s9], $0x10, s19, s9, $0x2000b8;
	[tilespmem:$0x4400] =	vst v63  }
0x20: {  	s14 =	simm.s32 $0x7;
	s16 =	simm.s32 $0x1;
	s30 =	sor.u32 $0x100, s15  }
0x21: {  	[tilespmem:s26], [sflag:$0x5] =	stream.indirect.gather [hbm4b:s3+s9], $0x10, s30, s9, $0x2000b8;
	[tilespmem:$0x4400] =	vst v63  }
0x22: {  	s16 =	simm.s32 @!p1 $0x0;
	p1 =	por p3, p3;
	s15 =	sor.u32 $0x180, s15  }
0x23: {  	[tilespmem:s31], [sflag:$0x5] =	stream.indirect.gather [hbm4b:s3+s9], $0x10, s15, s9, $0x2000b8;
	[tilespmem:$0x4400] =	vst v63  }
0x24: {  	s17 =	sadd.s32 $0x1, s16;
	s16 =	sand.u32 @!p3 $0x1, s2;
	_ =	swait.ge [sflag:s10], $0x800  }
0x25: {  	p3 =	por $0x0, $0x0;
	s18 =	simm.s32 $0x6;
	[sflag:s10] =	ssyncset.done $0x0  }
0x26: {  	s19 =	sadd.s32 $0x0, s4;
	s15 =	simm.s32 $0x1;
	[sflag:s10] =	ssyncadd.s32 $0xFFFFF800  }
0x27: {  	s15 =	simm.s32 @!p4 $0x0;
	p4 =	sne.s32 s13, s21;
	_ =	swait.ge [sflag:s10], $0x800  }
0x28: {  	s15 =	sadd.s32 $0x0, s15;
	p5 =	por !p6, !p4;
	[sflag:s10] =	ssyncset.done $0x0  }
0x29: {  	p6 =	por p3, p0;
	p3 =	por !p5, !p5;
	[sflag:s10] =	ssyncadd.s32 $0xFFFFF800  }
0x2a: {  	s28 =	simm.s32 @p6 $0x0;
	s29 =	sshll.u32 @p6 s19, $0xA;
	_ =	swait.ge [sflag:s10], $0x800  }
0x2b: {  	s19 =	simm.s32 $0x0;
	s26 =	sand.u32 @p3 $0x1, s17;
	[sflag:s10] =	ssyncset.done $0x0  }
0x2c: {  	s22 =	sadd.s32 @p3 s4, s21;
	s25 =	sshll.u32 @p3 s26, $0x9;
	[sflag:s10] =	ssyncadd.s32 $0xFFFFF800  }
0x2d: {  	s24 =	sshll.u32 @p3 s22, $0x9;
	s22 =	simm.s32 $0x0;
	_ =	swait.ge [sflag:s10], $0x800  }
.LBB2_2:
0x2e: {  	p0 =	por p4, p4  }
0x2f: {  	s0 =	simm.s32 @!p0 $0x0  }
0x30: {  	[sflag:s10] =	ssyncset.done $0x0;
	s0 =	simm.s32 @p0 $0x1  }
0x31: {  	[sflag:s10] =	ssyncadd.s32 $0xFFFFF800;
	[smem:$0x7FD] =	sst s0  }
0x32: {  	_ =	strace $0x9000005F  }
0x33: {  	_ =	strace @p6 $0x80000060  }
0x34: {  	s29 =	sand.u32 @p6 $0x1FFFFC00, s29;
	s1 =	rddreg [dreg:$0x2]  }
0x35: {  	s20 =	sadd.s32 @p6 $0x3, s20;
	s1 =	sadd.s32 @p6 s1, s29  }
0x36: {  	[hbm4b:s1+s28] =	stream.linear.scatter @p6 [tilespmem:s23], [sflag:s20], $0x2000, $0x200038;
	[tilespmem:$0x4400] =	vst v63  }
0x37: {  	_ =	strace @p6 $0x90000060  }
0x38: {  	s20 =	sadd.s32 @!p1 $0x3, s16;
	_ =	strace @!p1 $0x80000061  }
0x39: {  	_ =	swait.ge @!p1 [sflag:s20], $0x2000  }
0x3a: {  	s30 =	sadd.s32 @p3 $0x40000, s24;
	s26 =	sadd.s32 @p3 $0x1, s26;
	[sflag:s20] =	ssyncset.done @!p1 $0x0  }
0x3b: {  	s30 =	sshrl.u32 @p3 s30, $0x3;
	s0 =	simm.s32 $0x1;
	[sflag:s20] =	ssyncadd.s32 @!p1 $0xFFFFE000  }
0x3c: {  	s30 =	sadd.s32 @p3 s5, s30;
	s0 =	simm.s32 @!p6 $0x0;
	_ =	strace @!p1 $0x90000061  }
0x3d: {  	s22 =	sadd.s32 s0, s22;
	s1 =	simm.s32 @p3 $0x0;
	_ =	strace @p3 $0x8000005D  }
0x3e: {  	[tilespmem:s25], [sflag:s26] =	stream.linear.gather @p3 [hbm4b:s30+s1], $0x200, $0x200038;
	[tilespmem:$0x4400] =	vst v63  }
0x3f: {  	s19 =	sadd.s32 s0, s19;
	s0 =	sand.u32 $0x1, s22;
	_ =	strace @p3 $0x9000005D  }
0x40: {  	s0 =	sadd.s32 $0x1, s0;
	_ =	strace $0x8000005E  }
0x41: {  	s31 =	simm.s32 $0x1;
	_ =	swait.ge [sflag:s0], $0x200  }
0x42: {  	s31 =	simm.s32 @!p3 $0x0;
	[sflag:s0] =	ssyncset.done $0x0  }
0x43: {  	s17 =	sadd.s32 s31, s17;
	s20 =	sand.u32 $0x1, s19;
	[sflag:s0] =	ssyncadd.s32 $0xFFFFFE00  }
0x44: {  	s31 =	sshll.u32 s22, $0x9;
	s0 =	sshll.u32 s20, $0xD;
	_ =	strace $0x9000005E  }
0x45: {  	s1 =	sand.u32 $0x200, s31;
	s23 =	sor.u32 $0x400, s0;
	_ =	strace $0x8000005F  }
0x46: {  	[tilespmem:s23], [sflag:$0x5] =	stream.indirect.gather [hbm4b:s3+s9], $0x10, s1, s9, $0x2000b8;
	[tilespmem:$0x4400] =	vst v63  }
0x47: {  	s31 =	sor.u32 $0x80, s1;
	s30 =	sor.u32 $0xC00, s0  }
0x48: {  	[tilespmem:s30], [sflag:$0x5] =	stream.indirect.gather [hbm4b:s3+s9], $0x10, s31, s9, $0x2000b8;
	[tilespmem:$0x4400] =	vst v63  }
0x49: {  	s26 =	sor.u32 $0x1400, s0;
	s30 =	sor.u32 $0x100, s1  }
0x4a: {  	[tilespmem:s26], [sflag:$0x5] =	stream.indirect.gather [hbm4b:s3+s9], $0x10, s30, s9, $0x2000b8;
	[tilespmem:$0x4400] =	vst v63  }
0x4b: {  	s0 =	sor.u32 $0x1C00, s0;
	s1 =	sor.u32 $0x180, s1  }
0x4c: {  	[tilespmem:s0], [sflag:$0x5] =	stream.indirect.gather [hbm4b:s3+s9], $0x10, s1, s9, $0x2000b8;
	[tilespmem:$0x4400] =	vst v63  }
0x4d: {  	s24 =	smov.u32 s14;
	s14 =	smov.u32 s18;
	_ =	swait.ge [sflag:s10], $0x800  }
0x4e: {  	s18 =	sadd.s32 $0xFFFFFFFF, s18;
	s8 =	sand.u32 @!p2 $0x1, s15;
	[sflag:s10] =	ssyncset.done $0x0  }
0x4f: {  	p5 =	sne.s32 s18, $0x0;
	p4 =	sne.s32 s24, $0x8;
	[sflag:s10] =	ssyncadd.s32 $0xFFFFF800  }
0x50: {  	p0 =	sne.s32 s14, $0x1;
	s16 =	smov.u32 s8;
	_ =	swait.ge [sflag:s10], $0x800  }
0x51: {  	p1 =	por p2, p2;
	p2 =	seq.s32 s14, $0x8;
	[sflag:s10] =	ssyncset.done $0x0  }
0x52: {  	s0 =	sadd.s32 s4, s13;
	s13 =	smov.u32 s21;
	[sflag:s10] =	ssyncadd.s32 $0xFFFFF800  }
0x53: {  	s21 =	sadd.s32 $0x1, s21;
	s1 =	simm.s32 $0x1;
	_ =	swait.ge [sflag:s10], $0x800  }
0x54: {  	p6 =	seq.s32 s21, $0x8;
	s1 =	simm.s32 @!p4 $0x0;
	s31 =	sld [smem:$0x7FD]  }
0x55: {  	p3 =	seq.s32 s24, $0x1;
	s21 =	simm.s32 @p6 $0x0;
	s15 =	sadd.s32 s1, s15  }
.Ltmp0:
0x56: {  	p4 =	sne.s32 s13, s21;
	[sflag:s10] =	ssyncset.done $0x0;
	(pc) =	sbr.rel @p5 .LBB2_2-.Ltmp0, $4  }
0x57: {  	p0 =	por !p0, !p4;
	[sflag:s10] =	ssyncadd.s32 $0xFFFFF800;
	p6 =	seq.s32 s31, $0x1  }
0x58: {  	_ =	swait.ge [sflag:s10], $0x800;
	p6 =	por p3, p6;
	p3 =	por !p0, !p0  }
0x59: {  	s28 =	simm.s32 @p6 $0x0;
	s26 =	sand.u32 @p3 $0x1, s17;
	s1 =	sadd.s32 @p3 s4, s21  }
0x5a: {  	s29 =	sshll.u32 @p6 s0, $0xA;
	s25 =	sshll.u32 @p3 s26, $0x9;
	s24 =	sshll.u32 @p3 s1, $0x9  }
0x5b: {  	[sflag:s10] =	ssyncset.done $0x0  }
0x5c: {  	[sflag:s10] =	ssyncadd.s32 $0xFFFFF800  }
0x5d: {  	_ =	strace $0x9000005F  }
0x5e: {  	_ =	strace @p6 $0x80000060  }
0x5f: {  	s1 =	sand.u32 @p6 $0x1FFFFC00, s29;
	s0 =	rddreg [dreg:$0x2]  }
0x60: {  	s8 =	sadd.s32 @p6 $0x3, s20;
	s0 =	sadd.s32 @p6 s0, s1  }
0x61: {  	[hbm4b:s0+s28] =	stream.linear.scatter @p6 [tilespmem:s23], [sflag:s8], $0x2000, $0x200038;
	[tilespmem:$0x4400] =	vst v63  }
0x62: {  	_ =	strace @p6 $0x90000060  }
0x63: {  	s0 =	sadd.s32 @!p1 $0x3, s16;
	_ =	strace @!p1 $0x80000061  }
0x64: {  	_ =	swait.ge @!p1 [sflag:s0], $0x2000  }
0x65: {  	s17 =	simm.s32 @p3 $0x0;
	s1 =	sadd.s32 @p3 $0x40000, s24;
	[sflag:s0] =	ssyncset.done @!p1 $0x0  }
0x66: {  	s8 =	simm.s32 $0x1;
	s1 =	sshrl.u32 @p3 s1, $0x3;
	[sflag:s0] =	ssyncadd.s32 @!p1 $0xFFFFE000  }
0x67: {  	s16 =	sadd.s32 @p3 $0x1, s26;
	s8 =	simm.s32 @!p6 $0x0;
	_ =	strace @!p1 $0x90000061  }
0x68: {  	s24 =	sadd.s32 s8, s22;
	s0 =	sadd.s32 @p3 s5, s1;
	_ =	strace @p3 $0x8000005D  }
0x69: {  	[tilespmem:s25], [sflag:s16] =	stream.linear.gather @p3 [hbm4b:s0+s17], $0x200, $0x200038;
	[tilespmem:$0x4400] =	vst v63  }
0x6a: {  	s28 =	sand.u32 $0x1, s24;
	_ =	strace @p3 $0x9000005D  }
0x6b: {  	s0 =	sadd.s32 $0x1, s28;
	_ =	strace $0x8000005E  }
0x6c: {  	_ =	swait.ge [sflag:s0], $0x200  }
0x6d: {  	s8 =	sadd.s32 s8, s19;
	[sflag:s0] =	ssyncset.done $0x0  }
0x6e: {  	[sflag:s0] =	ssyncadd.s32 $0xFFFFFE00;
	s0 =	sand.u32 $0x1, s8  }
0x6f: {  	s1 =	sshll.u32 s24, $0x9;
	_ =	strace $0x9000005E;
	s8 =	sshll.u32 s0, $0xD  }
0x70: {  	s1 =	sand.u32 $0x200, s1;
	_ =	strace $0x8000005F;
	s16 =	sor.u32 $0x400, s8  }
0x71: {  	[tilespmem:s16], [sflag:$0x5] =	stream.indirect.gather [hbm4b:s3+s9], $0x10, s1, s9, $0x2000b8;
	[tilespmem:$0x4400] =	vst v63  }
0x72: {  	s18 =	sor.u32 $0x80, s1;
	s29 =	sor.u32 $0xC00, s8  }
0x73: {  	[tilespmem:s29], [sflag:$0x5] =	stream.indirect.gather [hbm4b:s3+s9], $0x10, s18, s9, $0x2000b8;
	[tilespmem:$0x4400] =	vst v63  }
0x74: {  	s31 =	sor.u32 $0x100, s1;
	s30 =	sor.u32 $0x1400, s8  }
0x75: {  	[tilespmem:s30], [sflag:$0x5] =	stream.indirect.gather [hbm4b:s3+s9], $0x10, s31, s9, $0x2000b8;
	[tilespmem:$0x4400] =	vst v63  }
0x76: {  	s8 =	sor.u32 $0x1C00, s8;
	s1 =	sor.u32 $0x180, s1  }
0x77: {  	[tilespmem:s8], [sflag:$0x5] =	stream.indirect.gather [hbm4b:s3+s9], $0x10, s1, s9, $0x2000b8;
	[tilespmem:$0x4400] =	vst v63  }
0x78: {  	_ =	swait.ge [sflag:s10], $0x800  }
0x79: {  	[sflag:s10] =	ssyncset.done $0x0  }
0x7a: {  	[sflag:s10] =	ssyncadd.s32 $0xFFFFF800  }
0x7b: {  	_ =	swait.ge [sflag:s10], $0x800  }
0x7c: {  	[sflag:s10] =	ssyncset.done $0x0  }
0x7d: {  	[sflag:s10] =	ssyncadd.s32 $0xFFFFF800  }
0x7e: {  	_ =	swait.ge [sflag:s10], $0x800  }
0x7f: {  	[sflag:s10] =	ssyncset.done $0x0  }
0x80: {  	[sflag:s10] =	ssyncadd.s32 $0xFFFFF800  }
0x81: {  	_ =	swait.ge [sflag:s10], $0x800  }
0x82: {  	[sflag:s10] =	ssyncset.done $0x0  }
0x83: {  	p0 =	por p4, p4;
	p6 =	seq.s32 s14, $0x1;
	[sflag:s10] =	ssyncadd.s32 $0xFFFFF800  }
0x84: {  	p0 =	por p6, p0;
	s1 =	sadd.s32 s4, s13;
	_ =	strace $0x9000005F  }
0x85: {  	s1 =	sshll.u32 @p0 s1, $0xA;
	_ =	strace @p0 $0x80000060  }
0x86: {  	s1 =	sand.u32 @p0 $0x1FFFFC00, s1;
	s8 =	rddreg [dreg:$0x2]  }
0x87: {  	s0 =	sadd.s32 @p0 $0x3, s0;
	s13 =	simm.s32 @p0 $0x0;
	s1 =	sadd.s32 @p0 s8, s1  }
0x88: {  	[hbm4b:s1+s13] =	stream.linear.scatter @p0 [tilespmem:s16], [sflag:s0], $0x2000, $0x200038;
	[tilespmem:$0x4400] =	vst v63  }
0x89: {  	p1 =	por p2, p2;
	s0 =	sand.u32 @!p2 $0x1, s15;
	_ =	strace @p0 $0x90000060  }
0x8a: {  	s0 =	sadd.s32 @!p1 $0x3, s0;
	_ =	strace @!p1 $0x80000061  }
0x8b: {  	_ =	swait.ge @!p1 [sflag:s0], $0x2000  }
0x8c: {  	[sflag:s0] =	ssyncset.done @!p1 $0x0  }
0x8d: {  	s12 =	sadd.s32 $0x1, s12;
	[sflag:s0] =	ssyncadd.s32 @!p1 $0xFFFFE000  }
0x8e: {  	p0 =	sne.s32 s12, s7;
	_ =	strace @!p1 $0x90000061  }
.Ltmp1:
0x8f: {  	_ =	strace $0x80000062;
	(pc) =	sbr.rel @p0 .LBB2_1-.Ltmp1, $4  }
0x90: {  	_ =	swait.ge [sflag:s11], $0x2000  }
0x91: {  	[sflag:s11] =	ssyncset.done $0x0  }
0x92: {  	[sflag:s11] =	ssyncadd.s32 $0xFFFFE000  }
0x93: {  	_ =	strace $0x90000062  }
0x94: {  	_ =	sfence.sel $0x180000  }
0x95: {  	[bflag:$0x0] =	sbarrier.arrive $0xFFFF  }
0x96: {  	_ =	strace $0x9000005B  }
0x97: {  	s0 =	stileid.u32;
	[bflag:$0x2] =	sbarrier.arrive $0xFFFF  }
0x98: {  	p0 =	sne.s32 s0, $0x0;
	s0 =	rddreg [dreg:$0x1]  }
0x99: {  	s0 =	sadd.s32 @!p0 $0x100000, s0  }
0x9a: {  	[sflag:s0] =	ssyncadd.tile.s32 @!p0 $0x1;
	_ =	shalt  }
.Lfunc_end2:
_tile_overlayer_lowered:
.L_overlay_start_2:
0x9b: {  	(tag) =	ssettag $0x2  }
0x9c: {  	s0 =	rddreg [dreg:$0x0];
	s2 =	stileid.u32  }
0x9d: {  	s1 =	rddreg [dreg:$0x1];
	p0 =	sne.s32 s2, $0x0  }
0x9e: {  	s3 =	rddreg [dreg:$0x2];
	[bflag:$0x3] =	sbarrier.arrive $0xFFFF;
	s2 =	simm.s32 @!p0 $0x1C01  }
0x9f: {  	[timem:s3], [sflag:s2] =	dma.local @!p0 [hbm:s0], s1  }
0xa0: {  	s0 =	simm.s32 @!p0 $0x1  }
0xa1: {  	_ =	swait.ge @!p0 [sflag:s0], s1  }
0xa2: {  	s1 =	ssub.s32 @!p0 $0x0, s1;
	[sflag:s0] =	ssyncset.done @!p0 $0x0  }
0xa3: {  	[sflag:s0] =	ssyncadd.s32 @!p0 s1  }
0xa4: {  	[bflag:$0x3] =	sbarrier.arrive $0xFFFF  }
0xa5: {  	_ =	shalt  }

</sc_bundles>
